<compile_context>
chip_gen: v7x
topology: tpu7x:2x2x1
jax: 0.10.2.dev20260603
libtpu: 0.0.44.dev20260713+nightly
codegen_flags: <defaults>
</compile_context>

<pallas_src>
import functools

import jax
import jax.numpy as jnp
from jax import lax
from jax.experimental import pallas as pl
from jax.experimental.pallas import tpu as pltpu
from jax.experimental.pallas import tpu_sc as plsc

B = 16384
D = 128
V = 1000
LANES = 16
NC = 2
NS = 16
NW = NC * NS
BPW = B // NW
CH = 128
NCH = BPW // CH
NBUF = 3
TROWS = 64
TLAST = V - (NS - 1) * TROWS


def _make_sc_kernel():
    mesh = plsc.VectorSubcoreMesh(
        core_axis_name="c", subcore_axis_name="s", num_cores=NC)

    @functools.partial(
        pl.kernel,
        out_type=jax.ShapeDtypeStruct((B, D), jnp.float32),
        mesh=mesh,
        scratch_types=[
            pltpu.VMEM_SHARED((V, D), jnp.float32),
            pltpu.VMEM((BPW,), jnp.int32),
            pltpu.VMEM((NBUF, CH, D), jnp.float32),
            pltpu.VMEM((NBUF, CH, D), jnp.float32),
            pltpu.SemaphoreType.DMA,
            pltpu.SemaphoreType.DMA,
            pltpu.SemaphoreType.DMA,
            pltpu.SemaphoreType.DMA,
            pltpu.SemaphoreType.DMA,
            pltpu.SemaphoreType.DMA,
            pltpu.SemaphoreType.DMA,
            pltpu.SemaphoreType.DMA,
            pltpu.SemaphoreType.DMA,
            pltpu.SemaphoreType.DMA,
            pltpu.SemaphoreType.DMA,
        ],
    )
    def k(z_hbm, label_hbm, table_hbm, out_hbm,
          table_sh, idx_v, rows_v, z_v,
          gsem0, gsem1, gsem2, zsem0, zsem1, zsem2,
          osem0, osem1, osem2, tsem, lsem):
        cid = lax.axis_index("c")
        sid = lax.axis_index("s")
        wid = sid * NC + cid
        base = wid * BPW
        gsem = (gsem0, gsem1, gsem2)
        zsem = (zsem0, zsem1, zsem2)
        osem = (osem0, osem1, osem2)

        lcp = pltpu.async_copy(label_hbm.at[pl.ds(base, BPW)], idx_v, lsem)

        def start_z(j, b):
            return pltpu.async_copy(
                z_hbm.at[pl.ds(base + j * CH, CH)], z_v.at[b], zsem[b])

        zc0 = start_z(0, 0)
        zc1 = start_z(1, 1)

        @pl.when(sid < NS - 1)
        def _():
            trow = sid * TROWS
            pltpu.async_copy(
                table_hbm.at[pl.ds(trow, TROWS)],
                table_sh.at[pl.ds(trow, TROWS)], tsem).wait()

        @pl.when(sid == NS - 1)
        def _():
            pltpu.async_copy(
                table_hbm.at[pl.ds((NS - 1) * TROWS, TLAST)],
                table_sh.at[pl.ds((NS - 1) * TROWS, TLAST)], tsem).wait()

        lcp.wait()
        plsc.subcore_barrier()

        def start_gather(j, b):
            return pltpu.async_copy(
                table_sh.at[idx_v.at[pl.ds(j * CH, CH)]], rows_v.at[b],
                gsem[b])

        in_flight = [
            (start_gather(0, 0), zc0),
            (start_gather(1, 1), zc1),
        ]
        stores = [None, None, None]
        for j in range(NCH):
            b = j % NBUF
            g, zc = in_flight.pop(0)
            g.wait()
            zc.wait()
            jn = j + 2
            if jn < NCH:
                nb = jn % NBUF
                if stores[nb] is not None:
                    for st in stores[nb]:
                        st.wait()
                    stores[nb] = None
                in_flight.append((start_gather(jn, nb), start_z(jn, nb)))

            rows_b = rows_v.at[b]
            zv_b = z_v.at[b]
            H = CH // 2

            @plsc.parallel_loop(0, H, unroll=1)
            def mul_row_lo(r):
                for kk in range(D // LANES):
                    s = pl.ds(kk * LANES, LANES)
                    rows_b[r, s] = rows_b[r, s] * zv_b[r, s]

            st_lo = pltpu.async_copy(
                rows_b.at[pl.ds(0, H)],
                out_hbm.at[pl.ds(base + j * CH, H)], osem[b])

            @plsc.parallel_loop(H, CH, unroll=1)
            def mul_row_hi(r):
                for kk in range(D // LANES):
                    s = pl.ds(kk * LANES, LANES)
                    rows_b[r, s] = rows_b[r, s] * zv_b[r, s]

            st_hi = pltpu.async_copy(
                rows_b.at[pl.ds(H, H)],
                out_hbm.at[pl.ds(base + j * CH + H, H)], osem[b])
            stores[b] = (st_lo, st_hi)
        for pair in stores:
            if pair is not None:
                for st in pair:
                    st.wait()

    return k


_sc_kernel = _make_sc_kernel()


def kernel(z, label, emb_table):
    return _sc_kernel(z, label, emb_table)

# --- scband reference (transcript-rebuilt; emitter-appended) ---
"""Pipeline reference for scband-embedding-labeled-latent-23553600651476 (READ-ONLY COPY).

The authoritative reference and input builder live on the scoring server;
editing this copy changes nothing except your own understanding.
"""

import jax, jax.numpy as jnp
import numpy as np

BATCH = 16384
NUM_CLASS = 1000
LATENT_DIM = 128

def setup_inputs(seed: int = 0) -> dict:
    key = jax.random.key(seed)
    k1, k2, k3 = jax.random.split(key, 3)
    z = jax.random.normal(k1, (BATCH, LATENT_DIM), dtype=jnp.float32)
    label = jax.random.randint(k2, (BATCH,), 0, NUM_CLASS, dtype=jnp.int64 if jax.config.jax_enable_x64 else jnp.int32)
    # learned embedding table: nn.Embedding(num_class, latent_dim)
    emb_table = jax.random.normal(k3, (NUM_CLASS, LATENT_DIM), dtype=jnp.float32)
    return {"z": z, "label": label, "emb_table": emb_table}

def reference(z, label, emb_table):
    # self.embdding = Sequential(Embedding(num_class, latent_dim), Flatten())
    # For label of shape [B], embedding output is [B, latent_dim]; Flatten is a no-op.
    le = jnp.take(emb_table, label, axis=0)
    le = le.reshape(le.shape[0], -1)  # Flatten (start_dim=1)
    return z * le

if __name__ == "__main__":
    import jax
    _d = setup_inputs()
    print(jax.jit(kernel)(*tuple(_d.values())))

</pallas_src>

<mosaic_0001>
#map = affine_map<(d0, d1) -> (0, 0)>
#map1 = affine_map<(d0, d1) -> (0)>
module attributes {stable_mosaic.version = 14 : i64} {
  func.func @k(%arg0: i32, %arg1: i32, %arg2: memref<16384x128xf32, #tpu.memory_space<hbm>>, %arg3: memref<16384xi32, #tpu.memory_space<hbm>>, %arg4: memref<1000x128xf32, #tpu.memory_space<hbm>>, %arg5: memref<16384x128xf32, #tpu.memory_space<hbm>>, %arg6: memref<1000x128xf32, #tpu.memory_space<vmem_shared>>, %arg7: memref<512xi32, #tpu.memory_space<vmem>>, %arg8: memref<3x128x128xf32, #tpu.memory_space<vmem>>, %arg9: memref<3x128x128xf32, #tpu.memory_space<vmem>>, %arg10: memref<!tpu.dma_semaphore, #tpu.memory_space<semaphore_mem>>, %arg11: memref<!tpu.dma_semaphore, #tpu.memory_space<semaphore_mem>>, %arg12: memref<!tpu.dma_semaphore, #tpu.memory_space<semaphore_mem>>, %arg13: memref<!tpu.dma_semaphore, #tpu.memory_space<semaphore_mem>>, %arg14: memref<!tpu.dma_semaphore, #tpu.memory_space<semaphore_mem>>, %arg15: memref<!tpu.dma_semaphore, #tpu.memory_space<semaphore_mem>>, %arg16: memref<!tpu.dma_semaphore, #tpu.memory_space<semaphore_mem>>, %arg17: memref<!tpu.dma_semaphore, #tpu.memory_space<semaphore_mem>>, %arg18: memref<!tpu.dma_semaphore, #tpu.memory_space<semaphore_mem>>, %arg19: memref<!tpu.dma_semaphore, #tpu.memory_space<semaphore_mem>>, %arg20: memref<!tpu.dma_semaphore, #tpu.memory_space<semaphore_mem>>) attributes {dimension_semantics = [#tpu.dimension_semantics<core_parallel>, #tpu.dimension_semantics<subcore_parallel>], iteration_bounds = array<i64: 2, 16>, scalar_prefetch = 0 : i64, scratch_operands = 15 : i64, tpu.core_type = #tpu.core_type<sc_vector_subcore>, window_params = [{transform_indices = #map}, {transform_indices = #map1}, {transform_indices = #map}, {transform_indices = #map}]} {
    %mul3A = arith.constant 2 : i32
    %mul3A_0 = arith.muli %arg1, %mul3A : i32
    %add3A = arith.addi %mul3A_0, %arg0 : i32
    %mul3A_1 = arith.constant 512 : i32
    %mul3A_2 = arith.muli %add3A, %mul3A_1 : i32
    %dma_start3A = tpu.memref_slice %arg3[%mul3A_2] : memref<16384xi32, #tpu.memory_space<hbm>> -> memref<512xi32, #tpu.memory_space<hbm>>
    %dma_start3A_3 = tpu.memref_slice %arg3[%mul3A_2] : memref<16384xi32, #tpu.memory_space<hbm>> -> memref<512xi32, #tpu.memory_space<hbm>>
    tpu.enqueue_dma source(%dma_start3A_3 : memref<512xi32, #tpu.memory_space<hbm>>) target(%arg7 : memref<512xi32, #tpu.memory_space<vmem>>) target_semaphore(%arg20 : memref<!tpu.dma_semaphore, #tpu.memory_space<semaphore_mem>>)
    %add3A_4 = arith.constant 0 : i32
    %add3A_5 = arith.addi %mul3A_2, %add3A_4 : i32
    %dma_start3A_6 = arith.constant 0 : i32
    %dma_start3A_7 = arith.constant 0 : i32
    %dma_start3A_8 = arith.constant 0 : i32
    %dma_start3A_9 = tpu.memref_slice %arg9[%dma_start3A_6, %dma_start3A_7, %dma_start3A_8] : memref<3x128x128xf32, #tpu.memory_space<vmem>> -> memref<1x128x128xf32, #tpu.memory_space<vmem>>
    %dma_start3A_10 = tpu.memref_squeeze %dma_start3A_9 : memref<1x128x128xf32, #tpu.memory_space<vmem>> -> memref<128x128xf32, #tpu.memory_space<vmem>>
    %dma_start3A_11 = arith.constant 0 : i32
    %dma_start3A_12 = tpu.memref_slice %arg2[%add3A_5, %dma_start3A_11] : memref<16384x128xf32, #tpu.memory_space<hbm>> -> memref<128x128xf32, #tpu.memory_space<hbm>>
    %dma_start3A_13 = arith.constant 0 : i32
    %dma_start3A_14 = arith.constant 0 : i32
    %dma_start3A_15 = tpu.memref_slice %arg9[%dma_start3A_6, %dma_start3A_13, %dma_start3A_14] : memref<3x128x128xf32, #tpu.memory_space<vmem>> -> memref<1x128x128xf32, #tpu.memory_space<vmem>>
    %dma_start3A_16 = tpu.memref_squeeze %dma_start3A_15 : memref<1x128x128xf32, #tpu.memory_space<vmem>> -> memref<128x128xf32, #tpu.memory_space<vmem>>
    %dma_start3A_17 = arith.constant 0 : i32
    %dma_start3A_18 = tpu.memref_slice %arg2[%add3A_5, %dma_start3A_17] : memref<16384x128xf32, #tpu.memory_space<hbm>> -> memref<128x128xf32, #tpu.memory_space<hbm>>
    tpu.enqueue_dma source(%dma_start3A_18 : memref<128x128xf32, #tpu.memory_space<hbm>>) target(%dma_start3A_16 : memref<128x128xf32, #tpu.memory_space<vmem>>) target_semaphore(%arg13 : memref<!tpu.dma_semaphore, #tpu.memory_space<semaphore_mem>>)
    %add3A_19 = arith.constant 128 : i32
    %add3A_20 = arith.addi %mul3A_2, %add3A_19 : i32
    %dma_start3A_21 = arith.constant 1 : i32
    %dma_start3A_22 = arith.constant 0 : i32
    %dma_start3A_23 = arith.constant 0 : i32
    %dma_start3A_24 = tpu.memref_slice %arg9[%dma_start3A_21, %dma_start3A_22, %dma_start3A_23] : memref<3x128x128xf32, #tpu.memory_space<vmem>> -> memref<1x128x128xf32, #tpu.memory_space<vmem>>
    %dma_start3A_25 = tpu.memref_squeeze %dma_start3A_24 : memref<1x128x128xf32, #tpu.memory_space<vmem>> -> memref<128x128xf32, #tpu.memory_space<vmem>>
    %dma_start3A_26 = arith.constant 0 : i32
    %dma_start3A_27 = tpu.memref_slice %arg2[%add3A_20, %dma_start3A_26] : memref<16384x128xf32, #tpu.memory_space<hbm>> -> memref<128x128xf32, #tpu.memory_space<hbm>>
    %dma_start3A_28 = arith.constant 0 : i32
    %dma_start3A_29 = arith.constant 0 : i32
    %dma_start3A_30 = tpu.memref_slice %arg9[%dma_start3A_21, %dma_start3A_28, %dma_start3A_29] : memref<3x128x128xf32, #tpu.memory_space<vmem>> -> memref<1x128x128xf32, #tpu.memory_space<vmem>>
    %dma_start3A_31 = tpu.memref_squeeze %dma_start3A_30 : memref<1x128x128xf32, #tpu.memory_space<vmem>> -> memref<128x128xf32, #tpu.memory_space<vmem>>
    %dma_start3A_32 = arith.constant 0 : i32
    %dma_start3A_33 = tpu.memref_slice %arg2[%add3A_20, %dma_start3A_32] : memref<16384x128xf32, #tpu.memory_space<hbm>> -> memref<128x128xf32, #tpu.memory_space<hbm>>
    tpu.enqueue_dma source(%dma_start3A_33 : memref<128x128xf32, #tpu.memory_space<hbm>>) target(%dma_start3A_31 : memref<128x128xf32, #tpu.memory_space<vmem>>) target_semaphore(%arg14 : memref<!tpu.dma_semaphore, #tpu.memory_space<semaphore_mem>>)
    %lt3A = arith.constant 15 : i32
    %lt3A_34 = arith.cmpi slt, %arg1, %lt3A : i32
    %convert_element_type3A = arith.extui %lt3A_34 : i1 to i32
    %cond3A = arith.constant 0 : i32
    %cond3A_35 = arith.cmpi ne, %convert_element_type3A, %cond3A : i32
    scf.if %cond3A_35 {
      %mul3A_570 = arith.constant 64 : i32
      %mul3A_571 = arith.muli %arg1, %mul3A_570 : i32
      %dma_start3A_572 = arith.constant 0 : i32
      %dma_start3A_573 = tpu.memref_slice %arg6[%mul3A_571, %dma_start3A_572] : memref<1000x128xf32, #tpu.memory_space<vmem_shared>> -> memref<64x128xf32, #tpu.memory_space<vmem_shared>>
      %dma_start3A_574 = arith.constant 0 : i32
      %dma_start3A_575 = tpu.memref_slice %arg4[%mul3A_571, %dma_start3A_574] : memref<1000x128xf32, #tpu.memory_space<hbm>> -> memref<64x128xf32, #tpu.memory_space<hbm>>
      tpu.enqueue_dma source(%dma_start3A_575 : memref<64x128xf32, #tpu.memory_space<hbm>>) target(%dma_start3A_573 : memref<64x128xf32, #tpu.memory_space<vmem_shared>>) target_semaphore(%arg19 : memref<!tpu.dma_semaphore, #tpu.memory_space<semaphore_mem>>)
      %dma_wait3A_576 = arith.constant 0 : i32
      %dma_wait3A_577 = tpu.memref_slice %arg6[%mul3A_571, %dma_wait3A_576] : memref<1000x128xf32, #tpu.memory_space<vmem_shared>> -> memref<64x128xf32, #tpu.memory_space<vmem_shared>>
      %dma_wait3A_578 = arith.constant 0 : i32
      %dma_wait3A_579 = tpu.memref_slice %arg4[%mul3A_571, %dma_wait3A_578] : memref<1000x128xf32, #tpu.memory_space<hbm>> -> memref<64x128xf32, #tpu.memory_space<hbm>>
      tpu.wait_dma2 semaphore(%arg19 : memref<!tpu.dma_semaphore, #tpu.memory_space<semaphore_mem>>) src(%dma_wait3A_579 : memref<64x128xf32, #tpu.memory_space<hbm>>) dst(%dma_wait3A_577 : memref<64x128xf32, #tpu.memory_space<vmem_shared>>)
    } else {
    }
    %eq3A = arith.constant 15 : i32
    %eq3A_36 = arith.cmpi eq, %arg1, %eq3A : i32
    %convert_element_type3A_37 = arith.extui %eq3A_36 : i1 to i32
    %cond3A_38 = arith.constant 0 : i32
    %cond3A_39 = arith.cmpi ne, %convert_element_type3A_37, %cond3A_38 : i32
    scf.if %cond3A_39 {
      %dma_start3A_570 = arith.constant 960 : i32
      %dma_start3A_571 = arith.constant 0 : i32
      %dma_start3A_572 = tpu.memref_slice %arg6[%dma_start3A_570, %dma_start3A_571] : memref<1000x128xf32, #tpu.memory_space<vmem_shared>> -> memref<40x128xf32, #tpu.memory_space<vmem_shared>>
      %dma_start3A_573 = arith.constant 960 : i32
      %dma_start3A_574 = arith.constant 0 : i32
      %dma_start3A_575 = tpu.memref_slice %arg4[%dma_start3A_573, %dma_start3A_574] : memref<1000x128xf32, #tpu.memory_space<hbm>> -> memref<40x128xf32, #tpu.memory_space<hbm>>
      tpu.enqueue_dma source(%dma_start3A_575 : memref<40x128xf32, #tpu.memory_space<hbm>>) target(%dma_start3A_572 : memref<40x128xf32, #tpu.memory_space<vmem_shared>>) target_semaphore(%arg19 : memref<!tpu.dma_semaphore, #tpu.memory_space<semaphore_mem>>)
      %dma_wait3A_576 = arith.constant 960 : i32
      %dma_wait3A_577 = arith.constant 0 : i32
      %dma_wait3A_578 = tpu.memref_slice %arg6[%dma_wait3A_576, %dma_wait3A_577] : memref<1000x128xf32, #tpu.memory_space<vmem_shared>> -> memref<40x128xf32, #tpu.memory_space<vmem_shared>>
      %dma_wait3A_579 = arith.constant 960 : i32
      %dma_wait3A_580 = arith.constant 0 : i32
      %dma_wait3A_581 = tpu.memref_slice %arg4[%dma_wait3A_579, %dma_wait3A_580] : memref<1000x128xf32, #tpu.memory_space<hbm>> -> memref<40x128xf32, #tpu.memory_space<hbm>>
      tpu.wait_dma2 semaphore(%arg19 : memref<!tpu.dma_semaphore, #tpu.memory_space<semaphore_mem>>) src(%dma_wait3A_581 : memref<40x128xf32, #tpu.memory_space<hbm>>) dst(%dma_wait3A_578 : memref<40x128xf32, #tpu.memory_space<vmem_shared>>)
    } else {
    }
    %dma_wait3A = tpu.memref_slice %arg3[%mul3A_2] : memref<16384xi32, #tpu.memory_space<hbm>> -> memref<512xi32, #tpu.memory_space<hbm>>
    %dma_wait3A_40 = tpu.memref_slice %arg3[%mul3A_2] : memref<16384xi32, #tpu.memory_space<hbm>> -> memref<512xi32, #tpu.memory_space<hbm>>
    tpu.wait_dma2 semaphore(%arg20 : memref<!tpu.dma_semaphore, #tpu.memory_space<semaphore_mem>>) src(%dma_wait3A_40 : memref<512xi32, #tpu.memory_space<hbm>>) dst(%arg7 : memref<512xi32, #tpu.memory_space<vmem>>)
    %barrier3A = arith.constant 0 : index
    tpu.barrier barrier_id(%barrier3A)
    %dma_start3A_41 = arith.constant 0 : i32
    %dma_start3A_42 = arith.constant 0 : i32
    %dma_start3A_43 = arith.constant 0 : i32
    %dma_start3A_44 = tpu.memref_slice %arg8[%dma_start3A_41, %dma_start3A_42, %dma_start3A_43] : memref<3x128x128xf32, #tpu.memory_space<vmem>> -> memref<1x128x128xf32, #tpu.memory_space<vmem>>
    %dma_start3A_45 = tpu.memref_squeeze %dma_start3A_44 : memref<1x128x128xf32, #tpu.memory_space<vmem>> -> memref<128x128xf32, #tpu.memory_space<vmem>>
    %dma_start3A_46 = arith.constant 0 : i32
    %dma_start3A_47 = tpu.memref_slice %arg7[%dma_start3A_46] : memref<512xi32, #tpu.memory_space<vmem>> -> memref<128xi32, #tpu.memory_space<vmem>>
    %dma_start3A_48 = arith.constant 0 : i32
    %dma_start3A_49 = arith.constant 0 : i32
    %dma_start3A_50 = tpu.memref_slice %arg6[%dma_start3A_48, %dma_start3A_49] : memref<1000x128xf32, #tpu.memory_space<vmem_shared>> -> memref<1000x128xf32, #tpu.memory_space<vmem_shared>>
    tpu.enqueue_indirect_dma source(%dma_start3A_50 : memref<1000x128xf32, #tpu.memory_space<vmem_shared>>) target(%dma_start3A_45 : memref<128x128xf32, #tpu.memory_space<vmem>>) offsets(%dma_start3A_47 : memref<128xi32, #tpu.memory_space<vmem>>) semaphore(%arg10 : memref<!tpu.dma_semaphore, #tpu.memory_space<semaphore_mem>>)
    %dma_start3A_51 = arith.constant 1 : i32
    %dma_start3A_52 = arith.constant 0 : i32
    %dma_start3A_53 = arith.constant 0 : i32
    %dma_start3A_54 = tpu.memref_slice %arg8[%dma_start3A_51, %dma_start3A_52, %dma_start3A_53] : memref<3x128x128xf32, #tpu.memory_space<vmem>> -> memref<1x128x128xf32, #tpu.memory_space<vmem>>
    %dma_start3A_55 = tpu.memref_squeeze %dma_start3A_54 : memref<1x128x128xf32, #tpu.memory_space<vmem>> -> memref<128x128xf32, #tpu.memory_space<vmem>>
    %dma_start3A_56 = arith.constant 128 : i32
    %dma_start3A_57 = tpu.memref_slice %arg7[%dma_start3A_56] : memref<512xi32, #tpu.memory_space<vmem>> -> memref<128xi32, #tpu.memory_space<vmem>>
    %dma_start3A_58 = arith.constant 0 : i32
    %dma_start3A_59 = arith.constant 0 : i32
    %dma_start3A_60 = tpu.memref_slice %arg6[%dma_start3A_58, %dma_start3A_59] : memref<1000x128xf32, #tpu.memory_space<vmem_shared>> -> memref<1000x128xf32, #tpu.memory_space<vmem_shared>>
    tpu.enqueue_indirect_dma source(%dma_start3A_60 : memref<1000x128xf32, #tpu.memory_space<vmem_shared>>) target(%dma_start3A_55 : memref<128x128xf32, #tpu.memory_space<vmem>>) offsets(%dma_start3A_57 : memref<128xi32, #tpu.memory_space<vmem>>) semaphore(%arg11 : memref<!tpu.dma_semaphore, #tpu.memory_space<semaphore_mem>>)
    %dma_wait3A_61 = arith.constant 0 : i32
    %dma_wait3A_62 = arith.constant 0 : i32
    %dma_wait3A_63 = arith.constant 0 : i32
    %dma_wait3A_64 = tpu.memref_slice %arg8[%dma_wait3A_61, %dma_wait3A_62, %dma_wait3A_63] : memref<3x128x128xf32, #tpu.memory_space<vmem>> -> memref<1x128x128xf32, #tpu.memory_space<vmem>>
    %dma_wait3A_65 = tpu.memref_squeeze %dma_wait3A_64 : memref<1x128x128xf32, #tpu.memory_space<vmem>> -> memref<128x128xf32, #tpu.memory_space<vmem>>
    %dma_wait3A_66 = arith.constant 0 : i32
    %dma_wait3A_67 = tpu.memref_slice %arg7[%dma_wait3A_66] : memref<512xi32, #tpu.memory_space<vmem>> -> memref<128xi32, #tpu.memory_space<vmem>>
    %dma_wait3A_68 = arith.constant 0 : i32
    %dma_wait3A_69 = arith.constant 0 : i32
    %dma_wait3A_70 = tpu.memref_slice %arg6[%dma_wait3A_68, %dma_wait3A_69] : memref<1000x128xf32, #tpu.memory_space<vmem_shared>> -> memref<1000x128xf32, #tpu.memory_space<vmem_shared>>
    tpu.wait_indirect_dma semaphore(%arg10 : memref<!tpu.dma_semaphore, #tpu.memory_space<semaphore_mem>>) src(%dma_wait3A_70 : memref<1000x128xf32, #tpu.memory_space<vmem_shared>>) dst(%dma_wait3A_65 : memref<128x128xf32, #tpu.memory_space<vmem>>)
    %dma_wait3A_71 = arith.constant 0 : i32
    %dma_wait3A_72 = arith.constant 0 : i32
    %dma_wait3A_73 = arith.constant 0 : i32
    %dma_wait3A_74 = tpu.memref_slice %arg9[%dma_wait3A_71, %dma_wait3A_72, %dma_wait3A_73] : memref<3x128x128xf32, #tpu.memory_space<vmem>> -> memref<1x128x128xf32, #tpu.memory_space<vmem>>
    %dma_wait3A_75 = tpu.memref_squeeze %dma_wait3A_74 : memref<1x128x128xf32, #tpu.memory_space<vmem>> -> memref<128x128xf32, #tpu.memory_space<vmem>>
    %dma_wait3A_76 = arith.constant 0 : i32
    %dma_wait3A_77 = tpu.memref_slice %arg2[%add3A_5, %dma_wait3A_76] : memref<16384x128xf32, #tpu.memory_space<hbm>> -> memref<128x128xf32, #tpu.memory_space<hbm>>
    %dma_wait3A_78 = arith.constant 0 : i32
    %dma_wait3A_79 = arith.constant 0 : i32
    %dma_wait3A_80 = tpu.memref_slice %arg9[%dma_wait3A_71, %dma_wait3A_78, %dma_wait3A_79] : memref<3x128x128xf32, #tpu.memory_space<vmem>> -> memref<1x128x128xf32, #tpu.memory_space<vmem>>
    %dma_wait3A_81 = tpu.memref_squeeze %dma_wait3A_80 : memref<1x128x128xf32, #tpu.memory_space<vmem>> -> memref<128x128xf32, #tpu.memory_space<vmem>>
    %dma_wait3A_82 = arith.constant 0 : i32
    %dma_wait3A_83 = tpu.memref_slice %arg2[%add3A_5, %dma_wait3A_82] : memref<16384x128xf32, #tpu.memory_space<hbm>> -> memref<128x128xf32, #tpu.memory_space<hbm>>
    tpu.wait_dma2 semaphore(%arg13 : memref<!tpu.dma_semaphore, #tpu.memory_space<semaphore_mem>>) src(%dma_wait3A_83 : memref<128x128xf32, #tpu.memory_space<hbm>>) dst(%dma_wait3A_81 : memref<128x128xf32, #tpu.memory_space<vmem>>)
    %dma_start3A_84 = arith.constant 2 : i32
    %dma_start3A_85 = arith.constant 0 : i32
    %dma_start3A_86 = arith.constant 0 : i32
    %dma_start3A_87 = tpu.memref_slice %arg8[%dma_start3A_84, %dma_start3A_85, %dma_start3A_86] : memref<3x128x128xf32, #tpu.memory_space<vmem>> -> memref<1x128x128xf32, #tpu.memory_space<vmem>>
    %dma_start3A_88 = tpu.memref_squeeze %dma_start3A_87 : memref<1x128x128xf32, #tpu.memory_space<vmem>> -> memref<128x128xf32, #tpu.memory_space<vmem>>
    %dma_start3A_89 = arith.constant 256 : i32
    %dma_start3A_90 = tpu.memref_slice %arg7[%dma_start3A_89] : memref<512xi32, #tpu.memory_space<vmem>> -> memref<128xi32, #tpu.memory_space<vmem>>
    %dma_start3A_91 = arith.constant 0 : i32
    %dma_start3A_92 = arith.constant 0 : i32
    %dma_start3A_93 = tpu.memref_slice %arg6[%dma_start3A_91, %dma_start3A_92] : memref<1000x128xf32, #tpu.memory_space<vmem_shared>> -> memref<1000x128xf32, #tpu.memory_space<vmem_shared>>
    tpu.enqueue_indirect_dma source(%dma_start3A_93 : memref<1000x128xf32, #tpu.memory_space<vmem_shared>>) target(%dma_start3A_88 : memref<128x128xf32, #tpu.memory_space<vmem>>) offsets(%dma_start3A_90 : memref<128xi32, #tpu.memory_space<vmem>>) semaphore(%arg12 : memref<!tpu.dma_semaphore, #tpu.memory_space<semaphore_mem>>)
    %add3A_94 = arith.constant 256 : i32
    %add3A_95 = arith.addi %mul3A_2, %add3A_94 : i32
    %dma_start3A_96 = arith.constant 2 : i32
    %dma_start3A_97 = arith.constant 0 : i32
    %dma_start3A_98 = arith.constant 0 : i32
    %dma_start3A_99 = tpu.memref_slice %arg9[%dma_start3A_96, %dma_start3A_97, %dma_start3A_98] : memref<3x128x128xf32, #tpu.memory_space<vmem>> -> memref<1x128x128xf32, #tpu.memory_space<vmem>>
    %dma_start3A_100 = tpu.memref_squeeze %dma_start3A_99 : memref<1x128x128xf32, #tpu.memory_space<vmem>> -> memref<128x128xf32, #tpu.memory_space<vmem>>
    %dma_start3A_101 = arith.constant 0 : i32
    %dma_start3A_102 = tpu.memref_slice %arg2[%add3A_95, %dma_start3A_101] : memref<16384x128xf32, #tpu.memory_space<hbm>> -> memref<128x128xf32, #tpu.memory_space<hbm>>
    %dma_start3A_103 = arith.constant 0 : i32
    %dma_start3A_104 = arith.constant 0 : i32
    %dma_start3A_105 = tpu.memref_slice %arg9[%dma_start3A_96, %dma_start3A_103, %dma_start3A_104] : memref<3x128x128xf32, #tpu.memory_space<vmem>> -> memref<1x128x128xf32, #tpu.memory_space<vmem>>
    %dma_start3A_106 = tpu.memref_squeeze %dma_start3A_105 : memref<1x128x128xf32, #tpu.memory_space<vmem>> -> memref<128x128xf32, #tpu.memory_space<vmem>>
    %dma_start3A_107 = arith.constant 0 : i32
    %dma_start3A_108 = tpu.memref_slice %arg2[%add3A_95, %dma_start3A_107] : memref<16384x128xf32, #tpu.memory_space<hbm>> -> memref<128x128xf32, #tpu.memory_space<hbm>>
    tpu.enqueue_dma source(%dma_start3A_108 : memref<128x128xf32, #tpu.memory_space<hbm>>) target(%dma_start3A_106 : memref<128x128xf32, #tpu.memory_space<vmem>>) target_semaphore(%arg15 : memref<!tpu.dma_semaphore, #tpu.memory_space<semaphore_mem>>)
    %parallel_loop3A = arith.constant 0 : i32
    %parallel_loop3A_109 = arith.constant 64 : i32
    %parallel_loop3A_110 = arith.constant 1 : i32
    %parallel_loop3A_111 = arith.constant 0 : i32
    %parallel_loop3A_112 = arith.constant 0 : i32
    scf.for %parallel_loop3A_570 = %parallel_loop3A to %parallel_loop3A_109 step %parallel_loop3A_110  : i32 {
      %parallel_loop3A_571 = arith.constant 0 : i32
      %parallel_loop3A_572 = arith.constant 0 : i32
      %parallel_loop3A_573 = tpu.memref_slice %arg8[%parallel_loop3A_111, %parallel_loop3A_571, %parallel_loop3A_572] : memref<3x128x128xf32, #tpu.memory_space<vmem>> -> memref<1x128x128xf32, #tpu.memory_space<vmem>>
      %parallel_loop3A_574 = tpu.memref_squeeze %parallel_loop3A_573 : memref<1x128x128xf32, #tpu.memory_space<vmem>> -> memref<128x128xf32, #tpu.memory_space<vmem>>
      %parallel_loop3A_575 = arith.index_cast %parallel_loop3A_570 : i32 to index
      %parallel_loop3A_576 = arith.constant 0 : index
      %parallel_loop3A_577 = tpu.vector_load %parallel_loop3A_574[%parallel_loop3A_575, %parallel_loop3A_576] {strides = array<i32>} : memref<128x128xf32, #tpu.memory_space<vmem>>, vector<1x16xf32>,
      %parallel_loop3A_578 = vector.shape_cast %parallel_loop3A_577 : vector<1x16xf32> to vector<16xf32>
      %parallel_loop3A_579 = arith.constant 0 : i32
      %parallel_loop3A_580 = arith.constant 0 : i32
      %parallel_loop3A_581 = tpu.memref_slice %arg9[%parallel_loop3A_112, %parallel_loop3A_579, %parallel_loop3A_580] : memref<3x128x128xf32, #tpu.memory_space<vmem>> -> memref<1x128x128xf32, #tpu.memory_space<vmem>>
      %parallel_loop3A_582 = tpu.memref_squeeze %parallel_loop3A_581 : memref<1x128x128xf32, #tpu.memory_space<vmem>> -> memref<128x128xf32, #tpu.memory_space<vmem>>
      %parallel_loop3A_583 = arith.index_cast %parallel_loop3A_570 : i32 to index
      %parallel_loop3A_584 = arith.constant 0 : index
      %parallel_loop3A_585 = tpu.vector_load %parallel_loop3A_582[%parallel_loop3A_583, %parallel_loop3A_584] {strides = array<i32>} : memref<128x128xf32, #tpu.memory_space<vmem>>, vector<1x16xf32>,
      %parallel_loop3A_586 = vector.shape_cast %parallel_loop3A_585 : vector<1x16xf32> to vector<16xf32>
      %parallel_loop3A_587 = arith.mulf %parallel_loop3A_578, %parallel_loop3A_586 : vector<16xf32>
      %parallel_loop3A_588 = arith.constant 0 : i32
      %parallel_loop3A_589 = arith.constant 0 : i32
      %parallel_loop3A_590 = tpu.memref_slice %arg8[%parallel_loop3A_111, %parallel_loop3A_588, %parallel_loop3A_589] : memref<3x128x128xf32, #tpu.memory_space<vmem>> -> memref<1x128x128xf32, #tpu.memory_space<vmem>>
      %parallel_loop3A_591 = tpu.memref_squeeze %parallel_loop3A_590 : memref<1x128x128xf32, #tpu.memory_space<vmem>> -> memref<128x128xf32, #tpu.memory_space<vmem>>
      %parallel_loop3A_592 = arith.index_cast %parallel_loop3A_570 : i32 to index
      %parallel_loop3A_593 = arith.constant 0 : index
      %parallel_loop3A_594 = tpu.vector_load %parallel_loop3A_591[%parallel_loop3A_592, %parallel_loop3A_593] {strides = array<i32>} : memref<128x128xf32, #tpu.memory_space<vmem>>, vector<1x16xf32>,
      %parallel_loop3A_595 = vector.shape_cast %parallel_loop3A_594 : vector<1x16xf32> to vector<16xf32>
      %parallel_loop3A_596 = vector.shape_cast %parallel_loop3A_587 : vector<16xf32> to vector<1x16xf32>
      tpu.vector_store %parallel_loop3A_591[%parallel_loop3A_592, %parallel_loop3A_593], %parallel_loop3A_596 {strides = array<i32>} : memref<128x128xf32, #tpu.memory_space<vmem>>, vector<1x16xf32>,
      %parallel_loop3A_597 = arith.constant 0 : i32
      %parallel_loop3A_598 = arith.constant 0 : i32
      %parallel_loop3A_599 = tpu.memref_slice %arg8[%parallel_loop3A_111, %parallel_loop3A_597, %parallel_loop3A_598] : memref<3x128x128xf32, #tpu.memory_space<vmem>> -> memref<1x128x128xf32, #tpu.memory_space<vmem>>
      %parallel_loop3A_600 = tpu.memref_squeeze %parallel_loop3A_599 : memref<1x128x128xf32, #tpu.memory_space<vmem>> -> memref<128x128xf32, #tpu.memory_space<vmem>>
      %parallel_loop3A_601 = arith.index_cast %parallel_loop3A_570 : i32 to index
      %parallel_loop3A_602 = arith.constant 16 : index
      %parallel_loop3A_603 = tpu.vector_load %parallel_loop3A_600[%parallel_loop3A_601, %parallel_loop3A_602] {strides = array<i32>} : memref<128x128xf32, #tpu.memory_space<vmem>>, vector<1x16xf32>,
      %parallel_loop3A_604 = vector.shape_cast %parallel_loop3A_603 : vector<1x16xf32> to vector<16xf32>
      %parallel_loop3A_605 = arith.constant 0 : i32
      %parallel_loop3A_606 = arith.constant 0 : i32
      %parallel_loop3A_607 = tpu.memref_slice %arg9[%parallel_loop3A_112, %parallel_loop3A_605, %parallel_loop3A_606] : memref<3x128x128xf32, #tpu.memory_space<vmem>> -> memref<1x128x128xf32, #tpu.memory_space<vmem>>
      %parallel_loop3A_608 = tpu.memref_squeeze %parallel_loop3A_607 : memref<1x128x128xf32, #tpu.memory_space<vmem>> -> memref<128x128xf32, #tpu.memory_space<vmem>>
      %parallel_loop3A_609 = arith.index_cast %parallel_loop3A_570 : i32 to index
      %parallel_loop3A_610 = arith.constant 16 : index
      %parallel_loop3A_611 = tpu.vector_load %parallel_loop3A_608[%parallel_loop3A_609, %parallel_loop3A_610] {strides = array<i32>} : memref<128x128xf32, #tpu.memory_space<vmem>>, vector<1x16xf32>,
      %parallel_loop3A_612 = vector.shape_cast %parallel_loop3A_611 : vector<1x16xf32> to vector<16xf32>
      %parallel_loop3A_613 = arith.mulf %parallel_loop3A_604, %parallel_loop3A_612 : vector<16xf32>
      %parallel_loop3A_614 = arith.constant 0 : i32
      %parallel_loop3A_615 = arith.constant 0 : i32
      %parallel_loop3A_616 = tpu.memref_slice %arg8[%parallel_loop3A_111, %parallel_loop3A_614, %parallel_loop3A_615] : memref<3x128x128xf32, #tpu.memory_space<vmem>> -> memref<1x128x128xf32, #tpu.memory_space<vmem>>
      %parallel_loop3A_617 = tpu.memref_squeeze %parallel_loop3A_616 : memref<1x128x128xf32, #tpu.memory_space<vmem>> -> memref<128x128xf32, #tpu.memory_space<vmem>>
      %parallel_loop3A_618 = arith.index_cast %parallel_loop3A_570 : i32 to index
      %parallel_loop3A_619 = arith.constant 16 : index
      %parallel_loop3A_620 = tpu.vector_load %parallel_loop3A_617[%parallel_loop3A_618, %parallel_loop3A_619] {strides = array<i32>} : memref<128x128xf32, #tpu.memory_space<vmem>>, vector<1x16xf32>,
      %parallel_loop3A_621 = vector.shape_cast %parallel_loop3A_620 : vector<1x16xf32> to vector<16xf32>
      %parallel_loop3A_622 = vector.shape_cast %parallel_loop3A_613 : vector<16xf32> to vector<1x16xf32>
      tpu.vector_store %parallel_loop3A_617[%parallel_loop3A_618, %parallel_loop3A_619], %parallel_loop3A_622 {strides = array<i32>} : memref<128x128xf32, #tpu.memory_space<vmem>>, vector<1x16xf32>,
      %parallel_loop3A_623 = arith.constant 0 : i32
      %parallel_loop3A_624 = arith.constant 0 : i32
      %parallel_loop3A_625 = tpu.memref_slice %arg8[%parallel_loop3A_111, %parallel_loop3A_623, %parallel_loop3A_624] : memref<3x128x128xf32, #tpu.memory_space<vmem>> -> memref<1x128x128xf32, #tpu.memory_space<vmem>>
      %parallel_loop3A_626 = tpu.memref_squeeze %parallel_loop3A_625 : memref<1x128x128xf32, #tpu.memory_space<vmem>> -> memref<128x128xf32, #tpu.memory_space<vmem>>
      %parallel_loop3A_627 = arith.index_cast %parallel_loop3A_570 : i32 to index
      %parallel_loop3A_628 = arith.constant 32 : index
      %parallel_loop3A_629 = tpu.vector_load %parallel_loop3A_626[%parallel_loop3A_627, %parallel_loop3A_628] {strides = array<i32>} : memref<128x128xf32, #tpu.memory_space<vmem>>, vector<1x16xf32>,
      %parallel_loop3A_630 = vector.shape_cast %parallel_loop3A_629 : vector<1x16xf32> to vector<16xf32>
      %parallel_loop3A_631 = arith.constant 0 : i32
      %parallel_loop3A_632 = arith.constant 0 : i32
      %parallel_loop3A_633 = tpu.memref_slice %arg9[%parallel_loop3A_112, %parallel_loop3A_631, %parallel_loop3A_632] : memref<3x128x128xf32, #tpu.memory_space<vmem>> -> memref<1x128x128xf32, #tpu.memory_space<vmem>>
      %parallel_loop3A_634 = tpu.memref_squeeze %parallel_loop3A_633 : memref<1x128x128xf32, #tpu.memory_space<vmem>> -> memref<128x128xf32, #tpu.memory_space<vmem>>
      %parallel_loop3A_635 = arith.index_cast %parallel_loop3A_570 : i32 to index
      %parallel_loop3A_636 = arith.constant 32 : index
      %parallel_loop3A_637 = tpu.vector_load %parallel_loop3A_634[%parallel_loop3A_635, %parallel_loop3A_636] {strides = array<i32>} : memref<128x128xf32, #tpu.memory_space<vmem>>, vector<1x16xf32>,
      %parallel_loop3A_638 = vector.shape_cast %parallel_loop3A_637 : vector<1x16xf32> to vector<16xf32>
      %parallel_loop3A_639 = arith.mulf %parallel_loop3A_630, %parallel_loop3A_638 : vector<16xf32>
      %parallel_loop3A_640 = arith.constant 0 : i32
      %parallel_loop3A_641 = arith.constant 0 : i32
      %parallel_loop3A_642 = tpu.memref_slice %arg8[%parallel_loop3A_111, %parallel_loop3A_640, %parallel_loop3A_641] : memref<3x128x128xf32, #tpu.memory_space<vmem>> -> memref<1x128x128xf32, #tpu.memory_space<vmem>>
      %parallel_loop3A_643 = tpu.memref_squeeze %parallel_loop3A_642 : memref<1x128x128xf32, #tpu.memory_space<vmem>> -> memref<128x128xf32, #tpu.memory_space<vmem>>
      %parallel_loop3A_644 = arith.index_cast %parallel_loop3A_570 : i32 to index
      %parallel_loop3A_645 = arith.constant 32 : index
      %parallel_loop3A_646 = tpu.vector_load %parallel_loop3A_643[%parallel_loop3A_644, %parallel_loop3A_645] {strides = array<i32>} : memref<128x128xf32, #tpu.memory_space<vmem>>, vector<1x16xf32>,
      %parallel_loop3A_647 = vector.shape_cast %parallel_loop3A_646 : vector<1x16xf32> to vector<16xf32>
      %parallel_loop3A_648 = vector.shape_cast %parallel_loop3A_639 : vector<16xf32> to vector<1x16xf32>
      tpu.vector_store %parallel_loop3A_643[%parallel_loop3A_644, %parallel_loop3A_645], %parallel_loop3A_648 {strides = array<i32>} : memref<128x128xf32, #tpu.memory_space<vmem>>, vector<1x16xf32>,
      %parallel_loop3A_649 = arith.constant 0 : i32
      %parallel_loop3A_650 = arith.constant 0 : i32
      %parallel_loop3A_651 = tpu.memref_slice %arg8[%parallel_loop3A_111, %parallel_loop3A_649, %parallel_loop3A_650] : memref<3x128x128xf32, #tpu.memory_space<vmem>> -> memref<1x128x128xf32, #tpu.memory_space<vmem>>
      %parallel_loop3A_652 = tpu.memref_squeeze %parallel_loop3A_651 : memref<1x128x128xf32, #tpu.memory_space<vmem>> -> memref<128x128xf32, #tpu.memory_space<vmem>>
      %parallel_loop3A_653 = arith.index_cast %parallel_loop3A_570 : i32 to index
      %parallel_loop3A_654 = arith.constant 48 : index
      %parallel_loop3A_655 = tpu.vector_load %parallel_loop3A_652[%parallel_loop3A_653, %parallel_loop3A_654] {strides = array<i32>} : memref<128x128xf32, #tpu.memory_space<vmem>>, vector<1x16xf32>,
      %parallel_loop3A_656 = vector.shape_cast %parallel_loop3A_655 : vector<1x16xf32> to vector<16xf32>
      %parallel_loop3A_657 = arith.constant 0 : i32
      %parallel_loop3A_658 = arith.constant 0 : i32
      %parallel_loop3A_659 = tpu.memref_slice %arg9[%parallel_loop3A_112, %parallel_loop3A_657, %parallel_loop3A_658] : memref<3x128x128xf32, #tpu.memory_space<vmem>> -> memref<1x128x128xf32, #tpu.memory_space<vmem>>
      %parallel_loop3A_660 = tpu.memref_squeeze %parallel_loop3A_659 : memref<1x128x128xf32, #tpu.memory_space<vmem>> -> memref<128x128xf32, #tpu.memory_space<vmem>>
      %parallel_loop3A_661 = arith.index_cast %parallel_loop3A_570 : i32 to index
      %parallel_loop3A_662 = arith.constant 48 : index
      %parallel_loop3A_663 = tpu.vector_load %parallel_loop3A_660[%parallel_loop3A_661, %parallel_loop3A_662] {strides = array<i32>} : memref<128x128xf32, #tpu.memory_space<vmem>>, vector<1x16xf32>,
      %parallel_loop3A_664 = vector.shape_cast %parallel_loop3A_663 : vector<1x16xf32> to vector<16xf32>
      %parallel_loop3A_665 = arith.mulf %parallel_loop3A_656, %parallel_loop3A_664 : vector<16xf32>
      %parallel_loop3A_666 = arith.constant 0 : i32
      %parallel_loop3A_667 = arith.constant 0 : i32
      %parallel_loop3A_668 = tpu.memref_slice %arg8[%parallel_loop3A_111, %parallel_loop3A_666, %parallel_loop3A_667] : memref<3x128x128xf32, #tpu.memory_space<vmem>> -> memref<1x128x128xf32, #tpu.memory_space<vmem>>
      %parallel_loop3A_669 = tpu.memref_squeeze %parallel_loop3A_668 : memref<1x128x128xf32, #tpu.memory_space<vmem>> -> memref<128x128xf32, #tpu.memory_space<vmem>>
      %parallel_loop3A_670 = arith.index_cast %parallel_loop3A_570 : i32 to index
      %parallel_loop3A_671 = arith.constant 48 : index
      %parallel_loop3A_672 = tpu.vector_load %parallel_loop3A_669[%parallel_loop3A_670, %parallel_loop3A_671] {strides = array<i32>} : memref<128x128xf32, #tpu.memory_space<vmem>>, vector<1x16xf32>,
      %parallel_loop3A_673 = vector.shape_cast %parallel_loop3A_672 : vector<1x16xf32> to vector<16xf32>
      %parallel_loop3A_674 = vector.shape_cast %parallel_loop3A_665 : vector<16xf32> to vector<1x16xf32>
      tpu.vector_store %parallel_loop3A_669[%parallel_loop3A_670, %parallel_loop3A_671], %parallel_loop3A_674 {strides = array<i32>} : memref<128x128xf32, #tpu.memory_space<vmem>>, vector<1x16xf32>,
      %parallel_loop3A_675 = arith.constant 0 : i32
      %parallel_loop3A_676 = arith.constant 0 : i32
      %parallel_loop3A_677 = tpu.memref_slice %arg8[%parallel_loop3A_111, %parallel_loop3A_675, %parallel_loop3A_676] : memref<3x128x128xf32, #tpu.memory_space<vmem>> -> memref<1x128x128xf32, #tpu.memory_space<vmem>>
      %parallel_loop3A_678 = tpu.memref_squeeze %parallel_loop3A_677 : memref<1x128x128xf32, #tpu.memory_space<vmem>> -> memref<128x128xf32, #tpu.memory_space<vmem>>
      %parallel_loop3A_679 = arith.index_cast %parallel_loop3A_570 : i32 to index
      %parallel_loop3A_680 = arith.constant 64 : index
      %parallel_loop3A_681 = tpu.vector_load %parallel_loop3A_678[%parallel_loop3A_679, %parallel_loop3A_680] {strides = array<i32>} : memref<128x128xf32, #tpu.memory_space<vmem>>, vector<1x16xf32>,
      %parallel_loop3A_682 = vector.shape_cast %parallel_loop3A_681 : vector<1x16xf32> to vector<16xf32>
      %parallel_loop3A_683 = arith.constant 0 : i32
      %parallel_loop3A_684 = arith.constant 0 : i32
      %parallel_loop3A_685 = tpu.memref_slice %arg9[%parallel_loop3A_112, %parallel_loop3A_683, %parallel_loop3A_684] : memref<3x128x128xf32, #tpu.memory_space<vmem>> -> memref<1x128x128xf32, #tpu.memory_space<vmem>>
      %parallel_loop3A_686 = tpu.memref_squeeze %parallel_loop3A_685 : memref<1x128x128xf32, #tpu.memory_space<vmem>> -> memref<128x128xf32, #tpu.memory_space<vmem>>
      %parallel_loop3A_687 = arith.index_cast %parallel_loop3A_570 : i32 to index
      %parallel_loop3A_688 = arith.constant 64 : index
      %parallel_loop3A_689 = tpu.vector_load %parallel_loop3A_686[%parallel_loop3A_687, %parallel_loop3A_688] {strides = array<i32>} : memref<128x128xf32, #tpu.memory_space<vmem>>, vector<1x16xf32>,
      %parallel_loop3A_690 = vector.shape_cast %parallel_loop3A_689 : vector<1x16xf32> to vector<16xf32>
      %parallel_loop3A_691 = arith.mulf %parallel_loop3A_682, %parallel_loop3A_690 : vector<16xf32>
      %parallel_loop3A_692 = arith.constant 0 : i32
      %parallel_loop3A_693 = arith.constant 0 : i32
      %parallel_loop3A_694 = tpu.memref_slice %arg8[%parallel_loop3A_111, %parallel_loop3A_692, %parallel_loop3A_693] : memref<3x128x128xf32, #tpu.memory_space<vmem>> -> memref<1x128x128xf32, #tpu.memory_space<vmem>>
      %parallel_loop3A_695 = tpu.memref_squeeze %parallel_loop3A_694 : memref<1x128x128xf32, #tpu.memory_space<vmem>> -> memref<128x128xf32, #tpu.memory_space<vmem>>
      %parallel_loop3A_696 = arith.index_cast %parallel_loop3A_570 : i32 to index
      %parallel_loop3A_697 = arith.constant 64 : index
      %parallel_loop3A_698 = tpu.vector_load %parallel_loop3A_695[%parallel_loop3A_696, %parallel_loop3A_697] {strides = array<i32>} : memref<128x128xf32, #tpu.memory_space<vmem>>, vector<1x16xf32>,
      %parallel_loop3A_699 = vector.shape_cast %parallel_loop3A_698 : vector<1x16xf32> to vector<16xf32>
      %parallel_loop3A_700 = vector.shape_cast %parallel_loop3A_691 : vector<16xf32> to vector<1x16xf32>
      tpu.vector_store %parallel_loop3A_695[%parallel_loop3A_696, %parallel_loop3A_697], %parallel_loop3A_700 {strides = array<i32>} : memref<128x128xf32, #tpu.memory_space<vmem>>, vector<1x16xf32>,
      %parallel_loop3A_701 = arith.constant 0 : i32
      %parallel_loop3A_702 = arith.constant 0 : i32
      %parallel_loop3A_703 = tpu.memref_slice %arg8[%parallel_loop3A_111, %parallel_loop3A_701, %parallel_loop3A_702] : memref<3x128x128xf32, #tpu.memory_space<vmem>> -> memref<1x128x128xf32, #tpu.memory_space<vmem>>
      %parallel_loop3A_704 = tpu.memref_squeeze %parallel_loop3A_703 : memref<1x128x128xf32, #tpu.memory_space<vmem>> -> memref<128x128xf32, #tpu.memory_space<vmem>>
      %parallel_loop3A_705 = arith.index_cast %parallel_loop3A_570 : i32 to index
      %parallel_loop3A_706 = arith.constant 80 : index
      %parallel_loop3A_707 = tpu.vector_load %parallel_loop3A_704[%parallel_loop3A_705, %parallel_loop3A_706] {strides = array<i32>} : memref<128x128xf32, #tpu.memory_space<vmem>>, vector<1x16xf32>,
      %parallel_loop3A_708 = vector.shape_cast %parallel_loop3A_707 : vector<1x16xf32> to vector<16xf32>
      %parallel_loop3A_709 = arith.constant 0 : i32
      %parallel_loop3A_710 = arith.constant 0 : i32
      %parallel_loop3A_711 = tpu.memref_slice %arg9[%parallel_loop3A_112, %parallel_loop3A_709, %parallel_loop3A_710] : memref<3x128x128xf32, #tpu.memory_space<vmem>> -> memref<1x128x128xf32, #tpu.memory_space<vmem>>
      %parallel_loop3A_712 = tpu.memref_squeeze %parallel_loop3A_711 : memref<1x128x128xf32, #tpu.memory_space<vmem>> -> memref<128x128xf32, #tpu.memory_space<vmem>>
      %parallel_loop3A_713 = arith.index_cast %parallel_loop3A_570 : i32 to index
      %parallel_loop3A_714 = arith.constant 80 : index
      %parallel_loop3A_715 = tpu.vector_load %parallel_loop3A_712[%parallel_loop3A_713, %parallel_loop3A_714] {strides = array<i32>} : memref<128x128xf32, #tpu.memory_space<vmem>>, vector<1x16xf32>,
      %parallel_loop3A_716 = vector.shape_cast %parallel_loop3A_715 : vector<1x16xf32> to vector<16xf32>
      %parallel_loop3A_717 = arith.mulf %parallel_loop3A_708, %parallel_loop3A_716 : vector<16xf32>
      %parallel_loop3A_718 = arith.constant 0 : i32
      %parallel_loop3A_719 = arith.constant 0 : i32
      %parallel_loop3A_720 = tpu.memref_slice %arg8[%parallel_loop3A_111, %parallel_loop3A_718, %parallel_loop3A_719] : memref<3x128x128xf32, #tpu.memory_space<vmem>> -> memref<1x128x128xf32, #tpu.memory_space<vmem>>
      %parallel_loop3A_721 = tpu.memref_squeeze %parallel_loop3A_720 : memref<1x128x128xf32, #tpu.memory_space<vmem>> -> memref<128x128xf32, #tpu.memory_space<vmem>>
      %parallel_loop3A_722 = arith.index_cast %parallel_loop3A_570 : i32 to index
      %parallel_loop3A_723 = arith.constant 80 : index
      %parallel_loop3A_724 = tpu.vector_load %parallel_loop3A_721[%parallel_loop3A_722, %parallel_loop3A_723] {strides = array<i32>} : memref<128x128xf32, #tpu.memory_space<vmem>>, vector<1x16xf32>,
      %parallel_loop3A_725 = vector.shape_cast %parallel_loop3A_724 : vector<1x16xf32> to vector<16xf32>
      %parallel_loop3A_726 = vector.shape_cast %parallel_loop3A_717 : vector<16xf32> to vector<1x16xf32>
      tpu.vector_store %parallel_loop3A_721[%parallel_loop3A_722, %parallel_loop3A_723], %parallel_loop3A_726 {strides = array<i32>} : memref<128x128xf32, #tpu.memory_space<vmem>>, vector<1x16xf32>,
      %parallel_loop3A_727 = arith.constant 0 : i32
      %parallel_loop3A_728 = arith.constant 0 : i32
      %parallel_loop3A_729 = tpu.memref_slice %arg8[%parallel_loop3A_111, %parallel_loop3A_727, %parallel_loop3A_728] : memref<3x128x128xf32, #tpu.memory_space<vmem>> -> memref<1x128x128xf32, #tpu.memory_space<vmem>>
      %parallel_loop3A_730 = tpu.memref_squeeze %parallel_loop3A_729 : memref<1x128x128xf32, #tpu.memory_space<vmem>> -> memref<128x128xf32, #tpu.memory_space<vmem>>
      %parallel_loop3A_731 = arith.index_cast %parallel_loop3A_570 : i32 to index
      %parallel_loop3A_732 = arith.constant 96 : index
      %parallel_loop3A_733 = tpu.vector_load %parallel_loop3A_730[%parallel_loop3A_731, %parallel_loop3A_732] {strides = array<i32>} : memref<128x128xf32, #tpu.memory_space<vmem>>, vector<1x16xf32>,
      %parallel_loop3A_734 = vector.shape_cast %parallel_loop3A_733 : vector<1x16xf32> to vector<16xf32>
      %parallel_loop3A_735 = arith.constant 0 : i32
      %parallel_loop3A_736 = arith.constant 0 : i32
      %parallel_loop3A_737 = tpu.memref_slice %arg9[%parallel_loop3A_112, %parallel_loop3A_735, %parallel_loop3A_736] : memref<3x128x128xf32, #tpu.memory_space<vmem>> -> memref<1x128x128xf32, #tpu.memory_space<vmem>>
      %parallel_loop3A_738 = tpu.memref_squeeze %parallel_loop3A_737 : memref<1x128x128xf32, #tpu.memory_space<vmem>> -> memref<128x128xf32, #tpu.memory_space<vmem>>
      %parallel_loop3A_739 = arith.index_cast %parallel_loop3A_570 : i32 to index
      %parallel_loop3A_740 = arith.constant 96 : index
      %parallel_loop3A_741 = tpu.vector_load %parallel_loop3A_738[%parallel_loop3A_739, %parallel_loop3A_740] {strides = array<i32>} : memref<128x128xf32, #tpu.memory_space<vmem>>, vector<1x16xf32>,
      %parallel_loop3A_742 = vector.shape_cast %parallel_loop3A_741 : vector<1x16xf32> to vector<16xf32>
      %parallel_loop3A_743 = arith.mulf %parallel_loop3A_734, %parallel_loop3A_742 : vector<16xf32>
      %parallel_loop3A_744 = arith.constant 0 : i32
      %parallel_loop3A_745 = arith.constant 0 : i32
      %parallel_loop3A_746 = tpu.memref_slice %arg8[%parallel_loop3A_111, %parallel_loop3A_744, %parallel_loop3A_745] : memref<3x128x128xf32, #tpu.memory_space<vmem>> -> memref<1x128x128xf32, #tpu.memory_space<vmem>>
      %parallel_loop3A_747 = tpu.memref_squeeze %parallel_loop3A_746 : memref<1x128x128xf32, #tpu.memory_space<vmem>> -> memref<128x128xf32, #tpu.memory_space<vmem>>
      %parallel_loop3A_748 = arith.index_cast %parallel_loop3A_570 : i32 to index
      %parallel_loop3A_749 = arith.constant 96 : index
      %parallel_loop3A_750 = tpu.vector_load %parallel_loop3A_747[%parallel_loop3A_748, %parallel_loop3A_749] {strides = array<i32>} : memref<128x128xf32, #tpu.memory_space<vmem>>, vector<1x16xf32>,
      %parallel_loop3A_751 = vector.shape_cast %parallel_loop3A_750 : vector<1x16xf32> to vector<16xf32>
      %parallel_loop3A_752 = vector.shape_cast %parallel_loop3A_743 : vector<16xf32> to vector<1x16xf32>
      tpu.vector_store %parallel_loop3A_747[%parallel_loop3A_748, %parallel_loop3A_749], %parallel_loop3A_752 {strides = array<i32>} : memref<128x128xf32, #tpu.memory_space<vmem>>, vector<1x16xf32>,
      %parallel_loop3A_753 = arith.constant 0 : i32
      %parallel_loop3A_754 = arith.constant 0 : i32
      %parallel_loop3A_755 = tpu.memref_slice %arg8[%parallel_loop3A_111, %parallel_loop3A_753, %parallel_loop3A_754] : memref<3x128x128xf32, #tpu.memory_space<vmem>> -> memref<1x128x128xf32, #tpu.memory_space<vmem>>
      %parallel_loop3A_756 = tpu.memref_squeeze %parallel_loop3A_755 : memref<1x128x128xf32, #tpu.memory_space<vmem>> -> memref<128x128xf32, #tpu.memory_space<vmem>>
      %parallel_loop3A_757 = arith.index_cast %parallel_loop3A_570 : i32 to index
      %parallel_loop3A_758 = arith.constant 112 : index
      %parallel_loop3A_759 = tpu.vector_load %parallel_loop3A_756[%parallel_loop3A_757, %parallel_loop3A_758] {strides = array<i32>} : memref<128x128xf32, #tpu.memory_space<vmem>>, vector<1x16xf32>,
      %parallel_loop3A_760 = vector.shape_cast %parallel_loop3A_759 : vector<1x16xf32> to vector<16xf32>
      %parallel_loop3A_761 = arith.constant 0 : i32
      %parallel_loop3A_762 = arith.constant 0 : i32
      %parallel_loop3A_763 = tpu.memref_slice %arg9[%parallel_loop3A_112, %parallel_loop3A_761, %parallel_loop3A_762] : memref<3x128x128xf32, #tpu.memory_space<vmem>> -> memref<1x128x128xf32, #tpu.memory_space<vmem>>
      %parallel_loop3A_764 = tpu.memref_squeeze %parallel_loop3A_763 : memref<1x128x128xf32, #tpu.memory_space<vmem>> -> memref<128x128xf32, #tpu.memory_space<vmem>>
      %parallel_loop3A_765 = arith.index_cast %parallel_loop3A_570 : i32 to index
      %parallel_loop3A_766 = arith.constant 112 : index
      %parallel_loop3A_767 = tpu.vector_load %parallel_loop3A_764[%parallel_loop3A_765, %parallel_loop3A_766] {strides = array<i32>} : memref<128x128xf32, #tpu.memory_space<vmem>>, vector<1x16xf32>,
      %parallel_loop3A_768 = vector.shape_cast %parallel_loop3A_767 : vector<1x16xf32> to vector<16xf32>
      %parallel_loop3A_769 = arith.mulf %parallel_loop3A_760, %parallel_loop3A_768 : vector<16xf32>
      %parallel_loop3A_770 = arith.constant 0 : i32
      %parallel_loop3A_771 = arith.constant 0 : i32
      %parallel_loop3A_772 = tpu.memref_slice %arg8[%parallel_loop3A_111, %parallel_loop3A_770, %parallel_loop3A_771] : memref<3x128x128xf32, #tpu.memory_space<vmem>> -> memref<1x128x128xf32, #tpu.memory_space<vmem>>
      %parallel_loop3A_773 = tpu.memref_squeeze %parallel_loop3A_772 : memref<1x128x128xf32, #tpu.memory_space<vmem>> -> memref<128x128xf32, #tpu.memory_space<vmem>>
      %parallel_loop3A_774 = arith.index_cast %parallel_loop3A_570 : i32 to index
      %parallel_loop3A_775 = arith.constant 112 : index
      %parallel_loop3A_776 = tpu.vector_load %parallel_loop3A_773[%parallel_loop3A_774, %parallel_loop3A_775] {strides = array<i32>} : memref<128x128xf32, #tpu.memory_space<vmem>>, vector<1x16xf32>,
      %parallel_loop3A_777 = vector.shape_cast %parallel_loop3A_776 : vector<1x16xf32> to vector<16xf32>
      %parallel_loop3A_778 = vector.shape_cast %parallel_loop3A_769 : vector<16xf32> to vector<1x16xf32>
      tpu.vector_store %parallel_loop3A_773[%parallel_loop3A_774, %parallel_loop3A_775], %parallel_loop3A_778 {strides = array<i32>} : memref<128x128xf32, #tpu.memory_space<vmem>>, vector<1x16xf32>,
    } {sc.loop_unroll_factor = 1 : i64, sc.parallel_access}
    %add3A_113 = arith.constant 0 : i32
    %add3A_114 = arith.addi %mul3A_2, %add3A_113 : i32
    %dma_start3A_115 = arith.constant 0 : i32
    %dma_start3A_116 = arith.constant 0 : i32
    %dma_start3A_117 = arith.constant 0 : i32
    %dma_start3A_118 = tpu.memref_slice %arg8[%dma_start3A_115, %dma_start3A_116, %dma_start3A_117] : memref<3x128x128xf32, #tpu.memory_space<vmem>> -> memref<1x128x128xf32, #tpu.memory_space<vmem>>
    %dma_start3A_119 = tpu.memref_squeeze %dma_start3A_118 : memref<1x128x128xf32, #tpu.memory_space<vmem>> -> memref<128x128xf32, #tpu.memory_space<vmem>>
    %dma_start3A_120 = arith.constant 0 : i32
    %dma_start3A_121 = arith.constant 0 : i32
    %dma_start3A_122 = tpu.memref_slice %dma_start3A_119[%dma_start3A_120, %dma_start3A_121] : memref<128x128xf32, #tpu.memory_space<vmem>> -> memref<64x128xf32, #tpu.memory_space<vmem>>
    %dma_start3A_123 = arith.constant 0 : i32
    %dma_start3A_124 = tpu.memref_slice %arg5[%add3A_114, %dma_start3A_123] : memref<16384x128xf32, #tpu.memory_space<hbm>> -> memref<64x128xf32, #tpu.memory_space<hbm>>
    %dma_start3A_125 = arith.constant 0 : i32
    %dma_start3A_126 = tpu.memref_slice %arg5[%add3A_114, %dma_start3A_125] : memref<16384x128xf32, #tpu.memory_space<hbm>> -> memref<64x128xf32, #tpu.memory_space<hbm>>
    %dma_start3A_127 = arith.constant 0 : i32
    %dma_start3A_128 = arith.constant 0 : i32
    %dma_start3A_129 = tpu.memref_slice %arg8[%dma_start3A_115, %dma_start3A_127, %dma_start3A_128] : memref<3x128x128xf32, #tpu.memory_space<vmem>> -> memref<1x128x128xf32, #tpu.memory_space<vmem>>
    %dma_start3A_130 = tpu.memref_squeeze %dma_start3A_129 : memref<1x128x128xf32, #tpu.memory_space<vmem>> -> memref<128x128xf32, #tpu.memory_space<vmem>>
    %dma_start3A_131 = arith.constant 0 : i32
    %dma_start3A_132 = arith.constant 0 : i32
    %dma_start3A_133 = tpu.memref_slice %dma_start3A_130[%dma_start3A_131, %dma_start3A_132] : memref<128x128xf32, #tpu.memory_space<vmem>> -> memref<64x128xf32, #tpu.memory_space<vmem>>
    tpu.enqueue_dma source(%dma_start3A_133 : memref<64x128xf32, #tpu.memory_space<vmem>>) target(%dma_start3A_126 : memref<64x128xf32, #tpu.memory_space<hbm>>) target_semaphore(%arg16 : memref<!tpu.dma_semaphore, #tpu.memory_space<semaphore_mem>>)
    %parallel_loop3A_134 = arith.constant 64 : i32
    %parallel_loop3A_135 = arith.constant 128 : i32
    %parallel_loop3A_136 = arith.constant 1 : i32
    %parallel_loop3A_137 = arith.constant 0 : i32
    %parallel_loop3A_138 = arith.constant 0 : i32
    scf.for %parallel_loop3A_570 = %parallel_loop3A_134 to %parallel_loop3A_135 step %parallel_loop3A_136  : i32 {
      %parallel_loop3A_571 = arith.constant 0 : i32
      %parallel_loop3A_572 = arith.constant 0 : i32
      %parallel_loop3A_573 = tpu.memref_slice %arg8[%parallel_loop3A_137, %parallel_loop3A_571, %parallel_loop3A_572] : memref<3x128x128xf32, #tpu.memory_space<vmem>> -> memref<1x128x128xf32, #tpu.memory_space<vmem>>
      %parallel_loop3A_574 = tpu.memref_squeeze %parallel_loop3A_573 : memref<1x128x128xf32, #tpu.memory_space<vmem>> -> memref<128x128xf32, #tpu.memory_space<vmem>>
      %parallel_loop3A_575 = arith.index_cast %parallel_loop3A_570 : i32 to index
      %parallel_loop3A_576 = arith.constant 0 : index
      %parallel_loop3A_577 = tpu.vector_load %parallel_loop3A_574[%parallel_loop3A_575, %parallel_loop3A_576] {strides = array<i32>} : memref<128x128xf32, #tpu.memory_space<vmem>>, vector<1x16xf32>,
      %parallel_loop3A_578 = vector.shape_cast %parallel_loop3A_577 : vector<1x16xf32> to vector<16xf32>
      %parallel_loop3A_579 = arith.constant 0 : i32
      %parallel_loop3A_580 = arith.constant 0 : i32
      %parallel_loop3A_581 = tpu.memref_slice %arg9[%parallel_loop3A_138, %parallel_loop3A_579, %parallel_loop3A_580] : memref<3x128x128xf32, #tpu.memory_space<vmem>> -> memref<1x128x128xf32, #tpu.memory_space<vmem>>
      %parallel_loop3A_582 = tpu.memref_squeeze %parallel_loop3A_581 : memref<1x128x128xf32, #tpu.memory_space<vmem>> -> memref<128x128xf32, #tpu.memory_space<vmem>>
      %parallel_loop3A_583 = arith.index_cast %parallel_loop3A_570 : i32 to index
      %parallel_loop3A_584 = arith.constant 0 : index
      %parallel_loop3A_585 = tpu.vector_load %parallel_loop3A_582[%parallel_loop3A_583, %parallel_loop3A_584] {strides = array<i32>} : memref<128x128xf32, #tpu.memory_space<vmem>>, vector<1x16xf32>,
      %parallel_loop3A_586 = vector.shape_cast %parallel_loop3A_585 : vector<1x16xf32> to vector<16xf32>
      %parallel_loop3A_587 = arith.mulf %parallel_loop3A_578, %parallel_loop3A_586 : vector<16xf32>
      %parallel_loop3A_588 = arith.constant 0 : i32
      %parallel_loop3A_589 = arith.constant 0 : i32
      %parallel_loop3A_590 = tpu.memref_slice %arg8[%parallel_loop3A_137, %parallel_loop3A_588, %parallel_loop3A_589] : memref<3x128x128xf32, #tpu.memory_space<vmem>> -> memref<1x128x128xf32, #tpu.memory_space<vmem>>
      %parallel_loop3A_591 = tpu.memref_squeeze %parallel_loop3A_590 : memref<1x128x128xf32, #tpu.memory_space<vmem>> -> memref<128x128xf32, #tpu.memory_space<vmem>>
      %parallel_loop3A_592 = arith.index_cast %parallel_loop3A_570 : i32 to index
      %parallel_loop3A_593 = arith.constant 0 : index
      %parallel_loop3A_594 = tpu.vector_load %parallel_loop3A_591[%parallel_loop3A_592, %parallel_loop3A_593] {strides = array<i32>} : memref<128x128xf32, #tpu.memory_space<vmem>>, vector<1x16xf32>,
      %parallel_loop3A_595 = vector.shape_cast %parallel_loop3A_594 : vector<1x16xf32> to vector<16xf32>
      %parallel_loop3A_596 = vector.shape_cast %parallel_loop3A_587 : vector<16xf32> to vector<1x16xf32>
      tpu.vector_store %parallel_loop3A_591[%parallel_loop3A_592, %parallel_loop3A_593], %parallel_loop3A_596 {strides = array<i32>} : memref<128x128xf32, #tpu.memory_space<vmem>>, vector<1x16xf32>,
      %parallel_loop3A_597 = arith.constant 0 : i32
      %parallel_loop3A_598 = arith.constant 0 : i32
      %parallel_loop3A_599 = tpu.memref_slice %arg8[%parallel_loop3A_137, %parallel_loop3A_597, %parallel_loop3A_598] : memref<3x128x128xf32, #tpu.memory_space<vmem>> -> memref<1x128x128xf32, #tpu.memory_space<vmem>>
      %parallel_loop3A_600 = tpu.memref_squeeze %parallel_loop3A_599 : memref<1x128x128xf32, #tpu.memory_space<vmem>> -> memref<128x128xf32, #tpu.memory_space<vmem>>
      %parallel_loop3A_601 = arith.index_cast %parallel_loop3A_570 : i32 to index
      %parallel_loop3A_602 = arith.constant 16 : index
      %parallel_loop3A_603 = tpu.vector_load %parallel_loop3A_600[%parallel_loop3A_601, %parallel_loop3A_602] {strides = array<i32>} : memref<128x128xf32, #tpu.memory_space<vmem>>, vector<1x16xf32>,
      %parallel_loop3A_604 = vector.shape_cast %parallel_loop3A_603 : vector<1x16xf32> to vector<16xf32>
      %parallel_loop3A_605 = arith.constant 0 : i32
      %parallel_loop3A_606 = arith.constant 0 : i32
      %parallel_loop3A_607 = tpu.memref_slice %arg9[%parallel_loop3A_138, %parallel_loop3A_605, %parallel_loop3A_606] : memref<3x128x128xf32, #tpu.memory_space<vmem>> -> memref<1x128x128xf32, #tpu.memory_space<vmem>>
      %parallel_loop3A_608 = tpu.memref_squeeze %parallel_loop3A_607 : memref<1x128x128xf32, #tpu.memory_space<vmem>> -> memref<128x128xf32, #tpu.memory_space<vmem>>
      %parallel_loop3A_609 = arith.index_cast %parallel_loop3A_570 : i32 to index
      %parallel_loop3A_610 = arith.constant 16 : index
      %parallel_loop3A_611 = tpu.vector_load %parallel_loop3A_608[%parallel_loop3A_609, %parallel_loop3A_610] {strides = array<i32>} : memref<128x128xf32, #tpu.memory_space<vmem>>, vector<1x16xf32>,
      %parallel_loop3A_612 = vector.shape_cast %parallel_loop3A_611 : vector<1x16xf32> to vector<16xf32>
      %parallel_loop3A_613 = arith.mulf %parallel_loop3A_604, %parallel_loop3A_612 : vector<16xf32>
      %parallel_loop3A_614 = arith.constant 0 : i32
      %parallel_loop3A_615 = arith.constant 0 : i32
      %parallel_loop3A_616 = tpu.memref_slice %arg8[%parallel_loop3A_137, %parallel_loop3A_614, %parallel_loop3A_615] : memref<3x128x128xf32, #tpu.memory_space<vmem>> -> memref<1x128x128xf32, #tpu.memory_space<vmem>>
      %parallel_loop3A_617 = tpu.memref_squeeze %parallel_loop3A_616 : memref<1x128x128xf32, #tpu.memory_space<vmem>> -> memref<128x128xf32, #tpu.memory_space<vmem>>
      %parallel_loop3A_618 = arith.index_cast %parallel_loop3A_570 : i32 to index
      %parallel_loop3A_619 = arith.constant 16 : index
      %parallel_loop3A_620 = tpu.vector_load %parallel_loop3A_617[%parallel_loop3A_618, %parallel_loop3A_619] {strides = array<i32>} : memref<128x128xf32, #tpu.memory_space<vmem>>, vector<1x16xf32>,
      %parallel_loop3A_621 = vector.shape_cast %parallel_loop3A_620 : vector<1x16xf32> to vector<16xf32>
      %parallel_loop3A_622 = vector.shape_cast %parallel_loop3A_613 : vector<16xf32> to vector<1x16xf32>
      tpu.vector_store %parallel_loop3A_617[%parallel_loop3A_618, %parallel_loop3A_619], %parallel_loop3A_622 {strides = array<i32>} : memref<128x128xf32, #tpu.memory_space<vmem>>, vector<1x16xf32>,
      %parallel_loop3A_623 = arith.constant 0 : i32
      %parallel_loop3A_624 = arith.constant 0 : i32
      %parallel_loop3A_625 = tpu.memref_slice %arg8[%parallel_loop3A_137, %parallel_loop3A_623, %parallel_loop3A_624] : memref<3x128x128xf32, #tpu.memory_space<vmem>> -> memref<1x128x128xf32, #tpu.memory_space<vmem>>
      %parallel_loop3A_626 = tpu.memref_squeeze %parallel_loop3A_625 : memref<1x128x128xf32, #tpu.memory_space<vmem>> -> memref<128x128xf32, #tpu.memory_space<vmem>>
      %parallel_loop3A_627 = arith.index_cast %parallel_loop3A_570 : i32 to index
      %parallel_loop3A_628 = arith.constant 32 : index
      %parallel_loop3A_629 = tpu.vector_load %parallel_loop3A_626[%parallel_loop3A_627, %parallel_loop3A_628] {strides = array<i32>} : memref<128x128xf32, #tpu.memory_space<vmem>>, vector<1x16xf32>,
      %parallel_loop3A_630 = vector.shape_cast %parallel_loop3A_629 : vector<1x16xf32> to vector<16xf32>
      %parallel_loop3A_631 = arith.constant 0 : i32
      %parallel_loop3A_632 = arith.constant 0 : i32
      %parallel_loop3A_633 = tpu.memref_slice %arg9[%parallel_loop3A_138, %parallel_loop3A_631, %parallel_loop3A_632] : memref<3x128x128xf32, #tpu.memory_space<vmem>> -> memref<1x128x128xf32, #tpu.memory_space<vmem>>
      %parallel_loop3A_634 = tpu.memref_squeeze %parallel_loop3A_633 : memref<1x128x128xf32, #tpu.memory_space<vmem>> -> memref<128x128xf32, #tpu.memory_space<vmem>>
      %parallel_loop3A_635 = arith.index_cast %parallel_loop3A_570 : i32 to index
      %parallel_loop3A_636 = arith.constant 32 : index
      %parallel_loop3A_637 = tpu.vector_load %parallel_loop3A_634[%parallel_loop3A_635, %parallel_loop3A_636] {strides = array<i32>} : memref<128x128xf32, #tpu.memory_space<vmem>>, vector<1x16xf32>,
      %parallel_loop3A_638 = vector.shape_cast %parallel_loop3A_637 : vector<1x16xf32> to vector<16xf32>
      %parallel_loop3A_639 = arith.mulf %parallel_loop3A_630, %parallel_loop3A_638 : vector<16xf32>
      %parallel_loop3A_640 = arith.constant 0 : i32
      %parallel_loop3A_641 = arith.constant 0 : i32
      %parallel_loop3A_642 = tpu.memref_slice %arg8[%parallel_loop3A_137, %parallel_loop3A_640, %parallel_loop3A_641] : memref<3x128x128xf32, #tpu.memory_space<vmem>> -> memref<1x128x128xf32, #tpu.memory_space<vmem>>
      %parallel_loop3A_643 = tpu.memref_squeeze %parallel_loop3A_642 : memref<1x128x128xf32, #tpu.memory_space<vmem>> -> memref<128x128xf32, #tpu.memory_space<vmem>>
      %parallel_loop3A_644 = arith.index_cast %parallel_loop3A_570 : i32 to index
      %parallel_loop3A_645 = arith.constant 32 : index
      %parallel_loop3A_646 = tpu.vector_load %parallel_loop3A_643[%parallel_loop3A_644, %parallel_loop3A_645] {strides = array<i32>} : memref<128x128xf32, #tpu.memory_space<vmem>>, vector<1x16xf32>,
      %parallel_loop3A_647 = vector.shape_cast %parallel_loop3A_646 : vector<1x16xf32> to vector<16xf32>
      %parallel_loop3A_648 = vector.shape_cast %parallel_loop3A_639 : vector<16xf32> to vector<1x16xf32>
      tpu.vector_store %parallel_loop3A_643[%parallel_loop3A_644, %parallel_loop3A_645], %parallel_loop3A_648 {strides = array<i32>} : memref<128x128xf32, #tpu.memory_space<vmem>>, vector<1x16xf32>,
      %parallel_loop3A_649 = arith.constant 0 : i32
      %parallel_loop3A_650 = arith.constant 0 : i32
      %parallel_loop3A_651 = tpu.memref_slice %arg8[%parallel_loop3A_137, %parallel_loop3A_649, %parallel_loop3A_650] : memref<3x128x128xf32, #tpu.memory_space<vmem>> -> memref<1x128x128xf32, #tpu.memory_space<vmem>>
      %parallel_loop3A_652 = tpu.memref_squeeze %parallel_loop3A_651 : memref<1x128x128xf32, #tpu.memory_space<vmem>> -> memref<128x128xf32, #tpu.memory_space<vmem>>
      %parallel_loop3A_653 = arith.index_cast %parallel_loop3A_570 : i32 to index
      %parallel_loop3A_654 = arith.constant 48 : index
      %parallel_loop3A_655 = tpu.vector_load %parallel_loop3A_652[%parallel_loop3A_653, %parallel_loop3A_654] {strides = array<i32>} : memref<128x128xf32, #tpu.memory_space<vmem>>, vector<1x16xf32>,
      %parallel_loop3A_656 = vector.shape_cast %parallel_loop3A_655 : vector<1x16xf32> to vector<16xf32>
      %parallel_loop3A_657 = arith.constant 0 : i32
      %parallel_loop3A_658 = arith.constant 0 : i32
      %parallel_loop3A_659 = tpu.memref_slice %arg9[%parallel_loop3A_138, %parallel_loop3A_657, %parallel_loop3A_658] : memref<3x128x128xf32, #tpu.memory_space<vmem>> -> memref<1x128x128xf32, #tpu.memory_space<vmem>>
      %parallel_loop3A_660 = tpu.memref_squeeze %parallel_loop3A_659 : memref<1x128x128xf32, #tpu.memory_space<vmem>> -> memref<128x128xf32, #tpu.memory_space<vmem>>
      %parallel_loop3A_661 = arith.index_cast %parallel_loop3A_570 : i32 to index
      %parallel_loop3A_662 = arith.constant 48 : index
      %parallel_loop3A_663 = tpu.vector_load %parallel_loop3A_660[%parallel_loop3A_661, %parallel_loop3A_662] {strides = array<i32>} : memref<128x128xf32, #tpu.memory_space<vmem>>, vector<1x16xf32>,
      %parallel_loop3A_664 = vector.shape_cast %parallel_loop3A_663 : vector<1x16xf32> to vector<16xf32>
      %parallel_loop3A_665 = arith.mulf %parallel_loop3A_656, %parallel_loop3A_664 : vector<16xf32>
      %parallel_loop3A_666 = arith.constant 0 : i32
      %parallel_loop3A_667 = arith.constant 0 : i32
      %parallel_loop3A_668 = tpu.memref_slice %arg8[%parallel_loop3A_137, %parallel_loop3A_666, %parallel_loop3A_667] : memref<3x128x128xf32, #tpu.memory_space<vmem>> -> memref<1x128x128xf32, #tpu.memory_space<vmem>>
      %parallel_loop3A_669 = tpu.memref_squeeze %parallel_loop3A_668 : memref<1x128x128xf32, #tpu.memory_space<vmem>> -> memref<128x128xf32, #tpu.memory_space<vmem>>
      %parallel_loop3A_670 = arith.index_cast %parallel_loop3A_570 : i32 to index
      %parallel_loop3A_671 = arith.constant 48 : index
      %parallel_loop3A_672 = tpu.vector_load %parallel_loop3A_669[%parallel_loop3A_670, %parallel_loop3A_671] {strides = array<i32>} : memref<128x128xf32, #tpu.memory_space<vmem>>, vector<1x16xf32>,
      %parallel_loop3A_673 = vector.shape_cast %parallel_loop3A_672 : vector<1x16xf32> to vector<16xf32>
      %parallel_loop3A_674 = vector.shape_cast %parallel_loop3A_665 : vector<16xf32> to vector<1x16xf32>
      tpu.vector_store %parallel_loop3A_669[%parallel_loop3A_670, %parallel_loop3A_671], %parallel_loop3A_674 {strides = array<i32>} : memref<128x128xf32, #tpu.memory_space<vmem>>, vector<1x16xf32>,
      %parallel_loop3A_675 = arith.constant 0 : i32
      %parallel_loop3A_676 = arith.constant 0 : i32
      %parallel_loop3A_677 = tpu.memref_slice %arg8[%parallel_loop3A_137, %parallel_loop3A_675, %parallel_loop3A_676] : memref<3x128x128xf32, #tpu.memory_space<vmem>> -> memref<1x128x128xf32, #tpu.memory_space<vmem>>
      %parallel_loop3A_678 = tpu.memref_squeeze %parallel_loop3A_677 : memref<1x128x128xf32, #tpu.memory_space<vmem>> -> memref<128x128xf32, #tpu.memory_space<vmem>>
      %parallel_loop3A_679 = arith.index_cast %parallel_loop3A_570 : i32 to index
      %parallel_loop3A_680 = arith.constant 64 : index
      %parallel_loop3A_681 = tpu.vector_load %parallel_loop3A_678[%parallel_loop3A_679, %parallel_loop3A_680] {strides = array<i32>} : memref<128x128xf32, #tpu.memory_space<vmem>>, vector<1x16xf32>,
      %parallel_loop3A_682 = vector.shape_cast %parallel_loop3A_681 : vector<1x16xf32> to vector<16xf32>
      %parallel_loop3A_683 = arith.constant 0 : i32
      %parallel_loop3A_684 = arith.constant 0 : i32
      %parallel_loop3A_685 = tpu.memref_slice %arg9[%parallel_loop3A_138, %parallel_loop3A_683, %parallel_loop3A_684] : memref<3x128x128xf32, #tpu.memory_space<vmem>> -> memref<1x128x128xf32, #tpu.memory_space<vmem>>
      %parallel_loop3A_686 = tpu.memref_squeeze %parallel_loop3A_685 : memref<1x128x128xf32, #tpu.memory_space<vmem>> -> memref<128x128xf32, #tpu.memory_space<vmem>>
      %parallel_loop3A_687 = arith.index_cast %parallel_loop3A_570 : i32 to index
      %parallel_loop3A_688 = arith.constant 64 : index
      %parallel_loop3A_689 = tpu.vector_load %parallel_loop3A_686[%parallel_loop3A_687, %parallel_loop3A_688] {strides = array<i32>} : memref<128x128xf32, #tpu.memory_space<vmem>>, vector<1x16xf32>,
      %parallel_loop3A_690 = vector.shape_cast %parallel_loop3A_689 : vector<1x16xf32> to vector<16xf32>
      %parallel_loop3A_691 = arith.mulf %parallel_loop3A_682, %parallel_loop3A_690 : vector<16xf32>
      %parallel_loop3A_692 = arith.constant 0 : i32
      %parallel_loop3A_693 = arith.constant 0 : i32
      %parallel_loop3A_694 = tpu.memref_slice %arg8[%parallel_loop3A_137, %parallel_loop3A_692, %parallel_loop3A_693] : memref<3x128x128xf32, #tpu.memory_space<vmem>> -> memref<1x128x128xf32, #tpu.memory_space<vmem>>
      %parallel_loop3A_695 = tpu.memref_squeeze %parallel_loop3A_694 : memref<1x128x128xf32, #tpu.memory_space<vmem>> -> memref<128x128xf32, #tpu.memory_space<vmem>>
      %parallel_loop3A_696 = arith.index_cast %parallel_loop3A_570 : i32 to index
      %parallel_loop3A_697 = arith.constant 64 : index
      %parallel_loop3A_698 = tpu.vector_load %parallel_loop3A_695[%parallel_loop3A_696, %parallel_loop3A_697] {strides = array<i32>} : memref<128x128xf32, #tpu.memory_space<vmem>>, vector<1x16xf32>,
      %parallel_loop3A_699 = vector.shape_cast %parallel_loop3A_698 : vector<1x16xf32> to vector<16xf32>
      %parallel_loop3A_700 = vector.shape_cast %parallel_loop3A_691 : vector<16xf32> to vector<1x16xf32>
      tpu.vector_store %parallel_loop3A_695[%parallel_loop3A_696, %parallel_loop3A_697], %parallel_loop3A_700 {strides = array<i32>} : memref<128x128xf32, #tpu.memory_space<vmem>>, vector<1x16xf32>,
      %parallel_loop3A_701 = arith.constant 0 : i32
      %parallel_loop3A_702 = arith.constant 0 : i32
      %parallel_loop3A_703 = tpu.memref_slice %arg8[%parallel_loop3A_137, %parallel_loop3A_701, %parallel_loop3A_702] : memref<3x128x128xf32, #tpu.memory_space<vmem>> -> memref<1x128x128xf32, #tpu.memory_space<vmem>>
      %parallel_loop3A_704 = tpu.memref_squeeze %parallel_loop3A_703 : memref<1x128x128xf32, #tpu.memory_space<vmem>> -> memref<128x128xf32, #tpu.memory_space<vmem>>
      %parallel_loop3A_705 = arith.index_cast %parallel_loop3A_570 : i32 to index
      %parallel_loop3A_706 = arith.constant 80 : index
      %parallel_loop3A_707 = tpu.vector_load %parallel_loop3A_704[%parallel_loop3A_705, %parallel_loop3A_706] {strides = array<i32>} : memref<128x128xf32, #tpu.memory_space<vmem>>, vector<1x16xf32>,
      %parallel_loop3A_708 = vector.shape_cast %parallel_loop3A_707 : vector<1x16xf32> to vector<16xf32>
      %parallel_loop3A_709 = arith.constant 0 : i32
      %parallel_loop3A_710 = arith.constant 0 : i32
      %parallel_loop3A_711 = tpu.memref_slice %arg9[%parallel_loop3A_138, %parallel_loop3A_709, %parallel_loop3A_710] : memref<3x128x128xf32, #tpu.memory_space<vmem>> -> memref<1x128x128xf32, #tpu.memory_space<vmem>>
      %parallel_loop3A_712 = tpu.memref_squeeze %parallel_loop3A_711 : memref<1x128x128xf32, #tpu.memory_space<vmem>> -> memref<128x128xf32, #tpu.memory_space<vmem>>
      %parallel_loop3A_713 = arith.index_cast %parallel_loop3A_570 : i32 to index
      %parallel_loop3A_714 = arith.constant 80 : index
      %parallel_loop3A_715 = tpu.vector_load %parallel_loop3A_712[%parallel_loop3A_713, %parallel_loop3A_714] {strides = array<i32>} : memref<128x128xf32, #tpu.memory_space<vmem>>, vector<1x16xf32>,
      %parallel_loop3A_716 = vector.shape_cast %parallel_loop3A_715 : vector<1x16xf32> to vector<16xf32>
      %parallel_loop3A_717 = arith.mulf %parallel_loop3A_708, %parallel_loop3A_716 : vector<16xf32>
      %parallel_loop3A_718 = arith.constant 0 : i32
      %parallel_loop3A_719 = arith.constant 0 : i32
      %parallel_loop3A_720 = tpu.memref_slice %arg8[%parallel_loop3A_137, %parallel_loop3A_718, %parallel_loop3A_719] : memref<3x128x128xf32, #tpu.memory_space<vmem>> -> memref<1x128x128xf32, #tpu.memory_space<vmem>>
      %parallel_loop3A_721 = tpu.memref_squeeze %parallel_loop3A_720 : memref<1x128x128xf32, #tpu.memory_space<vmem>> -> memref<128x128xf32, #tpu.memory_space<vmem>>
      %parallel_loop3A_722 = arith.index_cast %parallel_loop3A_570 : i32 to index
      %parallel_loop3A_723 = arith.constant 80 : index
      %parallel_loop3A_724 = tpu.vector_load %parallel_loop3A_721[%parallel_loop3A_722, %parallel_loop3A_723] {strides = array<i32>} : memref<128x128xf32, #tpu.memory_space<vmem>>, vector<1x16xf32>,
      %parallel_loop3A_725 = vector.shape_cast %parallel_loop3A_724 : vector<1x16xf32> to vector<16xf32>
      %parallel_loop3A_726 = vector.shape_cast %parallel_loop3A_717 : vector<16xf32> to vector<1x16xf32>
      tpu.vector_store %parallel_loop3A_721[%parallel_loop3A_722, %parallel_loop3A_723], %parallel_loop3A_726 {strides = array<i32>} : memref<128x128xf32, #tpu.memory_space<vmem>>, vector<1x16xf32>,
      %parallel_loop3A_727 = arith.constant 0 : i32
      %parallel_loop3A_728 = arith.constant 0 : i32
      %parallel_loop3A_729 = tpu.memref_slice %arg8[%parallel_loop3A_137, %parallel_loop3A_727, %parallel_loop3A_728] : memref<3x128x128xf32, #tpu.memory_space<vmem>> -> memref<1x128x128xf32, #tpu.memory_space<vmem>>
      %parallel_loop3A_730 = tpu.memref_squeeze %parallel_loop3A_729 : memref<1x128x128xf32, #tpu.memory_space<vmem>> -> memref<128x128xf32, #tpu.memory_space<vmem>>
      %parallel_loop3A_731 = arith.index_cast %parallel_loop3A_570 : i32 to index
      %parallel_loop3A_732 = arith.constant 96 : index
      %parallel_loop3A_733 = tpu.vector_load %parallel_loop3A_730[%parallel_loop3A_731, %parallel_loop3A_732] {strides = array<i32>} : memref<128x128xf32, #tpu.memory_space<vmem>>, vector<1x16xf32>,
      %parallel_loop3A_734 = vector.shape_cast %parallel_loop3A_733 : vector<1x16xf32> to vector<16xf32>
      %parallel_loop3A_735 = arith.constant 0 : i32
      %parallel_loop3A_736 = arith.constant 0 : i32
      %parallel_loop3A_737 = tpu.memref_slice %arg9[%parallel_loop3A_138, %parallel_loop3A_735, %parallel_loop3A_736] : memref<3x128x128xf32, #tpu.memory_space<vmem>> -> memref<1x128x128xf32, #tpu.memory_space<vmem>>
      %parallel_loop3A_738 = tpu.memref_squeeze %parallel_loop3A_737 : memref<1x128x128xf32, #tpu.memory_space<vmem>> -> memref<128x128xf32, #tpu.memory_space<vmem>>
      %parallel_loop3A_739 = arith.index_cast %parallel_loop3A_570 : i32 to index
      %parallel_loop3A_740 = arith.constant 96 : index
      %parallel_loop3A_741 = tpu.vector_load %parallel_loop3A_738[%parallel_loop3A_739, %parallel_loop3A_740] {strides = array<i32>} : memref<128x128xf32, #tpu.memory_space<vmem>>, vector<1x16xf32>,
      %parallel_loop3A_742 = vector.shape_cast %parallel_loop3A_741 : vector<1x16xf32> to vector<16xf32>
      %parallel_loop3A_743 = arith.mulf %parallel_loop3A_734, %parallel_loop3A_742 : vector<16xf32>
      %parallel_loop3A_744 = arith.constant 0 : i32
      %parallel_loop3A_745 = arith.constant 0 : i32
      %parallel_loop3A_746 = tpu.memref_slice %arg8[%parallel_loop3A_137, %parallel_loop3A_744, %parallel_loop3A_745] : memref<3x128x128xf32, #tpu.memory_space<vmem>> -> memref<1x128x128xf32, #tpu.memory_space<vmem>>
      %parallel_loop3A_747 = tpu.memref_squeeze %parallel_loop3A_746 : memref<1x128x128xf32, #tpu.memory_space<vmem>> -> memref<128x128xf32, #tpu.memory_space<vmem>>
      %parallel_loop3A_748 = arith.index_cast %parallel_loop3A_570 : i32 to index
      %parallel_loop3A_749 = arith.constant 96 : index
      %parallel_loop3A_750 = tpu.vector_load %parallel_loop3A_747[%parallel_loop3A_748, %parallel_loop3A_749] {strides = array<i32>} : memref<128x128xf32, #tpu.memory_space<vmem>>, vector<1x16xf32>,
      %parallel_loop3A_751 = vector.shape_cast %parallel_loop3A_750 : vector<1x16xf32> to vector<16xf32>
      %parallel_loop3A_752 = vector.shape_cast %parallel_loop3A_743 : vector<16xf32> to vector<1x16xf32>
      tpu.vector_store %parallel_loop3A_747[%parallel_loop3A_748, %parallel_loop3A_749], %parallel_loop3A_752 {strides = array<i32>} : memref<128x128xf32, #tpu.memory_space<vmem>>, vector<1x16xf32>,
      %parallel_loop3A_753 = arith.constant 0 : i32
      %parallel_loop3A_754 = arith.constant 0 : i32
      %parallel_loop3A_755 = tpu.memref_slice %arg8[%parallel_loop3A_137, %parallel_loop3A_753, %parallel_loop3A_754] : memref<3x128x128xf32, #tpu.memory_space<vmem>> -> memref<1x128x128xf32, #tpu.memory_space<vmem>>
      %parallel_loop3A_756 = tpu.memref_squeeze %parallel_loop3A_755 : memref<1x128x128xf32, #tpu.memory_space<vmem>> -> memref<128x128xf32, #tpu.memory_space<vmem>>
      %parallel_loop3A_757 = arith.index_cast %parallel_loop3A_570 : i32 to index
      %parallel_loop3A_758 = arith.constant 112 : index
      %parallel_loop3A_759 = tpu.vector_load %parallel_loop3A_756[%parallel_loop3A_757, %parallel_loop3A_758] {strides = array<i32>} : memref<128x128xf32, #tpu.memory_space<vmem>>, vector<1x16xf32>,
      %parallel_loop3A_760 = vector.shape_cast %parallel_loop3A_759 : vector<1x16xf32> to vector<16xf32>
      %parallel_loop3A_761 = arith.constant 0 : i32
      %parallel_loop3A_762 = arith.constant 0 : i32
      %parallel_loop3A_763 = tpu.memref_slice %arg9[%parallel_loop3A_138, %parallel_loop3A_761, %parallel_loop3A_762] : memref<3x128x128xf32, #tpu.memory_space<vmem>> -> memref<1x128x128xf32, #tpu.memory_space<vmem>>
      %parallel_loop3A_764 = tpu.memref_squeeze %parallel_loop3A_763 : memref<1x128x128xf32, #tpu.memory_space<vmem>> -> memref<128x128xf32, #tpu.memory_space<vmem>>
      %parallel_loop3A_765 = arith.index_cast %parallel_loop3A_570 : i32 to index
      %parallel_loop3A_766 = arith.constant 112 : index
      %parallel_loop3A_767 = tpu.vector_load %parallel_loop3A_764[%parallel_loop3A_765, %parallel_loop3A_766] {strides = array<i32>} : memref<128x128xf32, #tpu.memory_space<vmem>>, vector<1x16xf32>,
      %parallel_loop3A_768 = vector.shape_cast %parallel_loop3A_767 : vector<1x16xf32> to vector<16xf32>
      %parallel_loop3A_769 = arith.mulf %parallel_loop3A_760, %parallel_loop3A_768 : vector<16xf32>
      %parallel_loop3A_770 = arith.constant 0 : i32
      %parallel_loop3A_771 = arith.constant 0 : i32
      %parallel_loop3A_772 = tpu.memref_slice %arg8[%parallel_loop3A_137, %parallel_loop3A_770, %parallel_loop3A_771] : memref<3x128x128xf32, #tpu.memory_space<vmem>> -> memref<1x128x128xf32, #tpu.memory_space<vmem>>
      %parallel_loop3A_773 = tpu.memref_squeeze %parallel_loop3A_772 : memref<1x128x128xf32, #tpu.memory_space<vmem>> -> memref<128x128xf32, #tpu.memory_space<vmem>>
      %parallel_loop3A_774 = arith.index_cast %parallel_loop3A_570 : i32 to index
      %parallel_loop3A_775 = arith.constant 112 : index
      %parallel_loop3A_776 = tpu.vector_load %parallel_loop3A_773[%parallel_loop3A_774, %parallel_loop3A_775] {strides = array<i32>} : memref<128x128xf32, #tpu.memory_space<vmem>>, vector<1x16xf32>,
      %parallel_loop3A_777 = vector.shape_cast %parallel_loop3A_776 : vector<1x16xf32> to vector<16xf32>
      %parallel_loop3A_778 = vector.shape_cast %parallel_loop3A_769 : vector<16xf32> to vector<1x16xf32>
      tpu.vector_store %parallel_loop3A_773[%parallel_loop3A_774, %parallel_loop3A_775], %parallel_loop3A_778 {strides = array<i32>} : memref<128x128xf32, #tpu.memory_space<vmem>>, vector<1x16xf32>,
    } {sc.loop_unroll_factor = 1 : i64, sc.parallel_access}
    %add3A_139 = arith.constant 0 : i32
    %add3A_140 = arith.addi %mul3A_2, %add3A_139 : i32
    %add3A_141 = arith.constant 64 : i32
    %add3A_142 = arith.addi %add3A_140, %add3A_141 : i32
    %dma_start3A_143 = arith.constant 0 : i32
    %dma_start3A_144 = arith.constant 0 : i32
    %dma_start3A_145 = arith.constant 0 : i32
    %dma_start3A_146 = tpu.memref_slice %arg8[%dma_start3A_143, %dma_start3A_144, %dma_start3A_145] : memref<3x128x128xf32, #tpu.memory_space<vmem>> -> memref<1x128x128xf32, #tpu.memory_space<vmem>>
    %dma_start3A_147 = tpu.memref_squeeze %dma_start3A_146 : memref<1x128x128xf32, #tpu.memory_space<vmem>> -> memref<128x128xf32, #tpu.memory_space<vmem>>
    %dma_start3A_148 = arith.constant 64 : i32
    %dma_start3A_149 = arith.constant 0 : i32
    %dma_start3A_150 = tpu.memref_slice %dma_start3A_147[%dma_start3A_148, %dma_start3A_149] : memref<128x128xf32, #tpu.memory_space<vmem>> -> memref<64x128xf32, #tpu.memory_space<vmem>>
    %dma_start3A_151 = arith.constant 0 : i32
    %dma_start3A_152 = tpu.memref_slice %arg5[%add3A_142, %dma_start3A_151] : memref<16384x128xf32, #tpu.memory_space<hbm>> -> memref<64x128xf32, #tpu.memory_space<hbm>>
    %dma_start3A_153 = arith.constant 0 : i32
    %dma_start3A_154 = tpu.memref_slice %arg5[%add3A_142, %dma_start3A_153] : memref<16384x128xf32, #tpu.memory_space<hbm>> -> memref<64x128xf32, #tpu.memory_space<hbm>>
    %dma_start3A_155 = arith.constant 0 : i32
    %dma_start3A_156 = arith.constant 0 : i32
    %dma_start3A_157 = tpu.memref_slice %arg8[%dma_start3A_143, %dma_start3A_155, %dma_start3A_156] : memref<3x128x128xf32, #tpu.memory_space<vmem>> -> memref<1x128x128xf32, #tpu.memory_space<vmem>>
    %dma_start3A_158 = tpu.memref_squeeze %dma_start3A_157 : memref<1x128x128xf32, #tpu.memory_space<vmem>> -> memref<128x128xf32, #tpu.memory_space<vmem>>
    %dma_start3A_159 = arith.constant 64 : i32
    %dma_start3A_160 = arith.constant 0 : i32
    %dma_start3A_161 = tpu.memref_slice %dma_start3A_158[%dma_start3A_159, %dma_start3A_160] : memref<128x128xf32, #tpu.memory_space<vmem>> -> memref<64x128xf32, #tpu.memory_space<vmem>>
    tpu.enqueue_dma source(%dma_start3A_161 : memref<64x128xf32, #tpu.memory_space<vmem>>) target(%dma_start3A_154 : memref<64x128xf32, #tpu.memory_space<hbm>>) target_semaphore(%arg16 : memref<!tpu.dma_semaphore, #tpu.memory_space<semaphore_mem>>)
    %dma_wait3A_162 = arith.constant 1 : i32
    %dma_wait3A_163 = arith.constant 0 : i32
    %dma_wait3A_164 = arith.constant 0 : i32
    %dma_wait3A_165 = tpu.memref_slice %arg8[%dma_wait3A_162, %dma_wait3A_163, %dma_wait3A_164] : memref<3x128x128xf32, #tpu.memory_space<vmem>> -> memref<1x128x128xf32, #tpu.memory_space<vmem>>
    %dma_wait3A_166 = tpu.memref_squeeze %dma_wait3A_165 : memref<1x128x128xf32, #tpu.memory_space<vmem>> -> memref<128x128xf32, #tpu.memory_space<vmem>>
    %dma_wait3A_167 = arith.constant 128 : i32
    %dma_wait3A_168 = tpu.memref_slice %arg7[%dma_wait3A_167] : memref<512xi32, #tpu.memory_space<vmem>> -> memref<128xi32, #tpu.memory_space<vmem>>
    %dma_wait3A_169 = arith.constant 0 : i32
    %dma_wait3A_170 = arith.constant 0 : i32
    %dma_wait3A_171 = tpu.memref_slice %arg6[%dma_wait3A_169, %dma_wait3A_170] : memref<1000x128xf32, #tpu.memory_space<vmem_shared>> -> memref<1000x128xf32, #tpu.memory_space<vmem_shared>>
    tpu.wait_indirect_dma semaphore(%arg11 : memref<!tpu.dma_semaphore, #tpu.memory_space<semaphore_mem>>) src(%dma_wait3A_171 : memref<1000x128xf32, #tpu.memory_space<vmem_shared>>) dst(%dma_wait3A_166 : memref<128x128xf32, #tpu.memory_space<vmem>>)
    %dma_wait3A_172 = arith.constant 1 : i32
    %dma_wait3A_173 = arith.constant 0 : i32
    %dma_wait3A_174 = arith.constant 0 : i32
    %dma_wait3A_175 = tpu.memref_slice %arg9[%dma_wait3A_172, %dma_wait3A_173, %dma_wait3A_174] : memref<3x128x128xf32, #tpu.memory_space<vmem>> -> memref<1x128x128xf32, #tpu.memory_space<vmem>>
    %dma_wait3A_176 = tpu.memref_squeeze %dma_wait3A_175 : memref<1x128x128xf32, #tpu.memory_space<vmem>> -> memref<128x128xf32, #tpu.memory_space<vmem>>
    %dma_wait3A_177 = arith.constant 0 : i32
    %dma_wait3A_178 = tpu.memref_slice %arg2[%add3A_20, %dma_wait3A_177] : memref<16384x128xf32, #tpu.memory_space<hbm>> -> memref<128x128xf32, #tpu.memory_space<hbm>>
    %dma_wait3A_179 = arith.constant 0 : i32
    %dma_wait3A_180 = arith.constant 0 : i32
    %dma_wait3A_181 = tpu.memref_slice %arg9[%dma_wait3A_172, %dma_wait3A_179, %dma_wait3A_180] : memref<3x128x128xf32, #tpu.memory_space<vmem>> -> memref<1x128x128xf32, #tpu.memory_space<vmem>>
    %dma_wait3A_182 = tpu.memref_squeeze %dma_wait3A_181 : memref<1x128x128xf32, #tpu.memory_space<vmem>> -> memref<128x128xf32, #tpu.memory_space<vmem>>
    %dma_wait3A_183 = arith.constant 0 : i32
    %dma_wait3A_184 = tpu.memref_slice %arg2[%add3A_20, %dma_wait3A_183] : memref<16384x128xf32, #tpu.memory_space<hbm>> -> memref<128x128xf32, #tpu.memory_space<hbm>>
    tpu.wait_dma2 semaphore(%arg14 : memref<!tpu.dma_semaphore, #tpu.memory_space<semaphore_mem>>) src(%dma_wait3A_184 : memref<128x128xf32, #tpu.memory_space<hbm>>) dst(%dma_wait3A_182 : memref<128x128xf32, #tpu.memory_space<vmem>>)
    %dma_wait3A_185 = arith.constant 0 : i32
    %dma_wait3A_186 = arith.constant 0 : i32
    %dma_wait3A_187 = arith.constant 0 : i32
    %dma_wait3A_188 = tpu.memref_slice %arg8[%dma_wait3A_185, %dma_wait3A_186, %dma_wait3A_187] : memref<3x128x128xf32, #tpu.memory_space<vmem>> -> memref<1x128x128xf32, #tpu.memory_space<vmem>>
    %dma_wait3A_189 = tpu.memref_squeeze %dma_wait3A_188 : memref<1x128x128xf32, #tpu.memory_space<vmem>> -> memref<128x128xf32, #tpu.memory_space<vmem>>
    %dma_wait3A_190 = arith.constant 0 : i32
    %dma_wait3A_191 = arith.constant 0 : i32
    %dma_wait3A_192 = tpu.memref_slice %dma_wait3A_189[%dma_wait3A_190, %dma_wait3A_191] : memref<128x128xf32, #tpu.memory_space<vmem>> -> memref<64x128xf32, #tpu.memory_space<vmem>>
    %dma_wait3A_193 = arith.constant 0 : i32
    %dma_wait3A_194 = tpu.memref_slice %arg5[%add3A_114, %dma_wait3A_193] : memref<16384x128xf32, #tpu.memory_space<hbm>> -> memref<64x128xf32, #tpu.memory_space<hbm>>
    %dma_wait3A_195 = arith.constant 0 : i32
    %dma_wait3A_196 = tpu.memref_slice %arg5[%add3A_114, %dma_wait3A_195] : memref<16384x128xf32, #tpu.memory_space<hbm>> -> memref<64x128xf32, #tpu.memory_space<hbm>>
    %dma_wait3A_197 = arith.constant 0 : i32
    %dma_wait3A_198 = arith.constant 0 : i32
    %dma_wait3A_199 = tpu.memref_slice %arg8[%dma_wait3A_185, %dma_wait3A_197, %dma_wait3A_198] : memref<3x128x128xf32, #tpu.memory_space<vmem>> -> memref<1x128x128xf32, #tpu.memory_space<vmem>>
    %dma_wait3A_200 = tpu.memref_squeeze %dma_wait3A_199 : memref<1x128x128xf32, #tpu.memory_space<vmem>> -> memref<128x128xf32, #tpu.memory_space<vmem>>
    %dma_wait3A_201 = arith.constant 0 : i32
    %dma_wait3A_202 = arith.constant 0 : i32
    %dma_wait3A_203 = tpu.memref_slice %dma_wait3A_200[%dma_wait3A_201, %dma_wait3A_202] : memref<128x128xf32, #tpu.memory_space<vmem>> -> memref<64x128xf32, #tpu.memory_space<vmem>>
    tpu.wait_dma2 semaphore(%arg16 : memref<!tpu.dma_semaphore, #tpu.memory_space<semaphore_mem>>) src(%dma_wait3A_203 : memref<64x128xf32, #tpu.memory_space<vmem>>) dst(%dma_wait3A_196 : memref<64x128xf32, #tpu.memory_space<hbm>>)
    %dma_wait3A_204 = arith.constant 0 : i32
    %dma_wait3A_205 = arith.constant 0 : i32
    %dma_wait3A_206 = arith.constant 0 : i32
    %dma_wait3A_207 = tpu.memref_slice %arg8[%dma_wait3A_204, %dma_wait3A_205, %dma_wait3A_206] : memref<3x128x128xf32, #tpu.memory_space<vmem>> -> memref<1x128x128xf32, #tpu.memory_space<vmem>>
    %dma_wait3A_208 = tpu.memref_squeeze %dma_wait3A_207 : memref<1x128x128xf32, #tpu.memory_space<vmem>> -> memref<128x128xf32, #tpu.memory_space<vmem>>
    %dma_wait3A_209 = arith.constant 64 : i32
    %dma_wait3A_210 = arith.constant 0 : i32
    %dma_wait3A_211 = tpu.memref_slice %dma_wait3A_208[%dma_wait3A_209, %dma_wait3A_210] : memref<128x128xf32, #tpu.memory_space<vmem>> -> memref<64x128xf32, #tpu.memory_space<vmem>>
    %dma_wait3A_212 = arith.constant 0 : i32
    %dma_wait3A_213 = tpu.memref_slice %arg5[%add3A_142, %dma_wait3A_212] : memref<16384x128xf32, #tpu.memory_space<hbm>> -> memref<64x128xf32, #tpu.memory_space<hbm>>
    %dma_wait3A_214 = arith.constant 0 : i32
    %dma_wait3A_215 = tpu.memref_slice %arg5[%add3A_142, %dma_wait3A_214] : memref<16384x128xf32, #tpu.memory_space<hbm>> -> memref<64x128xf32, #tpu.memory_space<hbm>>
    %dma_wait3A_216 = arith.constant 0 : i32
    %dma_wait3A_217 = arith.constant 0 : i32
    %dma_wait3A_218 = tpu.memref_slice %arg8[%dma_wait3A_204, %dma_wait3A_216, %dma_wait3A_217] : memref<3x128x128xf32, #tpu.memory_space<vmem>> -> memref<1x128x128xf32, #tpu.memory_space<vmem>>
    %dma_wait3A_219 = tpu.memref_squeeze %dma_wait3A_218 : memref<1x128x128xf32, #tpu.memory_space<vmem>> -> memref<128x128xf32, #tpu.memory_space<vmem>>
    %dma_wait3A_220 = arith.constant 64 : i32
    %dma_wait3A_221 = arith.constant 0 : i32
    %dma_wait3A_222 = tpu.memref_slice %dma_wait3A_219[%dma_wait3A_220, %dma_wait3A_221] : memref<128x128xf32, #tpu.memory_space<vmem>> -> memref<64x128xf32, #tpu.memory_space<vmem>>
    tpu.wait_dma2 semaphore(%arg16 : memref<!tpu.dma_semaphore, #tpu.memory_space<semaphore_mem>>) src(%dma_wait3A_222 : memref<64x128xf32, #tpu.memory_space<vmem>>) dst(%dma_wait3A_215 : memref<64x128xf32, #tpu.memory_space<hbm>>)
    %dma_start3A_223 = arith.constant 0 : i32
    %dma_start3A_224 = arith.constant 0 : i32
    %dma_start3A_225 = arith.constant 0 : i32
    %dma_start3A_226 = tpu.memref_slice %arg8[%dma_start3A_223, %dma_start3A_224, %dma_start3A_225] : memref<3x128x128xf32, #tpu.memory_space<vmem>> -> memref<1x128x128xf32, #tpu.memory_space<vmem>>
    %dma_start3A_227 = tpu.memref_squeeze %dma_start3A_226 : memref<1x128x128xf32, #tpu.memory_space<vmem>> -> memref<128x128xf32, #tpu.memory_space<vmem>>
    %dma_start3A_228 = arith.constant 384 : i32
    %dma_start3A_229 = tpu.memref_slice %arg7[%dma_start3A_228] : memref<512xi32, #tpu.memory_space<vmem>> -> memref<128xi32, #tpu.memory_space<vmem>>
    %dma_start3A_230 = arith.constant 0 : i32
    %dma_start3A_231 = arith.constant 0 : i32
    %dma_start3A_232 = tpu.memref_slice %arg6[%dma_start3A_230, %dma_start3A_231] : memref<1000x128xf32, #tpu.memory_space<vmem_shared>> -> memref<1000x128xf32, #tpu.memory_space<vmem_shared>>
    tpu.enqueue_indirect_dma source(%dma_start3A_232 : memref<1000x128xf32, #tpu.memory_space<vmem_shared>>) target(%dma_start3A_227 : memref<128x128xf32, #tpu.memory_space<vmem>>) offsets(%dma_start3A_229 : memref<128xi32, #tpu.memory_space<vmem>>) semaphore(%arg10 : memref<!tpu.dma_semaphore, #tpu.memory_space<semaphore_mem>>)
    %add3A_233 = arith.constant 384 : i32
    %add3A_234 = arith.addi %mul3A_2, %add3A_233 : i32
    %dma_start3A_235 = arith.constant 0 : i32
    %dma_start3A_236 = arith.constant 0 : i32
    %dma_start3A_237 = arith.constant 0 : i32
    %dma_start3A_238 = tpu.memref_slice %arg9[%dma_start3A_235, %dma_start3A_236, %dma_start3A_237] : memref<3x128x128xf32, #tpu.memory_space<vmem>> -> memref<1x128x128xf32, #tpu.memory_space<vmem>>
    %dma_start3A_239 = tpu.memref_squeeze %dma_start3A_238 : memref<1x128x128xf32, #tpu.memory_space<vmem>> -> memref<128x128xf32, #tpu.memory_space<vmem>>
    %dma_start3A_240 = arith.constant 0 : i32
    %dma_start3A_241 = tpu.memref_slice %arg2[%add3A_234, %dma_start3A_240] : memref<16384x128xf32, #tpu.memory_space<hbm>> -> memref<128x128xf32, #tpu.memory_space<hbm>>
    %dma_start3A_242 = arith.constant 0 : i32
    %dma_start3A_243 = arith.constant 0 : i32
    %dma_start3A_244 = tpu.memref_slice %arg9[%dma_start3A_235, %dma_start3A_242, %dma_start3A_243] : memref<3x128x128xf32, #tpu.memory_space<vmem>> -> memref<1x128x128xf32, #tpu.memory_space<vmem>>
    %dma_start3A_245 = tpu.memref_squeeze %dma_start3A_244 : memref<1x128x128xf32, #tpu.memory_space<vmem>> -> memref<128x128xf32, #tpu.memory_space<vmem>>
    %dma_start3A_246 = arith.constant 0 : i32
    %dma_start3A_247 = tpu.memref_slice %arg2[%add3A_234, %dma_start3A_246] : memref<16384x128xf32, #tpu.memory_space<hbm>> -> memref<128x128xf32, #tpu.memory_space<hbm>>
    tpu.enqueue_dma source(%dma_start3A_247 : memref<128x128xf32, #tpu.memory_space<hbm>>) target(%dma_start3A_245 : memref<128x128xf32, #tpu.memory_space<vmem>>) target_semaphore(%arg13 : memref<!tpu.dma_semaphore, #tpu.memory_space<semaphore_mem>>)
    %parallel_loop3A_248 = arith.constant 0 : i32
    %parallel_loop3A_249 = arith.constant 64 : i32
    %parallel_loop3A_250 = arith.constant 1 : i32
    %parallel_loop3A_251 = arith.constant 1 : i32
    %parallel_loop3A_252 = arith.constant 1 : i32
    scf.for %parallel_loop3A_570 = %parallel_loop3A_248 to %parallel_loop3A_249 step %parallel_loop3A_250  : i32 {
      %parallel_loop3A_571 = arith.constant 0 : i32
      %parallel_loop3A_572 = arith.constant 0 : i32
      %parallel_loop3A_573 = tpu.memref_slice %arg8[%parallel_loop3A_251, %parallel_loop3A_571, %parallel_loop3A_572] : memref<3x128x128xf32, #tpu.memory_space<vmem>> -> memref<1x128x128xf32, #tpu.memory_space<vmem>>
      %parallel_loop3A_574 = tpu.memref_squeeze %parallel_loop3A_573 : memref<1x128x128xf32, #tpu.memory_space<vmem>> -> memref<128x128xf32, #tpu.memory_space<vmem>>
      %parallel_loop3A_575 = arith.index_cast %parallel_loop3A_570 : i32 to index
      %parallel_loop3A_576 = arith.constant 0 : index
      %parallel_loop3A_577 = tpu.vector_load %parallel_loop3A_574[%parallel_loop3A_575, %parallel_loop3A_576] {strides = array<i32>} : memref<128x128xf32, #tpu.memory_space<vmem>>, vector<1x16xf32>,
      %parallel_loop3A_578 = vector.shape_cast %parallel_loop3A_577 : vector<1x16xf32> to vector<16xf32>
      %parallel_loop3A_579 = arith.constant 0 : i32
      %parallel_loop3A_580 = arith.constant 0 : i32
      %parallel_loop3A_581 = tpu.memref_slice %arg9[%parallel_loop3A_252, %parallel_loop3A_579, %parallel_loop3A_580] : memref<3x128x128xf32, #tpu.memory_space<vmem>> -> memref<1x128x128xf32, #tpu.memory_space<vmem>>
      %parallel_loop3A_582 = tpu.memref_squeeze %parallel_loop3A_581 : memref<1x128x128xf32, #tpu.memory_space<vmem>> -> memref<128x128xf32, #tpu.memory_space<vmem>>
      %parallel_loop3A_583 = arith.index_cast %parallel_loop3A_570 : i32 to index
      %parallel_loop3A_584 = arith.constant 0 : index
      %parallel_loop3A_585 = tpu.vector_load %parallel_loop3A_582[%parallel_loop3A_583, %parallel_loop3A_584] {strides = array<i32>} : memref<128x128xf32, #tpu.memory_space<vmem>>, vector<1x16xf32>,
      %parallel_loop3A_586 = vector.shape_cast %parallel_loop3A_585 : vector<1x16xf32> to vector<16xf32>
      %parallel_loop3A_587 = arith.mulf %parallel_loop3A_578, %parallel_loop3A_586 : vector<16xf32>
      %parallel_loop3A_588 = arith.constant 0 : i32
      %parallel_loop3A_589 = arith.constant 0 : i32
      %parallel_loop3A_590 = tpu.memref_slice %arg8[%parallel_loop3A_251, %parallel_loop3A_588, %parallel_loop3A_589] : memref<3x128x128xf32, #tpu.memory_space<vmem>> -> memref<1x128x128xf32, #tpu.memory_space<vmem>>
      %parallel_loop3A_591 = tpu.memref_squeeze %parallel_loop3A_590 : memref<1x128x128xf32, #tpu.memory_space<vmem>> -> memref<128x128xf32, #tpu.memory_space<vmem>>
      %parallel_loop3A_592 = arith.index_cast %parallel_loop3A_570 : i32 to index
      %parallel_loop3A_593 = arith.constant 0 : index
      %parallel_loop3A_594 = tpu.vector_load %parallel_loop3A_591[%parallel_loop3A_592, %parallel_loop3A_593] {strides = array<i32>} : memref<128x128xf32, #tpu.memory_space<vmem>>, vector<1x16xf32>,
      %parallel_loop3A_595 = vector.shape_cast %parallel_loop3A_594 : vector<1x16xf32> to vector<16xf32>
      %parallel_loop3A_596 = vector.shape_cast %parallel_loop3A_587 : vector<16xf32> to vector<1x16xf32>
      tpu.vector_store %parallel_loop3A_591[%parallel_loop3A_592, %parallel_loop3A_593], %parallel_loop3A_596 {strides = array<i32>} : memref<128x128xf32, #tpu.memory_space<vmem>>, vector<1x16xf32>,
      %parallel_loop3A_597 = arith.constant 0 : i32
      %parallel_loop3A_598 = arith.constant 0 : i32
      %parallel_loop3A_599 = tpu.memref_slice %arg8[%parallel_loop3A_251, %parallel_loop3A_597, %parallel_loop3A_598] : memref<3x128x128xf32, #tpu.memory_space<vmem>> -> memref<1x128x128xf32, #tpu.memory_space<vmem>>
      %parallel_loop3A_600 = tpu.memref_squeeze %parallel_loop3A_599 : memref<1x128x128xf32, #tpu.memory_space<vmem>> -> memref<128x128xf32, #tpu.memory_space<vmem>>
      %parallel_loop3A_601 = arith.index_cast %parallel_loop3A_570 : i32 to index
      %parallel_loop3A_602 = arith.constant 16 : index
      %parallel_loop3A_603 = tpu.vector_load %parallel_loop3A_600[%parallel_loop3A_601, %parallel_loop3A_602] {strides = array<i32>} : memref<128x128xf32, #tpu.memory_space<vmem>>, vector<1x16xf32>,
      %parallel_loop3A_604 = vector.shape_cast %parallel_loop3A_603 : vector<1x16xf32> to vector<16xf32>
      %parallel_loop3A_605 = arith.constant 0 : i32
      %parallel_loop3A_606 = arith.constant 0 : i32
      %parallel_loop3A_607 = tpu.memref_slice %arg9[%parallel_loop3A_252, %parallel_loop3A_605, %parallel_loop3A_606] : memref<3x128x128xf32, #tpu.memory_space<vmem>> -> memref<1x128x128xf32, #tpu.memory_space<vmem>>
      %parallel_loop3A_608 = tpu.memref_squeeze %parallel_loop3A_607 : memref<1x128x128xf32, #tpu.memory_space<vmem>> -> memref<128x128xf32, #tpu.memory_space<vmem>>
      %parallel_loop3A_609 = arith.index_cast %parallel_loop3A_570 : i32 to index
      %parallel_loop3A_610 = arith.constant 16 : index
      %parallel_loop3A_611 = tpu.vector_load %parallel_loop3A_608[%parallel_loop3A_609, %parallel_loop3A_610] {strides = array<i32>} : memref<128x128xf32, #tpu.memory_space<vmem>>, vector<1x16xf32>,
      %parallel_loop3A_612 = vector.shape_cast %parallel_loop3A_611 : vector<1x16xf32> to vector<16xf32>
      %parallel_loop3A_613 = arith.mulf %parallel_loop3A_604, %parallel_loop3A_612 : vector<16xf32>
      %parallel_loop3A_614 = arith.constant 0 : i32
      %parallel_loop3A_615 = arith.constant 0 : i32
      %parallel_loop3A_616 = tpu.memref_slice %arg8[%parallel_loop3A_251, %parallel_loop3A_614, %parallel_loop3A_615] : memref<3x128x128xf32, #tpu.memory_space<vmem>> -> memref<1x128x128xf32, #tpu.memory_space<vmem>>
      %parallel_loop3A_617 = tpu.memref_squeeze %parallel_loop3A_616 : memref<1x128x128xf32, #tpu.memory_space<vmem>> -> memref<128x128xf32, #tpu.memory_space<vmem>>
      %parallel_loop3A_618 = arith.index_cast %parallel_loop3A_570 : i32 to index
      %parallel_loop3A_619 = arith.constant 16 : index
      %parallel_loop3A_620 = tpu.vector_load %parallel_loop3A_617[%parallel_loop3A_618, %parallel_loop3A_619] {strides = array<i32>} : memref<128x128xf32, #tpu.memory_space<vmem>>, vector<1x16xf32>,
      %parallel_loop3A_621 = vector.shape_cast %parallel_loop3A_620 : vector<1x16xf32> to vector<16xf32>
      %parallel_loop3A_622 = vector.shape_cast %parallel_loop3A_613 : vector<16xf32> to vector<1x16xf32>
      tpu.vector_store %parallel_loop3A_617[%parallel_loop3A_618, %parallel_loop3A_619], %parallel_loop3A_622 {strides = array<i32>} : memref<128x128xf32, #tpu.memory_space<vmem>>, vector<1x16xf32>,
      %parallel_loop3A_623 = arith.constant 0 : i32
      %parallel_loop3A_624 = arith.constant 0 : i32
      %parallel_loop3A_625 = tpu.memref_slice %arg8[%parallel_loop3A_251, %parallel_loop3A_623, %parallel_loop3A_624] : memref<3x128x128xf32, #tpu.memory_space<vmem>> -> memref<1x128x128xf32, #tpu.memory_space<vmem>>
      %parallel_loop3A_626 = tpu.memref_squeeze %parallel_loop3A_625 : memref<1x128x128xf32, #tpu.memory_space<vmem>> -> memref<128x128xf32, #tpu.memory_space<vmem>>
      %parallel_loop3A_627 = arith.index_cast %parallel_loop3A_570 : i32 to index
      %parallel_loop3A_628 = arith.constant 32 : index
      %parallel_loop3A_629 = tpu.vector_load %parallel_loop3A_626[%parallel_loop3A_627, %parallel_loop3A_628] {strides = array<i32>} : memref<128x128xf32, #tpu.memory_space<vmem>>, vector<1x16xf32>,
      %parallel_loop3A_630 = vector.shape_cast %parallel_loop3A_629 : vector<1x16xf32> to vector<16xf32>
      %parallel_loop3A_631 = arith.constant 0 : i32
      %parallel_loop3A_632 = arith.constant 0 : i32
      %parallel_loop3A_633 = tpu.memref_slice %arg9[%parallel_loop3A_252, %parallel_loop3A_631, %parallel_loop3A_632] : memref<3x128x128xf32, #tpu.memory_space<vmem>> -> memref<1x128x128xf32, #tpu.memory_space<vmem>>
      %parallel_loop3A_634 = tpu.memref_squeeze %parallel_loop3A_633 : memref<1x128x128xf32, #tpu.memory_space<vmem>> -> memref<128x128xf32, #tpu.memory_space<vmem>>
      %parallel_loop3A_635 = arith.index_cast %parallel_loop3A_570 : i32 to index
      %parallel_loop3A_636 = arith.constant 32 : index
      %parallel_loop3A_637 = tpu.vector_load %parallel_loop3A_634[%parallel_loop3A_635, %parallel_loop3A_636] {strides = array<i32>} : memref<128x128xf32, #tpu.memory_space<vmem>>, vector<1x16xf32>,
      %parallel_loop3A_638 = vector.shape_cast %parallel_loop3A_637 : vector<1x16xf32> to vector<16xf32>
      %parallel_loop3A_639 = arith.mulf %parallel_loop3A_630, %parallel_loop3A_638 : vector<16xf32>
      %parallel_loop3A_640 = arith.constant 0 : i32
      %parallel_loop3A_641 = arith.constant 0 : i32
      %parallel_loop3A_642 = tpu.memref_slice %arg8[%parallel_loop3A_251, %parallel_loop3A_640, %parallel_loop3A_641] : memref<3x128x128xf32, #tpu.memory_space<vmem>> -> memref<1x128x128xf32, #tpu.memory_space<vmem>>
      %parallel_loop3A_643 = tpu.memref_squeeze %parallel_loop3A_642 : memref<1x128x128xf32, #tpu.memory_space<vmem>> -> memref<128x128xf32, #tpu.memory_space<vmem>>
      %parallel_loop3A_644 = arith.index_cast %parallel_loop3A_570 : i32 to index
      %parallel_loop3A_645 = arith.constant 32 : index
      %parallel_loop3A_646 = tpu.vector_load %parallel_loop3A_643[%parallel_loop3A_644, %parallel_loop3A_645] {strides = array<i32>} : memref<128x128xf32, #tpu.memory_space<vmem>>, vector<1x16xf32>,
      %parallel_loop3A_647 = vector.shape_cast %parallel_loop3A_646 : vector<1x16xf32> to vector<16xf32>
      %parallel_loop3A_648 = vector.shape_cast %parallel_loop3A_639 : vector<16xf32> to vector<1x16xf32>
      tpu.vector_store %parallel_loop3A_643[%parallel_loop3A_644, %parallel_loop3A_645], %parallel_loop3A_648 {strides = array<i32>} : memref<128x128xf32, #tpu.memory_space<vmem>>, vector<1x16xf32>,
      %parallel_loop3A_649 = arith.constant 0 : i32
      %parallel_loop3A_650 = arith.constant 0 : i32
      %parallel_loop3A_651 = tpu.memref_slice %arg8[%parallel_loop3A_251, %parallel_loop3A_649, %parallel_loop3A_650] : memref<3x128x128xf32, #tpu.memory_space<vmem>> -> memref<1x128x128xf32, #tpu.memory_space<vmem>>
      %parallel_loop3A_652 = tpu.memref_squeeze %parallel_loop3A_651 : memref<1x128x128xf32, #tpu.memory_space<vmem>> -> memref<128x128xf32, #tpu.memory_space<vmem>>
      %parallel_loop3A_653 = arith.index_cast %parallel_loop3A_570 : i32 to index
      %parallel_loop3A_654 = arith.constant 48 : index
      %parallel_loop3A_655 = tpu.vector_load %parallel_loop3A_652[%parallel_loop3A_653, %parallel_loop3A_654] {strides = array<i32>} : memref<128x128xf32, #tpu.memory_space<vmem>>, vector<1x16xf32>,
      %parallel_loop3A_656 = vector.shape_cast %parallel_loop3A_655 : vector<1x16xf32> to vector<16xf32>
      %parallel_loop3A_657 = arith.constant 0 : i32
      %parallel_loop3A_658 = arith.constant 0 : i32
      %parallel_loop3A_659 = tpu.memref_slice %arg9[%parallel_loop3A_252, %parallel_loop3A_657, %parallel_loop3A_658] : memref<3x128x128xf32, #tpu.memory_space<vmem>> -> memref<1x128x128xf32, #tpu.memory_space<vmem>>
      %parallel_loop3A_660 = tpu.memref_squeeze %parallel_loop3A_659 : memref<1x128x128xf32, #tpu.memory_space<vmem>> -> memref<128x128xf32, #tpu.memory_space<vmem>>
      %parallel_loop3A_661 = arith.index_cast %parallel_loop3A_570 : i32 to index
      %parallel_loop3A_662 = arith.constant 48 : index
      %parallel_loop3A_663 = tpu.vector_load %parallel_loop3A_660[%parallel_loop3A_661, %parallel_loop3A_662] {strides = array<i32>} : memref<128x128xf32, #tpu.memory_space<vmem>>, vector<1x16xf32>,
      %parallel_loop3A_664 = vector.shape_cast %parallel_loop3A_663 : vector<1x16xf32> to vector<16xf32>
      %parallel_loop3A_665 = arith.mulf %parallel_loop3A_656, %parallel_loop3A_664 : vector<16xf32>
      %parallel_loop3A_666 = arith.constant 0 : i32
      %parallel_loop3A_667 = arith.constant 0 : i32
      %parallel_loop3A_668 = tpu.memref_slice %arg8[%parallel_loop3A_251, %parallel_loop3A_666, %parallel_loop3A_667] : memref<3x128x128xf32, #tpu.memory_space<vmem>> -> memref<1x128x128xf32, #tpu.memory_space<vmem>>
      %parallel_loop3A_669 = tpu.memref_squeeze %parallel_loop3A_668 : memref<1x128x128xf32, #tpu.memory_space<vmem>> -> memref<128x128xf32, #tpu.memory_space<vmem>>
      %parallel_loop3A_670 = arith.index_cast %parallel_loop3A_570 : i32 to index
      %parallel_loop3A_671 = arith.constant 48 : index
      %parallel_loop3A_672 = tpu.vector_load %parallel_loop3A_669[%parallel_loop3A_670, %parallel_loop3A_671] {strides = array<i32>} : memref<128x128xf32, #tpu.memory_space<vmem>>, vector<1x16xf32>,
      %parallel_loop3A_673 = vector.shape_cast %parallel_loop3A_672 : vector<1x16xf32> to vector<16xf32>
      %parallel_loop3A_674 = vector.shape_cast %parallel_loop3A_665 : vector<16xf32> to vector<1x16xf32>
      tpu.vector_store %parallel_loop3A_669[%parallel_loop3A_670, %parallel_loop3A_671], %parallel_loop3A_674 {strides = array<i32>} : memref<128x128xf32, #tpu.memory_space<vmem>>, vector<1x16xf32>,
      %parallel_loop3A_675 = arith.constant 0 : i32
      %parallel_loop3A_676 = arith.constant 0 : i32
      %parallel_loop3A_677 = tpu.memref_slice %arg8[%parallel_loop3A_251, %parallel_loop3A_675, %parallel_loop3A_676] : memref<3x128x128xf32, #tpu.memory_space<vmem>> -> memref<1x128x128xf32, #tpu.memory_space<vmem>>
      %parallel_loop3A_678 = tpu.memref_squeeze %parallel_loop3A_677 : memref<1x128x128xf32, #tpu.memory_space<vmem>> -> memref<128x128xf32, #tpu.memory_space<vmem>>
      %parallel_loop3A_679 = arith.index_cast %parallel_loop3A_570 : i32 to index
      %parallel_loop3A_680 = arith.constant 64 : index
      %parallel_loop3A_681 = tpu.vector_load %parallel_loop3A_678[%parallel_loop3A_679, %parallel_loop3A_680] {strides = array<i32>} : memref<128x128xf32, #tpu.memory_space<vmem>>, vector<1x16xf32>,
      %parallel_loop3A_682 = vector.shape_cast %parallel_loop3A_681 : vector<1x16xf32> to vector<16xf32>
      %parallel_loop3A_683 = arith.constant 0 : i32
      %parallel_loop3A_684 = arith.constant 0 : i32
      %parallel_loop3A_685 = tpu.memref_slice %arg9[%parallel_loop3A_252, %parallel_loop3A_683, %parallel_loop3A_684] : memref<3x128x128xf32, #tpu.memory_space<vmem>> -> memref<1x128x128xf32, #tpu.memory_space<vmem>>
      %parallel_loop3A_686 = tpu.memref_squeeze %parallel_loop3A_685 : memref<1x128x128xf32, #tpu.memory_space<vmem>> -> memref<128x128xf32, #tpu.memory_space<vmem>>
      %parallel_loop3A_687 = arith.index_cast %parallel_loop3A_570 : i32 to index
      %parallel_loop3A_688 = arith.constant 64 : index
      %parallel_loop3A_689 = tpu.vector_load %parallel_loop3A_686[%parallel_loop3A_687, %parallel_loop3A_688] {strides = array<i32>} : memref<128x128xf32, #tpu.memory_space<vmem>>, vector<1x16xf32>,
      %parallel_loop3A_690 = vector.shape_cast %parallel_loop3A_689 : vector<1x16xf32> to vector<16xf32>
      %parallel_loop3A_691 = arith.mulf %parallel_loop3A_682, %parallel_loop3A_690 : vector<16xf32>
      %parallel_loop3A_692 = arith.constant 0 : i32
      %parallel_loop3A_693 = arith.constant 0 : i32
      %parallel_loop3A_694 = tpu.memref_slice %arg8[%parallel_loop3A_251, %parallel_loop3A_692, %parallel_loop3A_693] : memref<3x128x128xf32, #tpu.memory_space<vmem>> -> memref<1x128x128xf32, #tpu.memory_space<vmem>>
      %parallel_loop3A_695 = tpu.memref_squeeze %parallel_loop3A_694 : memref<1x128x128xf32, #tpu.memory_space<vmem>> -> memref<128x128xf32, #tpu.memory_space<vmem>>
      %parallel_loop3A_696 = arith.index_cast %parallel_loop3A_570 : i32 to index
      %parallel_loop3A_697 = arith.constant 64 : index
      %parallel_loop3A_698 = tpu.vector_load %parallel_loop3A_695[%parallel_loop3A_696, %parallel_loop3A_697] {strides = array<i32>} : memref<128x128xf32, #tpu.memory_space<vmem>>, vector<1x16xf32>,
      %parallel_loop3A_699 = vector.shape_cast %parallel_loop3A_698 : vector<1x16xf32> to vector<16xf32>
      %parallel_loop3A_700 = vector.shape_cast %parallel_loop3A_691 : vector<16xf32> to vector<1x16xf32>
      tpu.vector_store %parallel_loop3A_695[%parallel_loop3A_696, %parallel_loop3A_697], %parallel_loop3A_700 {strides = array<i32>} : memref<128x128xf32, #tpu.memory_space<vmem>>, vector<1x16xf32>,
      %parallel_loop3A_701 = arith.constant 0 : i32
      %parallel_loop3A_702 = arith.constant 0 : i32
      %parallel_loop3A_703 = tpu.memref_slice %arg8[%parallel_loop3A_251, %parallel_loop3A_701, %parallel_loop3A_702] : memref<3x128x128xf32, #tpu.memory_space<vmem>> -> memref<1x128x128xf32, #tpu.memory_space<vmem>>
      %parallel_loop3A_704 = tpu.memref_squeeze %parallel_loop3A_703 : memref<1x128x128xf32, #tpu.memory_space<vmem>> -> memref<128x128xf32, #tpu.memory_space<vmem>>
      %parallel_loop3A_705 = arith.index_cast %parallel_loop3A_570 : i32 to index
      %parallel_loop3A_706 = arith.constant 80 : index
      %parallel_loop3A_707 = tpu.vector_load %parallel_loop3A_704[%parallel_loop3A_705, %parallel_loop3A_706] {strides = array<i32>} : memref<128x128xf32, #tpu.memory_space<vmem>>, vector<1x16xf32>,
      %parallel_loop3A_708 = vector.shape_cast %parallel_loop3A_707 : vector<1x16xf32> to vector<16xf32>
      %parallel_loop3A_709 = arith.constant 0 : i32
      %parallel_loop3A_710 = arith.constant 0 : i32
      %parallel_loop3A_711 = tpu.memref_slice %arg9[%parallel_loop3A_252, %parallel_loop3A_709, %parallel_loop3A_710] : memref<3x128x128xf32, #tpu.memory_space<vmem>> -> memref<1x128x128xf32, #tpu.memory_space<vmem>>
      %parallel_loop3A_712 = tpu.memref_squeeze %parallel_loop3A_711 : memref<1x128x128xf32, #tpu.memory_space<vmem>> -> memref<128x128xf32, #tpu.memory_space<vmem>>
      %parallel_loop3A_713 = arith.index_cast %parallel_loop3A_570 : i32 to index
      %parallel_loop3A_714 = arith.constant 80 : index
      %parallel_loop3A_715 = tpu.vector_load %parallel_loop3A_712[%parallel_loop3A_713, %parallel_loop3A_714] {strides = array<i32>} : memref<128x128xf32, #tpu.memory_space<vmem>>, vector<1x16xf32>,
      %parallel_loop3A_716 = vector.shape_cast %parallel_loop3A_715 : vector<1x16xf32> to vector<16xf32>
      %parallel_loop3A_717 = arith.mulf %parallel_loop3A_708, %parallel_loop3A_716 : vector<16xf32>
      %parallel_loop3A_718 = arith.constant 0 : i32
      %parallel_loop3A_719 = arith.constant 0 : i32
      %parallel_loop3A_720 = tpu.memref_slice %arg8[%parallel_loop3A_251, %parallel_loop3A_718, %parallel_loop3A_719] : memref<3x128x128xf32, #tpu.memory_space<vmem>> -> memref<1x128x128xf32, #tpu.memory_space<vmem>>
      %parallel_loop3A_721 = tpu.memref_squeeze %parallel_loop3A_720 : memref<1x128x128xf32, #tpu.memory_space<vmem>> -> memref<128x128xf32, #tpu.memory_space<vmem>>
      %parallel_loop3A_722 = arith.index_cast %parallel_loop3A_570 : i32 to index
      %parallel_loop3A_723 = arith.constant 80 : index
      %parallel_loop3A_724 = tpu.vector_load %parallel_loop3A_721[%parallel_loop3A_722, %parallel_loop3A_723] {strides = array<i32>} : memref<128x128xf32, #tpu.memory_space<vmem>>, vector<1x16xf32>,
      %parallel_loop3A_725 = vector.shape_cast %parallel_loop3A_724 : vector<1x16xf32> to vector<16xf32>
      %parallel_loop3A_726 = vector.shape_cast %parallel_loop3A_717 : vector<16xf32> to vector<1x16xf32>
      tpu.vector_store %parallel_loop3A_721[%parallel_loop3A_722, %parallel_loop3A_723], %parallel_loop3A_726 {strides = array<i32>} : memref<128x128xf32, #tpu.memory_space<vmem>>, vector<1x16xf32>,
      %parallel_loop3A_727 = arith.constant 0 : i32
      %parallel_loop3A_728 = arith.constant 0 : i32
      %parallel_loop3A_729 = tpu.memref_slice %arg8[%parallel_loop3A_251, %parallel_loop3A_727, %parallel_loop3A_728] : memref<3x128x128xf32, #tpu.memory_space<vmem>> -> memref<1x128x128xf32, #tpu.memory_space<vmem>>
      %parallel_loop3A_730 = tpu.memref_squeeze %parallel_loop3A_729 : memref<1x128x128xf32, #tpu.memory_space<vmem>> -> memref<128x128xf32, #tpu.memory_space<vmem>>
      %parallel_loop3A_731 = arith.index_cast %parallel_loop3A_570 : i32 to index
      %parallel_loop3A_732 = arith.constant 96 : index
      %parallel_loop3A_733 = tpu.vector_load %parallel_loop3A_730[%parallel_loop3A_731, %parallel_loop3A_732] {strides = array<i32>} : memref<128x128xf32, #tpu.memory_space<vmem>>, vector<1x16xf32>,
      %parallel_loop3A_734 = vector.shape_cast %parallel_loop3A_733 : vector<1x16xf32> to vector<16xf32>
      %parallel_loop3A_735 = arith.constant 0 : i32
      %parallel_loop3A_736 = arith.constant 0 : i32
      %parallel_loop3A_737 = tpu.memref_slice %arg9[%parallel_loop3A_252, %parallel_loop3A_735, %parallel_loop3A_736] : memref<3x128x128xf32, #tpu.memory_space<vmem>> -> memref<1x128x128xf32, #tpu.memory_space<vmem>>
      %parallel_loop3A_738 = tpu.memref_squeeze %parallel_loop3A_737 : memref<1x128x128xf32, #tpu.memory_space<vmem>> -> memref<128x128xf32, #tpu.memory_space<vmem>>
      %parallel_loop3A_739 = arith.index_cast %parallel_loop3A_570 : i32 to index
      %parallel_loop3A_740 = arith.constant 96 : index
      %parallel_loop3A_741 = tpu.vector_load %parallel_loop3A_738[%parallel_loop3A_739, %parallel_loop3A_740] {strides = array<i32>} : memref<128x128xf32, #tpu.memory_space<vmem>>, vector<1x16xf32>,
      %parallel_loop3A_742 = vector.shape_cast %parallel_loop3A_741 : vector<1x16xf32> to vector<16xf32>
      %parallel_loop3A_743 = arith.mulf %parallel_loop3A_734, %parallel_loop3A_742 : vector<16xf32>
      %parallel_loop3A_744 = arith.constant 0 : i32
      %parallel_loop3A_745 = arith.constant 0 : i32
      %parallel_loop3A_746 = tpu.memref_slice %arg8[%parallel_loop3A_251, %parallel_loop3A_744, %parallel_loop3A_745] : memref<3x128x128xf32, #tpu.memory_space<vmem>> -> memref<1x128x128xf32, #tpu.memory_space<vmem>>
      %parallel_loop3A_747 = tpu.memref_squeeze %parallel_loop3A_746 : memref<1x128x128xf32, #tpu.memory_space<vmem>> -> memref<128x128xf32, #tpu.memory_space<vmem>>
      %parallel_loop3A_748 = arith.index_cast %parallel_loop3A_570 : i32 to index
      %parallel_loop3A_749 = arith.constant 96 : index
      %parallel_loop3A_750 = tpu.vector_load %parallel_loop3A_747[%parallel_loop3A_748, %parallel_loop3A_749] {strides = array<i32>} : memref<128x128xf32, #tpu.memory_space<vmem>>, vector<1x16xf32>,
      %parallel_loop3A_751 = vector.shape_cast %parallel_loop3A_750 : vector<1x16xf32> to vector<16xf32>
      %parallel_loop3A_752 = vector.shape_cast %parallel_loop3A_743 : vector<16xf32> to vector<1x16xf32>
      tpu.vector_store %parallel_loop3A_747[%parallel_loop3A_748, %parallel_loop3A_749], %parallel_loop3A_752 {strides = array<i32>} : memref<128x128xf32, #tpu.memory_space<vmem>>, vector<1x16xf32>,
      %parallel_loop3A_753 = arith.constant 0 : i32
      %parallel_loop3A_754 = arith.constant 0 : i32
      %parallel_loop3A_755 = tpu.memref_slice %arg8[%parallel_loop3A_251, %parallel_loop3A_753, %parallel_loop3A_754] : memref<3x128x128xf32, #tpu.memory_space<vmem>> -> memref<1x128x128xf32, #tpu.memory_space<vmem>>
      %parallel_loop3A_756 = tpu.memref_squeeze %parallel_loop3A_755 : memref<1x128x128xf32, #tpu.memory_space<vmem>> -> memref<128x128xf32, #tpu.memory_space<vmem>>
      %parallel_loop3A_757 = arith.index_cast %parallel_loop3A_570 : i32 to index
      %parallel_loop3A_758 = arith.constant 112 : index
      %parallel_loop3A_759 = tpu.vector_load %parallel_loop3A_756[%parallel_loop3A_757, %parallel_loop3A_758] {strides = array<i32>} : memref<128x128xf32, #tpu.memory_space<vmem>>, vector<1x16xf32>,
      %parallel_loop3A_760 = vector.shape_cast %parallel_loop3A_759 : vector<1x16xf32> to vector<16xf32>
      %parallel_loop3A_761 = arith.constant 0 : i32
      %parallel_loop3A_762 = arith.constant 0 : i32
      %parallel_loop3A_763 = tpu.memref_slice %arg9[%parallel_loop3A_252, %parallel_loop3A_761, %parallel_loop3A_762] : memref<3x128x128xf32, #tpu.memory_space<vmem>> -> memref<1x128x128xf32, #tpu.memory_space<vmem>>
      %parallel_loop3A_764 = tpu.memref_squeeze %parallel_loop3A_763 : memref<1x128x128xf32, #tpu.memory_space<vmem>> -> memref<128x128xf32, #tpu.memory_space<vmem>>
      %parallel_loop3A_765 = arith.index_cast %parallel_loop3A_570 : i32 to index
      %parallel_loop3A_766 = arith.constant 112 : index
      %parallel_loop3A_767 = tpu.vector_load %parallel_loop3A_764[%parallel_loop3A_765, %parallel_loop3A_766] {strides = array<i32>} : memref<128x128xf32, #tpu.memory_space<vmem>>, vector<1x16xf32>,
      %parallel_loop3A_768 = vector.shape_cast %parallel_loop3A_767 : vector<1x16xf32> to vector<16xf32>
      %parallel_loop3A_769 = arith.mulf %parallel_loop3A_760, %parallel_loop3A_768 : vector<16xf32>
      %parallel_loop3A_770 = arith.constant 0 : i32
      %parallel_loop3A_771 = arith.constant 0 : i32
      %parallel_loop3A_772 = tpu.memref_slice %arg8[%parallel_loop3A_251, %parallel_loop3A_770, %parallel_loop3A_771] : memref<3x128x128xf32, #tpu.memory_space<vmem>> -> memref<1x128x128xf32, #tpu.memory_space<vmem>>
      %parallel_loop3A_773 = tpu.memref_squeeze %parallel_loop3A_772 : memref<1x128x128xf32, #tpu.memory_space<vmem>> -> memref<128x128xf32, #tpu.memory_space<vmem>>
      %parallel_loop3A_774 = arith.index_cast %parallel_loop3A_570 : i32 to index
      %parallel_loop3A_775 = arith.constant 112 : index
      %parallel_loop3A_776 = tpu.vector_load %parallel_loop3A_773[%parallel_loop3A_774, %parallel_loop3A_775] {strides = array<i32>} : memref<128x128xf32, #tpu.memory_space<vmem>>, vector<1x16xf32>,
      %parallel_loop3A_777 = vector.shape_cast %parallel_loop3A_776 : vector<1x16xf32> to vector<16xf32>
      %parallel_loop3A_778 = vector.shape_cast %parallel_loop3A_769 : vector<16xf32> to vector<1x16xf32>
      tpu.vector_store %parallel_loop3A_773[%parallel_loop3A_774, %parallel_loop3A_775], %parallel_loop3A_778 {strides = array<i32>} : memref<128x128xf32, #tpu.memory_space<vmem>>, vector<1x16xf32>,
    } {sc.loop_unroll_factor = 1 : i64, sc.parallel_access}
    %add3A_253 = arith.constant 128 : i32
    %add3A_254 = arith.addi %mul3A_2, %add3A_253 : i32
    %dma_start3A_255 = arith.constant 1 : i32
    %dma_start3A_256 = arith.constant 0 : i32
    %dma_start3A_257 = arith.constant 0 : i32
    %dma_start3A_258 = tpu.memref_slice %arg8[%dma_start3A_255, %dma_start3A_256, %dma_start3A_257] : memref<3x128x128xf32, #tpu.memory_space<vmem>> -> memref<1x128x128xf32, #tpu.memory_space<vmem>>
    %dma_start3A_259 = tpu.memref_squeeze %dma_start3A_258 : memref<1x128x128xf32, #tpu.memory_space<vmem>> -> memref<128x128xf32, #tpu.memory_space<vmem>>
    %dma_start3A_260 = arith.constant 0 : i32
    %dma_start3A_261 = arith.constant 0 : i32
    %dma_start3A_262 = tpu.memref_slice %dma_start3A_259[%dma_start3A_260, %dma_start3A_261] : memref<128x128xf32, #tpu.memory_space<vmem>> -> memref<64x128xf32, #tpu.memory_space<vmem>>
    %dma_start3A_263 = arith.constant 0 : i32
    %dma_start3A_264 = tpu.memref_slice %arg5[%add3A_254, %dma_start3A_263] : memref<16384x128xf32, #tpu.memory_space<hbm>> -> memref<64x128xf32, #tpu.memory_space<hbm>>
    %dma_start3A_265 = arith.constant 0 : i32
    %dma_start3A_266 = tpu.memref_slice %arg5[%add3A_254, %dma_start3A_265] : memref<16384x128xf32, #tpu.memory_space<hbm>> -> memref<64x128xf32, #tpu.memory_space<hbm>>
    %dma_start3A_267 = arith.constant 0 : i32
    %dma_start3A_268 = arith.constant 0 : i32
    %dma_start3A_269 = tpu.memref_slice %arg8[%dma_start3A_255, %dma_start3A_267, %dma_start3A_268] : memref<3x128x128xf32, #tpu.memory_space<vmem>> -> memref<1x128x128xf32, #tpu.memory_space<vmem>>
    %dma_start3A_270 = tpu.memref_squeeze %dma_start3A_269 : memref<1x128x128xf32, #tpu.memory_space<vmem>> -> memref<128x128xf32, #tpu.memory_space<vmem>>
    %dma_start3A_271 = arith.constant 0 : i32
    %dma_start3A_272 = arith.constant 0 : i32
    %dma_start3A_273 = tpu.memref_slice %dma_start3A_270[%dma_start3A_271, %dma_start3A_272] : memref<128x128xf32, #tpu.memory_space<vmem>> -> memref<64x128xf32, #tpu.memory_space<vmem>>
    tpu.enqueue_dma source(%dma_start3A_273 : memref<64x128xf32, #tpu.memory_space<vmem>>) target(%dma_start3A_266 : memref<64x128xf32, #tpu.memory_space<hbm>>) target_semaphore(%arg17 : memref<!tpu.dma_semaphore, #tpu.memory_space<semaphore_mem>>)
    %parallel_loop3A_274 = arith.constant 64 : i32
    %parallel_loop3A_275 = arith.constant 128 : i32
    %parallel_loop3A_276 = arith.constant 1 : i32
    %parallel_loop3A_277 = arith.constant 1 : i32
    %parallel_loop3A_278 = arith.constant 1 : i32
    scf.for %parallel_loop3A_570 = %parallel_loop3A_274 to %parallel_loop3A_275 step %parallel_loop3A_276  : i32 {
      %parallel_loop3A_571 = arith.constant 0 : i32
      %parallel_loop3A_572 = arith.constant 0 : i32
      %parallel_loop3A_573 = tpu.memref_slice %arg8[%parallel_loop3A_277, %parallel_loop3A_571, %parallel_loop3A_572] : memref<3x128x128xf32, #tpu.memory_space<vmem>> -> memref<1x128x128xf32, #tpu.memory_space<vmem>>
      %parallel_loop3A_574 = tpu.memref_squeeze %parallel_loop3A_573 : memref<1x128x128xf32, #tpu.memory_space<vmem>> -> memref<128x128xf32, #tpu.memory_space<vmem>>
      %parallel_loop3A_575 = arith.index_cast %parallel_loop3A_570 : i32 to index
      %parallel_loop3A_576 = arith.constant 0 : index
      %parallel_loop3A_577 = tpu.vector_load %parallel_loop3A_574[%parallel_loop3A_575, %parallel_loop3A_576] {strides = array<i32>} : memref<128x128xf32, #tpu.memory_space<vmem>>, vector<1x16xf32>,
      %parallel_loop3A_578 = vector.shape_cast %parallel_loop3A_577 : vector<1x16xf32> to vector<16xf32>
      %parallel_loop3A_579 = arith.constant 0 : i32
      %parallel_loop3A_580 = arith.constant 0 : i32
      %parallel_loop3A_581 = tpu.memref_slice %arg9[%parallel_loop3A_278, %parallel_loop3A_579, %parallel_loop3A_580] : memref<3x128x128xf32, #tpu.memory_space<vmem>> -> memref<1x128x128xf32, #tpu.memory_space<vmem>>
      %parallel_loop3A_582 = tpu.memref_squeeze %parallel_loop3A_581 : memref<1x128x128xf32, #tpu.memory_space<vmem>> -> memref<128x128xf32, #tpu.memory_space<vmem>>
      %parallel_loop3A_583 = arith.index_cast %parallel_loop3A_570 : i32 to index
      %parallel_loop3A_584 = arith.constant 0 : index
      %parallel_loop3A_585 = tpu.vector_load %parallel_loop3A_582[%parallel_loop3A_583, %parallel_loop3A_584] {strides = array<i32>} : memref<128x128xf32, #tpu.memory_space<vmem>>, vector<1x16xf32>,
      %parallel_loop3A_586 = vector.shape_cast %parallel_loop3A_585 : vector<1x16xf32> to vector<16xf32>
      %parallel_loop3A_587 = arith.mulf %parallel_loop3A_578, %parallel_loop3A_586 : vector<16xf32>
      %parallel_loop3A_588 = arith.constant 0 : i32
      %parallel_loop3A_589 = arith.constant 0 : i32
      %parallel_loop3A_590 = tpu.memref_slice %arg8[%parallel_loop3A_277, %parallel_loop3A_588, %parallel_loop3A_589] : memref<3x128x128xf32, #tpu.memory_space<vmem>> -> memref<1x128x128xf32, #tpu.memory_space<vmem>>
      %parallel_loop3A_591 = tpu.memref_squeeze %parallel_loop3A_590 : memref<1x128x128xf32, #tpu.memory_space<vmem>> -> memref<128x128xf32, #tpu.memory_space<vmem>>
      %parallel_loop3A_592 = arith.index_cast %parallel_loop3A_570 : i32 to index
      %parallel_loop3A_593 = arith.constant 0 : index
      %parallel_loop3A_594 = tpu.vector_load %parallel_loop3A_591[%parallel_loop3A_592, %parallel_loop3A_593] {strides = array<i32>} : memref<128x128xf32, #tpu.memory_space<vmem>>, vector<1x16xf32>,
      %parallel_loop3A_595 = vector.shape_cast %parallel_loop3A_594 : vector<1x16xf32> to vector<16xf32>
      %parallel_loop3A_596 = vector.shape_cast %parallel_loop3A_587 : vector<16xf32> to vector<1x16xf32>
      tpu.vector_store %parallel_loop3A_591[%parallel_loop3A_592, %parallel_loop3A_593], %parallel_loop3A_596 {strides = array<i32>} : memref<128x128xf32, #tpu.memory_space<vmem>>, vector<1x16xf32>,
      %parallel_loop3A_597 = arith.constant 0 : i32
      %parallel_loop3A_598 = arith.constant 0 : i32
      %parallel_loop3A_599 = tpu.memref_slice %arg8[%parallel_loop3A_277, %parallel_loop3A_597, %parallel_loop3A_598] : memref<3x128x128xf32, #tpu.memory_space<vmem>> -> memref<1x128x128xf32, #tpu.memory_space<vmem>>
      %parallel_loop3A_600 = tpu.memref_squeeze %parallel_loop3A_599 : memref<1x128x128xf32, #tpu.memory_space<vmem>> -> memref<128x128xf32, #tpu.memory_space<vmem>>
      %parallel_loop3A_601 = arith.index_cast %parallel_loop3A_570 : i32 to index
      %parallel_loop3A_602 = arith.constant 16 : index
      %parallel_loop3A_603 = tpu.vector_load %parallel_loop3A_600[%parallel_loop3A_601, %parallel_loop3A_602] {strides = array<i32>} : memref<128x128xf32, #tpu.memory_space<vmem>>, vector<1x16xf32>,
      %parallel_loop3A_604 = vector.shape_cast %parallel_loop3A_603 : vector<1x16xf32> to vector<16xf32>
      %parallel_loop3A_605 = arith.constant 0 : i32
      %parallel_loop3A_606 = arith.constant 0 : i32
      %parallel_loop3A_607 = tpu.memref_slice %arg9[%parallel_loop3A_278, %parallel_loop3A_605, %parallel_loop3A_606] : memref<3x128x128xf32, #tpu.memory_space<vmem>> -> memref<1x128x128xf32, #tpu.memory_space<vmem>>
      %parallel_loop3A_608 = tpu.memref_squeeze %parallel_loop3A_607 : memref<1x128x128xf32, #tpu.memory_space<vmem>> -> memref<128x128xf32, #tpu.memory_space<vmem>>
      %parallel_loop3A_609 = arith.index_cast %parallel_loop3A_570 : i32 to index
      %parallel_loop3A_610 = arith.constant 16 : index
      %parallel_loop3A_611 = tpu.vector_load %parallel_loop3A_608[%parallel_loop3A_609, %parallel_loop3A_610] {strides = array<i32>} : memref<128x128xf32, #tpu.memory_space<vmem>>, vector<1x16xf32>,
      %parallel_loop3A_612 = vector.shape_cast %parallel_loop3A_611 : vector<1x16xf32> to vector<16xf32>
      %parallel_loop3A_613 = arith.mulf %parallel_loop3A_604, %parallel_loop3A_612 : vector<16xf32>
      %parallel_loop3A_614 = arith.constant 0 : i32
      %parallel_loop3A_615 = arith.constant 0 : i32
      %parallel_loop3A_616 = tpu.memref_slice %arg8[%parallel_loop3A_277, %parallel_loop3A_614, %parallel_loop3A_615] : memref<3x128x128xf32, #tpu.memory_space<vmem>> -> memref<1x128x128xf32, #tpu.memory_space<vmem>>
      %parallel_loop3A_617 = tpu.memref_squeeze %parallel_loop3A_616 : memref<1x128x128xf32, #tpu.memory_space<vmem>> -> memref<128x128xf32, #tpu.memory_space<vmem>>
      %parallel_loop3A_618 = arith.index_cast %parallel_loop3A_570 : i32 to index
      %parallel_loop3A_619 = arith.constant 16 : index
      %parallel_loop3A_620 = tpu.vector_load %parallel_loop3A_617[%parallel_loop3A_618, %parallel_loop3A_619] {strides = array<i32>} : memref<128x128xf32, #tpu.memory_space<vmem>>, vector<1x16xf32>,
      %parallel_loop3A_621 = vector.shape_cast %parallel_loop3A_620 : vector<1x16xf32> to vector<16xf32>
      %parallel_loop3A_622 = vector.shape_cast %parallel_loop3A_613 : vector<16xf32> to vector<1x16xf32>
      tpu.vector_store %parallel_loop3A_617[%parallel_loop3A_618, %parallel_loop3A_619], %parallel_loop3A_622 {strides = array<i32>} : memref<128x128xf32, #tpu.memory_space<vmem>>, vector<1x16xf32>,
      %parallel_loop3A_623 = arith.constant 0 : i32
      %parallel_loop3A_624 = arith.constant 0 : i32
      %parallel_loop3A_625 = tpu.memref_slice %arg8[%parallel_loop3A_277, %parallel_loop3A_623, %parallel_loop3A_624] : memref<3x128x128xf32, #tpu.memory_space<vmem>> -> memref<1x128x128xf32, #tpu.memory_space<vmem>>
      %parallel_loop3A_626 = tpu.memref_squeeze %parallel_loop3A_625 : memref<1x128x128xf32, #tpu.memory_space<vmem>> -> memref<128x128xf32, #tpu.memory_space<vmem>>
      %parallel_loop3A_627 = arith.index_cast %parallel_loop3A_570 : i32 to index
      %parallel_loop3A_628 = arith.constant 32 : index
      %parallel_loop3A_629 = tpu.vector_load %parallel_loop3A_626[%parallel_loop3A_627, %parallel_loop3A_628] {strides = array<i32>} : memref<128x128xf32, #tpu.memory_space<vmem>>, vector<1x16xf32>,
      %parallel_loop3A_630 = vector.shape_cast %parallel_loop3A_629 : vector<1x16xf32> to vector<16xf32>
      %parallel_loop3A_631 = arith.constant 0 : i32
      %parallel_loop3A_632 = arith.constant 0 : i32
      %parallel_loop3A_633 = tpu.memref_slice %arg9[%parallel_loop3A_278, %parallel_loop3A_631, %parallel_loop3A_632] : memref<3x128x128xf32, #tpu.memory_space<vmem>> -> memref<1x128x128xf32, #tpu.memory_space<vmem>>
      %parallel_loop3A_634 = tpu.memref_squeeze %parallel_loop3A_633 : memref<1x128x128xf32, #tpu.memory_space<vmem>> -> memref<128x128xf32, #tpu.memory_space<vmem>>
      %parallel_loop3A_635 = arith.index_cast %parallel_loop3A_570 : i32 to index
      %parallel_loop3A_636 = arith.constant 32 : index
      %parallel_loop3A_637 = tpu.vector_load %parallel_loop3A_634[%parallel_loop3A_635, %parallel_loop3A_636] {strides = array<i32>} : memref<128x128xf32, #tpu.memory_space<vmem>>, vector<1x16xf32>,
      %parallel_loop3A_638 = vector.shape_cast %parallel_loop3A_637 : vector<1x16xf32> to vector<16xf32>
      %parallel_loop3A_639 = arith.mulf %parallel_loop3A_630, %parallel_loop3A_638 : vector<16xf32>
      %parallel_loop3A_640 = arith.constant 0 : i32
      %parallel_loop3A_641 = arith.constant 0 : i32
      %parallel_loop3A_642 = tpu.memref_slice %arg8[%parallel_loop3A_277, %parallel_loop3A_640, %parallel_loop3A_641] : memref<3x128x128xf32, #tpu.memory_space<vmem>> -> memref<1x128x128xf32, #tpu.memory_space<vmem>>
      %parallel_loop3A_643 = tpu.memref_squeeze %parallel_loop3A_642 : memref<1x128x128xf32, #tpu.memory_space<vmem>> -> memref<128x128xf32, #tpu.memory_space<vmem>>
      %parallel_loop3A_644 = arith.index_cast %parallel_loop3A_570 : i32 to index
      %parallel_loop3A_645 = arith.constant 32 : index
      %parallel_loop3A_646 = tpu.vector_load %parallel_loop3A_643[%parallel_loop3A_644, %parallel_loop3A_645] {strides = array<i32>} : memref<128x128xf32, #tpu.memory_space<vmem>>, vector<1x16xf32>,
      %parallel_loop3A_647 = vector.shape_cast %parallel_loop3A_646 : vector<1x16xf32> to vector<16xf32>
      %parallel_loop3A_648 = vector.shape_cast %parallel_loop3A_639 : vector<16xf32> to vector<1x16xf32>
      tpu.vector_store %parallel_loop3A_643[%parallel_loop3A_644, %parallel_loop3A_645], %parallel_loop3A_648 {strides = array<i32>} : memref<128x128xf32, #tpu.memory_space<vmem>>, vector<1x16xf32>,
      %parallel_loop3A_649 = arith.constant 0 : i32
      %parallel_loop3A_650 = arith.constant 0 : i32
      %parallel_loop3A_651 = tpu.memref_slice %arg8[%parallel_loop3A_277, %parallel_loop3A_649, %parallel_loop3A_650] : memref<3x128x128xf32, #tpu.memory_space<vmem>> -> memref<1x128x128xf32, #tpu.memory_space<vmem>>
      %parallel_loop3A_652 = tpu.memref_squeeze %parallel_loop3A_651 : memref<1x128x128xf32, #tpu.memory_space<vmem>> -> memref<128x128xf32, #tpu.memory_space<vmem>>
      %parallel_loop3A_653 = arith.index_cast %parallel_loop3A_570 : i32 to index
      %parallel_loop3A_654 = arith.constant 48 : index
      %parallel_loop3A_655 = tpu.vector_load %parallel_loop3A_652[%parallel_loop3A_653, %parallel_loop3A_654] {strides = array<i32>} : memref<128x128xf32, #tpu.memory_space<vmem>>, vector<1x16xf32>,
      %parallel_loop3A_656 = vector.shape_cast %parallel_loop3A_655 : vector<1x16xf32> to vector<16xf32>
      %parallel_loop3A_657 = arith.constant 0 : i32
      %parallel_loop3A_658 = arith.constant 0 : i32
      %parallel_loop3A_659 = tpu.memref_slice %arg9[%parallel_loop3A_278, %parallel_loop3A_657, %parallel_loop3A_658] : memref<3x128x128xf32, #tpu.memory_space<vmem>> -> memref<1x128x128xf32, #tpu.memory_space<vmem>>
      %parallel_loop3A_660 = tpu.memref_squeeze %parallel_loop3A_659 : memref<1x128x128xf32, #tpu.memory_space<vmem>> -> memref<128x128xf32, #tpu.memory_space<vmem>>
      %parallel_loop3A_661 = arith.index_cast %parallel_loop3A_570 : i32 to index
      %parallel_loop3A_662 = arith.constant 48 : index
      %parallel_loop3A_663 = tpu.vector_load %parallel_loop3A_660[%parallel_loop3A_661, %parallel_loop3A_662] {strides = array<i32>} : memref<128x128xf32, #tpu.memory_space<vmem>>, vector<1x16xf32>,
      %parallel_loop3A_664 = vector.shape_cast %parallel_loop3A_663 : vector<1x16xf32> to vector<16xf32>
      %parallel_loop3A_665 = arith.mulf %parallel_loop3A_656, %parallel_loop3A_664 : vector<16xf32>
      %parallel_loop3A_666 = arith.constant 0 : i32
      %parallel_loop3A_667 = arith.constant 0 : i32
      %parallel_loop3A_668 = tpu.memref_slice %arg8[%parallel_loop3A_277, %parallel_loop3A_666, %parallel_loop3A_667] : memref<3x128x128xf32, #tpu.memory_space<vmem>> -> memref<1x128x128xf32, #tpu.memory_space<vmem>>
      %parallel_loop3A_669 = tpu.memref_squeeze %parallel_loop3A_668 : memref<1x128x128xf32, #tpu.memory_space<vmem>> -> memref<128x128xf32, #tpu.memory_space<vmem>>
      %parallel_loop3A_670 = arith.index_cast %parallel_loop3A_570 : i32 to index
      %parallel_loop3A_671 = arith.constant 48 : index
      %parallel_loop3A_672 = tpu.vector_load %parallel_loop3A_669[%parallel_loop3A_670, %parallel_loop3A_671] {strides = array<i32>} : memref<128x128xf32, #tpu.memory_space<vmem>>, vector<1x16xf32>,
      %parallel_loop3A_673 = vector.shape_cast %parallel_loop3A_672 : vector<1x16xf32> to vector<16xf32>
      %parallel_loop3A_674 = vector.shape_cast %parallel_loop3A_665 : vector<16xf32> to vector<1x16xf32>
      tpu.vector_store %parallel_loop3A_669[%parallel_loop3A_670, %parallel_loop3A_671], %parallel_loop3A_674 {strides = array<i32>} : memref<128x128xf32, #tpu.memory_space<vmem>>, vector<1x16xf32>,
      %parallel_loop3A_675 = arith.constant 0 : i32
      %parallel_loop3A_676 = arith.constant 0 : i32
      %parallel_loop3A_677 = tpu.memref_slice %arg8[%parallel_loop3A_277, %parallel_loop3A_675, %parallel_loop3A_676] : memref<3x128x128xf32, #tpu.memory_space<vmem>> -> memref<1x128x128xf32, #tpu.memory_space<vmem>>
      %parallel_loop3A_678 = tpu.memref_squeeze %parallel_loop3A_677 : memref<1x128x128xf32, #tpu.memory_space<vmem>> -> memref<128x128xf32, #tpu.memory_space<vmem>>
      %parallel_loop3A_679 = arith.index_cast %parallel_loop3A_570 : i32 to index
      %parallel_loop3A_680 = arith.constant 64 : index
      %parallel_loop3A_681 = tpu.vector_load %parallel_loop3A_678[%parallel_loop3A_679, %parallel_loop3A_680] {strides = array<i32>} : memref<128x128xf32, #tpu.memory_space<vmem>>, vector<1x16xf32>,
      %parallel_loop3A_682 = vector.shape_cast %parallel_loop3A_681 : vector<1x16xf32> to vector<16xf32>
      %parallel_loop3A_683 = arith.constant 0 : i32
      %parallel_loop3A_684 = arith.constant 0 : i32
      %parallel_loop3A_685 = tpu.memref_slice %arg9[%parallel_loop3A_278, %parallel_loop3A_683, %parallel_loop3A_684] : memref<3x128x128xf32, #tpu.memory_space<vmem>> -> memref<1x128x128xf32, #tpu.memory_space<vmem>>
      %parallel_loop3A_686 = tpu.memref_squeeze %parallel_loop3A_685 : memref<1x128x128xf32, #tpu.memory_space<vmem>> -> memref<128x128xf32, #tpu.memory_space<vmem>>
      %parallel_loop3A_687 = arith.index_cast %parallel_loop3A_570 : i32 to index
      %parallel_loop3A_688 = arith.constant 64 : index
      %parallel_loop3A_689 = tpu.vector_load %parallel_loop3A_686[%parallel_loop3A_687, %parallel_loop3A_688] {strides = array<i32>} : memref<128x128xf32, #tpu.memory_space<vmem>>, vector<1x16xf32>,
      %parallel_loop3A_690 = vector.shape_cast %parallel_loop3A_689 : vector<1x16xf32> to vector<16xf32>
      %parallel_loop3A_691 = arith.mulf %parallel_loop3A_682, %parallel_loop3A_690 : vector<16xf32>
      %parallel_loop3A_692 = arith.constant 0 : i32
      %parallel_loop3A_693 = arith.constant 0 : i32
      %parallel_loop3A_694 = tpu.memref_slice %arg8[%parallel_loop3A_277, %parallel_loop3A_692, %parallel_loop3A_693] : memref<3x128x128xf32, #tpu.memory_space<vmem>> -> memref<1x128x128xf32, #tpu.memory_space<vmem>>
      %parallel_loop3A_695 = tpu.memref_squeeze %parallel_loop3A_694 : memref<1x128x128xf32, #tpu.memory_space<vmem>> -> memref<128x128xf32, #tpu.memory_space<vmem>>
      %parallel_loop3A_696 = arith.index_cast %parallel_loop3A_570 : i32 to index
      %parallel_loop3A_697 = arith.constant 64 : index
      %parallel_loop3A_698 = tpu.vector_load %parallel_loop3A_695[%parallel_loop3A_696, %parallel_loop3A_697] {strides = array<i32>} : memref<128x128xf32, #tpu.memory_space<vmem>>, vector<1x16xf32>,
      %parallel_loop3A_699 = vector.shape_cast %parallel_loop3A_698 : vector<1x16xf32> to vector<16xf32>
      %parallel_loop3A_700 = vector.shape_cast %parallel_loop3A_691 : vector<16xf32> to vector<1x16xf32>
      tpu.vector_store %parallel_loop3A_695[%parallel_loop3A_696, %parallel_loop3A_697], %parallel_loop3A_700 {strides = array<i32>} : memref<128x128xf32, #tpu.memory_space<vmem>>, vector<1x16xf32>,
      %parallel_loop3A_701 = arith.constant 0 : i32
      %parallel_loop3A_702 = arith.constant 0 : i32
      %parallel_loop3A_703 = tpu.memref_slice %arg8[%parallel_loop3A_277, %parallel_loop3A_701, %parallel_loop3A_702] : memref<3x128x128xf32, #tpu.memory_space<vmem>> -> memref<1x128x128xf32, #tpu.memory_space<vmem>>
      %parallel_loop3A_704 = tpu.memref_squeeze %parallel_loop3A_703 : memref<1x128x128xf32, #tpu.memory_space<vmem>> -> memref<128x128xf32, #tpu.memory_space<vmem>>
      %parallel_loop3A_705 = arith.index_cast %parallel_loop3A_570 : i32 to index
      %parallel_loop3A_706 = arith.constant 80 : index
      %parallel_loop3A_707 = tpu.vector_load %parallel_loop3A_704[%parallel_loop3A_705, %parallel_loop3A_706] {strides = array<i32>} : memref<128x128xf32, #tpu.memory_space<vmem>>, vector<1x16xf32>,
      %parallel_loop3A_708 = vector.shape_cast %parallel_loop3A_707 : vector<1x16xf32> to vector<16xf32>
      %parallel_loop3A_709 = arith.constant 0 : i32
      %parallel_loop3A_710 = arith.constant 0 : i32
      %parallel_loop3A_711 = tpu.memref_slice %arg9[%parallel_loop3A_278, %parallel_loop3A_709, %parallel_loop3A_710] : memref<3x128x128xf32, #tpu.memory_space<vmem>> -> memref<1x128x128xf32, #tpu.memory_space<vmem>>
      %parallel_loop3A_712 = tpu.memref_squeeze %parallel_loop3A_711 : memref<1x128x128xf32, #tpu.memory_space<vmem>> -> memref<128x128xf32, #tpu.memory_space<vmem>>
      %parallel_loop3A_713 = arith.index_cast %parallel_loop3A_570 : i32 to index
      %parallel_loop3A_714 = arith.constant 80 : index
      %parallel_loop3A_715 = tpu.vector_load %parallel_loop3A_712[%parallel_loop3A_713, %parallel_loop3A_714] {strides = array<i32>} : memref<128x128xf32, #tpu.memory_space<vmem>>, vector<1x16xf32>,
      %parallel_loop3A_716 = vector.shape_cast %parallel_loop3A_715 : vector<1x16xf32> to vector<16xf32>
      %parallel_loop3A_717 = arith.mulf %parallel_loop3A_708, %parallel_loop3A_716 : vector<16xf32>
      %parallel_loop3A_718 = arith.constant 0 : i32
      %parallel_loop3A_719 = arith.constant 0 : i32
      %parallel_loop3A_720 = tpu.memref_slice %arg8[%parallel_loop3A_277, %parallel_loop3A_718, %parallel_loop3A_719] : memref<3x128x128xf32, #tpu.memory_space<vmem>> -> memref<1x128x128xf32, #tpu.memory_space<vmem>>
      %parallel_loop3A_721 = tpu.memref_squeeze %parallel_loop3A_720 : memref<1x128x128xf32, #tpu.memory_space<vmem>> -> memref<128x128xf32, #tpu.memory_space<vmem>>
      %parallel_loop3A_722 = arith.index_cast %parallel_loop3A_570 : i32 to index
      %parallel_loop3A_723 = arith.constant 80 : index
      %parallel_loop3A_724 = tpu.vector_load %parallel_loop3A_721[%parallel_loop3A_722, %parallel_loop3A_723] {strides = array<i32>} : memref<128x128xf32, #tpu.memory_space<vmem>>, vector<1x16xf32>,
      %parallel_loop3A_725 = vector.shape_cast %parallel_loop3A_724 : vector<1x16xf32> to vector<16xf32>
      %parallel_loop3A_726 = vector.shape_cast %parallel_loop3A_717 : vector<16xf32> to vector<1x16xf32>
      tpu.vector_store %parallel_loop3A_721[%parallel_loop3A_722, %parallel_loop3A_723], %parallel_loop3A_726 {strides = array<i32>} : memref<128x128xf32, #tpu.memory_space<vmem>>, vector<1x16xf32>,
      %parallel_loop3A_727 = arith.constant 0 : i32
      %parallel_loop3A_728 = arith.constant 0 : i32
      %parallel_loop3A_729 = tpu.memref_slice %arg8[%parallel_loop3A_277, %parallel_loop3A_727, %parallel_loop3A_728] : memref<3x128x128xf32, #tpu.memory_space<vmem>> -> memref<1x128x128xf32, #tpu.memory_space<vmem>>
      %parallel_loop3A_730 = tpu.memref_squeeze %parallel_loop3A_729 : memref<1x128x128xf32, #tpu.memory_space<vmem>> -> memref<128x128xf32, #tpu.memory_space<vmem>>
      %parallel_loop3A_731 = arith.index_cast %parallel_loop3A_570 : i32 to index
      %parallel_loop3A_732 = arith.constant 96 : index
      %parallel_loop3A_733 = tpu.vector_load %parallel_loop3A_730[%parallel_loop3A_731, %parallel_loop3A_732] {strides = array<i32>} : memref<128x128xf32, #tpu.memory_space<vmem>>, vector<1x16xf32>,
      %parallel_loop3A_734 = vector.shape_cast %parallel_loop3A_733 : vector<1x16xf32> to vector<16xf32>
      %parallel_loop3A_735 = arith.constant 0 : i32
      %parallel_loop3A_736 = arith.constant 0 : i32
      %parallel_loop3A_737 = tpu.memref_slice %arg9[%parallel_loop3A_278, %parallel_loop3A_735, %parallel_loop3A_736] : memref<3x128x128xf32, #tpu.memory_space<vmem>> -> memref<1x128x128xf32, #tpu.memory_space<vmem>>
      %parallel_loop3A_738 = tpu.memref_squeeze %parallel_loop3A_737 : memref<1x128x128xf32, #tpu.memory_space<vmem>> -> memref<128x128xf32, #tpu.memory_space<vmem>>
      %parallel_loop3A_739 = arith.index_cast %parallel_loop3A_570 : i32 to index
      %parallel_loop3A_740 = arith.constant 96 : index
      %parallel_loop3A_741 = tpu.vector_load %parallel_loop3A_738[%parallel_loop3A_739, %parallel_loop3A_740] {strides = array<i32>} : memref<128x128xf32, #tpu.memory_space<vmem>>, vector<1x16xf32>,
      %parallel_loop3A_742 = vector.shape_cast %parallel_loop3A_741 : vector<1x16xf32> to vector<16xf32>
      %parallel_loop3A_743 = arith.mulf %parallel_loop3A_734, %parallel_loop3A_742 : vector<16xf32>
      %parallel_loop3A_744 = arith.constant 0 : i32
      %parallel_loop3A_745 = arith.constant 0 : i32
      %parallel_loop3A_746 = tpu.memref_slice %arg8[%parallel_loop3A_277, %parallel_loop3A_744, %parallel_loop3A_745] : memref<3x128x128xf32, #tpu.memory_space<vmem>> -> memref<1x128x128xf32, #tpu.memory_space<vmem>>
      %parallel_loop3A_747 = tpu.memref_squeeze %parallel_loop3A_746 : memref<1x128x128xf32, #tpu.memory_space<vmem>> -> memref<128x128xf32, #tpu.memory_space<vmem>>
      %parallel_loop3A_748 = arith.index_cast %parallel_loop3A_570 : i32 to index
      %parallel_loop3A_749 = arith.constant 96 : index
      %parallel_loop3A_750 = tpu.vector_load %parallel_loop3A_747[%parallel_loop3A_748, %parallel_loop3A_749] {strides = array<i32>} : memref<128x128xf32, #tpu.memory_space<vmem>>, vector<1x16xf32>,
      %parallel_loop3A_751 = vector.shape_cast %parallel_loop3A_750 : vector<1x16xf32> to vector<16xf32>
      %parallel_loop3A_752 = vector.shape_cast %parallel_loop3A_743 : vector<16xf32> to vector<1x16xf32>
      tpu.vector_store %parallel_loop3A_747[%parallel_loop3A_748, %parallel_loop3A_749], %parallel_loop3A_752 {strides = array<i32>} : memref<128x128xf32, #tpu.memory_space<vmem>>, vector<1x16xf32>,
      %parallel_loop3A_753 = arith.constant 0 : i32
      %parallel_loop3A_754 = arith.constant 0 : i32
      %parallel_loop3A_755 = tpu.memref_slice %arg8[%parallel_loop3A_277, %parallel_loop3A_753, %parallel_loop3A_754] : memref<3x128x128xf32, #tpu.memory_space<vmem>> -> memref<1x128x128xf32, #tpu.memory_space<vmem>>
      %parallel_loop3A_756 = tpu.memref_squeeze %parallel_loop3A_755 : memref<1x128x128xf32, #tpu.memory_space<vmem>> -> memref<128x128xf32, #tpu.memory_space<vmem>>
      %parallel_loop3A_757 = arith.index_cast %parallel_loop3A_570 : i32 to index
      %parallel_loop3A_758 = arith.constant 112 : index
      %parallel_loop3A_759 = tpu.vector_load %parallel_loop3A_756[%parallel_loop3A_757, %parallel_loop3A_758] {strides = array<i32>} : memref<128x128xf32, #tpu.memory_space<vmem>>, vector<1x16xf32>,
      %parallel_loop3A_760 = vector.shape_cast %parallel_loop3A_759 : vector<1x16xf32> to vector<16xf32>
      %parallel_loop3A_761 = arith.constant 0 : i32
      %parallel_loop3A_762 = arith.constant 0 : i32
      %parallel_loop3A_763 = tpu.memref_slice %arg9[%parallel_loop3A_278, %parallel_loop3A_761, %parallel_loop3A_762] : memref<3x128x128xf32, #tpu.memory_space<vmem>> -> memref<1x128x128xf32, #tpu.memory_space<vmem>>
      %parallel_loop3A_764 = tpu.memref_squeeze %parallel_loop3A_763 : memref<1x128x128xf32, #tpu.memory_space<vmem>> -> memref<128x128xf32, #tpu.memory_space<vmem>>
      %parallel_loop3A_765 = arith.index_cast %parallel_loop3A_570 : i32 to index
      %parallel_loop3A_766 = arith.constant 112 : index
      %parallel_loop3A_767 = tpu.vector_load %parallel_loop3A_764[%parallel_loop3A_765, %parallel_loop3A_766] {strides = array<i32>} : memref<128x128xf32, #tpu.memory_space<vmem>>, vector<1x16xf32>,
      %parallel_loop3A_768 = vector.shape_cast %parallel_loop3A_767 : vector<1x16xf32> to vector<16xf32>
      %parallel_loop3A_769 = arith.mulf %parallel_loop3A_760, %parallel_loop3A_768 : vector<16xf32>
      %parallel_loop3A_770 = arith.constant 0 : i32
      %parallel_loop3A_771 = arith.constant 0 : i32
      %parallel_loop3A_772 = tpu.memref_slice %arg8[%parallel_loop3A_277, %parallel_loop3A_770, %parallel_loop3A_771] : memref<3x128x128xf32, #tpu.memory_space<vmem>> -> memref<1x128x128xf32, #tpu.memory_space<vmem>>
      %parallel_loop3A_773 = tpu.memref_squeeze %parallel_loop3A_772 : memref<1x128x128xf32, #tpu.memory_space<vmem>> -> memref<128x128xf32, #tpu.memory_space<vmem>>
      %parallel_loop3A_774 = arith.index_cast %parallel_loop3A_570 : i32 to index
      %parallel_loop3A_775 = arith.constant 112 : index
      %parallel_loop3A_776 = tpu.vector_load %parallel_loop3A_773[%parallel_loop3A_774, %parallel_loop3A_775] {strides = array<i32>} : memref<128x128xf32, #tpu.memory_space<vmem>>, vector<1x16xf32>,
      %parallel_loop3A_777 = vector.shape_cast %parallel_loop3A_776 : vector<1x16xf32> to vector<16xf32>
      %parallel_loop3A_778 = vector.shape_cast %parallel_loop3A_769 : vector<16xf32> to vector<1x16xf32>
      tpu.vector_store %parallel_loop3A_773[%parallel_loop3A_774, %parallel_loop3A_775], %parallel_loop3A_778 {strides = array<i32>} : memref<128x128xf32, #tpu.memory_space<vmem>>, vector<1x16xf32>,
    } {sc.loop_unroll_factor = 1 : i64, sc.parallel_access}
    %add3A_279 = arith.constant 128 : i32
    %add3A_280 = arith.addi %mul3A_2, %add3A_279 : i32
    %add3A_281 = arith.constant 64 : i32
    %add3A_282 = arith.addi %add3A_280, %add3A_281 : i32
    %dma_start3A_283 = arith.constant 1 : i32
    %dma_start3A_284 = arith.constant 0 : i32
    %dma_start3A_285 = arith.constant 0 : i32
    %dma_start3A_286 = tpu.memref_slice %arg8[%dma_start3A_283, %dma_start3A_284, %dma_start3A_285] : memref<3x128x128xf32, #tpu.memory_space<vmem>> -> memref<1x128x128xf32, #tpu.memory_space<vmem>>
    %dma_start3A_287 = tpu.memref_squeeze %dma_start3A_286 : memref<1x128x128xf32, #tpu.memory_space<vmem>> -> memref<128x128xf32, #tpu.memory_space<vmem>>
    %dma_start3A_288 = arith.constant 64 : i32
    %dma_start3A_289 = arith.constant 0 : i32
    %dma_start3A_290 = tpu.memref_slice %dma_start3A_287[%dma_start3A_288, %dma_start3A_289] : memref<128x128xf32, #tpu.memory_space<vmem>> -> memref<64x128xf32, #tpu.memory_space<vmem>>
    %dma_start3A_291 = arith.constant 0 : i32
    %dma_start3A_292 = tpu.memref_slice %arg5[%add3A_282, %dma_start3A_291] : memref<16384x128xf32, #tpu.memory_space<hbm>> -> memref<64x128xf32, #tpu.memory_space<hbm>>
    %dma_start3A_293 = arith.constant 0 : i32
    %dma_start3A_294 = tpu.memref_slice %arg5[%add3A_282, %dma_start3A_293] : memref<16384x128xf32, #tpu.memory_space<hbm>> -> memref<64x128xf32, #tpu.memory_space<hbm>>
    %dma_start3A_295 = arith.constant 0 : i32
    %dma_start3A_296 = arith.constant 0 : i32
    %dma_start3A_297 = tpu.memref_slice %arg8[%dma_start3A_283, %dma_start3A_295, %dma_start3A_296] : memref<3x128x128xf32, #tpu.memory_space<vmem>> -> memref<1x128x128xf32, #tpu.memory_space<vmem>>
    %dma_start3A_298 = tpu.memref_squeeze %dma_start3A_297 : memref<1x128x128xf32, #tpu.memory_space<vmem>> -> memref<128x128xf32, #tpu.memory_space<vmem>>
    %dma_start3A_299 = arith.constant 64 : i32
    %dma_start3A_300 = arith.constant 0 : i32
    %dma_start3A_301 = tpu.memref_slice %dma_start3A_298[%dma_start3A_299, %dma_start3A_300] : memref<128x128xf32, #tpu.memory_space<vmem>> -> memref<64x128xf32, #tpu.memory_space<vmem>>
    tpu.enqueue_dma source(%dma_start3A_301 : memref<64x128xf32, #tpu.memory_space<vmem>>) target(%dma_start3A_294 : memref<64x128xf32, #tpu.memory_space<hbm>>) target_semaphore(%arg17 : memref<!tpu.dma_semaphore, #tpu.memory_space<semaphore_mem>>)
    %dma_wait3A_302 = arith.constant 2 : i32
    %dma_wait3A_303 = arith.constant 0 : i32
    %dma_wait3A_304 = arith.constant 0 : i32
    %dma_wait3A_305 = tpu.memref_slice %arg8[%dma_wait3A_302, %dma_wait3A_303, %dma_wait3A_304] : memref<3x128x128xf32, #tpu.memory_space<vmem>> -> memref<1x128x128xf32, #tpu.memory_space<vmem>>
    %dma_wait3A_306 = tpu.memref_squeeze %dma_wait3A_305 : memref<1x128x128xf32, #tpu.memory_space<vmem>> -> memref<128x128xf32, #tpu.memory_space<vmem>>
    %dma_wait3A_307 = arith.constant 256 : i32
    %dma_wait3A_308 = tpu.memref_slice %arg7[%dma_wait3A_307] : memref<512xi32, #tpu.memory_space<vmem>> -> memref<128xi32, #tpu.memory_space<vmem>>
    %dma_wait3A_309 = arith.constant 0 : i32
    %dma_wait3A_310 = arith.constant 0 : i32
    %dma_wait3A_311 = tpu.memref_slice %arg6[%dma_wait3A_309, %dma_wait3A_310] : memref<1000x128xf32, #tpu.memory_space<vmem_shared>> -> memref<1000x128xf32, #tpu.memory_space<vmem_shared>>
    tpu.wait_indirect_dma semaphore(%arg12 : memref<!tpu.dma_semaphore, #tpu.memory_space<semaphore_mem>>) src(%dma_wait3A_311 : memref<1000x128xf32, #tpu.memory_space<vmem_shared>>) dst(%dma_wait3A_306 : memref<128x128xf32, #tpu.memory_space<vmem>>)
    %dma_wait3A_312 = arith.constant 2 : i32
    %dma_wait3A_313 = arith.constant 0 : i32
    %dma_wait3A_314 = arith.constant 0 : i32
    %dma_wait3A_315 = tpu.memref_slice %arg9[%dma_wait3A_312, %dma_wait3A_313, %dma_wait3A_314] : memref<3x128x128xf32, #tpu.memory_space<vmem>> -> memref<1x128x128xf32, #tpu.memory_space<vmem>>
    %dma_wait3A_316 = tpu.memref_squeeze %dma_wait3A_315 : memref<1x128x128xf32, #tpu.memory_space<vmem>> -> memref<128x128xf32, #tpu.memory_space<vmem>>
    %dma_wait3A_317 = arith.constant 0 : i32
    %dma_wait3A_318 = tpu.memref_slice %arg2[%add3A_95, %dma_wait3A_317] : memref<16384x128xf32, #tpu.memory_space<hbm>> -> memref<128x128xf32, #tpu.memory_space<hbm>>
    %dma_wait3A_319 = arith.constant 0 : i32
    %dma_wait3A_320 = arith.constant 0 : i32
    %dma_wait3A_321 = tpu.memref_slice %arg9[%dma_wait3A_312, %dma_wait3A_319, %dma_wait3A_320] : memref<3x128x128xf32, #tpu.memory_space<vmem>> -> memref<1x128x128xf32, #tpu.memory_space<vmem>>
    %dma_wait3A_322 = tpu.memref_squeeze %dma_wait3A_321 : memref<1x128x128xf32, #tpu.memory_space<vmem>> -> memref<128x128xf32, #tpu.memory_space<vmem>>
    %dma_wait3A_323 = arith.constant 0 : i32
    %dma_wait3A_324 = tpu.memref_slice %arg2[%add3A_95, %dma_wait3A_323] : memref<16384x128xf32, #tpu.memory_space<hbm>> -> memref<128x128xf32, #tpu.memory_space<hbm>>
    tpu.wait_dma2 semaphore(%arg15 : memref<!tpu.dma_semaphore, #tpu.memory_space<semaphore_mem>>) src(%dma_wait3A_324 : memref<128x128xf32, #tpu.memory_space<hbm>>) dst(%dma_wait3A_322 : memref<128x128xf32, #tpu.memory_space<vmem>>)
    %parallel_loop3A_325 = arith.constant 0 : i32
    %parallel_loop3A_326 = arith.constant 64 : i32
    %parallel_loop3A_327 = arith.constant 1 : i32
    %parallel_loop3A_328 = arith.constant 2 : i32
    %parallel_loop3A_329 = arith.constant 2 : i32
    scf.for %parallel_loop3A_570 = %parallel_loop3A_325 to %parallel_loop3A_326 step %parallel_loop3A_327  : i32 {
      %parallel_loop3A_571 = arith.constant 0 : i32
      %parallel_loop3A_572 = arith.constant 0 : i32
      %parallel_loop3A_573 = tpu.memref_slice %arg8[%parallel_loop3A_328, %parallel_loop3A_571, %parallel_loop3A_572] : memref<3x128x128xf32, #tpu.memory_space<vmem>> -> memref<1x128x128xf32, #tpu.memory_space<vmem>>
      %parallel_loop3A_574 = tpu.memref_squeeze %parallel_loop3A_573 : memref<1x128x128xf32, #tpu.memory_space<vmem>> -> memref<128x128xf32, #tpu.memory_space<vmem>>
      %parallel_loop3A_575 = arith.index_cast %parallel_loop3A_570 : i32 to index
      %parallel_loop3A_576 = arith.constant 0 : index
      %parallel_loop3A_577 = tpu.vector_load %parallel_loop3A_574[%parallel_loop3A_575, %parallel_loop3A_576] {strides = array<i32>} : memref<128x128xf32, #tpu.memory_space<vmem>>, vector<1x16xf32>,
      %parallel_loop3A_578 = vector.shape_cast %parallel_loop3A_577 : vector<1x16xf32> to vector<16xf32>
      %parallel_loop3A_579 = arith.constant 0 : i32
      %parallel_loop3A_580 = arith.constant 0 : i32
      %parallel_loop3A_581 = tpu.memref_slice %arg9[%parallel_loop3A_329, %parallel_loop3A_579, %parallel_loop3A_580] : memref<3x128x128xf32, #tpu.memory_space<vmem>> -> memref<1x128x128xf32, #tpu.memory_space<vmem>>
      %parallel_loop3A_582 = tpu.memref_squeeze %parallel_loop3A_581 : memref<1x128x128xf32, #tpu.memory_space<vmem>> -> memref<128x128xf32, #tpu.memory_space<vmem>>
      %parallel_loop3A_583 = arith.index_cast %parallel_loop3A_570 : i32 to index
      %parallel_loop3A_584 = arith.constant 0 : index
      %parallel_loop3A_585 = tpu.vector_load %parallel_loop3A_582[%parallel_loop3A_583, %parallel_loop3A_584] {strides = array<i32>} : memref<128x128xf32, #tpu.memory_space<vmem>>, vector<1x16xf32>,
      %parallel_loop3A_586 = vector.shape_cast %parallel_loop3A_585 : vector<1x16xf32> to vector<16xf32>
      %parallel_loop3A_587 = arith.mulf %parallel_loop3A_578, %parallel_loop3A_586 : vector<16xf32>
      %parallel_loop3A_588 = arith.constant 0 : i32
      %parallel_loop3A_589 = arith.constant 0 : i32
      %parallel_loop3A_590 = tpu.memref_slice %arg8[%parallel_loop3A_328, %parallel_loop3A_588, %parallel_loop3A_589] : memref<3x128x128xf32, #tpu.memory_space<vmem>> -> memref<1x128x128xf32, #tpu.memory_space<vmem>>
      %parallel_loop3A_591 = tpu.memref_squeeze %parallel_loop3A_590 : memref<1x128x128xf32, #tpu.memory_space<vmem>> -> memref<128x128xf32, #tpu.memory_space<vmem>>
      %parallel_loop3A_592 = arith.index_cast %parallel_loop3A_570 : i32 to index
      %parallel_loop3A_593 = arith.constant 0 : index
      %parallel_loop3A_594 = tpu.vector_load %parallel_loop3A_591[%parallel_loop3A_592, %parallel_loop3A_593] {strides = array<i32>} : memref<128x128xf32, #tpu.memory_space<vmem>>, vector<1x16xf32>,
      %parallel_loop3A_595 = vector.shape_cast %parallel_loop3A_594 : vector<1x16xf32> to vector<16xf32>
      %parallel_loop3A_596 = vector.shape_cast %parallel_loop3A_587 : vector<16xf32> to vector<1x16xf32>
      tpu.vector_store %parallel_loop3A_591[%parallel_loop3A_592, %parallel_loop3A_593], %parallel_loop3A_596 {strides = array<i32>} : memref<128x128xf32, #tpu.memory_space<vmem>>, vector<1x16xf32>,
      %parallel_loop3A_597 = arith.constant 0 : i32
      %parallel_loop3A_598 = arith.constant 0 : i32
      %parallel_loop3A_599 = tpu.memref_slice %arg8[%parallel_loop3A_328, %parallel_loop3A_597, %parallel_loop3A_598] : memref<3x128x128xf32, #tpu.memory_space<vmem>> -> memref<1x128x128xf32, #tpu.memory_space<vmem>>
      %parallel_loop3A_600 = tpu.memref_squeeze %parallel_loop3A_599 : memref<1x128x128xf32, #tpu.memory_space<vmem>> -> memref<128x128xf32, #tpu.memory_space<vmem>>
      %parallel_loop3A_601 = arith.index_cast %parallel_loop3A_570 : i32 to index
      %parallel_loop3A_602 = arith.constant 16 : index
      %parallel_loop3A_603 = tpu.vector_load %parallel_loop3A_600[%parallel_loop3A_601, %parallel_loop3A_602] {strides = array<i32>} : memref<128x128xf32, #tpu.memory_space<vmem>>, vector<1x16xf32>,
      %parallel_loop3A_604 = vector.shape_cast %parallel_loop3A_603 : vector<1x16xf32> to vector<16xf32>
      %parallel_loop3A_605 = arith.constant 0 : i32
      %parallel_loop3A_606 = arith.constant 0 : i32
      %parallel_loop3A_607 = tpu.memref_slice %arg9[%parallel_loop3A_329, %parallel_loop3A_605, %parallel_loop3A_606] : memref<3x128x128xf32, #tpu.memory_space<vmem>> -> memref<1x128x128xf32, #tpu.memory_space<vmem>>
      %parallel_loop3A_608 = tpu.memref_squeeze %parallel_loop3A_607 : memref<1x128x128xf32, #tpu.memory_space<vmem>> -> memref<128x128xf32, #tpu.memory_space<vmem>>
      %parallel_loop3A_609 = arith.index_cast %parallel_loop3A_570 : i32 to index
      %parallel_loop3A_610 = arith.constant 16 : index
      %parallel_loop3A_611 = tpu.vector_load %parallel_loop3A_608[%parallel_loop3A_609, %parallel_loop3A_610] {strides = array<i32>} : memref<128x128xf32, #tpu.memory_space<vmem>>, vector<1x16xf32>,
      %parallel_loop3A_612 = vector.shape_cast %parallel_loop3A_611 : vector<1x16xf32> to vector<16xf32>
      %parallel_loop3A_613 = arith.mulf %parallel_loop3A_604, %parallel_loop3A_612 : vector<16xf32>
      %parallel_loop3A_614 = arith.constant 0 : i32
      %parallel_loop3A_615 = arith.constant 0 : i32
      %parallel_loop3A_616 = tpu.memref_slice %arg8[%parallel_loop3A_328, %parallel_loop3A_614, %parallel_loop3A_615] : memref<3x128x128xf32, #tpu.memory_space<vmem>> -> memref<1x128x128xf32, #tpu.memory_space<vmem>>
      %parallel_loop3A_617 = tpu.memref_squeeze %parallel_loop3A_616 : memref<1x128x128xf32, #tpu.memory_space<vmem>> -> memref<128x128xf32, #tpu.memory_space<vmem>>
      %parallel_loop3A_618 = arith.index_cast %parallel_loop3A_570 : i32 to index
      %parallel_loop3A_619 = arith.constant 16 : index
      %parallel_loop3A_620 = tpu.vector_load %parallel_loop3A_617[%parallel_loop3A_618, %parallel_loop3A_619] {strides = array<i32>} : memref<128x128xf32, #tpu.memory_space<vmem>>, vector<1x16xf32>,
      %parallel_loop3A_621 = vector.shape_cast %parallel_loop3A_620 : vector<1x16xf32> to vector<16xf32>
      %parallel_loop3A_622 = vector.shape_cast %parallel_loop3A_613 : vector<16xf32> to vector<1x16xf32>
      tpu.vector_store %parallel_loop3A_617[%parallel_loop3A_618, %parallel_loop3A_619], %parallel_loop3A_622 {strides = array<i32>} : memref<128x128xf32, #tpu.memory_space<vmem>>, vector<1x16xf32>,
      %parallel_loop3A_623 = arith.constant 0 : i32
      %parallel_loop3A_624 = arith.constant 0 : i32
      %parallel_loop3A_625 = tpu.memref_slice %arg8[%parallel_loop3A_328, %parallel_loop3A_623, %parallel_loop3A_624] : memref<3x128x128xf32, #tpu.memory_space<vmem>> -> memref<1x128x128xf32, #tpu.memory_space<vmem>>
      %parallel_loop3A_626 = tpu.memref_squeeze %parallel_loop3A_625 : memref<1x128x128xf32, #tpu.memory_space<vmem>> -> memref<128x128xf32, #tpu.memory_space<vmem>>
      %parallel_loop3A_627 = arith.index_cast %parallel_loop3A_570 : i32 to index
      %parallel_loop3A_628 = arith.constant 32 : index
      %parallel_loop3A_629 = tpu.vector_load %parallel_loop3A_626[%parallel_loop3A_627, %parallel_loop3A_628] {strides = array<i32>} : memref<128x128xf32, #tpu.memory_space<vmem>>, vector<1x16xf32>,
      %parallel_loop3A_630 = vector.shape_cast %parallel_loop3A_629 : vector<1x16xf32> to vector<16xf32>
      %parallel_loop3A_631 = arith.constant 0 : i32
      %parallel_loop3A_632 = arith.constant 0 : i32
      %parallel_loop3A_633 = tpu.memref_slice %arg9[%parallel_loop3A_329, %parallel_loop3A_631, %parallel_loop3A_632] : memref<3x128x128xf32, #tpu.memory_space<vmem>> -> memref<1x128x128xf32, #tpu.memory_space<vmem>>
      %parallel_loop3A_634 = tpu.memref_squeeze %parallel_loop3A_633 : memref<1x128x128xf32, #tpu.memory_space<vmem>> -> memref<128x128xf32, #tpu.memory_space<vmem>>
      %parallel_loop3A_635 = arith.index_cast %parallel_loop3A_570 : i32 to index
      %parallel_loop3A_636 = arith.constant 32 : index
      %parallel_loop3A_637 = tpu.vector_load %parallel_loop3A_634[%parallel_loop3A_635, %parallel_loop3A_636] {strides = array<i32>} : memref<128x128xf32, #tpu.memory_space<vmem>>, vector<1x16xf32>,
      %parallel_loop3A_638 = vector.shape_cast %parallel_loop3A_637 : vector<1x16xf32> to vector<16xf32>
      %parallel_loop3A_639 = arith.mulf %parallel_loop3A_630, %parallel_loop3A_638 : vector<16xf32>
      %parallel_loop3A_640 = arith.constant 0 : i32
      %parallel_loop3A_641 = arith.constant 0 : i32
      %parallel_loop3A_642 = tpu.memref_slice %arg8[%parallel_loop3A_328, %parallel_loop3A_640, %parallel_loop3A_641] : memref<3x128x128xf32, #tpu.memory_space<vmem>> -> memref<1x128x128xf32, #tpu.memory_space<vmem>>
      %parallel_loop3A_643 = tpu.memref_squeeze %parallel_loop3A_642 : memref<1x128x128xf32, #tpu.memory_space<vmem>> -> memref<128x128xf32, #tpu.memory_space<vmem>>
      %parallel_loop3A_644 = arith.index_cast %parallel_loop3A_570 : i32 to index
      %parallel_loop3A_645 = arith.constant 32 : index
      %parallel_loop3A_646 = tpu.vector_load %parallel_loop3A_643[%parallel_loop3A_644, %parallel_loop3A_645] {strides = array<i32>} : memref<128x128xf32, #tpu.memory_space<vmem>>, vector<1x16xf32>,
      %parallel_loop3A_647 = vector.shape_cast %parallel_loop3A_646 : vector<1x16xf32> to vector<16xf32>
      %parallel_loop3A_648 = vector.shape_cast %parallel_loop3A_639 : vector<16xf32> to vector<1x16xf32>
      tpu.vector_store %parallel_loop3A_643[%parallel_loop3A_644, %parallel_loop3A_645], %parallel_loop3A_648 {strides = array<i32>} : memref<128x128xf32, #tpu.memory_space<vmem>>, vector<1x16xf32>,
      %parallel_loop3A_649 = arith.constant 0 : i32
      %parallel_loop3A_650 = arith.constant 0 : i32
      %parallel_loop3A_651 = tpu.memref_slice %arg8[%parallel_loop3A_328, %parallel_loop3A_649, %parallel_loop3A_650] : memref<3x128x128xf32, #tpu.memory_space<vmem>> -> memref<1x128x128xf32, #tpu.memory_space<vmem>>
      %parallel_loop3A_652 = tpu.memref_squeeze %parallel_loop3A_651 : memref<1x128x128xf32, #tpu.memory_space<vmem>> -> memref<128x128xf32, #tpu.memory_space<vmem>>
      %parallel_loop3A_653 = arith.index_cast %parallel_loop3A_570 : i32 to index
      %parallel_loop3A_654 = arith.constant 48 : index
      %parallel_loop3A_655 = tpu.vector_load %parallel_loop3A_652[%parallel_loop3A_653, %parallel_loop3A_654] {strides = array<i32>} : memref<128x128xf32, #tpu.memory_space<vmem>>, vector<1x16xf32>,
      %parallel_loop3A_656 = vector.shape_cast %parallel_loop3A_655 : vector<1x16xf32> to vector<16xf32>
      %parallel_loop3A_657 = arith.constant 0 : i32
      %parallel_loop3A_658 = arith.constant 0 : i32
      %parallel_loop3A_659 = tpu.memref_slice %arg9[%parallel_loop3A_329, %parallel_loop3A_657, %parallel_loop3A_658] : memref<3x128x128xf32, #tpu.memory_space<vmem>> -> memref<1x128x128xf32, #tpu.memory_space<vmem>>
      %parallel_loop3A_660 = tpu.memref_squeeze %parallel_loop3A_659 : memref<1x128x128xf32, #tpu.memory_space<vmem>> -> memref<128x128xf32, #tpu.memory_space<vmem>>
      %parallel_loop3A_661 = arith.index_cast %parallel_loop3A_570 : i32 to index
      %parallel_loop3A_662 = arith.constant 48 : index
      %parallel_loop3A_663 = tpu.vector_load %parallel_loop3A_660[%parallel_loop3A_661, %parallel_loop3A_662] {strides = array<i32>} : memref<128x128xf32, #tpu.memory_space<vmem>>, vector<1x16xf32>,
      %parallel_loop3A_664 = vector.shape_cast %parallel_loop3A_663 : vector<1x16xf32> to vector<16xf32>
      %parallel_loop3A_665 = arith.mulf %parallel_loop3A_656, %parallel_loop3A_664 : vector<16xf32>
      %parallel_loop3A_666 = arith.constant 0 : i32
      %parallel_loop3A_667 = arith.constant 0 : i32
      %parallel_loop3A_668 = tpu.memref_slice %arg8[%parallel_loop3A_328, %parallel_loop3A_666, %parallel_loop3A_667] : memref<3x128x128xf32, #tpu.memory_space<vmem>> -> memref<1x128x128xf32, #tpu.memory_space<vmem>>
      %parallel_loop3A_669 = tpu.memref_squeeze %parallel_loop3A_668 : memref<1x128x128xf32, #tpu.memory_space<vmem>> -> memref<128x128xf32, #tpu.memory_space<vmem>>
      %parallel_loop3A_670 = arith.index_cast %parallel_loop3A_570 : i32 to index
      %parallel_loop3A_671 = arith.constant 48 : index
      %parallel_loop3A_672 = tpu.vector_load %parallel_loop3A_669[%parallel_loop3A_670, %parallel_loop3A_671] {strides = array<i32>} : memref<128x128xf32, #tpu.memory_space<vmem>>, vector<1x16xf32>,
      %parallel_loop3A_673 = vector.shape_cast %parallel_loop3A_672 : vector<1x16xf32> to vector<16xf32>
      %parallel_loop3A_674 = vector.shape_cast %parallel_loop3A_665 : vector<16xf32> to vector<1x16xf32>
      tpu.vector_store %parallel_loop3A_669[%parallel_loop3A_670, %parallel_loop3A_671], %parallel_loop3A_674 {strides = array<i32>} : memref<128x128xf32, #tpu.memory_space<vmem>>, vector<1x16xf32>,
      %parallel_loop3A_675 = arith.constant 0 : i32
      %parallel_loop3A_676 = arith.constant 0 : i32
      %parallel_loop3A_677 = tpu.memref_slice %arg8[%parallel_loop3A_328, %parallel_loop3A_675, %parallel_loop3A_676] : memref<3x128x128xf32, #tpu.memory_space<vmem>> -> memref<1x128x128xf32, #tpu.memory_space<vmem>>
      %parallel_loop3A_678 = tpu.memref_squeeze %parallel_loop3A_677 : memref<1x128x128xf32, #tpu.memory_space<vmem>> -> memref<128x128xf32, #tpu.memory_space<vmem>>
      %parallel_loop3A_679 = arith.index_cast %parallel_loop3A_570 : i32 to index
      %parallel_loop3A_680 = arith.constant 64 : index
      %parallel_loop3A_681 = tpu.vector_load %parallel_loop3A_678[%parallel_loop3A_679, %parallel_loop3A_680] {strides = array<i32>} : memref<128x128xf32, #tpu.memory_space<vmem>>, vector<1x16xf32>,
      %parallel_loop3A_682 = vector.shape_cast %parallel_loop3A_681 : vector<1x16xf32> to vector<16xf32>
      %parallel_loop3A_683 = arith.constant 0 : i32
      %parallel_loop3A_684 = arith.constant 0 : i32
      %parallel_loop3A_685 = tpu.memref_slice %arg9[%parallel_loop3A_329, %parallel_loop3A_683, %parallel_loop3A_684] : memref<3x128x128xf32, #tpu.memory_space<vmem>> -> memref<1x128x128xf32, #tpu.memory_space<vmem>>
      %parallel_loop3A_686 = tpu.memref_squeeze %parallel_loop3A_685 : memref<1x128x128xf32, #tpu.memory_space<vmem>> -> memref<128x128xf32, #tpu.memory_space<vmem>>
      %parallel_loop3A_687 = arith.index_cast %parallel_loop3A_570 : i32 to index
      %parallel_loop3A_688 = arith.constant 64 : index
      %parallel_loop3A_689 = tpu.vector_load %parallel_loop3A_686[%parallel_loop3A_687, %parallel_loop3A_688] {strides = array<i32>} : memref<128x128xf32, #tpu.memory_space<vmem>>, vector<1x16xf32>,
      %parallel_loop3A_690 = vector.shape_cast %parallel_loop3A_689 : vector<1x16xf32> to vector<16xf32>
      %parallel_loop3A_691 = arith.mulf %parallel_loop3A_682, %parallel_loop3A_690 : vector<16xf32>
      %parallel_loop3A_692 = arith.constant 0 : i32
      %parallel_loop3A_693 = arith.constant 0 : i32
      %parallel_loop3A_694 = tpu.memref_slice %arg8[%parallel_loop3A_328, %parallel_loop3A_692, %parallel_loop3A_693] : memref<3x128x128xf32, #tpu.memory_space<vmem>> -> memref<1x128x128xf32, #tpu.memory_space<vmem>>
      %parallel_loop3A_695 = tpu.memref_squeeze %parallel_loop3A_694 : memref<1x128x128xf32, #tpu.memory_space<vmem>> -> memref<128x128xf32, #tpu.memory_space<vmem>>
      %parallel_loop3A_696 = arith.index_cast %parallel_loop3A_570 : i32 to index
      %parallel_loop3A_697 = arith.constant 64 : index
      %parallel_loop3A_698 = tpu.vector_load %parallel_loop3A_695[%parallel_loop3A_696, %parallel_loop3A_697] {strides = array<i32>} : memref<128x128xf32, #tpu.memory_space<vmem>>, vector<1x16xf32>,
      %parallel_loop3A_699 = vector.shape_cast %parallel_loop3A_698 : vector<1x16xf32> to vector<16xf32>
      %parallel_loop3A_700 = vector.shape_cast %parallel_loop3A_691 : vector<16xf32> to vector<1x16xf32>
      tpu.vector_store %parallel_loop3A_695[%parallel_loop3A_696, %parallel_loop3A_697], %parallel_loop3A_700 {strides = array<i32>} : memref<128x128xf32, #tpu.memory_space<vmem>>, vector<1x16xf32>,
      %parallel_loop3A_701 = arith.constant 0 : i32
      %parallel_loop3A_702 = arith.constant 0 : i32
      %parallel_loop3A_703 = tpu.memref_slice %arg8[%parallel_loop3A_328, %parallel_loop3A_701, %parallel_loop3A_702] : memref<3x128x128xf32, #tpu.memory_space<vmem>> -> memref<1x128x128xf32, #tpu.memory_space<vmem>>
      %parallel_loop3A_704 = tpu.memref_squeeze %parallel_loop3A_703 : memref<1x128x128xf32, #tpu.memory_space<vmem>> -> memref<128x128xf32, #tpu.memory_space<vmem>>
      %parallel_loop3A_705 = arith.index_cast %parallel_loop3A_570 : i32 to index
      %parallel_loop3A_706 = arith.constant 80 : index
      %parallel_loop3A_707 = tpu.vector_load %parallel_loop3A_704[%parallel_loop3A_705, %parallel_loop3A_706] {strides = array<i32>} : memref<128x128xf32, #tpu.memory_space<vmem>>, vector<1x16xf32>,
      %parallel_loop3A_708 = vector.shape_cast %parallel_loop3A_707 : vector<1x16xf32> to vector<16xf32>
      %parallel_loop3A_709 = arith.constant 0 : i32
      %parallel_loop3A_710 = arith.constant 0 : i32
      %parallel_loop3A_711 = tpu.memref_slice %arg9[%parallel_loop3A_329, %parallel_loop3A_709, %parallel_loop3A_710] : memref<3x128x128xf32, #tpu.memory_space<vmem>> -> memref<1x128x128xf32, #tpu.memory_space<vmem>>
      %parallel_loop3A_712 = tpu.memref_squeeze %parallel_loop3A_711 : memref<1x128x128xf32, #tpu.memory_space<vmem>> -> memref<128x128xf32, #tpu.memory_space<vmem>>
      %parallel_loop3A_713 = arith.index_cast %parallel_loop3A_570 : i32 to index
      %parallel_loop3A_714 = arith.constant 80 : index
      %parallel_loop3A_715 = tpu.vector_load %parallel_loop3A_712[%parallel_loop3A_713, %parallel_loop3A_714] {strides = array<i32>} : memref<128x128xf32, #tpu.memory_space<vmem>>, vector<1x16xf32>,
      %parallel_loop3A_716 = vector.shape_cast %parallel_loop3A_715 : vector<1x16xf32> to vector<16xf32>
      %parallel_loop3A_717 = arith.mulf %parallel_loop3A_708, %parallel_loop3A_716 : vector<16xf32>
      %parallel_loop3A_718 = arith.constant 0 : i32
      %parallel_loop3A_719 = arith.constant 0 : i32
      %parallel_loop3A_720 = tpu.memref_slice %arg8[%parallel_loop3A_328, %parallel_loop3A_718, %parallel_loop3A_719] : memref<3x128x128xf32, #tpu.memory_space<vmem>> -> memref<1x128x128xf32, #tpu.memory_space<vmem>>
      %parallel_loop3A_721 = tpu.memref_squeeze %parallel_loop3A_720 : memref<1x128x128xf32, #tpu.memory_space<vmem>> -> memref<128x128xf32, #tpu.memory_space<vmem>>
      %parallel_loop3A_722 = arith.index_cast %parallel_loop3A_570 : i32 to index
      %parallel_loop3A_723 = arith.constant 80 : index
      %parallel_loop3A_724 = tpu.vector_load %parallel_loop3A_721[%parallel_loop3A_722, %parallel_loop3A_723] {strides = array<i32>} : memref<128x128xf32, #tpu.memory_space<vmem>>, vector<1x16xf32>,
      %parallel_loop3A_725 = vector.shape_cast %parallel_loop3A_724 : vector<1x16xf32> to vector<16xf32>
      %parallel_loop3A_726 = vector.shape_cast %parallel_loop3A_717 : vector<16xf32> to vector<1x16xf32>
      tpu.vector_store %parallel_loop3A_721[%parallel_loop3A_722, %parallel_loop3A_723], %parallel_loop3A_726 {strides = array<i32>} : memref<128x128xf32, #tpu.memory_space<vmem>>, vector<1x16xf32>,
      %parallel_loop3A_727 = arith.constant 0 : i32
      %parallel_loop3A_728 = arith.constant 0 : i32
      %parallel_loop3A_729 = tpu.memref_slice %arg8[%parallel_loop3A_328, %parallel_loop3A_727, %parallel_loop3A_728] : memref<3x128x128xf32, #tpu.memory_space<vmem>> -> memref<1x128x128xf32, #tpu.memory_space<vmem>>
      %parallel_loop3A_730 = tpu.memref_squeeze %parallel_loop3A_729 : memref<1x128x128xf32, #tpu.memory_space<vmem>> -> memref<128x128xf32, #tpu.memory_space<vmem>>
      %parallel_loop3A_731 = arith.index_cast %parallel_loop3A_570 : i32 to index
      %parallel_loop3A_732 = arith.constant 96 : index
      %parallel_loop3A_733 = tpu.vector_load %parallel_loop3A_730[%parallel_loop3A_731, %parallel_loop3A_732] {strides = array<i32>} : memref<128x128xf32, #tpu.memory_space<vmem>>, vector<1x16xf32>,
      %parallel_loop3A_734 = vector.shape_cast %parallel_loop3A_733 : vector<1x16xf32> to vector<16xf32>
      %parallel_loop3A_735 = arith.constant 0 : i32
      %parallel_loop3A_736 = arith.constant 0 : i32
      %parallel_loop3A_737 = tpu.memref_slice %arg9[%parallel_loop3A_329, %parallel_loop3A_735, %parallel_loop3A_736] : memref<3x128x128xf32, #tpu.memory_space<vmem>> -> memref<1x128x128xf32, #tpu.memory_space<vmem>>
      %parallel_loop3A_738 = tpu.memref_squeeze %parallel_loop3A_737 : memref<1x128x128xf32, #tpu.memory_space<vmem>> -> memref<128x128xf32, #tpu.memory_space<vmem>>
      %parallel_loop3A_739 = arith.index_cast %parallel_loop3A_570 : i32 to index
      %parallel_loop3A_740 = arith.constant 96 : index
      %parallel_loop3A_741 = tpu.vector_load %parallel_loop3A_738[%parallel_loop3A_739, %parallel_loop3A_740] {strides = array<i32>} : memref<128x128xf32, #tpu.memory_space<vmem>>, vector<1x16xf32>,
      %parallel_loop3A_742 = vector.shape_cast %parallel_loop3A_741 : vector<1x16xf32> to vector<16xf32>
      %parallel_loop3A_743 = arith.mulf %parallel_loop3A_734, %parallel_loop3A_742 : vector<16xf32>
      %parallel_loop3A_744 = arith.constant 0 : i32
      %parallel_loop3A_745 = arith.constant 0 : i32
      %parallel_loop3A_746 = tpu.memref_slice %arg8[%parallel_loop3A_328, %parallel_loop3A_744, %parallel_loop3A_745] : memref<3x128x128xf32, #tpu.memory_space<vmem>> -> memref<1x128x128xf32, #tpu.memory_space<vmem>>
      %parallel_loop3A_747 = tpu.memref_squeeze %parallel_loop3A_746 : memref<1x128x128xf32, #tpu.memory_space<vmem>> -> memref<128x128xf32, #tpu.memory_space<vmem>>
      %parallel_loop3A_748 = arith.index_cast %parallel_loop3A_570 : i32 to index
      %parallel_loop3A_749 = arith.constant 96 : index
      %parallel_loop3A_750 = tpu.vector_load %parallel_loop3A_747[%parallel_loop3A_748, %parallel_loop3A_749] {strides = array<i32>} : memref<128x128xf32, #tpu.memory_space<vmem>>, vector<1x16xf32>,
      %parallel_loop3A_751 = vector.shape_cast %parallel_loop3A_750 : vector<1x16xf32> to vector<16xf32>
      %parallel_loop3A_752 = vector.shape_cast %parallel_loop3A_743 : vector<16xf32> to vector<1x16xf32>
      tpu.vector_store %parallel_loop3A_747[%parallel_loop3A_748, %parallel_loop3A_749], %parallel_loop3A_752 {strides = array<i32>} : memref<128x128xf32, #tpu.memory_space<vmem>>, vector<1x16xf32>,
      %parallel_loop3A_753 = arith.constant 0 : i32
      %parallel_loop3A_754 = arith.constant 0 : i32
      %parallel_loop3A_755 = tpu.memref_slice %arg8[%parallel_loop3A_328, %parallel_loop3A_753, %parallel_loop3A_754] : memref<3x128x128xf32, #tpu.memory_space<vmem>> -> memref<1x128x128xf32, #tpu.memory_space<vmem>>
      %parallel_loop3A_756 = tpu.memref_squeeze %parallel_loop3A_755 : memref<1x128x128xf32, #tpu.memory_space<vmem>> -> memref<128x128xf32, #tpu.memory_space<vmem>>
      %parallel_loop3A_757 = arith.index_cast %parallel_loop3A_570 : i32 to index
      %parallel_loop3A_758 = arith.constant 112 : index
      %parallel_loop3A_759 = tpu.vector_load %parallel_loop3A_756[%parallel_loop3A_757, %parallel_loop3A_758] {strides = array<i32>} : memref<128x128xf32, #tpu.memory_space<vmem>>, vector<1x16xf32>,
      %parallel_loop3A_760 = vector.shape_cast %parallel_loop3A_759 : vector<1x16xf32> to vector<16xf32>
      %parallel_loop3A_761 = arith.constant 0 : i32
      %parallel_loop3A_762 = arith.constant 0 : i32
      %parallel_loop3A_763 = tpu.memref_slice %arg9[%parallel_loop3A_329, %parallel_loop3A_761, %parallel_loop3A_762] : memref<3x128x128xf32, #tpu.memory_space<vmem>> -> memref<1x128x128xf32, #tpu.memory_space<vmem>>
      %parallel_loop3A_764 = tpu.memref_squeeze %parallel_loop3A_763 : memref<1x128x128xf32, #tpu.memory_space<vmem>> -> memref<128x128xf32, #tpu.memory_space<vmem>>
      %parallel_loop3A_765 = arith.index_cast %parallel_loop3A_570 : i32 to index
      %parallel_loop3A_766 = arith.constant 112 : index
      %parallel_loop3A_767 = tpu.vector_load %parallel_loop3A_764[%parallel_loop3A_765, %parallel_loop3A_766] {strides = array<i32>} : memref<128x128xf32, #tpu.memory_space<vmem>>, vector<1x16xf32>,
      %parallel_loop3A_768 = vector.shape_cast %parallel_loop3A_767 : vector<1x16xf32> to vector<16xf32>
      %parallel_loop3A_769 = arith.mulf %parallel_loop3A_760, %parallel_loop3A_768 : vector<16xf32>
      %parallel_loop3A_770 = arith.constant 0 : i32
      %parallel_loop3A_771 = arith.constant 0 : i32
      %parallel_loop3A_772 = tpu.memref_slice %arg8[%parallel_loop3A_328, %parallel_loop3A_770, %parallel_loop3A_771] : memref<3x128x128xf32, #tpu.memory_space<vmem>> -> memref<1x128x128xf32, #tpu.memory_space<vmem>>
      %parallel_loop3A_773 = tpu.memref_squeeze %parallel_loop3A_772 : memref<1x128x128xf32, #tpu.memory_space<vmem>> -> memref<128x128xf32, #tpu.memory_space<vmem>>
      %parallel_loop3A_774 = arith.index_cast %parallel_loop3A_570 : i32 to index
      %parallel_loop3A_775 = arith.constant 112 : index
      %parallel_loop3A_776 = tpu.vector_load %parallel_loop3A_773[%parallel_loop3A_774, %parallel_loop3A_775] {strides = array<i32>} : memref<128x128xf32, #tpu.memory_space<vmem>>, vector<1x16xf32>,
      %parallel_loop3A_777 = vector.shape_cast %parallel_loop3A_776 : vector<1x16xf32> to vector<16xf32>
      %parallel_loop3A_778 = vector.shape_cast %parallel_loop3A_769 : vector<16xf32> to vector<1x16xf32>
      tpu.vector_store %parallel_loop3A_773[%parallel_loop3A_774, %parallel_loop3A_775], %parallel_loop3A_778 {strides = array<i32>} : memref<128x128xf32, #tpu.memory_space<vmem>>, vector<1x16xf32>,
    } {sc.loop_unroll_factor = 1 : i64, sc.parallel_access}
    %add3A_330 = arith.constant 256 : i32
    %add3A_331 = arith.addi %mul3A_2, %add3A_330 : i32
    %dma_start3A_332 = arith.constant 2 : i32
    %dma_start3A_333 = arith.constant 0 : i32
    %dma_start3A_334 = arith.constant 0 : i32
    %dma_start3A_335 = tpu.memref_slice %arg8[%dma_start3A_332, %dma_start3A_333, %dma_start3A_334] : memref<3x128x128xf32, #tpu.memory_space<vmem>> -> memref<1x128x128xf32, #tpu.memory_space<vmem>>
    %dma_start3A_336 = tpu.memref_squeeze %dma_start3A_335 : memref<1x128x128xf32, #tpu.memory_space<vmem>> -> memref<128x128xf32, #tpu.memory_space<vmem>>
    %dma_start3A_337 = arith.constant 0 : i32
    %dma_start3A_338 = arith.constant 0 : i32
    %dma_start3A_339 = tpu.memref_slice %dma_start3A_336[%dma_start3A_337, %dma_start3A_338] : memref<128x128xf32, #tpu.memory_space<vmem>> -> memref<64x128xf32, #tpu.memory_space<vmem>>
    %dma_start3A_340 = arith.constant 0 : i32
    %dma_start3A_341 = tpu.memref_slice %arg5[%add3A_331, %dma_start3A_340] : memref<16384x128xf32, #tpu.memory_space<hbm>> -> memref<64x128xf32, #tpu.memory_space<hbm>>
    %dma_start3A_342 = arith.constant 0 : i32
    %dma_start3A_343 = tpu.memref_slice %arg5[%add3A_331, %dma_start3A_342] : memref<16384x128xf32, #tpu.memory_space<hbm>> -> memref<64x128xf32, #tpu.memory_space<hbm>>
    %dma_start3A_344 = arith.constant 0 : i32
    %dma_start3A_345 = arith.constant 0 : i32
    %dma_start3A_346 = tpu.memref_slice %arg8[%dma_start3A_332, %dma_start3A_344, %dma_start3A_345] : memref<3x128x128xf32, #tpu.memory_space<vmem>> -> memref<1x128x128xf32, #tpu.memory_space<vmem>>
    %dma_start3A_347 = tpu.memref_squeeze %dma_start3A_346 : memref<1x128x128xf32, #tpu.memory_space<vmem>> -> memref<128x128xf32, #tpu.memory_space<vmem>>
    %dma_start3A_348 = arith.constant 0 : i32
    %dma_start3A_349 = arith.constant 0 : i32
    %dma_start3A_350 = tpu.memref_slice %dma_start3A_347[%dma_start3A_348, %dma_start3A_349] : memref<128x128xf32, #tpu.memory_space<vmem>> -> memref<64x128xf32, #tpu.memory_space<vmem>>
    tpu.enqueue_dma source(%dma_start3A_350 : memref<64x128xf32, #tpu.memory_space<vmem>>) target(%dma_start3A_343 : memref<64x128xf32, #tpu.memory_space<hbm>>) target_semaphore(%arg18 : memref<!tpu.dma_semaphore, #tpu.memory_space<semaphore_mem>>)
    %parallel_loop3A_351 = arith.constant 64 : i32
    %parallel_loop3A_352 = arith.constant 128 : i32
    %parallel_loop3A_353 = arith.constant 1 : i32
    %parallel_loop3A_354 = arith.constant 2 : i32
    %parallel_loop3A_355 = arith.constant 2 : i32
    scf.for %parallel_loop3A_570 = %parallel_loop3A_351 to %parallel_loop3A_352 step %parallel_loop3A_353  : i32 {
      %parallel_loop3A_571 = arith.constant 0 : i32
      %parallel_loop3A_572 = arith.constant 0 : i32
      %parallel_loop3A_573 = tpu.memref_slice %arg8[%parallel_loop3A_354, %parallel_loop3A_571, %parallel_loop3A_572] : memref<3x128x128xf32, #tpu.memory_space<vmem>> -> memref<1x128x128xf32, #tpu.memory_space<vmem>>
      %parallel_loop3A_574 = tpu.memref_squeeze %parallel_loop3A_573 : memref<1x128x128xf32, #tpu.memory_space<vmem>> -> memref<128x128xf32, #tpu.memory_space<vmem>>
      %parallel_loop3A_575 = arith.index_cast %parallel_loop3A_570 : i32 to index
      %parallel_loop3A_576 = arith.constant 0 : index
      %parallel_loop3A_577 = tpu.vector_load %parallel_loop3A_574[%parallel_loop3A_575, %parallel_loop3A_576] {strides = array<i32>} : memref<128x128xf32, #tpu.memory_space<vmem>>, vector<1x16xf32>,
      %parallel_loop3A_578 = vector.shape_cast %parallel_loop3A_577 : vector<1x16xf32> to vector<16xf32>
      %parallel_loop3A_579 = arith.constant 0 : i32
      %parallel_loop3A_580 = arith.constant 0 : i32
      %parallel_loop3A_581 = tpu.memref_slice %arg9[%parallel_loop3A_355, %parallel_loop3A_579, %parallel_loop3A_580] : memref<3x128x128xf32, #tpu.memory_space<vmem>> -> memref<1x128x128xf32, #tpu.memory_space<vmem>>
      %parallel_loop3A_582 = tpu.memref_squeeze %parallel_loop3A_581 : memref<1x128x128xf32, #tpu.memory_space<vmem>> -> memref<128x128xf32, #tpu.memory_space<vmem>>
      %parallel_loop3A_583 = arith.index_cast %parallel_loop3A_570 : i32 to index
      %parallel_loop3A_584 = arith.constant 0 : index
      %parallel_loop3A_585 = tpu.vector_load %parallel_loop3A_582[%parallel_loop3A_583, %parallel_loop3A_584] {strides = array<i32>} : memref<128x128xf32, #tpu.memory_space<vmem>>, vector<1x16xf32>,
      %parallel_loop3A_586 = vector.shape_cast %parallel_loop3A_585 : vector<1x16xf32> to vector<16xf32>
      %parallel_loop3A_587 = arith.mulf %parallel_loop3A_578, %parallel_loop3A_586 : vector<16xf32>
      %parallel_loop3A_588 = arith.constant 0 : i32
      %parallel_loop3A_589 = arith.constant 0 : i32
      %parallel_loop3A_590 = tpu.memref_slice %arg8[%parallel_loop3A_354, %parallel_loop3A_588, %parallel_loop3A_589] : memref<3x128x128xf32, #tpu.memory_space<vmem>> -> memref<1x128x128xf32, #tpu.memory_space<vmem>>
      %parallel_loop3A_591 = tpu.memref_squeeze %parallel_loop3A_590 : memref<1x128x128xf32, #tpu.memory_space<vmem>> -> memref<128x128xf32, #tpu.memory_space<vmem>>
      %parallel_loop3A_592 = arith.index_cast %parallel_loop3A_570 : i32 to index
      %parallel_loop3A_593 = arith.constant 0 : index
      %parallel_loop3A_594 = tpu.vector_load %parallel_loop3A_591[%parallel_loop3A_592, %parallel_loop3A_593] {strides = array<i32>} : memref<128x128xf32, #tpu.memory_space<vmem>>, vector<1x16xf32>,
      %parallel_loop3A_595 = vector.shape_cast %parallel_loop3A_594 : vector<1x16xf32> to vector<16xf32>
      %parallel_loop3A_596 = vector.shape_cast %parallel_loop3A_587 : vector<16xf32> to vector<1x16xf32>
      tpu.vector_store %parallel_loop3A_591[%parallel_loop3A_592, %parallel_loop3A_593], %parallel_loop3A_596 {strides = array<i32>} : memref<128x128xf32, #tpu.memory_space<vmem>>, vector<1x16xf32>,
      %parallel_loop3A_597 = arith.constant 0 : i32
      %parallel_loop3A_598 = arith.constant 0 : i32
      %parallel_loop3A_599 = tpu.memref_slice %arg8[%parallel_loop3A_354, %parallel_loop3A_597, %parallel_loop3A_598] : memref<3x128x128xf32, #tpu.memory_space<vmem>> -> memref<1x128x128xf32, #tpu.memory_space<vmem>>
      %parallel_loop3A_600 = tpu.memref_squeeze %parallel_loop3A_599 : memref<1x128x128xf32, #tpu.memory_space<vmem>> -> memref<128x128xf32, #tpu.memory_space<vmem>>
      %parallel_loop3A_601 = arith.index_cast %parallel_loop3A_570 : i32 to index
      %parallel_loop3A_602 = arith.constant 16 : index
      %parallel_loop3A_603 = tpu.vector_load %parallel_loop3A_600[%parallel_loop3A_601, %parallel_loop3A_602] {strides = array<i32>} : memref<128x128xf32, #tpu.memory_space<vmem>>, vector<1x16xf32>,
      %parallel_loop3A_604 = vector.shape_cast %parallel_loop3A_603 : vector<1x16xf32> to vector<16xf32>
      %parallel_loop3A_605 = arith.constant 0 : i32
      %parallel_loop3A_606 = arith.constant 0 : i32
      %parallel_loop3A_607 = tpu.memref_slice %arg9[%parallel_loop3A_355, %parallel_loop3A_605, %parallel_loop3A_606] : memref<3x128x128xf32, #tpu.memory_space<vmem>> -> memref<1x128x128xf32, #tpu.memory_space<vmem>>
      %parallel_loop3A_608 = tpu.memref_squeeze %parallel_loop3A_607 : memref<1x128x128xf32, #tpu.memory_space<vmem>> -> memref<128x128xf32, #tpu.memory_space<vmem>>
      %parallel_loop3A_609 = arith.index_cast %parallel_loop3A_570 : i32 to index
      %parallel_loop3A_610 = arith.constant 16 : index
      %parallel_loop3A_611 = tpu.vector_load %parallel_loop3A_608[%parallel_loop3A_609, %parallel_loop3A_610] {strides = array<i32>} : memref<128x128xf32, #tpu.memory_space<vmem>>, vector<1x16xf32>,
      %parallel_loop3A_612 = vector.shape_cast %parallel_loop3A_611 : vector<1x16xf32> to vector<16xf32>
      %parallel_loop3A_613 = arith.mulf %parallel_loop3A_604, %parallel_loop3A_612 : vector<16xf32>
      %parallel_loop3A_614 = arith.constant 0 : i32
      %parallel_loop3A_615 = arith.constant 0 : i32
      %parallel_loop3A_616 = tpu.memref_slice %arg8[%parallel_loop3A_354, %parallel_loop3A_614, %parallel_loop3A_615] : memref<3x128x128xf32, #tpu.memory_space<vmem>> -> memref<1x128x128xf32, #tpu.memory_space<vmem>>
      %parallel_loop3A_617 = tpu.memref_squeeze %parallel_loop3A_616 : memref<1x128x128xf32, #tpu.memory_space<vmem>> -> memref<128x128xf32, #tpu.memory_space<vmem>>
      %parallel_loop3A_618 = arith.index_cast %parallel_loop3A_570 : i32 to index
      %parallel_loop3A_619 = arith.constant 16 : index
      %parallel_loop3A_620 = tpu.vector_load %parallel_loop3A_617[%parallel_loop3A_618, %parallel_loop3A_619] {strides = array<i32>} : memref<128x128xf32, #tpu.memory_space<vmem>>, vector<1x16xf32>,
      %parallel_loop3A_621 = vector.shape_cast %parallel_loop3A_620 : vector<1x16xf32> to vector<16xf32>
      %parallel_loop3A_622 = vector.shape_cast %parallel_loop3A_613 : vector<16xf32> to vector<1x16xf32>
      tpu.vector_store %parallel_loop3A_617[%parallel_loop3A_618, %parallel_loop3A_619], %parallel_loop3A_622 {strides = array<i32>} : memref<128x128xf32, #tpu.memory_space<vmem>>, vector<1x16xf32>,
      %parallel_loop3A_623 = arith.constant 0 : i32
      %parallel_loop3A_624 = arith.constant 0 : i32
      %parallel_loop3A_625 = tpu.memref_slice %arg8[%parallel_loop3A_354, %parallel_loop3A_623, %parallel_loop3A_624] : memref<3x128x128xf32, #tpu.memory_space<vmem>> -> memref<1x128x128xf32, #tpu.memory_space<vmem>>
      %parallel_loop3A_626 = tpu.memref_squeeze %parallel_loop3A_625 : memref<1x128x128xf32, #tpu.memory_space<vmem>> -> memref<128x128xf32, #tpu.memory_space<vmem>>
      %parallel_loop3A_627 = arith.index_cast %parallel_loop3A_570 : i32 to index
      %parallel_loop3A_628 = arith.constant 32 : index
      %parallel_loop3A_629 = tpu.vector_load %parallel_loop3A_626[%parallel_loop3A_627, %parallel_loop3A_628] {strides = array<i32>} : memref<128x128xf32, #tpu.memory_space<vmem>>, vector<1x16xf32>,
      %parallel_loop3A_630 = vector.shape_cast %parallel_loop3A_629 : vector<1x16xf32> to vector<16xf32>
      %parallel_loop3A_631 = arith.constant 0 : i32
      %parallel_loop3A_632 = arith.constant 0 : i32
      %parallel_loop3A_633 = tpu.memref_slice %arg9[%parallel_loop3A_355, %parallel_loop3A_631, %parallel_loop3A_632] : memref<3x128x128xf32, #tpu.memory_space<vmem>> -> memref<1x128x128xf32, #tpu.memory_space<vmem>>
      %parallel_loop3A_634 = tpu.memref_squeeze %parallel_loop3A_633 : memref<1x128x128xf32, #tpu.memory_space<vmem>> -> memref<128x128xf32, #tpu.memory_space<vmem>>
      %parallel_loop3A_635 = arith.index_cast %parallel_loop3A_570 : i32 to index
      %parallel_loop3A_636 = arith.constant 32 : index
      %parallel_loop3A_637 = tpu.vector_load %parallel_loop3A_634[%parallel_loop3A_635, %parallel_loop3A_636] {strides = array<i32>} : memref<128x128xf32, #tpu.memory_space<vmem>>, vector<1x16xf32>,
      %parallel_loop3A_638 = vector.shape_cast %parallel_loop3A_637 : vector<1x16xf32> to vector<16xf32>
      %parallel_loop3A_639 = arith.mulf %parallel_loop3A_630, %parallel_loop3A_638 : vector<16xf32>
      %parallel_loop3A_640 = arith.constant 0 : i32
      %parallel_loop3A_641 = arith.constant 0 : i32
      %parallel_loop3A_642 = tpu.memref_slice %arg8[%parallel_loop3A_354, %parallel_loop3A_640, %parallel_loop3A_641] : memref<3x128x128xf32, #tpu.memory_space<vmem>> -> memref<1x128x128xf32, #tpu.memory_space<vmem>>
      %parallel_loop3A_643 = tpu.memref_squeeze %parallel_loop3A_642 : memref<1x128x128xf32, #tpu.memory_space<vmem>> -> memref<128x128xf32, #tpu.memory_space<vmem>>
      %parallel_loop3A_644 = arith.index_cast %parallel_loop3A_570 : i32 to index
      %parallel_loop3A_645 = arith.constant 32 : index
      %parallel_loop3A_646 = tpu.vector_load %parallel_loop3A_643[%parallel_loop3A_644, %parallel_loop3A_645] {strides = array<i32>} : memref<128x128xf32, #tpu.memory_space<vmem>>, vector<1x16xf32>,
      %parallel_loop3A_647 = vector.shape_cast %parallel_loop3A_646 : vector<1x16xf32> to vector<16xf32>
      %parallel_loop3A_648 = vector.shape_cast %parallel_loop3A_639 : vector<16xf32> to vector<1x16xf32>
      tpu.vector_store %parallel_loop3A_643[%parallel_loop3A_644, %parallel_loop3A_645], %parallel_loop3A_648 {strides = array<i32>} : memref<128x128xf32, #tpu.memory_space<vmem>>, vector<1x16xf32>,
      %parallel_loop3A_649 = arith.constant 0 : i32
      %parallel_loop3A_650 = arith.constant 0 : i32
      %parallel_loop3A_651 = tpu.memref_slice %arg8[%parallel_loop3A_354, %parallel_loop3A_649, %parallel_loop3A_650] : memref<3x128x128xf32, #tpu.memory_space<vmem>> -> memref<1x128x128xf32, #tpu.memory_space<vmem>>
      %parallel_loop3A_652 = tpu.memref_squeeze %parallel_loop3A_651 : memref<1x128x128xf32, #tpu.memory_space<vmem>> -> memref<128x128xf32, #tpu.memory_space<vmem>>
      %parallel_loop3A_653 = arith.index_cast %parallel_loop3A_570 : i32 to index
      %parallel_loop3A_654 = arith.constant 48 : index
      %parallel_loop3A_655 = tpu.vector_load %parallel_loop3A_652[%parallel_loop3A_653, %parallel_loop3A_654] {strides = array<i32>} : memref<128x128xf32, #tpu.memory_space<vmem>>, vector<1x16xf32>,
      %parallel_loop3A_656 = vector.shape_cast %parallel_loop3A_655 : vector<1x16xf32> to vector<16xf32>
      %parallel_loop3A_657 = arith.constant 0 : i32
      %parallel_loop3A_658 = arith.constant 0 : i32
      %parallel_loop3A_659 = tpu.memref_slice %arg9[%parallel_loop3A_355, %parallel_loop3A_657, %parallel_loop3A_658] : memref<3x128x128xf32, #tpu.memory_space<vmem>> -> memref<1x128x128xf32, #tpu.memory_space<vmem>>
      %parallel_loop3A_660 = tpu.memref_squeeze %parallel_loop3A_659 : memref<1x128x128xf32, #tpu.memory_space<vmem>> -> memref<128x128xf32, #tpu.memory_space<vmem>>
      %parallel_loop3A_661 = arith.index_cast %parallel_loop3A_570 : i32 to index
      %parallel_loop3A_662 = arith.constant 48 : index
      %parallel_loop3A_663 = tpu.vector_load %parallel_loop3A_660[%parallel_loop3A_661, %parallel_loop3A_662] {strides = array<i32>} : memref<128x128xf32, #tpu.memory_space<vmem>>, vector<1x16xf32>,
      %parallel_loop3A_664 = vector.shape_cast %parallel_loop3A_663 : vector<1x16xf32> to vector<16xf32>
      %parallel_loop3A_665 = arith.mulf %parallel_loop3A_656, %parallel_loop3A_664 : vector<16xf32>
      %parallel_loop3A_666 = arith.constant 0 : i32
      %parallel_loop3A_667 = arith.constant 0 : i32
      %parallel_loop3A_668 = tpu.memref_slice %arg8[%parallel_loop3A_354, %parallel_loop3A_666, %parallel_loop3A_667] : memref<3x128x128xf32, #tpu.memory_space<vmem>> -> memref<1x128x128xf32, #tpu.memory_space<vmem>>
      %parallel_loop3A_669 = tpu.memref_squeeze %parallel_loop3A_668 : memref<1x128x128xf32, #tpu.memory_space<vmem>> -> memref<128x128xf32, #tpu.memory_space<vmem>>
      %parallel_loop3A_670 = arith.index_cast %parallel_loop3A_570 : i32 to index
      %parallel_loop3A_671 = arith.constant 48 : index
      %parallel_loop3A_672 = tpu.vector_load %parallel_loop3A_669[%parallel_loop3A_670, %parallel_loop3A_671] {strides = array<i32>} : memref<128x128xf32, #tpu.memory_space<vmem>>, vector<1x16xf32>,
      %parallel_loop3A_673 = vector.shape_cast %parallel_loop3A_672 : vector<1x16xf32> to vector<16xf32>
      %parallel_loop3A_674 = vector.shape_cast %parallel_loop3A_665 : vector<16xf32> to vector<1x16xf32>
      tpu.vector_store %parallel_loop3A_669[%parallel_loop3A_670, %parallel_loop3A_671], %parallel_loop3A_674 {strides = array<i32>} : memref<128x128xf32, #tpu.memory_space<vmem>>, vector<1x16xf32>,
      %parallel_loop3A_675 = arith.constant 0 : i32
      %parallel_loop3A_676 = arith.constant 0 : i32
      %parallel_loop3A_677 = tpu.memref_slice %arg8[%parallel_loop3A_354, %parallel_loop3A_675, %parallel_loop3A_676] : memref<3x128x128xf32, #tpu.memory_space<vmem>> -> memref<1x128x128xf32, #tpu.memory_space<vmem>>
      %parallel_loop3A_678 = tpu.memref_squeeze %parallel_loop3A_677 : memref<1x128x128xf32, #tpu.memory_space<vmem>> -> memref<128x128xf32, #tpu.memory_space<vmem>>
      %parallel_loop3A_679 = arith.index_cast %parallel_loop3A_570 : i32 to index
      %parallel_loop3A_680 = arith.constant 64 : index
      %parallel_loop3A_681 = tpu.vector_load %parallel_loop3A_678[%parallel_loop3A_679, %parallel_loop3A_680] {strides = array<i32>} : memref<128x128xf32, #tpu.memory_space<vmem>>, vector<1x16xf32>,
      %parallel_loop3A_682 = vector.shape_cast %parallel_loop3A_681 : vector<1x16xf32> to vector<16xf32>
      %parallel_loop3A_683 = arith.constant 0 : i32
      %parallel_loop3A_684 = arith.constant 0 : i32
      %parallel_loop3A_685 = tpu.memref_slice %arg9[%parallel_loop3A_355, %parallel_loop3A_683, %parallel_loop3A_684] : memref<3x128x128xf32, #tpu.memory_space<vmem>> -> memref<1x128x128xf32, #tpu.memory_space<vmem>>
      %parallel_loop3A_686 = tpu.memref_squeeze %parallel_loop3A_685 : memref<1x128x128xf32, #tpu.memory_space<vmem>> -> memref<128x128xf32, #tpu.memory_space<vmem>>
      %parallel_loop3A_687 = arith.index_cast %parallel_loop3A_570 : i32 to index
      %parallel_loop3A_688 = arith.constant 64 : index
      %parallel_loop3A_689 = tpu.vector_load %parallel_loop3A_686[%parallel_loop3A_687, %parallel_loop3A_688] {strides = array<i32>} : memref<128x128xf32, #tpu.memory_space<vmem>>, vector<1x16xf32>,
      %parallel_loop3A_690 = vector.shape_cast %parallel_loop3A_689 : vector<1x16xf32> to vector<16xf32>
      %parallel_loop3A_691 = arith.mulf %parallel_loop3A_682, %parallel_loop3A_690 : vector<16xf32>
      %parallel_loop3A_692 = arith.constant 0 : i32
      %parallel_loop3A_693 = arith.constant 0 : i32
      %parallel_loop3A_694 = tpu.memref_slice %arg8[%parallel_loop3A_354, %parallel_loop3A_692, %parallel_loop3A_693] : memref<3x128x128xf32, #tpu.memory_space<vmem>> -> memref<1x128x128xf32, #tpu.memory_space<vmem>>
      %parallel_loop3A_695 = tpu.memref_squeeze %parallel_loop3A_694 : memref<1x128x128xf32, #tpu.memory_space<vmem>> -> memref<128x128xf32, #tpu.memory_space<vmem>>
      %parallel_loop3A_696 = arith.index_cast %parallel_loop3A_570 : i32 to index
      %parallel_loop3A_697 = arith.constant 64 : index
      %parallel_loop3A_698 = tpu.vector_load %parallel_loop3A_695[%parallel_loop3A_696, %parallel_loop3A_697] {strides = array<i32>} : memref<128x128xf32, #tpu.memory_space<vmem>>, vector<1x16xf32>,
      %parallel_loop3A_699 = vector.shape_cast %parallel_loop3A_698 : vector<1x16xf32> to vector<16xf32>
      %parallel_loop3A_700 = vector.shape_cast %parallel_loop3A_691 : vector<16xf32> to vector<1x16xf32>
      tpu.vector_store %parallel_loop3A_695[%parallel_loop3A_696, %parallel_loop3A_697], %parallel_loop3A_700 {strides = array<i32>} : memref<128x128xf32, #tpu.memory_space<vmem>>, vector<1x16xf32>,
      %parallel_loop3A_701 = arith.constant 0 : i32
      %parallel_loop3A_702 = arith.constant 0 : i32
      %parallel_loop3A_703 = tpu.memref_slice %arg8[%parallel_loop3A_354, %parallel_loop3A_701, %parallel_loop3A_702] : memref<3x128x128xf32, #tpu.memory_space<vmem>> -> memref<1x128x128xf32, #tpu.memory_space<vmem>>
      %parallel_loop3A_704 = tpu.memref_squeeze %parallel_loop3A_703 : memref<1x128x128xf32, #tpu.memory_space<vmem>> -> memref<128x128xf32, #tpu.memory_space<vmem>>
      %parallel_loop3A_705 = arith.index_cast %parallel_loop3A_570 : i32 to index
      %parallel_loop3A_706 = arith.constant 80 : index
      %parallel_loop3A_707 = tpu.vector_load %parallel_loop3A_704[%parallel_loop3A_705, %parallel_loop3A_706] {strides = array<i32>} : memref<128x128xf32, #tpu.memory_space<vmem>>, vector<1x16xf32>,
      %parallel_loop3A_708 = vector.shape_cast %parallel_loop3A_707 : vector<1x16xf32> to vector<16xf32>
      %parallel_loop3A_709 = arith.constant 0 : i32
      %parallel_loop3A_710 = arith.constant 0 : i32
      %parallel_loop3A_711 = tpu.memref_slice %arg9[%parallel_loop3A_355, %parallel_loop3A_709, %parallel_loop3A_710] : memref<3x128x128xf32, #tpu.memory_space<vmem>> -> memref<1x128x128xf32, #tpu.memory_space<vmem>>
      %parallel_loop3A_712 = tpu.memref_squeeze %parallel_loop3A_711 : memref<1x128x128xf32, #tpu.memory_space<vmem>> -> memref<128x128xf32, #tpu.memory_space<vmem>>
      %parallel_loop3A_713 = arith.index_cast %parallel_loop3A_570 : i32 to index
      %parallel_loop3A_714 = arith.constant 80 : index
      %parallel_loop3A_715 = tpu.vector_load %parallel_loop3A_712[%parallel_loop3A_713, %parallel_loop3A_714] {strides = array<i32>} : memref<128x128xf32, #tpu.memory_space<vmem>>, vector<1x16xf32>,
      %parallel_loop3A_716 = vector.shape_cast %parallel_loop3A_715 : vector<1x16xf32> to vector<16xf32>
      %parallel_loop3A_717 = arith.mulf %parallel_loop3A_708, %parallel_loop3A_716 : vector<16xf32>
      %parallel_loop3A_718 = arith.constant 0 : i32
      %parallel_loop3A_719 = arith.constant 0 : i32
      %parallel_loop3A_720 = tpu.memref_slice %arg8[%parallel_loop3A_354, %parallel_loop3A_718, %parallel_loop3A_719] : memref<3x128x128xf32, #tpu.memory_space<vmem>> -> memref<1x128x128xf32, #tpu.memory_space<vmem>>
      %parallel_loop3A_721 = tpu.memref_squeeze %parallel_loop3A_720 : memref<1x128x128xf32, #tpu.memory_space<vmem>> -> memref<128x128xf32, #tpu.memory_space<vmem>>
      %parallel_loop3A_722 = arith.index_cast %parallel_loop3A_570 : i32 to index
      %parallel_loop3A_723 = arith.constant 80 : index
      %parallel_loop3A_724 = tpu.vector_load %parallel_loop3A_721[%parallel_loop3A_722, %parallel_loop3A_723] {strides = array<i32>} : memref<128x128xf32, #tpu.memory_space<vmem>>, vector<1x16xf32>,
      %parallel_loop3A_725 = vector.shape_cast %parallel_loop3A_724 : vector<1x16xf32> to vector<16xf32>
      %parallel_loop3A_726 = vector.shape_cast %parallel_loop3A_717 : vector<16xf32> to vector<1x16xf32>
      tpu.vector_store %parallel_loop3A_721[%parallel_loop3A_722, %parallel_loop3A_723], %parallel_loop3A_726 {strides = array<i32>} : memref<128x128xf32, #tpu.memory_space<vmem>>, vector<1x16xf32>,
      %parallel_loop3A_727 = arith.constant 0 : i32
      %parallel_loop3A_728 = arith.constant 0 : i32
      %parallel_loop3A_729 = tpu.memref_slice %arg8[%parallel_loop3A_354, %parallel_loop3A_727, %parallel_loop3A_728] : memref<3x128x128xf32, #tpu.memory_space<vmem>> -> memref<1x128x128xf32, #tpu.memory_space<vmem>>
      %parallel_loop3A_730 = tpu.memref_squeeze %parallel_loop3A_729 : memref<1x128x128xf32, #tpu.memory_space<vmem>> -> memref<128x128xf32, #tpu.memory_space<vmem>>
      %parallel_loop3A_731 = arith.index_cast %parallel_loop3A_570 : i32 to index
      %parallel_loop3A_732 = arith.constant 96 : index
      %parallel_loop3A_733 = tpu.vector_load %parallel_loop3A_730[%parallel_loop3A_731, %parallel_loop3A_732] {strides = array<i32>} : memref<128x128xf32, #tpu.memory_space<vmem>>, vector<1x16xf32>,
      %parallel_loop3A_734 = vector.shape_cast %parallel_loop3A_733 : vector<1x16xf32> to vector<16xf32>
      %parallel_loop3A_735 = arith.constant 0 : i32
      %parallel_loop3A_736 = arith.constant 0 : i32
      %parallel_loop3A_737 = tpu.memref_slice %arg9[%parallel_loop3A_355, %parallel_loop3A_735, %parallel_loop3A_736] : memref<3x128x128xf32, #tpu.memory_space<vmem>> -> memref<1x128x128xf32, #tpu.memory_space<vmem>>
      %parallel_loop3A_738 = tpu.memref_squeeze %parallel_loop3A_737 : memref<1x128x128xf32, #tpu.memory_space<vmem>> -> memref<128x128xf32, #tpu.memory_space<vmem>>
      %parallel_loop3A_739 = arith.index_cast %parallel_loop3A_570 : i32 to index
      %parallel_loop3A_740 = arith.constant 96 : index
      %parallel_loop3A_741 = tpu.vector_load %parallel_loop3A_738[%parallel_loop3A_739, %parallel_loop3A_740] {strides = array<i32>} : memref<128x128xf32, #tpu.memory_space<vmem>>, vector<1x16xf32>,
      %parallel_loop3A_742 = vector.shape_cast %parallel_loop3A_741 : vector<1x16xf32> to vector<16xf32>
      %parallel_loop3A_743 = arith.mulf %parallel_loop3A_734, %parallel_loop3A_742 : vector<16xf32>
      %parallel_loop3A_744 = arith.constant 0 : i32
      %parallel_loop3A_745 = arith.constant 0 : i32
      %parallel_loop3A_746 = tpu.memref_slice %arg8[%parallel_loop3A_354, %parallel_loop3A_744, %parallel_loop3A_745] : memref<3x128x128xf32, #tpu.memory_space<vmem>> -> memref<1x128x128xf32, #tpu.memory_space<vmem>>
      %parallel_loop3A_747 = tpu.memref_squeeze %parallel_loop3A_746 : memref<1x128x128xf32, #tpu.memory_space<vmem>> -> memref<128x128xf32, #tpu.memory_space<vmem>>
      %parallel_loop3A_748 = arith.index_cast %parallel_loop3A_570 : i32 to index
      %parallel_loop3A_749 = arith.constant 96 : index
      %parallel_loop3A_750 = tpu.vector_load %parallel_loop3A_747[%parallel_loop3A_748, %parallel_loop3A_749] {strides = array<i32>} : memref<128x128xf32, #tpu.memory_space<vmem>>, vector<1x16xf32>,
      %parallel_loop3A_751 = vector.shape_cast %parallel_loop3A_750 : vector<1x16xf32> to vector<16xf32>
      %parallel_loop3A_752 = vector.shape_cast %parallel_loop3A_743 : vector<16xf32> to vector<1x16xf32>
      tpu.vector_store %parallel_loop3A_747[%parallel_loop3A_748, %parallel_loop3A_749], %parallel_loop3A_752 {strides = array<i32>} : memref<128x128xf32, #tpu.memory_space<vmem>>, vector<1x16xf32>,
      %parallel_loop3A_753 = arith.constant 0 : i32
      %parallel_loop3A_754 = arith.constant 0 : i32
      %parallel_loop3A_755 = tpu.memref_slice %arg8[%parallel_loop3A_354, %parallel_loop3A_753, %parallel_loop3A_754] : memref<3x128x128xf32, #tpu.memory_space<vmem>> -> memref<1x128x128xf32, #tpu.memory_space<vmem>>
      %parallel_loop3A_756 = tpu.memref_squeeze %parallel_loop3A_755 : memref<1x128x128xf32, #tpu.memory_space<vmem>> -> memref<128x128xf32, #tpu.memory_space<vmem>>
      %parallel_loop3A_757 = arith.index_cast %parallel_loop3A_570 : i32 to index
      %parallel_loop3A_758 = arith.constant 112 : index
      %parallel_loop3A_759 = tpu.vector_load %parallel_loop3A_756[%parallel_loop3A_757, %parallel_loop3A_758] {strides = array<i32>} : memref<128x128xf32, #tpu.memory_space<vmem>>, vector<1x16xf32>,
      %parallel_loop3A_760 = vector.shape_cast %parallel_loop3A_759 : vector<1x16xf32> to vector<16xf32>
      %parallel_loop3A_761 = arith.constant 0 : i32
      %parallel_loop3A_762 = arith.constant 0 : i32
      %parallel_loop3A_763 = tpu.memref_slice %arg9[%parallel_loop3A_355, %parallel_loop3A_761, %parallel_loop3A_762] : memref<3x128x128xf32, #tpu.memory_space<vmem>> -> memref<1x128x128xf32, #tpu.memory_space<vmem>>
      %parallel_loop3A_764 = tpu.memref_squeeze %parallel_loop3A_763 : memref<1x128x128xf32, #tpu.memory_space<vmem>> -> memref<128x128xf32, #tpu.memory_space<vmem>>
      %parallel_loop3A_765 = arith.index_cast %parallel_loop3A_570 : i32 to index
      %parallel_loop3A_766 = arith.constant 112 : index
      %parallel_loop3A_767 = tpu.vector_load %parallel_loop3A_764[%parallel_loop3A_765, %parallel_loop3A_766] {strides = array<i32>} : memref<128x128xf32, #tpu.memory_space<vmem>>, vector<1x16xf32>,
      %parallel_loop3A_768 = vector.shape_cast %parallel_loop3A_767 : vector<1x16xf32> to vector<16xf32>
      %parallel_loop3A_769 = arith.mulf %parallel_loop3A_760, %parallel_loop3A_768 : vector<16xf32>
      %parallel_loop3A_770 = arith.constant 0 : i32
      %parallel_loop3A_771 = arith.constant 0 : i32
      %parallel_loop3A_772 = tpu.memref_slice %arg8[%parallel_loop3A_354, %parallel_loop3A_770, %parallel_loop3A_771] : memref<3x128x128xf32, #tpu.memory_space<vmem>> -> memref<1x128x128xf32, #tpu.memory_space<vmem>>
      %parallel_loop3A_773 = tpu.memref_squeeze %parallel_loop3A_772 : memref<1x128x128xf32, #tpu.memory_space<vmem>> -> memref<128x128xf32, #tpu.memory_space<vmem>>
      %parallel_loop3A_774 = arith.index_cast %parallel_loop3A_570 : i32 to index
      %parallel_loop3A_775 = arith.constant 112 : index
      %parallel_loop3A_776 = tpu.vector_load %parallel_loop3A_773[%parallel_loop3A_774, %parallel_loop3A_775] {strides = array<i32>} : memref<128x128xf32, #tpu.memory_space<vmem>>, vector<1x16xf32>,
      %parallel_loop3A_777 = vector.shape_cast %parallel_loop3A_776 : vector<1x16xf32> to vector<16xf32>
      %parallel_loop3A_778 = vector.shape_cast %parallel_loop3A_769 : vector<16xf32> to vector<1x16xf32>
      tpu.vector_store %parallel_loop3A_773[%parallel_loop3A_774, %parallel_loop3A_775], %parallel_loop3A_778 {strides = array<i32>} : memref<128x128xf32, #tpu.memory_space<vmem>>, vector<1x16xf32>,
    } {sc.loop_unroll_factor = 1 : i64, sc.parallel_access}
    %add3A_356 = arith.constant 256 : i32
    %add3A_357 = arith.addi %mul3A_2, %add3A_356 : i32
    %add3A_358 = arith.constant 64 : i32
    %add3A_359 = arith.addi %add3A_357, %add3A_358 : i32
    %dma_start3A_360 = arith.constant 2 : i32
    %dma_start3A_361 = arith.constant 0 : i32
    %dma_start3A_362 = arith.constant 0 : i32
    %dma_start3A_363 = tpu.memref_slice %arg8[%dma_start3A_360, %dma_start3A_361, %dma_start3A_362] : memref<3x128x128xf32, #tpu.memory_space<vmem>> -> memref<1x128x128xf32, #tpu.memory_space<vmem>>
    %dma_start3A_364 = tpu.memref_squeeze %dma_start3A_363 : memref<1x128x128xf32, #tpu.memory_space<vmem>> -> memref<128x128xf32, #tpu.memory_space<vmem>>
    %dma_start3A_365 = arith.constant 64 : i32
    %dma_start3A_366 = arith.constant 0 : i32
    %dma_start3A_367 = tpu.memref_slice %dma_start3A_364[%dma_start3A_365, %dma_start3A_366] : memref<128x128xf32, #tpu.memory_space<vmem>> -> memref<64x128xf32, #tpu.memory_space<vmem>>
    %dma_start3A_368 = arith.constant 0 : i32
    %dma_start3A_369 = tpu.memref_slice %arg5[%add3A_359, %dma_start3A_368] : memref<16384x128xf32, #tpu.memory_space<hbm>> -> memref<64x128xf32, #tpu.memory_space<hbm>>
    %dma_start3A_370 = arith.constant 0 : i32
    %dma_start3A_371 = tpu.memref_slice %arg5[%add3A_359, %dma_start3A_370] : memref<16384x128xf32, #tpu.memory_space<hbm>> -> memref<64x128xf32, #tpu.memory_space<hbm>>
    %dma_start3A_372 = arith.constant 0 : i32
    %dma_start3A_373 = arith.constant 0 : i32
    %dma_start3A_374 = tpu.memref_slice %arg8[%dma_start3A_360, %dma_start3A_372, %dma_start3A_373] : memref<3x128x128xf32, #tpu.memory_space<vmem>> -> memref<1x128x128xf32, #tpu.memory_space<vmem>>
    %dma_start3A_375 = tpu.memref_squeeze %dma_start3A_374 : memref<1x128x128xf32, #tpu.memory_space<vmem>> -> memref<128x128xf32, #tpu.memory_space<vmem>>
    %dma_start3A_376 = arith.constant 64 : i32
    %dma_start3A_377 = arith.constant 0 : i32
    %dma_start3A_378 = tpu.memref_slice %dma_start3A_375[%dma_start3A_376, %dma_start3A_377] : memref<128x128xf32, #tpu.memory_space<vmem>> -> memref<64x128xf32, #tpu.memory_space<vmem>>
    tpu.enqueue_dma source(%dma_start3A_378 : memref<64x128xf32, #tpu.memory_space<vmem>>) target(%dma_start3A_371 : memref<64x128xf32, #tpu.memory_space<hbm>>) target_semaphore(%arg18 : memref<!tpu.dma_semaphore, #tpu.memory_space<semaphore_mem>>)
    %dma_wait3A_379 = arith.constant 0 : i32
    %dma_wait3A_380 = arith.constant 0 : i32
    %dma_wait3A_381 = arith.constant 0 : i32
    %dma_wait3A_382 = tpu.memref_slice %arg8[%dma_wait3A_379, %dma_wait3A_380, %dma_wait3A_381] : memref<3x128x128xf32, #tpu.memory_space<vmem>> -> memref<1x128x128xf32, #tpu.memory_space<vmem>>
    %dma_wait3A_383 = tpu.memref_squeeze %dma_wait3A_382 : memref<1x128x128xf32, #tpu.memory_space<vmem>> -> memref<128x128xf32, #tpu.memory_space<vmem>>
    %dma_wait3A_384 = arith.constant 384 : i32
    %dma_wait3A_385 = tpu.memref_slice %arg7[%dma_wait3A_384] : memref<512xi32, #tpu.memory_space<vmem>> -> memref<128xi32, #tpu.memory_space<vmem>>
    %dma_wait3A_386 = arith.constant 0 : i32
    %dma_wait3A_387 = arith.constant 0 : i32
    %dma_wait3A_388 = tpu.memref_slice %arg6[%dma_wait3A_386, %dma_wait3A_387] : memref<1000x128xf32, #tpu.memory_space<vmem_shared>> -> memref<1000x128xf32, #tpu.memory_space<vmem_shared>>
    tpu.wait_indirect_dma semaphore(%arg10 : memref<!tpu.dma_semaphore, #tpu.memory_space<semaphore_mem>>) src(%dma_wait3A_388 : memref<1000x128xf32, #tpu.memory_space<vmem_shared>>) dst(%dma_wait3A_383 : memref<128x128xf32, #tpu.memory_space<vmem>>)
    %dma_wait3A_389 = arith.constant 0 : i32
    %dma_wait3A_390 = arith.constant 0 : i32
    %dma_wait3A_391 = arith.constant 0 : i32
    %dma_wait3A_392 = tpu.memref_slice %arg9[%dma_wait3A_389, %dma_wait3A_390, %dma_wait3A_391] : memref<3x128x128xf32, #tpu.memory_space<vmem>> -> memref<1x128x128xf32, #tpu.memory_space<vmem>>
    %dma_wait3A_393 = tpu.memref_squeeze %dma_wait3A_392 : memref<1x128x128xf32, #tpu.memory_space<vmem>> -> memref<128x128xf32, #tpu.memory_space<vmem>>
    %dma_wait3A_394 = arith.constant 0 : i32
    %dma_wait3A_395 = tpu.memref_slice %arg2[%add3A_234, %dma_wait3A_394] : memref<16384x128xf32, #tpu.memory_space<hbm>> -> memref<128x128xf32, #tpu.memory_space<hbm>>
    %dma_wait3A_396 = arith.constant 0 : i32
    %dma_wait3A_397 = arith.constant 0 : i32
    %dma_wait3A_398 = tpu.memref_slice %arg9[%dma_wait3A_389, %dma_wait3A_396, %dma_wait3A_397] : memref<3x128x128xf32, #tpu.memory_space<vmem>> -> memref<1x128x128xf32, #tpu.memory_space<vmem>>
    %dma_wait3A_399 = tpu.memref_squeeze %dma_wait3A_398 : memref<1x128x128xf32, #tpu.memory_space<vmem>> -> memref<128x128xf32, #tpu.memory_space<vmem>>
    %dma_wait3A_400 = arith.constant 0 : i32
    %dma_wait3A_401 = tpu.memref_slice %arg2[%add3A_234, %dma_wait3A_400] : memref<16384x128xf32, #tpu.memory_space<hbm>> -> memref<128x128xf32, #tpu.memory_space<hbm>>
    tpu.wait_dma2 semaphore(%arg13 : memref<!tpu.dma_semaphore, #tpu.memory_space<semaphore_mem>>) src(%dma_wait3A_401 : memref<128x128xf32, #tpu.memory_space<hbm>>) dst(%dma_wait3A_399 : memref<128x128xf32, #tpu.memory_space<vmem>>)
    %parallel_loop3A_402 = arith.constant 0 : i32
    %parallel_loop3A_403 = arith.constant 64 : i32
    %parallel_loop3A_404 = arith.constant 1 : i32
    %parallel_loop3A_405 = arith.constant 0 : i32
    %parallel_loop3A_406 = arith.constant 0 : i32
    scf.for %parallel_loop3A_570 = %parallel_loop3A_402 to %parallel_loop3A_403 step %parallel_loop3A_404  : i32 {
      %parallel_loop3A_571 = arith.constant 0 : i32
      %parallel_loop3A_572 = arith.constant 0 : i32
      %parallel_loop3A_573 = tpu.memref_slice %arg8[%parallel_loop3A_405, %parallel_loop3A_571, %parallel_loop3A_572] : memref<3x128x128xf32, #tpu.memory_space<vmem>> -> memref<1x128x128xf32, #tpu.memory_space<vmem>>
      %parallel_loop3A_574 = tpu.memref_squeeze %parallel_loop3A_573 : memref<1x128x128xf32, #tpu.memory_space<vmem>> -> memref<128x128xf32, #tpu.memory_space<vmem>>
      %parallel_loop3A_575 = arith.index_cast %parallel_loop3A_570 : i32 to index
      %parallel_loop3A_576 = arith.constant 0 : index
      %parallel_loop3A_577 = tpu.vector_load %parallel_loop3A_574[%parallel_loop3A_575, %parallel_loop3A_576] {strides = array<i32>} : memref<128x128xf32, #tpu.memory_space<vmem>>, vector<1x16xf32>,
      %parallel_loop3A_578 = vector.shape_cast %parallel_loop3A_577 : vector<1x16xf32> to vector<16xf32>
      %parallel_loop3A_579 = arith.constant 0 : i32
      %parallel_loop3A_580 = arith.constant 0 : i32
      %parallel_loop3A_581 = tpu.memref_slice %arg9[%parallel_loop3A_406, %parallel_loop3A_579, %parallel_loop3A_580] : memref<3x128x128xf32, #tpu.memory_space<vmem>> -> memref<1x128x128xf32, #tpu.memory_space<vmem>>
      %parallel_loop3A_582 = tpu.memref_squeeze %parallel_loop3A_581 : memref<1x128x128xf32, #tpu.memory_space<vmem>> -> memref<128x128xf32, #tpu.memory_space<vmem>>
      %parallel_loop3A_583 = arith.index_cast %parallel_loop3A_570 : i32 to index
      %parallel_loop3A_584 = arith.constant 0 : index
      %parallel_loop3A_585 = tpu.vector_load %parallel_loop3A_582[%parallel_loop3A_583, %parallel_loop3A_584] {strides = array<i32>} : memref<128x128xf32, #tpu.memory_space<vmem>>, vector<1x16xf32>,
      %parallel_loop3A_586 = vector.shape_cast %parallel_loop3A_585 : vector<1x16xf32> to vector<16xf32>
      %parallel_loop3A_587 = arith.mulf %parallel_loop3A_578, %parallel_loop3A_586 : vector<16xf32>
      %parallel_loop3A_588 = arith.constant 0 : i32
      %parallel_loop3A_589 = arith.constant 0 : i32
      %parallel_loop3A_590 = tpu.memref_slice %arg8[%parallel_loop3A_405, %parallel_loop3A_588, %parallel_loop3A_589] : memref<3x128x128xf32, #tpu.memory_space<vmem>> -> memref<1x128x128xf32, #tpu.memory_space<vmem>>
      %parallel_loop3A_591 = tpu.memref_squeeze %parallel_loop3A_590 : memref<1x128x128xf32, #tpu.memory_space<vmem>> -> memref<128x128xf32, #tpu.memory_space<vmem>>
      %parallel_loop3A_592 = arith.index_cast %parallel_loop3A_570 : i32 to index
      %parallel_loop3A_593 = arith.constant 0 : index
      %parallel_loop3A_594 = tpu.vector_load %parallel_loop3A_591[%parallel_loop3A_592, %parallel_loop3A_593] {strides = array<i32>} : memref<128x128xf32, #tpu.memory_space<vmem>>, vector<1x16xf32>,
      %parallel_loop3A_595 = vector.shape_cast %parallel_loop3A_594 : vector<1x16xf32> to vector<16xf32>
      %parallel_loop3A_596 = vector.shape_cast %parallel_loop3A_587 : vector<16xf32> to vector<1x16xf32>
      tpu.vector_store %parallel_loop3A_591[%parallel_loop3A_592, %parallel_loop3A_593], %parallel_loop3A_596 {strides = array<i32>} : memref<128x128xf32, #tpu.memory_space<vmem>>, vector<1x16xf32>,
      %parallel_loop3A_597 = arith.constant 0 : i32
      %parallel_loop3A_598 = arith.constant 0 : i32
      %parallel_loop3A_599 = tpu.memref_slice %arg8[%parallel_loop3A_405, %parallel_loop3A_597, %parallel_loop3A_598] : memref<3x128x128xf32, #tpu.memory_space<vmem>> -> memref<1x128x128xf32, #tpu.memory_space<vmem>>
      %parallel_loop3A_600 = tpu.memref_squeeze %parallel_loop3A_599 : memref<1x128x128xf32, #tpu.memory_space<vmem>> -> memref<128x128xf32, #tpu.memory_space<vmem>>
      %parallel_loop3A_601 = arith.index_cast %parallel_loop3A_570 : i32 to index
      %parallel_loop3A_602 = arith.constant 16 : index
      %parallel_loop3A_603 = tpu.vector_load %parallel_loop3A_600[%parallel_loop3A_601, %parallel_loop3A_602] {strides = array<i32>} : memref<128x128xf32, #tpu.memory_space<vmem>>, vector<1x16xf32>,
      %parallel_loop3A_604 = vector.shape_cast %parallel_loop3A_603 : vector<1x16xf32> to vector<16xf32>
      %parallel_loop3A_605 = arith.constant 0 : i32
      %parallel_loop3A_606 = arith.constant 0 : i32
      %parallel_loop3A_607 = tpu.memref_slice %arg9[%parallel_loop3A_406, %parallel_loop3A_605, %parallel_loop3A_606] : memref<3x128x128xf32, #tpu.memory_space<vmem>> -> memref<1x128x128xf32, #tpu.memory_space<vmem>>
      %parallel_loop3A_608 = tpu.memref_squeeze %parallel_loop3A_607 : memref<1x128x128xf32, #tpu.memory_space<vmem>> -> memref<128x128xf32, #tpu.memory_space<vmem>>
      %parallel_loop3A_609 = arith.index_cast %parallel_loop3A_570 : i32 to index
      %parallel_loop3A_610 = arith.constant 16 : index
      %parallel_loop3A_611 = tpu.vector_load %parallel_loop3A_608[%parallel_loop3A_609, %parallel_loop3A_610] {strides = array<i32>} : memref<128x128xf32, #tpu.memory_space<vmem>>, vector<1x16xf32>,
      %parallel_loop3A_612 = vector.shape_cast %parallel_loop3A_611 : vector<1x16xf32> to vector<16xf32>
      %parallel_loop3A_613 = arith.mulf %parallel_loop3A_604, %parallel_loop3A_612 : vector<16xf32>
      %parallel_loop3A_614 = arith.constant 0 : i32
      %parallel_loop3A_615 = arith.constant 0 : i32
      %parallel_loop3A_616 = tpu.memref_slice %arg8[%parallel_loop3A_405, %parallel_loop3A_614, %parallel_loop3A_615] : memref<3x128x128xf32, #tpu.memory_space<vmem>> -> memref<1x128x128xf32, #tpu.memory_space<vmem>>
      %parallel_loop3A_617 = tpu.memref_squeeze %parallel_loop3A_616 : memref<1x128x128xf32, #tpu.memory_space<vmem>> -> memref<128x128xf32, #tpu.memory_space<vmem>>
      %parallel_loop3A_618 = arith.index_cast %parallel_loop3A_570 : i32 to index
      %parallel_loop3A_619 = arith.constant 16 : index
      %parallel_loop3A_620 = tpu.vector_load %parallel_loop3A_617[%parallel_loop3A_618, %parallel_loop3A_619] {strides = array<i32>} : memref<128x128xf32, #tpu.memory_space<vmem>>, vector<1x16xf32>,
      %parallel_loop3A_621 = vector.shape_cast %parallel_loop3A_620 : vector<1x16xf32> to vector<16xf32>
      %parallel_loop3A_622 = vector.shape_cast %parallel_loop3A_613 : vector<16xf32> to vector<1x16xf32>
      tpu.vector_store %parallel_loop3A_617[%parallel_loop3A_618, %parallel_loop3A_619], %parallel_loop3A_622 {strides = array<i32>} : memref<128x128xf32, #tpu.memory_space<vmem>>, vector<1x16xf32>,
      %parallel_loop3A_623 = arith.constant 0 : i32
      %parallel_loop3A_624 = arith.constant 0 : i32
      %parallel_loop3A_625 = tpu.memref_slice %arg8[%parallel_loop3A_405, %parallel_loop3A_623, %parallel_loop3A_624] : memref<3x128x128xf32, #tpu.memory_space<vmem>> -> memref<1x128x128xf32, #tpu.memory_space<vmem>>
      %parallel_loop3A_626 = tpu.memref_squeeze %parallel_loop3A_625 : memref<1x128x128xf32, #tpu.memory_space<vmem>> -> memref<128x128xf32, #tpu.memory_space<vmem>>
      %parallel_loop3A_627 = arith.index_cast %parallel_loop3A_570 : i32 to index
      %parallel_loop3A_628 = arith.constant 32 : index
      %parallel_loop3A_629 = tpu.vector_load %parallel_loop3A_626[%parallel_loop3A_627, %parallel_loop3A_628] {strides = array<i32>} : memref<128x128xf32, #tpu.memory_space<vmem>>, vector<1x16xf32>,
      %parallel_loop3A_630 = vector.shape_cast %parallel_loop3A_629 : vector<1x16xf32> to vector<16xf32>
      %parallel_loop3A_631 = arith.constant 0 : i32
      %parallel_loop3A_632 = arith.constant 0 : i32
      %parallel_loop3A_633 = tpu.memref_slice %arg9[%parallel_loop3A_406, %parallel_loop3A_631, %parallel_loop3A_632] : memref<3x128x128xf32, #tpu.memory_space<vmem>> -> memref<1x128x128xf32, #tpu.memory_space<vmem>>
      %parallel_loop3A_634 = tpu.memref_squeeze %parallel_loop3A_633 : memref<1x128x128xf32, #tpu.memory_space<vmem>> -> memref<128x128xf32, #tpu.memory_space<vmem>>
      %parallel_loop3A_635 = arith.index_cast %parallel_loop3A_570 : i32 to index
      %parallel_loop3A_636 = arith.constant 32 : index
      %parallel_loop3A_637 = tpu.vector_load %parallel_loop3A_634[%parallel_loop3A_635, %parallel_loop3A_636] {strides = array<i32>} : memref<128x128xf32, #tpu.memory_space<vmem>>, vector<1x16xf32>,
      %parallel_loop3A_638 = vector.shape_cast %parallel_loop3A_637 : vector<1x16xf32> to vector<16xf32>
      %parallel_loop3A_639 = arith.mulf %parallel_loop3A_630, %parallel_loop3A_638 : vector<16xf32>
      %parallel_loop3A_640 = arith.constant 0 : i32
      %parallel_loop3A_641 = arith.constant 0 : i32
      %parallel_loop3A_642 = tpu.memref_slice %arg8[%parallel_loop3A_405, %parallel_loop3A_640, %parallel_loop3A_641] : memref<3x128x128xf32, #tpu.memory_space<vmem>> -> memref<1x128x128xf32, #tpu.memory_space<vmem>>
      %parallel_loop3A_643 = tpu.memref_squeeze %parallel_loop3A_642 : memref<1x128x128xf32, #tpu.memory_space<vmem>> -> memref<128x128xf32, #tpu.memory_space<vmem>>
      %parallel_loop3A_644 = arith.index_cast %parallel_loop3A_570 : i32 to index
      %parallel_loop3A_645 = arith.constant 32 : index
      %parallel_loop3A_646 = tpu.vector_load %parallel_loop3A_643[%parallel_loop3A_644, %parallel_loop3A_645] {strides = array<i32>} : memref<128x128xf32, #tpu.memory_space<vmem>>, vector<1x16xf32>,
      %parallel_loop3A_647 = vector.shape_cast %parallel_loop3A_646 : vector<1x16xf32> to vector<16xf32>
      %parallel_loop3A_648 = vector.shape_cast %parallel_loop3A_639 : vector<16xf32> to vector<1x16xf32>
      tpu.vector_store %parallel_loop3A_643[%parallel_loop3A_644, %parallel_loop3A_645], %parallel_loop3A_648 {strides = array<i32>} : memref<128x128xf32, #tpu.memory_space<vmem>>, vector<1x16xf32>,
      %parallel_loop3A_649 = arith.constant 0 : i32
      %parallel_loop3A_650 = arith.constant 0 : i32
      %parallel_loop3A_651 = tpu.memref_slice %arg8[%parallel_loop3A_405, %parallel_loop3A_649, %parallel_loop3A_650] : memref<3x128x128xf32, #tpu.memory_space<vmem>> -> memref<1x128x128xf32, #tpu.memory_space<vmem>>
      %parallel_loop3A_652 = tpu.memref_squeeze %parallel_loop3A_651 : memref<1x128x128xf32, #tpu.memory_space<vmem>> -> memref<128x128xf32, #tpu.memory_space<vmem>>
      %parallel_loop3A_653 = arith.index_cast %parallel_loop3A_570 : i32 to index
      %parallel_loop3A_654 = arith.constant 48 : index
      %parallel_loop3A_655 = tpu.vector_load %parallel_loop3A_652[%parallel_loop3A_653, %parallel_loop3A_654] {strides = array<i32>} : memref<128x128xf32, #tpu.memory_space<vmem>>, vector<1x16xf32>,
      %parallel_loop3A_656 = vector.shape_cast %parallel_loop3A_655 : vector<1x16xf32> to vector<16xf32>
      %parallel_loop3A_657 = arith.constant 0 : i32
      %parallel_loop3A_658 = arith.constant 0 : i32
      %parallel_loop3A_659 = tpu.memref_slice %arg9[%parallel_loop3A_406, %parallel_loop3A_657, %parallel_loop3A_658] : memref<3x128x128xf32, #tpu.memory_space<vmem>> -> memref<1x128x128xf32, #tpu.memory_space<vmem>>
      %parallel_loop3A_660 = tpu.memref_squeeze %parallel_loop3A_659 : memref<1x128x128xf32, #tpu.memory_space<vmem>> -> memref<128x128xf32, #tpu.memory_space<vmem>>
      %parallel_loop3A_661 = arith.index_cast %parallel_loop3A_570 : i32 to index
      %parallel_loop3A_662 = arith.constant 48 : index
      %parallel_loop3A_663 = tpu.vector_load %parallel_loop3A_660[%parallel_loop3A_661, %parallel_loop3A_662] {strides = array<i32>} : memref<128x128xf32, #tpu.memory_space<vmem>>, vector<1x16xf32>,
      %parallel_loop3A_664 = vector.shape_cast %parallel_loop3A_663 : vector<1x16xf32> to vector<16xf32>
      %parallel_loop3A_665 = arith.mulf %parallel_loop3A_656, %parallel_loop3A_664 : vector<16xf32>
      %parallel_loop3A_666 = arith.constant 0 : i32
      %parallel_loop3A_667 = arith.constant 0 : i32
      %parallel_loop3A_668 = tpu.memref_slice %arg8[%parallel_loop3A_405, %parallel_loop3A_666, %parallel_loop3A_667] : memref<3x128x128xf32, #tpu.memory_space<vmem>> -> memref<1x128x128xf32, #tpu.memory_space<vmem>>
      %parallel_loop3A_669 = tpu.memref_squeeze %parallel_loop3A_668 : memref<1x128x128xf32, #tpu.memory_space<vmem>> -> memref<128x128xf32, #tpu.memory_space<vmem>>
      %parallel_loop3A_670 = arith.index_cast %parallel_loop3A_570 : i32 to index
      %parallel_loop3A_671 = arith.constant 48 : index
      %parallel_loop3A_672 = tpu.vector_load %parallel_loop3A_669[%parallel_loop3A_670, %parallel_loop3A_671] {strides = array<i32>} : memref<128x128xf32, #tpu.memory_space<vmem>>, vector<1x16xf32>,
      %parallel_loop3A_673 = vector.shape_cast %parallel_loop3A_672 : vector<1x16xf32> to vector<16xf32>
      %parallel_loop3A_674 = vector.shape_cast %parallel_loop3A_665 : vector<16xf32> to vector<1x16xf32>
      tpu.vector_store %parallel_loop3A_669[%parallel_loop3A_670, %parallel_loop3A_671], %parallel_loop3A_674 {strides = array<i32>} : memref<128x128xf32, #tpu.memory_space<vmem>>, vector<1x16xf32>,
      %parallel_loop3A_675 = arith.constant 0 : i32
      %parallel_loop3A_676 = arith.constant 0 : i32
      %parallel_loop3A_677 = tpu.memref_slice %arg8[%parallel_loop3A_405, %parallel_loop3A_675, %parallel_loop3A_676] : memref<3x128x128xf32, #tpu.memory_space<vmem>> -> memref<1x128x128xf32, #tpu.memory_space<vmem>>
      %parallel_loop3A_678 = tpu.memref_squeeze %parallel_loop3A_677 : memref<1x128x128xf32, #tpu.memory_space<vmem>> -> memref<128x128xf32, #tpu.memory_space<vmem>>
      %parallel_loop3A_679 = arith.index_cast %parallel_loop3A_570 : i32 to index
      %parallel_loop3A_680 = arith.constant 64 : index
      %parallel_loop3A_681 = tpu.vector_load %parallel_loop3A_678[%parallel_loop3A_679, %parallel_loop3A_680] {strides = array<i32>} : memref<128x128xf32, #tpu.memory_space<vmem>>, vector<1x16xf32>,
      %parallel_loop3A_682 = vector.shape_cast %parallel_loop3A_681 : vector<1x16xf32> to vector<16xf32>
      %parallel_loop3A_683 = arith.constant 0 : i32
      %parallel_loop3A_684 = arith.constant 0 : i32
      %parallel_loop3A_685 = tpu.memref_slice %arg9[%parallel_loop3A_406, %parallel_loop3A_683, %parallel_loop3A_684] : memref<3x128x128xf32, #tpu.memory_space<vmem>> -> memref<1x128x128xf32, #tpu.memory_space<vmem>>
      %parallel_loop3A_686 = tpu.memref_squeeze %parallel_loop3A_685 : memref<1x128x128xf32, #tpu.memory_space<vmem>> -> memref<128x128xf32, #tpu.memory_space<vmem>>
      %parallel_loop3A_687 = arith.index_cast %parallel_loop3A_570 : i32 to index
      %parallel_loop3A_688 = arith.constant 64 : index
      %parallel_loop3A_689 = tpu.vector_load %parallel_loop3A_686[%parallel_loop3A_687, %parallel_loop3A_688] {strides = array<i32>} : memref<128x128xf32, #tpu.memory_space<vmem>>, vector<1x16xf32>,
      %parallel_loop3A_690 = vector.shape_cast %parallel_loop3A_689 : vector<1x16xf32> to vector<16xf32>
      %parallel_loop3A_691 = arith.mulf %parallel_loop3A_682, %parallel_loop3A_690 : vector<16xf32>
      %parallel_loop3A_692 = arith.constant 0 : i32
      %parallel_loop3A_693 = arith.constant 0 : i32
      %parallel_loop3A_694 = tpu.memref_slice %arg8[%parallel_loop3A_405, %parallel_loop3A_692, %parallel_loop3A_693] : memref<3x128x128xf32, #tpu.memory_space<vmem>> -> memref<1x128x128xf32, #tpu.memory_space<vmem>>
      %parallel_loop3A_695 = tpu.memref_squeeze %parallel_loop3A_694 : memref<1x128x128xf32, #tpu.memory_space<vmem>> -> memref<128x128xf32, #tpu.memory_space<vmem>>
      %parallel_loop3A_696 = arith.index_cast %parallel_loop3A_570 : i32 to index
      %parallel_loop3A_697 = arith.constant 64 : index
      %parallel_loop3A_698 = tpu.vector_load %parallel_loop3A_695[%parallel_loop3A_696, %parallel_loop3A_697] {strides = array<i32>} : memref<128x128xf32, #tpu.memory_space<vmem>>, vector<1x16xf32>,
      %parallel_loop3A_699 = vector.shape_cast %parallel_loop3A_698 : vector<1x16xf32> to vector<16xf32>
      %parallel_loop3A_700 = vector.shape_cast %parallel_loop3A_691 : vector<16xf32> to vector<1x16xf32>
      tpu.vector_store %parallel_loop3A_695[%parallel_loop3A_696, %parallel_loop3A_697], %parallel_loop3A_700 {strides = array<i32>} : memref<128x128xf32, #tpu.memory_space<vmem>>, vector<1x16xf32>,
      %parallel_loop3A_701 = arith.constant 0 : i32
      %parallel_loop3A_702 = arith.constant 0 : i32
      %parallel_loop3A_703 = tpu.memref_slice %arg8[%parallel_loop3A_405, %parallel_loop3A_701, %parallel_loop3A_702] : memref<3x128x128xf32, #tpu.memory_space<vmem>> -> memref<1x128x128xf32, #tpu.memory_space<vmem>>
      %parallel_loop3A_704 = tpu.memref_squeeze %parallel_loop3A_703 : memref<1x128x128xf32, #tpu.memory_space<vmem>> -> memref<128x128xf32, #tpu.memory_space<vmem>>
      %parallel_loop3A_705 = arith.index_cast %parallel_loop3A_570 : i32 to index
      %parallel_loop3A_706 = arith.constant 80 : index
      %parallel_loop3A_707 = tpu.vector_load %parallel_loop3A_704[%parallel_loop3A_705, %parallel_loop3A_706] {strides = array<i32>} : memref<128x128xf32, #tpu.memory_space<vmem>>, vector<1x16xf32>,
      %parallel_loop3A_708 = vector.shape_cast %parallel_loop3A_707 : vector<1x16xf32> to vector<16xf32>
      %parallel_loop3A_709 = arith.constant 0 : i32
      %parallel_loop3A_710 = arith.constant 0 : i32
      %parallel_loop3A_711 = tpu.memref_slice %arg9[%parallel_loop3A_406, %parallel_loop3A_709, %parallel_loop3A_710] : memref<3x128x128xf32, #tpu.memory_space<vmem>> -> memref<1x128x128xf32, #tpu.memory_space<vmem>>
      %parallel_loop3A_712 = tpu.memref_squeeze %parallel_loop3A_711 : memref<1x128x128xf32, #tpu.memory_space<vmem>> -> memref<128x128xf32, #tpu.memory_space<vmem>>
      %parallel_loop3A_713 = arith.index_cast %parallel_loop3A_570 : i32 to index
      %parallel_loop3A_714 = arith.constant 80 : index
      %parallel_loop3A_715 = tpu.vector_load %parallel_loop3A_712[%parallel_loop3A_713, %parallel_loop3A_714] {strides = array<i32>} : memref<128x128xf32, #tpu.memory_space<vmem>>, vector<1x16xf32>,
      %parallel_loop3A_716 = vector.shape_cast %parallel_loop3A_715 : vector<1x16xf32> to vector<16xf32>
      %parallel_loop3A_717 = arith.mulf %parallel_loop3A_708, %parallel_loop3A_716 : vector<16xf32>
      %parallel_loop3A_718 = arith.constant 0 : i32
      %parallel_loop3A_719 = arith.constant 0 : i32
      %parallel_loop3A_720 = tpu.memref_slice %arg8[%parallel_loop3A_405, %parallel_loop3A_718, %parallel_loop3A_719] : memref<3x128x128xf32, #tpu.memory_space<vmem>> -> memref<1x128x128xf32, #tpu.memory_space<vmem>>
      %parallel_loop3A_721 = tpu.memref_squeeze %parallel_loop3A_720 : memref<1x128x128xf32, #tpu.memory_space<vmem>> -> memref<128x128xf32, #tpu.memory_space<vmem>>
      %parallel_loop3A_722 = arith.index_cast %parallel_loop3A_570 : i32 to index
      %parallel_loop3A_723 = arith.constant 80 : index
      %parallel_loop3A_724 = tpu.vector_load %parallel_loop3A_721[%parallel_loop3A_722, %parallel_loop3A_723] {strides = array<i32>} : memref<128x128xf32, #tpu.memory_space<vmem>>, vector<1x16xf32>,
      %parallel_loop3A_725 = vector.shape_cast %parallel_loop3A_724 : vector<1x16xf32> to vector<16xf32>
      %parallel_loop3A_726 = vector.shape_cast %parallel_loop3A_717 : vector<16xf32> to vector<1x16xf32>
      tpu.vector_store %parallel_loop3A_721[%parallel_loop3A_722, %parallel_loop3A_723], %parallel_loop3A_726 {strides = array<i32>} : memref<128x128xf32, #tpu.memory_space<vmem>>, vector<1x16xf32>,
      %parallel_loop3A_727 = arith.constant 0 : i32
      %parallel_loop3A_728 = arith.constant 0 : i32
      %parallel_loop3A_729 = tpu.memref_slice %arg8[%parallel_loop3A_405, %parallel_loop3A_727, %parallel_loop3A_728] : memref<3x128x128xf32, #tpu.memory_space<vmem>> -> memref<1x128x128xf32, #tpu.memory_space<vmem>>
      %parallel_loop3A_730 = tpu.memref_squeeze %parallel_loop3A_729 : memref<1x128x128xf32, #tpu.memory_space<vmem>> -> memref<128x128xf32, #tpu.memory_space<vmem>>
      %parallel_loop3A_731 = arith.index_cast %parallel_loop3A_570 : i32 to index
      %parallel_loop3A_732 = arith.constant 96 : index
      %parallel_loop3A_733 = tpu.vector_load %parallel_loop3A_730[%parallel_loop3A_731, %parallel_loop3A_732] {strides = array<i32>} : memref<128x128xf32, #tpu.memory_space<vmem>>, vector<1x16xf32>,
      %parallel_loop3A_734 = vector.shape_cast %parallel_loop3A_733 : vector<1x16xf32> to vector<16xf32>
      %parallel_loop3A_735 = arith.constant 0 : i32
      %parallel_loop3A_736 = arith.constant 0 : i32
      %parallel_loop3A_737 = tpu.memref_slice %arg9[%parallel_loop3A_406, %parallel_loop3A_735, %parallel_loop3A_736] : memref<3x128x128xf32, #tpu.memory_space<vmem>> -> memref<1x128x128xf32, #tpu.memory_space<vmem>>
      %parallel_loop3A_738 = tpu.memref_squeeze %parallel_loop3A_737 : memref<1x128x128xf32, #tpu.memory_space<vmem>> -> memref<128x128xf32, #tpu.memory_space<vmem>>
      %parallel_loop3A_739 = arith.index_cast %parallel_loop3A_570 : i32 to index
      %parallel_loop3A_740 = arith.constant 96 : index
      %parallel_loop3A_741 = tpu.vector_load %parallel_loop3A_738[%parallel_loop3A_739, %parallel_loop3A_740] {strides = array<i32>} : memref<128x128xf32, #tpu.memory_space<vmem>>, vector<1x16xf32>,
      %parallel_loop3A_742 = vector.shape_cast %parallel_loop3A_741 : vector<1x16xf32> to vector<16xf32>
      %parallel_loop3A_743 = arith.mulf %parallel_loop3A_734, %parallel_loop3A_742 : vector<16xf32>
      %parallel_loop3A_744 = arith.constant 0 : i32
      %parallel_loop3A_745 = arith.constant 0 : i32
      %parallel_loop3A_746 = tpu.memref_slice %arg8[%parallel_loop3A_405, %parallel_loop3A_744, %parallel_loop3A_745] : memref<3x128x128xf32, #tpu.memory_space<vmem>> -> memref<1x128x128xf32, #tpu.memory_space<vmem>>
      %parallel_loop3A_747 = tpu.memref_squeeze %parallel_loop3A_746 : memref<1x128x128xf32, #tpu.memory_space<vmem>> -> memref<128x128xf32, #tpu.memory_space<vmem>>
      %parallel_loop3A_748 = arith.index_cast %parallel_loop3A_570 : i32 to index
      %parallel_loop3A_749 = arith.constant 96 : index
      %parallel_loop3A_750 = tpu.vector_load %parallel_loop3A_747[%parallel_loop3A_748, %parallel_loop3A_749] {strides = array<i32>} : memref<128x128xf32, #tpu.memory_space<vmem>>, vector<1x16xf32>,
      %parallel_loop3A_751 = vector.shape_cast %parallel_loop3A_750 : vector<1x16xf32> to vector<16xf32>
      %parallel_loop3A_752 = vector.shape_cast %parallel_loop3A_743 : vector<16xf32> to vector<1x16xf32>
      tpu.vector_store %parallel_loop3A_747[%parallel_loop3A_748, %parallel_loop3A_749], %parallel_loop3A_752 {strides = array<i32>} : memref<128x128xf32, #tpu.memory_space<vmem>>, vector<1x16xf32>,
      %parallel_loop3A_753 = arith.constant 0 : i32
      %parallel_loop3A_754 = arith.constant 0 : i32
      %parallel_loop3A_755 = tpu.memref_slice %arg8[%parallel_loop3A_405, %parallel_loop3A_753, %parallel_loop3A_754] : memref<3x128x128xf32, #tpu.memory_space<vmem>> -> memref<1x128x128xf32, #tpu.memory_space<vmem>>
      %parallel_loop3A_756 = tpu.memref_squeeze %parallel_loop3A_755 : memref<1x128x128xf32, #tpu.memory_space<vmem>> -> memref<128x128xf32, #tpu.memory_space<vmem>>
      %parallel_loop3A_757 = arith.index_cast %parallel_loop3A_570 : i32 to index
      %parallel_loop3A_758 = arith.constant 112 : index
      %parallel_loop3A_759 = tpu.vector_load %parallel_loop3A_756[%parallel_loop3A_757, %parallel_loop3A_758] {strides = array<i32>} : memref<128x128xf32, #tpu.memory_space<vmem>>, vector<1x16xf32>,
      %parallel_loop3A_760 = vector.shape_cast %parallel_loop3A_759 : vector<1x16xf32> to vector<16xf32>
      %parallel_loop3A_761 = arith.constant 0 : i32
      %parallel_loop3A_762 = arith.constant 0 : i32
      %parallel_loop3A_763 = tpu.memref_slice %arg9[%parallel_loop3A_406, %parallel_loop3A_761, %parallel_loop3A_762] : memref<3x128x128xf32, #tpu.memory_space<vmem>> -> memref<1x128x128xf32, #tpu.memory_space<vmem>>
      %parallel_loop3A_764 = tpu.memref_squeeze %parallel_loop3A_763 : memref<1x128x128xf32, #tpu.memory_space<vmem>> -> memref<128x128xf32, #tpu.memory_space<vmem>>
      %parallel_loop3A_765 = arith.index_cast %parallel_loop3A_570 : i32 to index
      %parallel_loop3A_766 = arith.constant 112 : index
      %parallel_loop3A_767 = tpu.vector_load %parallel_loop3A_764[%parallel_loop3A_765, %parallel_loop3A_766] {strides = array<i32>} : memref<128x128xf32, #tpu.memory_space<vmem>>, vector<1x16xf32>,
      %parallel_loop3A_768 = vector.shape_cast %parallel_loop3A_767 : vector<1x16xf32> to vector<16xf32>
      %parallel_loop3A_769 = arith.mulf %parallel_loop3A_760, %parallel_loop3A_768 : vector<16xf32>
      %parallel_loop3A_770 = arith.constant 0 : i32
      %parallel_loop3A_771 = arith.constant 0 : i32
      %parallel_loop3A_772 = tpu.memref_slice %arg8[%parallel_loop3A_405, %parallel_loop3A_770, %parallel_loop3A_771] : memref<3x128x128xf32, #tpu.memory_space<vmem>> -> memref<1x128x128xf32, #tpu.memory_space<vmem>>
      %parallel_loop3A_773 = tpu.memref_squeeze %parallel_loop3A_772 : memref<1x128x128xf32, #tpu.memory_space<vmem>> -> memref<128x128xf32, #tpu.memory_space<vmem>>
      %parallel_loop3A_774 = arith.index_cast %parallel_loop3A_570 : i32 to index
      %parallel_loop3A_775 = arith.constant 112 : index
      %parallel_loop3A_776 = tpu.vector_load %parallel_loop3A_773[%parallel_loop3A_774, %parallel_loop3A_775] {strides = array<i32>} : memref<128x128xf32, #tpu.memory_space<vmem>>, vector<1x16xf32>,
      %parallel_loop3A_777 = vector.shape_cast %parallel_loop3A_776 : vector<1x16xf32> to vector<16xf32>
      %parallel_loop3A_778 = vector.shape_cast %parallel_loop3A_769 : vector<16xf32> to vector<1x16xf32>
      tpu.vector_store %parallel_loop3A_773[%parallel_loop3A_774, %parallel_loop3A_775], %parallel_loop3A_778 {strides = array<i32>} : memref<128x128xf32, #tpu.memory_space<vmem>>, vector<1x16xf32>,
    } {sc.loop_unroll_factor = 1 : i64, sc.parallel_access}
    %add3A_407 = arith.constant 384 : i32
    %add3A_408 = arith.addi %mul3A_2, %add3A_407 : i32
    %dma_start3A_409 = arith.constant 0 : i32
    %dma_start3A_410 = arith.constant 0 : i32
    %dma_start3A_411 = arith.constant 0 : i32
    %dma_start3A_412 = tpu.memref_slice %arg8[%dma_start3A_409, %dma_start3A_410, %dma_start3A_411] : memref<3x128x128xf32, #tpu.memory_space<vmem>> -> memref<1x128x128xf32, #tpu.memory_space<vmem>>
    %dma_start3A_413 = tpu.memref_squeeze %dma_start3A_412 : memref<1x128x128xf32, #tpu.memory_space<vmem>> -> memref<128x128xf32, #tpu.memory_space<vmem>>
    %dma_start3A_414 = arith.constant 0 : i32
    %dma_start3A_415 = arith.constant 0 : i32
    %dma_start3A_416 = tpu.memref_slice %dma_start3A_413[%dma_start3A_414, %dma_start3A_415] : memref<128x128xf32, #tpu.memory_space<vmem>> -> memref<64x128xf32, #tpu.memory_space<vmem>>
    %dma_start3A_417 = arith.constant 0 : i32
    %dma_start3A_418 = tpu.memref_slice %arg5[%add3A_408, %dma_start3A_417] : memref<16384x128xf32, #tpu.memory_space<hbm>> -> memref<64x128xf32, #tpu.memory_space<hbm>>
    %dma_start3A_419 = arith.constant 0 : i32
    %dma_start3A_420 = tpu.memref_slice %arg5[%add3A_408, %dma_start3A_419] : memref<16384x128xf32, #tpu.memory_space<hbm>> -> memref<64x128xf32, #tpu.memory_space<hbm>>
    %dma_start3A_421 = arith.constant 0 : i32
    %dma_start3A_422 = arith.constant 0 : i32
    %dma_start3A_423 = tpu.memref_slice %arg8[%dma_start3A_409, %dma_start3A_421, %dma_start3A_422] : memref<3x128x128xf32, #tpu.memory_space<vmem>> -> memref<1x128x128xf32, #tpu.memory_space<vmem>>
    %dma_start3A_424 = tpu.memref_squeeze %dma_start3A_423 : memref<1x128x128xf32, #tpu.memory_space<vmem>> -> memref<128x128xf32, #tpu.memory_space<vmem>>
    %dma_start3A_425 = arith.constant 0 : i32
    %dma_start3A_426 = arith.constant 0 : i32
    %dma_start3A_427 = tpu.memref_slice %dma_start3A_424[%dma_start3A_425, %dma_start3A_426] : memref<128x128xf32, #tpu.memory_space<vmem>> -> memref<64x128xf32, #tpu.memory_space<vmem>>
    tpu.enqueue_dma source(%dma_start3A_427 : memref<64x128xf32, #tpu.memory_space<vmem>>) target(%dma_start3A_420 : memref<64x128xf32, #tpu.memory_space<hbm>>) target_semaphore(%arg16 : memref<!tpu.dma_semaphore, #tpu.memory_space<semaphore_mem>>)
    %parallel_loop3A_428 = arith.constant 64 : i32
    %parallel_loop3A_429 = arith.constant 128 : i32
    %parallel_loop3A_430 = arith.constant 1 : i32
    %parallel_loop3A_431 = arith.constant 0 : i32
    %parallel_loop3A_432 = arith.constant 0 : i32
    scf.for %parallel_loop3A_570 = %parallel_loop3A_428 to %parallel_loop3A_429 step %parallel_loop3A_430  : i32 {
      %parallel_loop3A_571 = arith.constant 0 : i32
      %parallel_loop3A_572 = arith.constant 0 : i32
      %parallel_loop3A_573 = tpu.memref_slice %arg8[%parallel_loop3A_431, %parallel_loop3A_571, %parallel_loop3A_572] : memref<3x128x128xf32, #tpu.memory_space<vmem>> -> memref<1x128x128xf32, #tpu.memory_space<vmem>>
      %parallel_loop3A_574 = tpu.memref_squeeze %parallel_loop3A_573 : memref<1x128x128xf32, #tpu.memory_space<vmem>> -> memref<128x128xf32, #tpu.memory_space<vmem>>
      %parallel_loop3A_575 = arith.index_cast %parallel_loop3A_570 : i32 to index
      %parallel_loop3A_576 = arith.constant 0 : index
      %parallel_loop3A_577 = tpu.vector_load %parallel_loop3A_574[%parallel_loop3A_575, %parallel_loop3A_576] {strides = array<i32>} : memref<128x128xf32, #tpu.memory_space<vmem>>, vector<1x16xf32>,
      %parallel_loop3A_578 = vector.shape_cast %parallel_loop3A_577 : vector<1x16xf32> to vector<16xf32>
      %parallel_loop3A_579 = arith.constant 0 : i32
      %parallel_loop3A_580 = arith.constant 0 : i32
      %parallel_loop3A_581 = tpu.memref_slice %arg9[%parallel_loop3A_432, %parallel_loop3A_579, %parallel_loop3A_580] : memref<3x128x128xf32, #tpu.memory_space<vmem>> -> memref<1x128x128xf32, #tpu.memory_space<vmem>>
      %parallel_loop3A_582 = tpu.memref_squeeze %parallel_loop3A_581 : memref<1x128x128xf32, #tpu.memory_space<vmem>> -> memref<128x128xf32, #tpu.memory_space<vmem>>
      %parallel_loop3A_583 = arith.index_cast %parallel_loop3A_570 : i32 to index
      %parallel_loop3A_584 = arith.constant 0 : index
      %parallel_loop3A_585 = tpu.vector_load %parallel_loop3A_582[%parallel_loop3A_583, %parallel_loop3A_584] {strides = array<i32>} : memref<128x128xf32, #tpu.memory_space<vmem>>, vector<1x16xf32>,
      %parallel_loop3A_586 = vector.shape_cast %parallel_loop3A_585 : vector<1x16xf32> to vector<16xf32>
      %parallel_loop3A_587 = arith.mulf %parallel_loop3A_578, %parallel_loop3A_586 : vector<16xf32>
      %parallel_loop3A_588 = arith.constant 0 : i32
      %parallel_loop3A_589 = arith.constant 0 : i32
      %parallel_loop3A_590 = tpu.memref_slice %arg8[%parallel_loop3A_431, %parallel_loop3A_588, %parallel_loop3A_589] : memref<3x128x128xf32, #tpu.memory_space<vmem>> -> memref<1x128x128xf32, #tpu.memory_space<vmem>>
      %parallel_loop3A_591 = tpu.memref_squeeze %parallel_loop3A_590 : memref<1x128x128xf32, #tpu.memory_space<vmem>> -> memref<128x128xf32, #tpu.memory_space<vmem>>
      %parallel_loop3A_592 = arith.index_cast %parallel_loop3A_570 : i32 to index
      %parallel_loop3A_593 = arith.constant 0 : index
      %parallel_loop3A_594 = tpu.vector_load %parallel_loop3A_591[%parallel_loop3A_592, %parallel_loop3A_593] {strides = array<i32>} : memref<128x128xf32, #tpu.memory_space<vmem>>, vector<1x16xf32>,
      %parallel_loop3A_595 = vector.shape_cast %parallel_loop3A_594 : vector<1x16xf32> to vector<16xf32>
      %parallel_loop3A_596 = vector.shape_cast %parallel_loop3A_587 : vector<16xf32> to vector<1x16xf32>
      tpu.vector_store %parallel_loop3A_591[%parallel_loop3A_592, %parallel_loop3A_593], %parallel_loop3A_596 {strides = array<i32>} : memref<128x128xf32, #tpu.memory_space<vmem>>, vector<1x16xf32>,
      %parallel_loop3A_597 = arith.constant 0 : i32
      %parallel_loop3A_598 = arith.constant 0 : i32
      %parallel_loop3A_599 = tpu.memref_slice %arg8[%parallel_loop3A_431, %parallel_loop3A_597, %parallel_loop3A_598] : memref<3x128x128xf32, #tpu.memory_space<vmem>> -> memref<1x128x128xf32, #tpu.memory_space<vmem>>
      %parallel_loop3A_600 = tpu.memref_squeeze %parallel_loop3A_599 : memref<1x128x128xf32, #tpu.memory_space<vmem>> -> memref<128x128xf32, #tpu.memory_space<vmem>>
      %parallel_loop3A_601 = arith.index_cast %parallel_loop3A_570 : i32 to index
      %parallel_loop3A_602 = arith.constant 16 : index
      %parallel_loop3A_603 = tpu.vector_load %parallel_loop3A_600[%parallel_loop3A_601, %parallel_loop3A_602] {strides = array<i32>} : memref<128x128xf32, #tpu.memory_space<vmem>>, vector<1x16xf32>,
      %parallel_loop3A_604 = vector.shape_cast %parallel_loop3A_603 : vector<1x16xf32> to vector<16xf32>
      %parallel_loop3A_605 = arith.constant 0 : i32
      %parallel_loop3A_606 = arith.constant 0 : i32
      %parallel_loop3A_607 = tpu.memref_slice %arg9[%parallel_loop3A_432, %parallel_loop3A_605, %parallel_loop3A_606] : memref<3x128x128xf32, #tpu.memory_space<vmem>> -> memref<1x128x128xf32, #tpu.memory_space<vmem>>
      %parallel_loop3A_608 = tpu.memref_squeeze %parallel_loop3A_607 : memref<1x128x128xf32, #tpu.memory_space<vmem>> -> memref<128x128xf32, #tpu.memory_space<vmem>>
      %parallel_loop3A_609 = arith.index_cast %parallel_loop3A_570 : i32 to index
      %parallel_loop3A_610 = arith.constant 16 : index
      %parallel_loop3A_611 = tpu.vector_load %parallel_loop3A_608[%parallel_loop3A_609, %parallel_loop3A_610] {strides = array<i32>} : memref<128x128xf32, #tpu.memory_space<vmem>>, vector<1x16xf32>,
      %parallel_loop3A_612 = vector.shape_cast %parallel_loop3A_611 : vector<1x16xf32> to vector<16xf32>
      %parallel_loop3A_613 = arith.mulf %parallel_loop3A_604, %parallel_loop3A_612 : vector<16xf32>
      %parallel_loop3A_614 = arith.constant 0 : i32
      %parallel_loop3A_615 = arith.constant 0 : i32
      %parallel_loop3A_616 = tpu.memref_slice %arg8[%parallel_loop3A_431, %parallel_loop3A_614, %parallel_loop3A_615] : memref<3x128x128xf32, #tpu.memory_space<vmem>> -> memref<1x128x128xf32, #tpu.memory_space<vmem>>
      %parallel_loop3A_617 = tpu.memref_squeeze %parallel_loop3A_616 : memref<1x128x128xf32, #tpu.memory_space<vmem>> -> memref<128x128xf32, #tpu.memory_space<vmem>>
      %parallel_loop3A_618 = arith.index_cast %parallel_loop3A_570 : i32 to index
      %parallel_loop3A_619 = arith.constant 16 : index
      %parallel_loop3A_620 = tpu.vector_load %parallel_loop3A_617[%parallel_loop3A_618, %parallel_loop3A_619] {strides = array<i32>} : memref<128x128xf32, #tpu.memory_space<vmem>>, vector<1x16xf32>,
      %parallel_loop3A_621 = vector.shape_cast %parallel_loop3A_620 : vector<1x16xf32> to vector<16xf32>
      %parallel_loop3A_622 = vector.shape_cast %parallel_loop3A_613 : vector<16xf32> to vector<1x16xf32>
      tpu.vector_store %parallel_loop3A_617[%parallel_loop3A_618, %parallel_loop3A_619], %parallel_loop3A_622 {strides = array<i32>} : memref<128x128xf32, #tpu.memory_space<vmem>>, vector<1x16xf32>,
      %parallel_loop3A_623 = arith.constant 0 : i32
      %parallel_loop3A_624 = arith.constant 0 : i32
      %parallel_loop3A_625 = tpu.memref_slice %arg8[%parallel_loop3A_431, %parallel_loop3A_623, %parallel_loop3A_624] : memref<3x128x128xf32, #tpu.memory_space<vmem>> -> memref<1x128x128xf32, #tpu.memory_space<vmem>>
      %parallel_loop3A_626 = tpu.memref_squeeze %parallel_loop3A_625 : memref<1x128x128xf32, #tpu.memory_space<vmem>> -> memref<128x128xf32, #tpu.memory_space<vmem>>
      %parallel_loop3A_627 = arith.index_cast %parallel_loop3A_570 : i32 to index
      %parallel_loop3A_628 = arith.constant 32 : index
      %parallel_loop3A_629 = tpu.vector_load %parallel_loop3A_626[%parallel_loop3A_627, %parallel_loop3A_628] {strides = array<i32>} : memref<128x128xf32, #tpu.memory_space<vmem>>, vector<1x16xf32>,
      %parallel_loop3A_630 = vector.shape_cast %parallel_loop3A_629 : vector<1x16xf32> to vector<16xf32>
      %parallel_loop3A_631 = arith.constant 0 : i32
      %parallel_loop3A_632 = arith.constant 0 : i32
      %parallel_loop3A_633 = tpu.memref_slice %arg9[%parallel_loop3A_432, %parallel_loop3A_631, %parallel_loop3A_632] : memref<3x128x128xf32, #tpu.memory_space<vmem>> -> memref<1x128x128xf32, #tpu.memory_space<vmem>>
      %parallel_loop3A_634 = tpu.memref_squeeze %parallel_loop3A_633 : memref<1x128x128xf32, #tpu.memory_space<vmem>> -> memref<128x128xf32, #tpu.memory_space<vmem>>
      %parallel_loop3A_635 = arith.index_cast %parallel_loop3A_570 : i32 to index
      %parallel_loop3A_636 = arith.constant 32 : index
      %parallel_loop3A_637 = tpu.vector_load %parallel_loop3A_634[%parallel_loop3A_635, %parallel_loop3A_636] {strides = array<i32>} : memref<128x128xf32, #tpu.memory_space<vmem>>, vector<1x16xf32>,
      %parallel_loop3A_638 = vector.shape_cast %parallel_loop3A_637 : vector<1x16xf32> to vector<16xf32>
      %parallel_loop3A_639 = arith.mulf %parallel_loop3A_630, %parallel_loop3A_638 : vector<16xf32>
      %parallel_loop3A_640 = arith.constant 0 : i32
      %parallel_loop3A_641 = arith.constant 0 : i32
      %parallel_loop3A_642 = tpu.memref_slice %arg8[%parallel_loop3A_431, %parallel_loop3A_640, %parallel_loop3A_641] : memref<3x128x128xf32, #tpu.memory_space<vmem>> -> memref<1x128x128xf32, #tpu.memory_space<vmem>>
      %parallel_loop3A_643 = tpu.memref_squeeze %parallel_loop3A_642 : memref<1x128x128xf32, #tpu.memory_space<vmem>> -> memref<128x128xf32, #tpu.memory_space<vmem>>
      %parallel_loop3A_644 = arith.index_cast %parallel_loop3A_570 : i32 to index
      %parallel_loop3A_645 = arith.constant 32 : index
      %parallel_loop3A_646 = tpu.vector_load %parallel_loop3A_643[%parallel_loop3A_644, %parallel_loop3A_645] {strides = array<i32>} : memref<128x128xf32, #tpu.memory_space<vmem>>, vector<1x16xf32>,
      %parallel_loop3A_647 = vector.shape_cast %parallel_loop3A_646 : vector<1x16xf32> to vector<16xf32>
      %parallel_loop3A_648 = vector.shape_cast %parallel_loop3A_639 : vector<16xf32> to vector<1x16xf32>
      tpu.vector_store %parallel_loop3A_643[%parallel_loop3A_644, %parallel_loop3A_645], %parallel_loop3A_648 {strides = array<i32>} : memref<128x128xf32, #tpu.memory_space<vmem>>, vector<1x16xf32>,
      %parallel_loop3A_649 = arith.constant 0 : i32
      %parallel_loop3A_650 = arith.constant 0 : i32
      %parallel_loop3A_651 = tpu.memref_slice %arg8[%parallel_loop3A_431, %parallel_loop3A_649, %parallel_loop3A_650] : memref<3x128x128xf32, #tpu.memory_space<vmem>> -> memref<1x128x128xf32, #tpu.memory_space<vmem>>
      %parallel_loop3A_652 = tpu.memref_squeeze %parallel_loop3A_651 : memref<1x128x128xf32, #tpu.memory_space<vmem>> -> memref<128x128xf32, #tpu.memory_space<vmem>>
      %parallel_loop3A_653 = arith.index_cast %parallel_loop3A_570 : i32 to index
      %parallel_loop3A_654 = arith.constant 48 : index
      %parallel_loop3A_655 = tpu.vector_load %parallel_loop3A_652[%parallel_loop3A_653, %parallel_loop3A_654] {strides = array<i32>} : memref<128x128xf32, #tpu.memory_space<vmem>>, vector<1x16xf32>,
      %parallel_loop3A_656 = vector.shape_cast %parallel_loop3A_655 : vector<1x16xf32> to vector<16xf32>
      %parallel_loop3A_657 = arith.constant 0 : i32
      %parallel_loop3A_658 = arith.constant 0 : i32
      %parallel_loop3A_659 = tpu.memref_slice %arg9[%parallel_loop3A_432, %parallel_loop3A_657, %parallel_loop3A_658] : memref<3x128x128xf32, #tpu.memory_space<vmem>> -> memref<1x128x128xf32, #tpu.memory_space<vmem>>
      %parallel_loop3A_660 = tpu.memref_squeeze %parallel_loop3A_659 : memref<1x128x128xf32, #tpu.memory_space<vmem>> -> memref<128x128xf32, #tpu.memory_space<vmem>>
      %parallel_loop3A_661 = arith.index_cast %parallel_loop3A_570 : i32 to index
      %parallel_loop3A_662 = arith.constant 48 : index
      %parallel_loop3A_663 = tpu.vector_load %parallel_loop3A_660[%parallel_loop3A_661, %parallel_loop3A_662] {strides = array<i32>} : memref<128x128xf32, #tpu.memory_space<vmem>>, vector<1x16xf32>,
      %parallel_loop3A_664 = vector.shape_cast %parallel_loop3A_663 : vector<1x16xf32> to vector<16xf32>
      %parallel_loop3A_665 = arith.mulf %parallel_loop3A_656, %parallel_loop3A_664 : vector<16xf32>
      %parallel_loop3A_666 = arith.constant 0 : i32
      %parallel_loop3A_667 = arith.constant 0 : i32
      %parallel_loop3A_668 = tpu.memref_slice %arg8[%parallel_loop3A_431, %parallel_loop3A_666, %parallel_loop3A_667] : memref<3x128x128xf32, #tpu.memory_space<vmem>> -> memref<1x128x128xf32, #tpu.memory_space<vmem>>
      %parallel_loop3A_669 = tpu.memref_squeeze %parallel_loop3A_668 : memref<1x128x128xf32, #tpu.memory_space<vmem>> -> memref<128x128xf32, #tpu.memory_space<vmem>>
      %parallel_loop3A_670 = arith.index_cast %parallel_loop3A_570 : i32 to index
      %parallel_loop3A_671 = arith.constant 48 : index
      %parallel_loop3A_672 = tpu.vector_load %parallel_loop3A_669[%parallel_loop3A_670, %parallel_loop3A_671] {strides = array<i32>} : memref<128x128xf32, #tpu.memory_space<vmem>>, vector<1x16xf32>,
      %parallel_loop3A_673 = vector.shape_cast %parallel_loop3A_672 : vector<1x16xf32> to vector<16xf32>
      %parallel_loop3A_674 = vector.shape_cast %parallel_loop3A_665 : vector<16xf32> to vector<1x16xf32>
      tpu.vector_store %parallel_loop3A_669[%parallel_loop3A_670, %parallel_loop3A_671], %parallel_loop3A_674 {strides = array<i32>} : memref<128x128xf32, #tpu.memory_space<vmem>>, vector<1x16xf32>,
      %parallel_loop3A_675 = arith.constant 0 : i32
      %parallel_loop3A_676 = arith.constant 0 : i32
      %parallel_loop3A_677 = tpu.memref_slice %arg8[%parallel_loop3A_431, %parallel_loop3A_675, %parallel_loop3A_676] : memref<3x128x128xf32, #tpu.memory_space<vmem>> -> memref<1x128x128xf32, #tpu.memory_space<vmem>>
      %parallel_loop3A_678 = tpu.memref_squeeze %parallel_loop3A_677 : memref<1x128x128xf32, #tpu.memory_space<vmem>> -> memref<128x128xf32, #tpu.memory_space<vmem>>
      %parallel_loop3A_679 = arith.index_cast %parallel_loop3A_570 : i32 to index
      %parallel_loop3A_680 = arith.constant 64 : index
      %parallel_loop3A_681 = tpu.vector_load %parallel_loop3A_678[%parallel_loop3A_679, %parallel_loop3A_680] {strides = array<i32>} : memref<128x128xf32, #tpu.memory_space<vmem>>, vector<1x16xf32>,
      %parallel_loop3A_682 = vector.shape_cast %parallel_loop3A_681 : vector<1x16xf32> to vector<16xf32>
      %parallel_loop3A_683 = arith.constant 0 : i32
      %parallel_loop3A_684 = arith.constant 0 : i32
      %parallel_loop3A_685 = tpu.memref_slice %arg9[%parallel_loop3A_432, %parallel_loop3A_683, %parallel_loop3A_684] : memref<3x128x128xf32, #tpu.memory_space<vmem>> -> memref<1x128x128xf32, #tpu.memory_space<vmem>>
      %parallel_loop3A_686 = tpu.memref_squeeze %parallel_loop3A_685 : memref<1x128x128xf32, #tpu.memory_space<vmem>> -> memref<128x128xf32, #tpu.memory_space<vmem>>
      %parallel_loop3A_687 = arith.index_cast %parallel_loop3A_570 : i32 to index
      %parallel_loop3A_688 = arith.constant 64 : index
      %parallel_loop3A_689 = tpu.vector_load %parallel_loop3A_686[%parallel_loop3A_687, %parallel_loop3A_688] {strides = array<i32>} : memref<128x128xf32, #tpu.memory_space<vmem>>, vector<1x16xf32>,
      %parallel_loop3A_690 = vector.shape_cast %parallel_loop3A_689 : vector<1x16xf32> to vector<16xf32>
      %parallel_loop3A_691 = arith.mulf %parallel_loop3A_682, %parallel_loop3A_690 : vector<16xf32>
      %parallel_loop3A_692 = arith.constant 0 : i32
      %parallel_loop3A_693 = arith.constant 0 : i32
      %parallel_loop3A_694 = tpu.memref_slice %arg8[%parallel_loop3A_431, %parallel_loop3A_692, %parallel_loop3A_693] : memref<3x128x128xf32, #tpu.memory_space<vmem>> -> memref<1x128x128xf32, #tpu.memory_space<vmem>>
      %parallel_loop3A_695 = tpu.memref_squeeze %parallel_loop3A_694 : memref<1x128x128xf32, #tpu.memory_space<vmem>> -> memref<128x128xf32, #tpu.memory_space<vmem>>
      %parallel_loop3A_696 = arith.index_cast %parallel_loop3A_570 : i32 to index
      %parallel_loop3A_697 = arith.constant 64 : index
      %parallel_loop3A_698 = tpu.vector_load %parallel_loop3A_695[%parallel_loop3A_696, %parallel_loop3A_697] {strides = array<i32>} : memref<128x128xf32, #tpu.memory_space<vmem>>, vector<1x16xf32>,
      %parallel_loop3A_699 = vector.shape_cast %parallel_loop3A_698 : vector<1x16xf32> to vector<16xf32>
      %parallel_loop3A_700 = vector.shape_cast %parallel_loop3A_691 : vector<16xf32> to vector<1x16xf32>
      tpu.vector_store %parallel_loop3A_695[%parallel_loop3A_696, %parallel_loop3A_697], %parallel_loop3A_700 {strides = array<i32>} : memref<128x128xf32, #tpu.memory_space<vmem>>, vector<1x16xf32>,
      %parallel_loop3A_701 = arith.constant 0 : i32
      %parallel_loop3A_702 = arith.constant 0 : i32
      %parallel_loop3A_703 = tpu.memref_slice %arg8[%parallel_loop3A_431, %parallel_loop3A_701, %parallel_loop3A_702] : memref<3x128x128xf32, #tpu.memory_space<vmem>> -> memref<1x128x128xf32, #tpu.memory_space<vmem>>
      %parallel_loop3A_704 = tpu.memref_squeeze %parallel_loop3A_703 : memref<1x128x128xf32, #tpu.memory_space<vmem>> -> memref<128x128xf32, #tpu.memory_space<vmem>>
      %parallel_loop3A_705 = arith.index_cast %parallel_loop3A_570 : i32 to index
      %parallel_loop3A_706 = arith.constant 80 : index
      %parallel_loop3A_707 = tpu.vector_load %parallel_loop3A_704[%parallel_loop3A_705, %parallel_loop3A_706] {strides = array<i32>} : memref<128x128xf32, #tpu.memory_space<vmem>>, vector<1x16xf32>,
      %parallel_loop3A_708 = vector.shape_cast %parallel_loop3A_707 : vector<1x16xf32> to vector<16xf32>
      %parallel_loop3A_709 = arith.constant 0 : i32
      %parallel_loop3A_710 = arith.constant 0 : i32
      %parallel_loop3A_711 = tpu.memref_slice %arg9[%parallel_loop3A_432, %parallel_loop3A_709, %parallel_loop3A_710] : memref<3x128x128xf32, #tpu.memory_space<vmem>> -> memref<1x128x128xf32, #tpu.memory_space<vmem>>
      %parallel_loop3A_712 = tpu.memref_squeeze %parallel_loop3A_711 : memref<1x128x128xf32, #tpu.memory_space<vmem>> -> memref<128x128xf32, #tpu.memory_space<vmem>>
      %parallel_loop3A_713 = arith.index_cast %parallel_loop3A_570 : i32 to index
      %parallel_loop3A_714 = arith.constant 80 : index
      %parallel_loop3A_715 = tpu.vector_load %parallel_loop3A_712[%parallel_loop3A_713, %parallel_loop3A_714] {strides = array<i32>} : memref<128x128xf32, #tpu.memory_space<vmem>>, vector<1x16xf32>,
      %parallel_loop3A_716 = vector.shape_cast %parallel_loop3A_715 : vector<1x16xf32> to vector<16xf32>
      %parallel_loop3A_717 = arith.mulf %parallel_loop3A_708, %parallel_loop3A_716 : vector<16xf32>
      %parallel_loop3A_718 = arith.constant 0 : i32
      %parallel_loop3A_719 = arith.constant 0 : i32
      %parallel_loop3A_720 = tpu.memref_slice %arg8[%parallel_loop3A_431, %parallel_loop3A_718, %parallel_loop3A_719] : memref<3x128x128xf32, #tpu.memory_space<vmem>> -> memref<1x128x128xf32, #tpu.memory_space<vmem>>
      %parallel_loop3A_721 = tpu.memref_squeeze %parallel_loop3A_720 : memref<1x128x128xf32, #tpu.memory_space<vmem>> -> memref<128x128xf32, #tpu.memory_space<vmem>>
      %parallel_loop3A_722 = arith.index_cast %parallel_loop3A_570 : i32 to index
      %parallel_loop3A_723 = arith.constant 80 : index
      %parallel_loop3A_724 = tpu.vector_load %parallel_loop3A_721[%parallel_loop3A_722, %parallel_loop3A_723] {strides = array<i32>} : memref<128x128xf32, #tpu.memory_space<vmem>>, vector<1x16xf32>,
      %parallel_loop3A_725 = vector.shape_cast %parallel_loop3A_724 : vector<1x16xf32> to vector<16xf32>
      %parallel_loop3A_726 = vector.shape_cast %parallel_loop3A_717 : vector<16xf32> to vector<1x16xf32>
      tpu.vector_store %parallel_loop3A_721[%parallel_loop3A_722, %parallel_loop3A_723], %parallel_loop3A_726 {strides = array<i32>} : memref<128x128xf32, #tpu.memory_space<vmem>>, vector<1x16xf32>,
      %parallel_loop3A_727 = arith.constant 0 : i32
      %parallel_loop3A_728 = arith.constant 0 : i32
      %parallel_loop3A_729 = tpu.memref_slice %arg8[%parallel_loop3A_431, %parallel_loop3A_727, %parallel_loop3A_728] : memref<3x128x128xf32, #tpu.memory_space<vmem>> -> memref<1x128x128xf32, #tpu.memory_space<vmem>>
      %parallel_loop3A_730 = tpu.memref_squeeze %parallel_loop3A_729 : memref<1x128x128xf32, #tpu.memory_space<vmem>> -> memref<128x128xf32, #tpu.memory_space<vmem>>
      %parallel_loop3A_731 = arith.index_cast %parallel_loop3A_570 : i32 to index
      %parallel_loop3A_732 = arith.constant 96 : index
      %parallel_loop3A_733 = tpu.vector_load %parallel_loop3A_730[%parallel_loop3A_731, %parallel_loop3A_732] {strides = array<i32>} : memref<128x128xf32, #tpu.memory_space<vmem>>, vector<1x16xf32>,
      %parallel_loop3A_734 = vector.shape_cast %parallel_loop3A_733 : vector<1x16xf32> to vector<16xf32>
      %parallel_loop3A_735 = arith.constant 0 : i32
      %parallel_loop3A_736 = arith.constant 0 : i32
      %parallel_loop3A_737 = tpu.memref_slice %arg9[%parallel_loop3A_432, %parallel_loop3A_735, %parallel_loop3A_736] : memref<3x128x128xf32, #tpu.memory_space<vmem>> -> memref<1x128x128xf32, #tpu.memory_space<vmem>>
      %parallel_loop3A_738 = tpu.memref_squeeze %parallel_loop3A_737 : memref<1x128x128xf32, #tpu.memory_space<vmem>> -> memref<128x128xf32, #tpu.memory_space<vmem>>
      %parallel_loop3A_739 = arith.index_cast %parallel_loop3A_570 : i32 to index
      %parallel_loop3A_740 = arith.constant 96 : index
      %parallel_loop3A_741 = tpu.vector_load %parallel_loop3A_738[%parallel_loop3A_739, %parallel_loop3A_740] {strides = array<i32>} : memref<128x128xf32, #tpu.memory_space<vmem>>, vector<1x16xf32>,
      %parallel_loop3A_742 = vector.shape_cast %parallel_loop3A_741 : vector<1x16xf32> to vector<16xf32>
      %parallel_loop3A_743 = arith.mulf %parallel_loop3A_734, %parallel_loop3A_742 : vector<16xf32>
      %parallel_loop3A_744 = arith.constant 0 : i32
      %parallel_loop3A_745 = arith.constant 0 : i32
      %parallel_loop3A_746 = tpu.memref_slice %arg8[%parallel_loop3A_431, %parallel_loop3A_744, %parallel_loop3A_745] : memref<3x128x128xf32, #tpu.memory_space<vmem>> -> memref<1x128x128xf32, #tpu.memory_space<vmem>>
      %parallel_loop3A_747 = tpu.memref_squeeze %parallel_loop3A_746 : memref<1x128x128xf32, #tpu.memory_space<vmem>> -> memref<128x128xf32, #tpu.memory_space<vmem>>
      %parallel_loop3A_748 = arith.index_cast %parallel_loop3A_570 : i32 to index
      %parallel_loop3A_749 = arith.constant 96 : index
      %parallel_loop3A_750 = tpu.vector_load %parallel_loop3A_747[%parallel_loop3A_748, %parallel_loop3A_749] {strides = array<i32>} : memref<128x128xf32, #tpu.memory_space<vmem>>, vector<1x16xf32>,
      %parallel_loop3A_751 = vector.shape_cast %parallel_loop3A_750 : vector<1x16xf32> to vector<16xf32>
      %parallel_loop3A_752 = vector.shape_cast %parallel_loop3A_743 : vector<16xf32> to vector<1x16xf32>
      tpu.vector_store %parallel_loop3A_747[%parallel_loop3A_748, %parallel_loop3A_749], %parallel_loop3A_752 {strides = array<i32>} : memref<128x128xf32, #tpu.memory_space<vmem>>, vector<1x16xf32>,
      %parallel_loop3A_753 = arith.constant 0 : i32
      %parallel_loop3A_754 = arith.constant 0 : i32
      %parallel_loop3A_755 = tpu.memref_slice %arg8[%parallel_loop3A_431, %parallel_loop3A_753, %parallel_loop3A_754] : memref<3x128x128xf32, #tpu.memory_space<vmem>> -> memref<1x128x128xf32, #tpu.memory_space<vmem>>
      %parallel_loop3A_756 = tpu.memref_squeeze %parallel_loop3A_755 : memref<1x128x128xf32, #tpu.memory_space<vmem>> -> memref<128x128xf32, #tpu.memory_space<vmem>>
      %parallel_loop3A_757 = arith.index_cast %parallel_loop3A_570 : i32 to index
      %parallel_loop3A_758 = arith.constant 112 : index
      %parallel_loop3A_759 = tpu.vector_load %parallel_loop3A_756[%parallel_loop3A_757, %parallel_loop3A_758] {strides = array<i32>} : memref<128x128xf32, #tpu.memory_space<vmem>>, vector<1x16xf32>,
      %parallel_loop3A_760 = vector.shape_cast %parallel_loop3A_759 : vector<1x16xf32> to vector<16xf32>
      %parallel_loop3A_761 = arith.constant 0 : i32
      %parallel_loop3A_762 = arith.constant 0 : i32
      %parallel_loop3A_763 = tpu.memref_slice %arg9[%parallel_loop3A_432, %parallel_loop3A_761, %parallel_loop3A_762] : memref<3x128x128xf32, #tpu.memory_space<vmem>> -> memref<1x128x128xf32, #tpu.memory_space<vmem>>
      %parallel_loop3A_764 = tpu.memref_squeeze %parallel_loop3A_763 : memref<1x128x128xf32, #tpu.memory_space<vmem>> -> memref<128x128xf32, #tpu.memory_space<vmem>>
      %parallel_loop3A_765 = arith.index_cast %parallel_loop3A_570 : i32 to index
      %parallel_loop3A_766 = arith.constant 112 : index
      %parallel_loop3A_767 = tpu.vector_load %parallel_loop3A_764[%parallel_loop3A_765, %parallel_loop3A_766] {strides = array<i32>} : memref<128x128xf32, #tpu.memory_space<vmem>>, vector<1x16xf32>,
      %parallel_loop3A_768 = vector.shape_cast %parallel_loop3A_767 : vector<1x16xf32> to vector<16xf32>
      %parallel_loop3A_769 = arith.mulf %parallel_loop3A_760, %parallel_loop3A_768 : vector<16xf32>
      %parallel_loop3A_770 = arith.constant 0 : i32
      %parallel_loop3A_771 = arith.constant 0 : i32
      %parallel_loop3A_772 = tpu.memref_slice %arg8[%parallel_loop3A_431, %parallel_loop3A_770, %parallel_loop3A_771] : memref<3x128x128xf32, #tpu.memory_space<vmem>> -> memref<1x128x128xf32, #tpu.memory_space<vmem>>
      %parallel_loop3A_773 = tpu.memref_squeeze %parallel_loop3A_772 : memref<1x128x128xf32, #tpu.memory_space<vmem>> -> memref<128x128xf32, #tpu.memory_space<vmem>>
      %parallel_loop3A_774 = arith.index_cast %parallel_loop3A_570 : i32 to index
      %parallel_loop3A_775 = arith.constant 112 : index
      %parallel_loop3A_776 = tpu.vector_load %parallel_loop3A_773[%parallel_loop3A_774, %parallel_loop3A_775] {strides = array<i32>} : memref<128x128xf32, #tpu.memory_space<vmem>>, vector<1x16xf32>,
      %parallel_loop3A_777 = vector.shape_cast %parallel_loop3A_776 : vector<1x16xf32> to vector<16xf32>
      %parallel_loop3A_778 = vector.shape_cast %parallel_loop3A_769 : vector<16xf32> to vector<1x16xf32>
      tpu.vector_store %parallel_loop3A_773[%parallel_loop3A_774, %parallel_loop3A_775], %parallel_loop3A_778 {strides = array<i32>} : memref<128x128xf32, #tpu.memory_space<vmem>>, vector<1x16xf32>,
    } {sc.loop_unroll_factor = 1 : i64, sc.parallel_access}
    %add3A_433 = arith.constant 384 : i32
    %add3A_434 = arith.addi %mul3A_2, %add3A_433 : i32
    %add3A_435 = arith.constant 64 : i32
    %add3A_436 = arith.addi %add3A_434, %add3A_435 : i32
    %dma_start3A_437 = arith.constant 0 : i32
    %dma_start3A_438 = arith.constant 0 : i32
    %dma_start3A_439 = arith.constant 0 : i32
    %dma_start3A_440 = tpu.memref_slice %arg8[%dma_start3A_437, %dma_start3A_438, %dma_start3A_439] : memref<3x128x128xf32, #tpu.memory_space<vmem>> -> memref<1x128x128xf32, #tpu.memory_space<vmem>>
    %dma_start3A_441 = tpu.memref_squeeze %dma_start3A_440 : memref<1x128x128xf32, #tpu.memory_space<vmem>> -> memref<128x128xf32, #tpu.memory_space<vmem>>
    %dma_start3A_442 = arith.constant 64 : i32
    %dma_start3A_443 = arith.constant 0 : i32
    %dma_start3A_444 = tpu.memref_slice %dma_start3A_441[%dma_start3A_442, %dma_start3A_443] : memref<128x128xf32, #tpu.memory_space<vmem>> -> memref<64x128xf32, #tpu.memory_space<vmem>>
    %dma_start3A_445 = arith.constant 0 : i32
    %dma_start3A_446 = tpu.memref_slice %arg5[%add3A_436, %dma_start3A_445] : memref<16384x128xf32, #tpu.memory_space<hbm>> -> memref<64x128xf32, #tpu.memory_space<hbm>>
    %dma_start3A_447 = arith.constant 0 : i32
    %dma_start3A_448 = tpu.memref_slice %arg5[%add3A_436, %dma_start3A_447] : memref<16384x128xf32, #tpu.memory_space<hbm>> -> memref<64x128xf32, #tpu.memory_space<hbm>>
    %dma_start3A_449 = arith.constant 0 : i32
    %dma_start3A_450 = arith.constant 0 : i32
    %dma_start3A_451 = tpu.memref_slice %arg8[%dma_start3A_437, %dma_start3A_449, %dma_start3A_450] : memref<3x128x128xf32, #tpu.memory_space<vmem>> -> memref<1x128x128xf32, #tpu.memory_space<vmem>>
    %dma_start3A_452 = tpu.memref_squeeze %dma_start3A_451 : memref<1x128x128xf32, #tpu.memory_space<vmem>> -> memref<128x128xf32, #tpu.memory_space<vmem>>
    %dma_start3A_453 = arith.constant 64 : i32
    %dma_start3A_454 = arith.constant 0 : i32
    %dma_start3A_455 = tpu.memref_slice %dma_start3A_452[%dma_start3A_453, %dma_start3A_454] : memref<128x128xf32, #tpu.memory_space<vmem>> -> memref<64x128xf32, #tpu.memory_space<vmem>>
    tpu.enqueue_dma source(%dma_start3A_455 : memref<64x128xf32, #tpu.memory_space<vmem>>) target(%dma_start3A_448 : memref<64x128xf32, #tpu.memory_space<hbm>>) target_semaphore(%arg16 : memref<!tpu.dma_semaphore, #tpu.memory_space<semaphore_mem>>)
    %dma_wait3A_456 = arith.constant 0 : i32
    %dma_wait3A_457 = arith.constant 0 : i32
    %dma_wait3A_458 = arith.constant 0 : i32
    %dma_wait3A_459 = tpu.memref_slice %arg8[%dma_wait3A_456, %dma_wait3A_457, %dma_wait3A_458] : memref<3x128x128xf32, #tpu.memory_space<vmem>> -> memref<1x128x128xf32, #tpu.memory_space<vmem>>
    %dma_wait3A_460 = tpu.memref_squeeze %dma_wait3A_459 : memref<1x128x128xf32, #tpu.memory_space<vmem>> -> memref<128x128xf32, #tpu.memory_space<vmem>>
    %dma_wait3A_461 = arith.constant 0 : i32
    %dma_wait3A_462 = arith.constant 0 : i32
    %dma_wait3A_463 = tpu.memref_slice %dma_wait3A_460[%dma_wait3A_461, %dma_wait3A_462] : memref<128x128xf32, #tpu.memory_space<vmem>> -> memref<64x128xf32, #tpu.memory_space<vmem>>
    %dma_wait3A_464 = arith.constant 0 : i32
    %dma_wait3A_465 = tpu.memref_slice %arg5[%add3A_408, %dma_wait3A_464] : memref<16384x128xf32, #tpu.memory_space<hbm>> -> memref<64x128xf32, #tpu.memory_space<hbm>>
    %dma_wait3A_466 = arith.constant 0 : i32
    %dma_wait3A_467 = tpu.memref_slice %arg5[%add3A_408, %dma_wait3A_466] : memref<16384x128xf32, #tpu.memory_space<hbm>> -> memref<64x128xf32, #tpu.memory_space<hbm>>
    %dma_wait3A_468 = arith.constant 0 : i32
    %dma_wait3A_469 = arith.constant 0 : i32
    %dma_wait3A_470 = tpu.memref_slice %arg8[%dma_wait3A_456, %dma_wait3A_468, %dma_wait3A_469] : memref<3x128x128xf32, #tpu.memory_space<vmem>> -> memref<1x128x128xf32, #tpu.memory_space<vmem>>
    %dma_wait3A_471 = tpu.memref_squeeze %dma_wait3A_470 : memref<1x128x128xf32, #tpu.memory_space<vmem>> -> memref<128x128xf32, #tpu.memory_space<vmem>>
    %dma_wait3A_472 = arith.constant 0 : i32
    %dma_wait3A_473 = arith.constant 0 : i32
    %dma_wait3A_474 = tpu.memref_slice %dma_wait3A_471[%dma_wait3A_472, %dma_wait3A_473] : memref<128x128xf32, #tpu.memory_space<vmem>> -> memref<64x128xf32, #tpu.memory_space<vmem>>
    tpu.wait_dma2 semaphore(%arg16 : memref<!tpu.dma_semaphore, #tpu.memory_space<semaphore_mem>>) src(%dma_wait3A_474 : memref<64x128xf32, #tpu.memory_space<vmem>>) dst(%dma_wait3A_467 : memref<64x128xf32, #tpu.memory_space<hbm>>)
    %dma_wait3A_475 = arith.constant 0 : i32
    %dma_wait3A_476 = arith.constant 0 : i32
    %dma_wait3A_477 = arith.constant 0 : i32
    %dma_wait3A_478 = tpu.memref_slice %arg8[%dma_wait3A_475, %dma_wait3A_476, %dma_wait3A_477] : memref<3x128x128xf32, #tpu.memory_space<vmem>> -> memref<1x128x128xf32, #tpu.memory_space<vmem>>
    %dma_wait3A_479 = tpu.memref_squeeze %dma_wait3A_478 : memref<1x128x128xf32, #tpu.memory_space<vmem>> -> memref<128x128xf32, #tpu.memory_space<vmem>>
    %dma_wait3A_480 = arith.constant 64 : i32
    %dma_wait3A_481 = arith.constant 0 : i32
    %dma_wait3A_482 = tpu.memref_slice %dma_wait3A_479[%dma_wait3A_480, %dma_wait3A_481] : memref<128x128xf32, #tpu.memory_space<vmem>> -> memref<64x128xf32, #tpu.memory_space<vmem>>
    %dma_wait3A_483 = arith.constant 0 : i32
    %dma_wait3A_484 = tpu.memref_slice %arg5[%add3A_436, %dma_wait3A_483] : memref<16384x128xf32, #tpu.memory_space<hbm>> -> memref<64x128xf32, #tpu.memory_space<hbm>>
    %dma_wait3A_485 = arith.constant 0 : i32
    %dma_wait3A_486 = tpu.memref_slice %arg5[%add3A_436, %dma_wait3A_485] : memref<16384x128xf32, #tpu.memory_space<hbm>> -> memref<64x128xf32, #tpu.memory_space<hbm>>
    %dma_wait3A_487 = arith.constant 0 : i32
    %dma_wait3A_488 = arith.constant 0 : i32
    %dma_wait3A_489 = tpu.memref_slice %arg8[%dma_wait3A_475, %dma_wait3A_487, %dma_wait3A_488] : memref<3x128x128xf32, #tpu.memory_space<vmem>> -> memref<1x128x128xf32, #tpu.memory_space<vmem>>
    %dma_wait3A_490 = tpu.memref_squeeze %dma_wait3A_489 : memref<1x128x128xf32, #tpu.memory_space<vmem>> -> memref<128x128xf32, #tpu.memory_space<vmem>>
    %dma_wait3A_491 = arith.constant 64 : i32
    %dma_wait3A_492 = arith.constant 0 : i32
    %dma_wait3A_493 = tpu.memref_slice %dma_wait3A_490[%dma_wait3A_491, %dma_wait3A_492] : memref<128x128xf32, #tpu.memory_space<vmem>> -> memref<64x128xf32, #tpu.memory_space<vmem>>
    tpu.wait_dma2 semaphore(%arg16 : memref<!tpu.dma_semaphore, #tpu.memory_space<semaphore_mem>>) src(%dma_wait3A_493 : memref<64x128xf32, #tpu.memory_space<vmem>>) dst(%dma_wait3A_486 : memref<64x128xf32, #tpu.memory_space<hbm>>)
    %dma_wait3A_494 = arith.constant 1 : i32
    %dma_wait3A_495 = arith.constant 0 : i32
    %dma_wait3A_496 = arith.constant 0 : i32
    %dma_wait3A_497 = tpu.memref_slice %arg8[%dma_wait3A_494, %dma_wait3A_495, %dma_wait3A_496] : memref<3x128x128xf32, #tpu.memory_space<vmem>> -> memref<1x128x128xf32, #tpu.memory_space<vmem>>
    %dma_wait3A_498 = tpu.memref_squeeze %dma_wait3A_497 : memref<1x128x128xf32, #tpu.memory_space<vmem>> -> memref<128x128xf32, #tpu.memory_space<vmem>>
    %dma_wait3A_499 = arith.constant 0 : i32
    %dma_wait3A_500 = arith.constant 0 : i32
    %dma_wait3A_501 = tpu.memref_slice %dma_wait3A_498[%dma_wait3A_499, %dma_wait3A_500] : memref<128x128xf32, #tpu.memory_space<vmem>> -> memref<64x128xf32, #tpu.memory_space<vmem>>
    %dma_wait3A_502 = arith.constant 0 : i32
    %dma_wait3A_503 = tpu.memref_slice %arg5[%add3A_254, %dma_wait3A_502] : memref<16384x128xf32, #tpu.memory_space<hbm>> -> memref<64x128xf32, #tpu.memory_space<hbm>>
    %dma_wait3A_504 = arith.constant 0 : i32
    %dma_wait3A_505 = tpu.memref_slice %arg5[%add3A_254, %dma_wait3A_504] : memref<16384x128xf32, #tpu.memory_space<hbm>> -> memref<64x128xf32, #tpu.memory_space<hbm>>
    %dma_wait3A_506 = arith.constant 0 : i32
    %dma_wait3A_507 = arith.constant 0 : i32
    %dma_wait3A_508 = tpu.memref_slice %arg8[%dma_wait3A_494, %dma_wait3A_506, %dma_wait3A_507] : memref<3x128x128xf32, #tpu.memory_space<vmem>> -> memref<1x128x128xf32, #tpu.memory_space<vmem>>
    %dma_wait3A_509 = tpu.memref_squeeze %dma_wait3A_508 : memref<1x128x128xf32, #tpu.memory_space<vmem>> -> memref<128x128xf32, #tpu.memory_space<vmem>>
    %dma_wait3A_510 = arith.constant 0 : i32
    %dma_wait3A_511 = arith.constant 0 : i32
    %dma_wait3A_512 = tpu.memref_slice %dma_wait3A_509[%dma_wait3A_510, %dma_wait3A_511] : memref<128x128xf32, #tpu.memory_space<vmem>> -> memref<64x128xf32, #tpu.memory_space<vmem>>
    tpu.wait_dma2 semaphore(%arg17 : memref<!tpu.dma_semaphore, #tpu.memory_space<semaphore_mem>>) src(%dma_wait3A_512 : memref<64x128xf32, #tpu.memory_space<vmem>>) dst(%dma_wait3A_505 : memref<64x128xf32, #tpu.memory_space<hbm>>)
    %dma_wait3A_513 = arith.constant 1 : i32
    %dma_wait3A_514 = arith.constant 0 : i32
    %dma_wait3A_515 = arith.constant 0 : i32
    %dma_wait3A_516 = tpu.memref_slice %arg8[%dma_wait3A_513, %dma_wait3A_514, %dma_wait3A_515] : memref<3x128x128xf32, #tpu.memory_space<vmem>> -> memref<1x128x128xf32, #tpu.memory_space<vmem>>
    %dma_wait3A_517 = tpu.memref_squeeze %dma_wait3A_516 : memref<1x128x128xf32, #tpu.memory_space<vmem>> -> memref<128x128xf32, #tpu.memory_space<vmem>>
    %dma_wait3A_518 = arith.constant 64 : i32
    %dma_wait3A_519 = arith.constant 0 : i32
    %dma_wait3A_520 = tpu.memref_slice %dma_wait3A_517[%dma_wait3A_518, %dma_wait3A_519] : memref<128x128xf32, #tpu.memory_space<vmem>> -> memref<64x128xf32, #tpu.memory_space<vmem>>
    %dma_wait3A_521 = arith.constant 0 : i32
    %dma_wait3A_522 = tpu.memref_slice %arg5[%add3A_282, %dma_wait3A_521] : memref<16384x128xf32, #tpu.memory_space<hbm>> -> memref<64x128xf32, #tpu.memory_space<hbm>>
    %dma_wait3A_523 = arith.constant 0 : i32
    %dma_wait3A_524 = tpu.memref_slice %arg5[%add3A_282, %dma_wait3A_523] : memref<16384x128xf32, #tpu.memory_space<hbm>> -> memref<64x128xf32, #tpu.memory_space<hbm>>
    %dma_wait3A_525 = arith.constant 0 : i32
    %dma_wait3A_526 = arith.constant 0 : i32
    %dma_wait3A_527 = tpu.memref_slice %arg8[%dma_wait3A_513, %dma_wait3A_525, %dma_wait3A_526] : memref<3x128x128xf32, #tpu.memory_space<vmem>> -> memref<1x128x128xf32, #tpu.memory_space<vmem>>
    %dma_wait3A_528 = tpu.memref_squeeze %dma_wait3A_527 : memref<1x128x128xf32, #tpu.memory_space<vmem>> -> memref<128x128xf32, #tpu.memory_space<vmem>>
    %dma_wait3A_529 = arith.constant 64 : i32
    %dma_wait3A_530 = arith.constant 0 : i32
    %dma_wait3A_531 = tpu.memref_slice %dma_wait3A_528[%dma_wait3A_529, %dma_wait3A_530] : memref<128x128xf32, #tpu.memory_space<vmem>> -> memref<64x128xf32, #tpu.memory_space<vmem>>
    tpu.wait_dma2 semaphore(%arg17 : memref<!tpu.dma_semaphore, #tpu.memory_space<semaphore_mem>>) src(%dma_wait3A_531 : memref<64x128xf32, #tpu.memory_space<vmem>>) dst(%dma_wait3A_524 : memref<64x128xf32, #tpu.memory_space<hbm>>)
    %dma_wait3A_532 = arith.constant 2 : i32
    %dma_wait3A_533 = arith.constant 0 : i32
    %dma_wait3A_534 = arith.constant 0 : i32
    %dma_wait3A_535 = tpu.memref_slice %arg8[%dma_wait3A_532, %dma_wait3A_533, %dma_wait3A_534] : memref<3x128x128xf32, #tpu.memory_space<vmem>> -> memref<1x128x128xf32, #tpu.memory_space<vmem>>
    %dma_wait3A_536 = tpu.memref_squeeze %dma_wait3A_535 : memref<1x128x128xf32, #tpu.memory_space<vmem>> -> memref<128x128xf32, #tpu.memory_space<vmem>>
    %dma_wait3A_537 = arith.constant 0 : i32
    %dma_wait3A_538 = arith.constant 0 : i32
    %dma_wait3A_539 = tpu.memref_slice %dma_wait3A_536[%dma_wait3A_537, %dma_wait3A_538] : memref<128x128xf32, #tpu.memory_space<vmem>> -> memref<64x128xf32, #tpu.memory_space<vmem>>
    %dma_wait3A_540 = arith.constant 0 : i32
    %dma_wait3A_541 = tpu.memref_slice %arg5[%add3A_331, %dma_wait3A_540] : memref<16384x128xf32, #tpu.memory_space<hbm>> -> memref<64x128xf32, #tpu.memory_space<hbm>>
    %dma_wait3A_542 = arith.constant 0 : i32
    %dma_wait3A_543 = tpu.memref_slice %arg5[%add3A_331, %dma_wait3A_542] : memref<16384x128xf32, #tpu.memory_space<hbm>> -> memref<64x128xf32, #tpu.memory_space<hbm>>
    %dma_wait3A_544 = arith.constant 0 : i32
    %dma_wait3A_545 = arith.constant 0 : i32
    %dma_wait3A_546 = tpu.memref_slice %arg8[%dma_wait3A_532, %dma_wait3A_544, %dma_wait3A_545] : memref<3x128x128xf32, #tpu.memory_space<vmem>> -> memref<1x128x128xf32, #tpu.memory_space<vmem>>
    %dma_wait3A_547 = tpu.memref_squeeze %dma_wait3A_546 : memref<1x128x128xf32, #tpu.memory_space<vmem>> -> memref<128x128xf32, #tpu.memory_space<vmem>>
    %dma_wait3A_548 = arith.constant 0 : i32
    %dma_wait3A_549 = arith.constant 0 : i32
    %dma_wait3A_550 = tpu.memref_slice %dma_wait3A_547[%dma_wait3A_548, %dma_wait3A_549] : memref<128x128xf32, #tpu.memory_space<vmem>> -> memref<64x128xf32, #tpu.memory_space<vmem>>
    tpu.wait_dma2 semaphore(%arg18 : memref<!tpu.dma_semaphore, #tpu.memory_space<semaphore_mem>>) src(%dma_wait3A_550 : memref<64x128xf32, #tpu.memory_space<vmem>>) dst(%dma_wait3A_543 : memref<64x128xf32, #tpu.memory_space<hbm>>)
    %dma_wait3A_551 = arith.constant 2 : i32
    %dma_wait3A_552 = arith.constant 0 : i32
    %dma_wait3A_553 = arith.constant 0 : i32
    %dma_wait3A_554 = tpu.memref_slice %arg8[%dma_wait3A_551, %dma_wait3A_552, %dma_wait3A_553] : memref<3x128x128xf32, #tpu.memory_space<vmem>> -> memref<1x128x128xf32, #tpu.memory_space<vmem>>
    %dma_wait3A_555 = tpu.memref_squeeze %dma_wait3A_554 : memref<1x128x128xf32, #tpu.memory_space<vmem>> -> memref<128x128xf32, #tpu.memory_space<vmem>>
    %dma_wait3A_556 = arith.constant 64 : i32
    %dma_wait3A_557 = arith.constant 0 : i32
    %dma_wait3A_558 = tpu.memref_slice %dma_wait3A_555[%dma_wait3A_556, %dma_wait3A_557] : memref<128x128xf32, #tpu.memory_space<vmem>> -> memref<64x128xf32, #tpu.memory_space<vmem>>
    %dma_wait3A_559 = arith.constant 0 : i32
    %dma_wait3A_560 = tpu.memref_slice %arg5[%add3A_359, %dma_wait3A_559] : memref<16384x128xf32, #tpu.memory_space<hbm>> -> memref<64x128xf32, #tpu.memory_space<hbm>>
    %dma_wait3A_561 = arith.constant 0 : i32
    %dma_wait3A_562 = tpu.memref_slice %arg5[%add3A_359, %dma_wait3A_561] : memref<16384x128xf32, #tpu.memory_space<hbm>> -> memref<64x128xf32, #tpu.memory_space<hbm>>
    %dma_wait3A_563 = arith.constant 0 : i32
    %dma_wait3A_564 = arith.constant 0 : i32
    %dma_wait3A_565 = tpu.memref_slice %arg8[%dma_wait3A_551, %dma_wait3A_563, %dma_wait3A_564] : memref<3x128x128xf32, #tpu.memory_space<vmem>> -> memref<1x128x128xf32, #tpu.memory_space<vmem>>
    %dma_wait3A_566 = tpu.memref_squeeze %dma_wait3A_565 : memref<1x128x128xf32, #tpu.memory_space<vmem>> -> memref<128x128xf32, #tpu.memory_space<vmem>>
    %dma_wait3A_567 = arith.constant 64 : i32
    %dma_wait3A_568 = arith.constant 0 : i32
    %dma_wait3A_569 = tpu.memref_slice %dma_wait3A_566[%dma_wait3A_567, %dma_wait3A_568] : memref<128x128xf32, #tpu.memory_space<vmem>> -> memref<64x128xf32, #tpu.memory_space<vmem>>
    tpu.wait_dma2 semaphore(%arg18 : memref<!tpu.dma_semaphore, #tpu.memory_space<semaphore_mem>>) src(%dma_wait3A_569 : memref<64x128xf32, #tpu.memory_space<vmem>>) dst(%dma_wait3A_562 : memref<64x128xf32, #tpu.memory_space<hbm>>)
    return
  }
}

</mosaic_0001>

<sc_bundles>
// kernel: kernel.3.cloned.1.call-start
scs
__scs_entry_jumppad:
0x0: {  	(pc) =	sbr.rel $0x88, $3  }
0x1: {  	(tag) =	ssettag $0x0;
	lr =	simm.s32 $0x1  }
0x2: {  	[smem:$0x3F9E] =	sst lr;
	_ =	strace $0xD0000000  }
0x3: {  	_ = 	snop  }
0x4: {  	_ = 	snop  }
0x5: {  	_ = 	snop  }
0x6: {  	_ = 	snop  }
0x7: {  	_ = 	snop  }
__scs_overlays_trampoline_lowered:
0x8: {  	[smem:$0x3FAD] =	sst s0  }
0x9: {  	[smem:$0x3FAE] =	sst s1  }
0xa: {  	[smem:$0x3FAF] =	sst s2  }
0xb: {  	[smem:$0x3FB0] =	sst s3  }
0xc: {  	[smem:$0x3FB1] =	sst s4  }
0xd: {  	[smem:$0x3FB2] =	sst s5  }
0xe: {  	[smem:$0x3FB3] =	sst s6  }
0xf: {  	[smem:$0x3FB4] =	sst s7  }
0x10: {  	[smem:$0x3FB5] =	sst s8  }
0x11: {  	[smem:$0x3FB6] =	sst s9;
	s0 =	simm.s32 @!p0 $0x0  }
0x12: {  	s1 =	sld [smem:$0x3F9C];
	s0 =	simm.s32 @p0 $0x1  }
0x13: {  	[smem:$0x3FB7] =	sst s0;
	s0 =	simm.s32 @!p1 $0x0  }
0x14: {  	s2 =	sld [smem:$0x3F9B];
	s0 =	simm.s32 @p1 $0x1  }
0x15: {  	[smem:$0x3FB8] =	sst s0;
	s0 =	simm.s32 @!p2 $0x0  }
0x16: {  	s3 =	sld [smem:$0x3FDB];
	s0 =	simm.s32 @p2 $0x1  }
0x17: {  	s4 =	simm.s32 $0x1BF5;
	[smem:$0x3FBA] =	sst s0  }
0x18: {  	s0 =	sld [smem:$0x3F9D];
	_ =	swait.ge [sflag:s4], $0x0  }
0x19: {  	s7 =	sld [smem:$0x3F9E]  }
0x1a: {  	s8 =	sadd.s32 $0xFFFFE003, lr  }
0x1b: {  	s9 =	sadd.s32 $0xFFFFFEF7, lr;
	s5 =	simm.s32 $0xFFFFFFFF;
	p2 =	slt.u32 s8, $0xFFFFF086  }
0x1c: {  	p1 =	slt.u32 s9, $0xF7A;
	s5 =	simm.s32 @!p2 $0x0  }
0x1d: {  	s5 =	simm.s32 @p1 $0x1;
	p0 =	seq.s32 s7, s2  }
0x1e: {  	s7 =	smul.u32 @!p0 $0xF7A, s2;
	p2 =	seq.s32 @!p0 s5, $0x0  }
0x1f: {  	s9 =	smul.u32 $0xF7A, s1;
	s8 =	simm.s32 @!p0 $0x1BF5;
	p2 =	por !p2, p0  }
0x20: {  	[sflag:s8] =	ssyncset.s32 @!p0 $0xFFFFF086;
	s6 =	sadd.s32 @!p0 s3, s7;
	s7 =	simm.s32 @!p0 $0x108  }
0x21: {  	s3 =	sadd.s32 s3, s9;
	s6 =	sadd.s32 @!p0 $0x88, s6;
	s7 =	simm.s32 @p2 $0x1082  }
0x22: {  	[simem:s7], [sflag:s8] =	dma.local @!p0 [hbm:s6], $0xF7A  }
0x23: {  	s9 =	sor.u32 $0xD0000000, s2;
	s6 =	simm.s32 $0x108;
	_ =	swait.ge @!p0 [sflag:s8], $0x0  }
0x24: {  	s3 =	sadd.s32 $0x88, s3;
	s6 =	simm.s32 @!p1 $0x1082;
	[sflag:s4] =	ssyncset.s32 $0xFFFFF086  }
0x25: {  	[simem:s6], [sflag:s4] =	dma.local [hbm:s3], $0xF7A  }
0x26: {  	[smem:$0x3F9E] =	sst s1;
	(tag) =	ssettag s2;
	_ =	strace s9  }
0x27: {  	s1 =	sld [smem:$0x3FAE]  }
0x28: {  	s2 =	sld [smem:$0x3FAF]  }
0x29: {  	s4 =	sld [smem:$0x3FB1]  }
0x2a: {  	p0 =	seq.s32 s5, $0x0;
	s5 =	sld [smem:$0x3FB2]  }
0x2b: {  	s6 =	sld [smem:$0x3FB3]  }
0x2c: {  	s7 =	sld [smem:$0x3FB4]  }
0x2d: {  	s3 =	simm.s32 $0x108;
	s8 =	sld [smem:$0x3FB5]  }
0x2e: {  	s3 =	simm.s32 @!p0 $0x1082;
	s9 =	sld [smem:$0x3FB6]  }
0x2f: {  	lr =	sadd.s32 s0, s3;
	s0 =	sld [smem:$0x3FAD]  }
0x30: {  	s3 =	sld [smem:$0x3FB0]  }
0x31: {  	[smem:$0x3FB9] =	sst s10  }
0x32: {  	s10 =	sld [smem:$0x3FB7];
	_ =	sdelay $0x3  }
0x33: {  	p0 =	seq.s32 s10, $0x1;
	s10 =	sld [smem:$0x3FB9];
	_ =	sdelay $0x3  }
0x34: {  	[smem:$0x3FB9] =	sst s10  }
0x35: {  	s10 =	sld [smem:$0x3FB8];
	_ =	sdelay $0x3  }
0x36: {  	p1 =	seq.s32 s10, $0x1;
	s10 =	sld [smem:$0x3FB9];
	_ =	sdelay $0x3  }
0x37: {  	[smem:$0x3FB9] =	sst s10  }
0x38: {  	s10 =	sld [smem:$0x3FBA]  }
0x39: {  	_ = 	snop;
	(pc) =	sbr.ind lr, $3  }
0x3a: {  	_ = 	snop  }
0x3b: {  	_ = 	snop  }
0x3c: {  	p2 =	seq.s32 s10, $0x1;
	s10 =	sld [smem:$0x3FB9]  }
0x3d: {  	_ =	shalt  }
0x3e: {  	_ =	shalt  }
0x3f: {  	_ =	shalt  }
0x40: {  	_ =	shalt  }
0x41: {  	_ =	shalt  }
0x42: {  	_ =	shalt  }
0x43: {  	_ =	shalt  }
0x44: {  	_ =	shalt  }
0x45: {  	_ =	shalt  }
0x46: {  	_ =	shalt  }
0x47: {  	_ =	shalt  }
0x48: {  	_ =	shalt  }
0x49: {  	_ =	shalt  }
0x4a: {  	_ =	shalt  }
0x4b: {  	_ =	shalt  }
0x4c: {  	_ =	shalt  }
0x4d: {  	_ =	shalt  }
0x4e: {  	_ =	shalt  }
0x4f: {  	_ =	shalt  }
0x50: {  	_ =	shalt  }
0x51: {  	_ =	shalt  }
0x52: {  	_ =	shalt  }
0x53: {  	_ =	shalt  }
0x54: {  	_ =	shalt  }
0x55: {  	_ =	shalt  }
0x56: {  	_ =	shalt  }
0x57: {  	_ =	shalt  }
0x58: {  	_ =	shalt  }
0x59: {  	_ =	shalt  }
0x5a: {  	_ =	shalt  }
0x5b: {  	_ =	shalt  }
0x5c: {  	_ =	shalt  }
0x5d: {  	_ =	shalt  }
0x5e: {  	_ =	shalt  }
0x5f: {  	_ =	shalt  }
0x60: {  	_ =	shalt  }
0x61: {  	_ =	shalt  }
0x62: {  	_ =	shalt  }
0x63: {  	_ =	shalt  }
0x64: {  	_ =	shalt  }
0x65: {  	_ =	shalt  }
0x66: {  	_ =	shalt  }
0x67: {  	_ =	shalt  }
0x68: {  	_ =	shalt  }
0x69: {  	_ =	shalt  }
0x6a: {  	_ =	shalt  }
0x6b: {  	_ =	shalt  }
0x6c: {  	_ =	shalt  }
0x6d: {  	_ =	shalt  }
0x6e: {  	_ =	shalt  }
0x6f: {  	_ =	shalt  }
0x70: {  	_ =	shalt  }
0x71: {  	_ =	shalt  }
0x72: {  	_ =	shalt  }
0x73: {  	_ =	shalt  }
0x74: {  	_ =	shalt  }
0x75: {  	_ =	shalt  }
0x76: {  	_ =	shalt  }
0x77: {  	_ =	shalt  }
0x78: {  	_ =	shalt  }
0x79: {  	_ =	shalt  }
0x7a: {  	_ =	shalt  }
0x7b: {  	_ =	shalt  }
0x7c: {  	_ =	shalt  }
0x7d: {  	_ =	shalt  }
0x7e: {  	_ =	shalt  }
0x7f: {  	_ =	shalt  }
0x80: {  	_ =	shalt  }
0x81: {  	_ =	shalt  }
0x82: {  	_ =	shalt  }
0x83: {  	_ =	shalt  }
0x84: {  	_ =	shalt  }
0x85: {  	_ =	shalt  }
0x86: {  	_ =	shalt  }
0x87: {  	_ =	shalt  }
.Lfunc_end0:
.L_simem_size_0:
called_computation_lowered:
.L_overlay_start_0:
0x88: {  	s2 =	sld [smem:$0x3FD9]  }
0x89: {  	s3 =	sld [smem:$0x3FFE];
	_ =	sdelay $0x1  }
0x8a: {  	s1 =	srdreg.scid  }
0x8b: {  	s0 =	sand.u32 $0x1, s1  }
0x8c: {  	s18 =	sshll.u32 s0, $0xA;
	s2 =	sadd.s32 s3, s2  }
0x8d: {  	s2 =	sadd.s32 s2, s18  }
0x8e: {  	[smem:$0x3FC5] =	sst s2  }
0x8f: {  	_ = 	snop  }
0x90: {  	s2 =	sld [smem:$0x3FC9]  }
0x91: {  	s19 =	sld [smem:$0x3FC8]  }
0x92: {  	s4 =	sld [smem:$0x3FC7]  }
0x93: {  	s5 =	sld [smem:$0x3FD0];
	(tm) =	ssettm $0x1  }
0x94: {  	s6 =	sld [smem:$0x3FFB];
	_ =	sdelay $0x3  }
0x95: {  	_ =	strace s6  }
0x96: {  	s6 =	sld [smem:$0x3FFC];
	_ =	sdelay $0x3  }
0x97: {  	_ =	strace s6  }
0x98: {  	s6 =	sld [smem:$0x3FFD];
	_ =	sdelay $0x3  }
0x99: {  	_ =	strace s6  }
0x9a: {  	_ =	strace $0x8FFFFFFF  }
0x9b: {  	s20 =	sld [smem:$0x3FDB];
	_ =	sdelay $0x1  }
0x9c: {  	s7 =	simm.s32 $_scs_section_size  }
0x9d: {  	s8 =	simm.s32 $_size__tile_overlayer_lowered;
	s9 =	simm.s32 $_tile_overlayer_lowered  }
0x9e: {  	s23 =	simm.s32 $0x1BFF;
	s22 =	sshll.u32 s9, $0x1;
	s6 =	sadd.s32 s7, s20  }
0x9f: {  	s10 =	simm.s32 $0x0;
	s21 =	sshll.u32 s8, $0x1;
	s8 =	sadd.s32 s22, s6  }
0xa0: {  	[timem:s10], [sflag:s23] =	dma.local [hbm:s8], s21  }
0xa1: {  	_ =	swait.ge [sflag:s23], s21  }
0xa2: {  	s7 =	ssub.s32 $0x0, s21;
	[sflag:s23] =	ssyncset.done $0x0  }
0xa3: {  	[sflag:s23] =	ssyncadd.s32 s7;
	_ =	sdelay $0x1  }
0xa4: {  	s24 =	simm.s32 $0x1B8B  }
0xa5: {  	_ =	swait.ge [sflag:s24], $0x1  }
0xa6: {  	[sflag:s24] =	ssyncset.done $0x0  }
0xa7: {  	s25 =	simm.s32 $0x1B8E;
	[sflag:s24] =	ssyncadd.s32 $0xFFFFFFFF  }
0xa8: {  	s26 =	simm.s32 $execute0_lowered;
	[smem:$0x3FD2] =	sst s25  }
0xa9: {  	s7 =	sshll.u32 s26, $0x1;
	_ =	strace $0x80000046;
	[dreg:$0x1] =	wrdreg $0xFFFFFFFF  }
0xaa: {  	s28 =	simm.s32 $_size_execute0_lowered;
	s6 =	sadd.s32 s6, s7;
	[dreg:$0x0] =	wrdreg $0x0  }
0xab: {  	s7 =	sshll.u32 s28, $0x1;
	[dreg:$0x2] =	wrdreg s6  }
0xac: {  	[dreg:$0x3] =	wrdreg s7  }
0xad: {  	[dreg:$0x4] =	wrdreg $0xC0  }
0xae: {  	_ =	task [dreg:s10], $0x5FFFF  }
0xaf: {  	[dreg:$0x1] =	wrdreg $0xFFFFFFFF  }
0xb0: {  	[dreg:$0x0] =	wrdreg $0x60  }
0xb1: {  	[dreg:$0x2] =	wrdreg s2  }
0xb2: {  	[dreg:$0x3] =	wrdreg s19  }
0xb3: {  	[dreg:$0x4] =	wrdreg s4  }
0xb4: {  	[dreg:$0x5] =	wrdreg s5  }
0xb5: {  	[dreg:$0x6] =	wrdreg $0x0  }
0xb6: {  	[dreg:$0x7] =	wrdreg $0x9  }
0xb7: {  	_ =	task.clear_ibuf [dreg:s10], $0x8FFFF;
	_ =	strace $0x90000046  }
0xb8: {  	s29 =	simm.s32 $0x9;
	_ =	strace $0x80000048  }
0xb9: {  	_ =	swait.ge [sflag:s29], $0x1  }
0xba: {  	[sflag:s29] =	ssyncadd.s32 $0xFFFFFFFF  }
0xbb: {  	_ =	strace $0x90000048  }
0xbc: {  	_ =	sfence  }
0xbd: {  	s30 =	sld [smem:$0x0];
	_ =	sdelay $0x2  }
0xbe: {  	s31 =	sshll.u32 s1, $0xD;
	s1 =	sshrl.u32 s1, $0x2  }
0xbf: {  	s3 =	sand.u32 $0x4000, s31;
	s1 =	sadd.s32 s1, s30  }
0xc0: {  	s0 =	sor.u32 s3, s0;
	s1 =	sshll.u32 s1, $0x11  }
0xc1: {  	s0 =	sor.u32 s1, s0  }
0xc2: {  	s0 =	sadd.s32 $0x8F2B, s0  }
0xc3: {  	[sflag:s0] =	ssyncadd.remote.s32 $0x1  }
0xc4: {  	_ =	sfence.sel $0xFFFF  }
0xc5: {  	[dreg:$0x0] =	wrdreg $0xFFFFFFFF;
	(pc) =	sbr.abs _section_cstart, $3  }
0xc6: {  	[dreg:$0x1] =	wrdreg $0xFFFFFFFF  }
0xc7: {  	_ =	task.clear_ibuf [dreg:s10], $0x2FFFF;
	_ =	strace $0x9FFFFFFF  }
0xc8: {  	(tm) =	ssettm $0x7FFFFFFF  }
0xc9: {  	_ =	shalt  }
tec
execute0_lowered:
.L_overlay_start_1:
0x0: {  	(tag) =	ssettag $0x1  }
0x1: {  	s0 =	rddreg [dreg:$0x0]  }
0x2: {  	s1 =	rddreg [dreg:$0x1]  }
0x3: {  	s4 =	rddreg [dreg:$0x2]  }
0x4: {  	s5 =	rddreg [dreg:$0x3]  }
0x5: {  	s2 =	rddreg [dreg:$0x4]  }
0x6: {  	s6 =	srdreg.scid;
	s3 =	simm.s32 $0x0;
	s11 =	stileid.u32  }
0x7: {  	s28 =	simm.s32 $0x2140;
	s30 =	simm.s32 $0x6140;
	s31 =	simm.s32 $0x1  }
0x8: {  	s29 =	simm.s32 $0xA140;
	s20 =	simm.s32 $0x6;
	s6 =	sand.u32 $0x1, s6  }
0x9: {  	[smem:$0x7FF] =	sst s3;
	s7 =	sshll.u32 s11, $0xA;
	s24 =	sshll.u32 s11, $0xD  }
0xa: {  	p0 =	seq.s32 s11, $0xF;
	s8 =	sshll.u32 s6, $0x9;
	s6 =	ssub.s32 $0x2, s6  }
0xb: {  	_ =	strace $0x80000047;
	s8 =	sor.u32 s8, s7;
	s9 =	sshrl.u32 s6, $0x1  }
0xc: {  	s7 =	sadd.s32 s4, s7;
	s4 =	sadd.s32 $0x3C00, s4;
	s10 =	sshrl.u32 s8, $0x3  }
0xd: {  	s8 =	sshll.u32 s8, $0x4;
	s6 =	ssub.s32 s6, s9;
	[dreg:$0x9] =	wrdreg s7  }
0xe: {  	s7 =	sadd.s32 $0x1E000, s2;
	[dreg:$0xa] =	wrdreg s4;
	s4 =	simm.s32 $0x5  }
0xf: {  	s1 =	sadd.s32 s1, s10;
	s21 =	sor.u32 $0x800, s8;
	s22 =	sadd.s32 s0, s8  }
0x10: {  	s10 =	sadd.s32 s24, s2;
	s25 =	sor.u32 $0x1000, s8;
	s9 =	sadd.s32 s5, s8  }
0x11: {  	s8 =	sor.u32 $0x1800, s8;
	s19 =	smax.u32 s6, $0x1;
	[dreg:$0x6] =	wrdreg s1  }
0x12: {  	s6 =	simm.s32 $0x3;
	[dreg:$0x7] =	wrdreg s22;
	s23 =	sadd.s32 s0, s21  }
0x13: {  	s12 =	sadd.s32 s0, s25;
	s26 =	sadd.s32 $0x400, s9;
	s0 =	sadd.s32 s0, s8  }
0x14: {  	s13 =	sadd.s32 s5, s21;
	s14 =	sadd.s32 $0xC00, s9;
	s15 =	sadd.s32 s5, s25  }
0x15: {  	s16 =	sadd.s32 $0x1400, s9;
	s17 =	sadd.s32 s5, s8;
	s18 =	sadd.s32 $0x1C00, s9  }
0x16: {  	s24 =	sshrl.u32 @!p0 s10, $0x3;
	s25 =	simm.s32 $0xB;
	[dreg:$0x8] =	wrdreg s23  }
0x17: {  	s22 =	simm.s32 $0x4140;
	s1 =	simm.s32 $0x2;
	[dreg:$0xb] =	wrdreg s12  }
0x18: {  	s5 =	simm.s32 $0x7;
	s21 =	simm.s32 $0x9;
	[dreg:$0xc] =	wrdreg s26  }
0x19: {  	s8 =	simm.s32 $0x0;
	[dreg:$0xd] =	wrdreg s0;
	s23 =	sshrl.u32 @p0 s7, $0x3  }
0x1a: {  	s26 =	simm.s32 $0x80;
	s0 =	simm.s32 $0x4;
	s7 =	simm.s32 $0x8  }
.LBB2_1:
0x1b: {  	s10 =	rddreg [dreg:$0x6];
	s12 =	simm.s32 $0x1F40  }
0x1c: {  	[tilespmem:s12], [sflag:$0xB] =	stream.linear.gather [hbm4b:s10+s3], $0x200, $0x38;
	[tilespmem:$0x1A140] =	vst v63  }
0x1d: {  	s11 =	simm.s32 $0xE140;
	s10 =	rddreg [dreg:$0x7]  }
0x1e: {  	[tilespmem:s11], [sflag:$0x4] =	stream.linear.gather [hbm4b:s10+s3], $0x4000, $0x38;
	[tilespmem:$0x1A140] =	vst v63  }
0x1f: {  	s10 =	rddreg [dreg:$0x8];
	s11 =	simm.s32 $0x12140  }
0x20: {  	[tilespmem:s11], [sflag:$0x5] =	stream.linear.gather [hbm4b:s10+s3], $0x4000, $0x38;
	[tilespmem:$0x1A140] =	vst v63  }
0x21: {  	s10 =	simm.s32 @p0 $0x1FCA;
	s11 =	rddreg [dreg:$0xa]  }
0x22: {  	[spmem:s23], [sflag:s10] =	dma.local @p0 [hbm:s11], $0x280  }
0x23: {  	s10 =	simm.s32 @p0 $0xA  }
0x24: {  	s11 =	stileid.u32;
	_ =	swait.ge @p0 [sflag:s10], $0x280  }
0x25: {  	s11 =	sshll.u32 @!p0 s11, $0x6;
	[sflag:s10] =	ssyncset.done @p0 $0x0  }
0x26: {  	[sflag:s10] =	ssyncadd.s32 @p0 $0xFFFFFD80;
	s10 =	sor.u32 @!p0 $0x1C0A, s11;
	s11 =	rddreg [dreg:$0x9]  }
0x27: {  	[spmem:s24], [sflag:s10] =	dma.local @!p0 [hbm:s11], $0x400  }
0x28: {  	s10 =	simm.s32 @!p0 $0xA  }
0x29: {  	_ =	swait.ge @!p0 [sflag:s10], $0x400  }
0x2a: {  	[sflag:s10] =	ssyncset.done @!p0 $0x0  }
0x2b: {  	[sflag:s10] =	ssyncadd.s32 @!p0 $0xFFFFFC00  }
0x2c: {  	_ =	swait.ge [sflag:s25], $0x200  }
0x2d: {  	[sflag:s25] =	ssyncset.done $0x0  }
0x2e: {  	[sflag:s25] =	ssyncadd.s32 $0xFFFFFE00  }
0x2f: {  	[bflag:$0x0] =	sbarrier.arrive $0xFFFF  }
0x30: {  	[tilespmem:s28], [sflag:$0x1] =	stream.indirect.gather [spmem:s2], $0x80, s12, s26, $0xb8;
	[tilespmem:$0x1A140] =	vst v63  }
0x31: {  	s11 =	simm.s32 $0x1FC0  }
0x32: {  	[tilespmem:s30], [sflag:$0x2] =	stream.indirect.gather [spmem:s2], $0x80, s11, s26, $0xb8;
	[tilespmem:$0x1A140] =	vst v63  }
0x33: {  	_ =	swait.ge [sflag:s31], $0x4000  }
0x34: {  	[sflag:s31] =	ssyncset.done $0x0  }
0x35: {  	[sflag:s31] =	ssyncadd.s32 $0xFFFFC000  }
0x36: {  	_ =	swait.ge [sflag:s0], $0x4000  }
0x37: {  	[sflag:s0] =	ssyncset.done $0x0  }
0x38: {  	s12 =	simm.s32 $0x2040;
	[sflag:s0] =	ssyncadd.s32 $0xFFFFC000  }
0x39: {  	[tilespmem:s29], [sflag:$0x3] =	stream.indirect.gather [spmem:s2], $0x80, s12, s26, $0xb8;
	[tilespmem:$0x1A140] =	vst v63  }
0x3a: {  	s10 =	simm.s32 $0x0;
	s11 =	rddreg [dreg:$0xb];
	s12 =	simm.s32 $0x16140  }
0x3b: {  	[tilespmem:s12], [sflag:$0x6] =	stream.linear.gather [hbm4b:s11+s3], $0x4000, $0x38;
	[tilespmem:$0x1A140] =	vst v63  }
0x3c: {  	v0 =	vld [tilespmem:s10+$0x21B0]  }
0x3d: {  	v1 =	vld [tilespmem:s10+$0xE1B0]  }
0x3e: {  	v2 =	vld [tilespmem:s10+$0x2140]  }
0x3f: {  	v3 =	vld [tilespmem:s10+$0xE140]  }
0x40: {  	v4 =	vld [tilespmem:s10+$0x2150]  }
0x41: {  	v5 =	vld [tilespmem:s10+$0xE150]  }
0x42: {  	v6 =	vld [tilespmem:s10+$0x2160]  }
0x43: {  	v7 =	vld [tilespmem:s10+$0x2170]  }
0x44: {  	v0 =	vmul.f32 v1, v0;
	v1 =	vld [tilespmem:s10+$0xE160]  }
0x45: {  	v2 =	vmul.f32 v3, v2;
	v3 =	vld [tilespmem:s10+$0xE170]  }
0x46: {  	v8 =	vld [tilespmem:s10+$0xE180]  }
0x47: {  	[tilespmem:s10+$0x21B0] =	vst v0;
	v0 =	vmul.f32 v5, v4;
	v4 =	vld [tilespmem:s10+$0x2180]  }
0x48: {  	[tilespmem:s10+$0x2140] =	vst v2;
	v2 =	vld [tilespmem:s10+$0xE190]  }
0x49: {  	[tilespmem:s10+$0x2150] =	vst v0;
	v0 =	vld [tilespmem:s10+$0x2190];
	v1 =	vmul.f32 v1, v6  }
0x4a: {  	v6 =	vmul.f32 v3, v7;
	v3 =	vld [tilespmem:s10+$0xE1A0]  }
0x4b: {  	s11 =	simm.s32 $0x80;
	[tilespmem:s10+$0x2160] =	vst v1;
	v1 =	vld [tilespmem:s10+$0x21A0]  }
0x4c: {  	s12 =	simm.s32 $0x400;
	v5 =	vld [tilespmem:s11+$0x21B0];
	[tilespmem:s10+$0x2170] =	vst v6;
	v4 =	vmul.f32 v8, v4  }
.LBB2_2:
0x4d: {  	p1 =	sne.s32 s12, $0x7E00;
	v6 =	vld [tilespmem:s11+$0xE1B0]  }
0x4e: {  	v7 =	vld [tilespmem:s11+$0x2140];
	[tilespmem:s10+$0x2180] =	vst v4;
	v0 =	vmul.f32 v2, v0  }
0x4f: {  	v2 =	vld [tilespmem:s11+$0xE140]  }
0x50: {  	v4 =	vld [tilespmem:s11+$0x2150];
	[tilespmem:s10+$0x2190] =	vst v0;
	v0 =	vmul.f32 v3, v1  }
0x51: {  	v1 =	vld [tilespmem:s11+$0xE150]  }
0x52: {  	v3 =	vld [tilespmem:s11+$0x2160];
	v5 =	vmul.f32 v6, v5;
	[tilespmem:s10+$0x21A0] =	vst v0;
	s10 =	smov.u32 s11  }
0x53: {  	v0 =	vld [tilespmem:s10+$0xE160]  }
0x54: {  	v2 =	vmul.f32 v2, v7;
	v6 =	vld [tilespmem:s10+$0x2170];
	[tilespmem:s10+$0x21B0] =	vst v5  }
0x55: {  	v5 =	vld [tilespmem:s10+$0xE170]  }
0x56: {  	[tilespmem:s10+$0x2140] =	vst v2;
	v1 =	vmul.f32 v1, v4;
	v4 =	vld [tilespmem:s10+$0x2180]  }
0x57: {  	v7 =	vld [tilespmem:s10+$0xE180]  }
.Ltmp0:
0x58: {  	[tilespmem:s10+$0x2150] =	vst v1;
	v1 =	vmul.f32 v0, v3;
	v0 =	vld [tilespmem:s10+$0x2190];
	(pc) =	sbr.rel @p1 .LBB2_2-.Ltmp0, $4  }
0x59: {  	v2 =	vld [tilespmem:s10+$0xE190]  }
0x5a: {  	[tilespmem:s10+$0x2160] =	vst v1;
	v6 =	vmul.f32 v5, v6;
	v1 =	vld [tilespmem:s10+$0x21A0]  }
0x5b: {  	s11 =	sshra.s32 s12, $0x2;
	v3 =	vld [tilespmem:s10+$0xE1A0]  }
0x5c: {  	s12 =	sadd.s32 $0x200, s12;
	v5 =	vld [tilespmem:s11+$0x21B0];
	[tilespmem:s10+$0x2170] =	vst v6;
	v4 =	vmul.f32 v7, v4  }
0x5d: {  	v6 =	vld [tilespmem:s11+$0xE1B0]  }
0x5e: {  	v7 =	vld [tilespmem:s11+$0x2140]  }
0x5f: {  	v8 =	vld [tilespmem:s11+$0xE140]  }
0x60: {  	v9 =	vld [tilespmem:s11+$0x2150]  }
0x61: {  	v10 =	vld [tilespmem:s11+$0xE150]  }
0x62: {  	v11 =	vld [tilespmem:s11+$0x2160]  }
0x63: {  	v12 =	vld [tilespmem:s11+$0x2170]  }
0x64: {  	v5 =	vmul.f32 v6, v5;
	v6 =	vld [tilespmem:s11+$0xE160]  }
0x65: {  	v60 =	vld [tilespmem:s11+$0x2180]  }
0x66: {  	v61 =	vld [tilespmem:s11+$0xE180];
	v7 =	vmul.f32 v8, v7  }
0x67: {  	v62 =	vld [tilespmem:s11+$0xE190];
	[tilespmem:s11+$0x21B0] =	vst v5  }
0x68: {  	v5 =	vld [tilespmem:s11+$0xE170];
	[tilespmem:s11+$0x2140] =	vst v7;
	v7 =	vmul.f32 v10, v9  }
0x69: {  	v0 =	vmul.f32 v2, v0;
	v2 =	vld [tilespmem:s11+$0xE1A0];
	v6 =	vmul.f32 v6, v11  }
0x6a: {  	[tilespmem:s11+$0x2150] =	vst v7;
	v7 =	vld [tilespmem:s11+$0x2190]  }
0x6b: {  	[tilespmem:s11+$0x2160] =	vst v6;
	v6 =	vld [tilespmem:s11+$0x21A0]  }
0x6c: {  	[tilespmem:s10+$0x2180] =	vst v4;
	v1 =	vmul.f32 v3, v1  }
0x6d: {  	[tilespmem:s10+$0x2190] =	vst v0;
	v0 =	vmul.f32 v5, v12  }
0x6e: {  	[tilespmem:s10+$0x21A0] =	vst v1;
	v1 =	vmul.f32 v61, v60  }
0x6f: {  	[tilespmem:s11+$0x2170] =	vst v0;
	v0 =	vmul.f32 v62, v7  }
0x70: {  	[tilespmem:s11+$0x2180] =	vst v1;
	v1 =	vmul.f32 v2, v6  }
0x71: {  	[tilespmem:s11+$0x2190] =	vst v0  }
0x72: {  	s12 =	simm.s32 $0x0;
	s10 =	simm.s32 $0x0;
	[tilespmem:s11+$0x21A0] =	vst v1  }
0x73: {  	[hbm4b:s9+s12] =	stream.linear.scatter [tilespmem:s28], [sflag:$0x7], $0x2000, $0x38;
	[tilespmem:$0x1A140] =	vst v63  }
0x74: {  	v0 =	vld [tilespmem:s10+$0x41B0]  }
0x75: {  	v1 =	vld [tilespmem:s10+$0x101B0]  }
0x76: {  	v2 =	vld [tilespmem:s10+$0x4140]  }
0x77: {  	v3 =	vld [tilespmem:s10+$0x10140]  }
0x78: {  	v4 =	vld [tilespmem:s10+$0x4150]  }
0x79: {  	v5 =	vld [tilespmem:s10+$0x10150]  }
0x7a: {  	v6 =	vld [tilespmem:s10+$0x4160]  }
0x7b: {  	v7 =	vld [tilespmem:s10+$0x4170]  }
0x7c: {  	v0 =	vmul.f32 v1, v0;
	v1 =	vld [tilespmem:s10+$0x10160]  }
0x7d: {  	v2 =	vmul.f32 v3, v2;
	v3 =	vld [tilespmem:s10+$0x10170]  }
0x7e: {  	v63 =	vld [tilespmem:s10+$0x10180]  }
0x7f: {  	[tilespmem:s10+$0x41B0] =	vst v0;
	v0 =	vmul.f32 v5, v4;
	v4 =	vld [tilespmem:s10+$0x4180]  }
0x80: {  	[tilespmem:s10+$0x4140] =	vst v2;
	v2 =	vld [tilespmem:s10+$0x10190]  }
0x81: {  	[tilespmem:s10+$0x4150] =	vst v0;
	v0 =	vld [tilespmem:s10+$0x4190];
	v1 =	vmul.f32 v1, v6  }
0x82: {  	v6 =	vmul.f32 v3, v7;
	v3 =	vld [tilespmem:s10+$0x101A0]  }
0x83: {  	s11 =	simm.s32 $0x80;
	[tilespmem:s10+$0x4160] =	vst v1;
	v1 =	vld [tilespmem:s10+$0x41A0]  }
0x84: {  	s12 =	simm.s32 $0x400;
	v5 =	vld [tilespmem:s11+$0x41B0];
	[tilespmem:s10+$0x4170] =	vst v6;
	v4 =	vmul.f32 v63, v4  }
.LBB2_4:
0x85: {  	p1 =	sne.s32 s12, $0x7E00;
	v6 =	vld [tilespmem:s11+$0x101B0]  }
0x86: {  	v7 =	vld [tilespmem:s11+$0x4140];
	[tilespmem:s10+$0x4180] =	vst v4;
	v0 =	vmul.f32 v2, v0  }
0x87: {  	v2 =	vld [tilespmem:s11+$0x10140]  }
0x88: {  	v4 =	vld [tilespmem:s11+$0x4150];
	[tilespmem:s10+$0x4190] =	vst v0;
	v0 =	vmul.f32 v3, v1  }
0x89: {  	v1 =	vld [tilespmem:s11+$0x10150]  }
0x8a: {  	v3 =	vld [tilespmem:s11+$0x4160];
	v5 =	vmul.f32 v6, v5;
	[tilespmem:s10+$0x41A0] =	vst v0;
	s10 =	smov.u32 s11  }
0x8b: {  	v0 =	vld [tilespmem:s10+$0x10160]  }
0x8c: {  	v2 =	vmul.f32 v2, v7;
	v6 =	vld [tilespmem:s10+$0x4170];
	[tilespmem:s10+$0x41B0] =	vst v5  }
0x8d: {  	v5 =	vld [tilespmem:s10+$0x10170]  }
0x8e: {  	[tilespmem:s10+$0x4140] =	vst v2;
	v1 =	vmul.f32 v1, v4;
	v4 =	vld [tilespmem:s10+$0x4180]  }
0x8f: {  	v7 =	vld [tilespmem:s10+$0x10180]  }
.Ltmp1:
0x90: {  	[tilespmem:s10+$0x4150] =	vst v1;
	v1 =	vmul.f32 v0, v3;
	v0 =	vld [tilespmem:s10+$0x4190];
	(pc) =	sbr.rel @p1 .LBB2_4-.Ltmp1, $4  }
0x91: {  	v2 =	vld [tilespmem:s10+$0x10190]  }
0x92: {  	[tilespmem:s10+$0x4160] =	vst v1;
	v6 =	vmul.f32 v5, v6;
	v1 =	vld [tilespmem:s10+$0x41A0]  }
0x93: {  	s11 =	sshra.s32 s12, $0x2;
	v3 =	vld [tilespmem:s10+$0x101A0]  }
0x94: {  	s12 =	sadd.s32 $0x200, s12;
	v5 =	vld [tilespmem:s11+$0x41B0];
	[tilespmem:s10+$0x4170] =	vst v6;
	v4 =	vmul.f32 v7, v4  }
0x95: {  	v6 =	vld [tilespmem:s11+$0x101B0]  }
0x96: {  	v7 =	vld [tilespmem:s11+$0x4140]  }
0x97: {  	v8 =	vld [tilespmem:s11+$0x10140]  }
0x98: {  	v9 =	vld [tilespmem:s11+$0x4150]  }
0x99: {  	v10 =	vld [tilespmem:s11+$0x10150]  }
0x9a: {  	v11 =	vld [tilespmem:s11+$0x4160]  }
0x9b: {  	v12 =	vld [tilespmem:s11+$0x4170]  }
0x9c: {  	v5 =	vmul.f32 v6, v5;
	v6 =	vld [tilespmem:s11+$0x10160]  }
0x9d: {  	v60 =	vld [tilespmem:s11+$0x4180]  }
0x9e: {  	v61 =	vld [tilespmem:s11+$0x10180];
	v7 =	vmul.f32 v8, v7  }
0x9f: {  	v62 =	vld [tilespmem:s11+$0x10190];
	[tilespmem:s11+$0x41B0] =	vst v5  }
0xa0: {  	v5 =	vld [tilespmem:s11+$0x10170];
	[tilespmem:s11+$0x4140] =	vst v7;
	v7 =	vmul.f32 v10, v9  }
0xa1: {  	v0 =	vmul.f32 v2, v0;
	v2 =	vld [tilespmem:s11+$0x101A0];
	v6 =	vmul.f32 v6, v11  }
0xa2: {  	[tilespmem:s11+$0x4150] =	vst v7;
	v7 =	vld [tilespmem:s11+$0x4190]  }
0xa3: {  	[tilespmem:s11+$0x4160] =	vst v6;
	v6 =	vld [tilespmem:s11+$0x41A0]  }
0xa4: {  	[tilespmem:s10+$0x4180] =	vst v4;
	v1 =	vmul.f32 v3, v1  }
0xa5: {  	[tilespmem:s10+$0x4190] =	vst v0;
	v0 =	vmul.f32 v5, v12  }
0xa6: {  	[tilespmem:s10+$0x41A0] =	vst v1;
	v1 =	vmul.f32 v61, v60  }
0xa7: {  	[tilespmem:s11+$0x4170] =	vst v0;
	v0 =	vmul.f32 v62, v7  }
0xa8: {  	[tilespmem:s11+$0x4180] =	vst v1;
	v1 =	vmul.f32 v2, v6  }
0xa9: {  	[tilespmem:s11+$0x4190] =	vst v0  }
0xaa: {  	[tilespmem:s11+$0x41A0] =	vst v1  }
0xab: {  	s10 =	simm.s32 $0x0;
	s11 =	rddreg [dreg:$0xc]  }
0xac: {  	[hbm4b:s11+s10] =	stream.linear.scatter [tilespmem:s22], [sflag:$0x7], $0x2000, $0x38;
	[tilespmem:$0x1A140] =	vst v63  }
0xad: {  	_ =	swait.ge [sflag:s1], $0x4000  }
0xae: {  	[sflag:s1] =	ssyncset.done $0x0  }
0xaf: {  	[sflag:s1] =	ssyncadd.s32 $0xFFFFC000  }
0xb0: {  	_ =	swait.ge [sflag:s4], $0x4000  }
0xb1: {  	[sflag:s4] =	ssyncset.done $0x0  }
0xb2: {  	[sflag:s4] =	ssyncadd.s32 $0xFFFFC000  }
0xb3: {  	_ =	swait.ge [sflag:s5], $0x2000  }
0xb4: {  	[sflag:s5] =	ssyncset.done $0x0  }
0xb5: {  	[sflag:s5] =	ssyncadd.s32 $0xFFFFE000  }
0xb6: {  	_ =	swait.ge [sflag:s5], $0x2000  }
0xb7: {  	[sflag:s5] =	ssyncset.done $0x0  }
0xb8: {  	s12 =	simm.s32 $0x20C0;
	[sflag:s5] =	ssyncadd.s32 $0xFFFFE000  }
0xb9: {  	[tilespmem:s28], [sflag:$0x1] =	stream.indirect.gather [spmem:s2], $0x80, s12, s26, $0xb8;
	[tilespmem:$0x1A140] =	vst v63  }
0xba: {  	s11 =	rddreg [dreg:$0xd];
	s12 =	simm.s32 $0xE140  }
0xbb: {  	[tilespmem:s12], [sflag:$0x4] =	stream.linear.gather [hbm4b:s11+s10], $0x4000, $0x38;
	[tilespmem:$0x1A140] =	vst v63  }
0xbc: {  	s10 =	simm.s32 $0x0  }
0xbd: {  	v0 =	vld [tilespmem:s10+$0x61B0]  }
0xbe: {  	v1 =	vld [tilespmem:s10+$0x121B0]  }
0xbf: {  	v2 =	vld [tilespmem:s10+$0x6140]  }
0xc0: {  	v3 =	vld [tilespmem:s10+$0x12140]  }
0xc1: {  	v4 =	vld [tilespmem:s10+$0x6150]  }
0xc2: {  	v5 =	vld [tilespmem:s10+$0x12150]  }
0xc3: {  	v6 =	vld [tilespmem:s10+$0x6160]  }
0xc4: {  	v7 =	vld [tilespmem:s10+$0x6170]  }
0xc5: {  	v0 =	vmul.f32 v1, v0;
	v1 =	vld [tilespmem:s10+$0x12160]  }
0xc6: {  	v2 =	vmul.f32 v3, v2;
	v3 =	vld [tilespmem:s10+$0x12170]  }
0xc7: {  	v63 =	vld [tilespmem:s10+$0x12180]  }
0xc8: {  	[tilespmem:s10+$0x61B0] =	vst v0;
	v0 =	vmul.f32 v5, v4;
	v4 =	vld [tilespmem:s10+$0x6180]  }
0xc9: {  	[tilespmem:s10+$0x6140] =	vst v2;
	v2 =	vld [tilespmem:s10+$0x12190]  }
0xca: {  	[tilespmem:s10+$0x6150] =	vst v0;
	v0 =	vld [tilespmem:s10+$0x6190];
	v1 =	vmul.f32 v1, v6  }
0xcb: {  	v6 =	vmul.f32 v3, v7;
	v3 =	vld [tilespmem:s10+$0x121A0]  }
0xcc: {  	s11 =	simm.s32 $0x80;
	[tilespmem:s10+$0x6160] =	vst v1;
	v1 =	vld [tilespmem:s10+$0x61A0]  }
0xcd: {  	s12 =	simm.s32 $0x400;
	v5 =	vld [tilespmem:s11+$0x61B0];
	[tilespmem:s10+$0x6170] =	vst v6;
	v4 =	vmul.f32 v63, v4  }
.LBB2_6:
0xce: {  	p1 =	sne.s32 s12, $0x7E00;
	v6 =	vld [tilespmem:s11+$0x121B0]  }
0xcf: {  	v7 =	vld [tilespmem:s11+$0x6140];
	[tilespmem:s10+$0x6180] =	vst v4;
	v0 =	vmul.f32 v2, v0  }
0xd0: {  	v2 =	vld [tilespmem:s11+$0x12140]  }
0xd1: {  	v4 =	vld [tilespmem:s11+$0x6150];
	[tilespmem:s10+$0x6190] =	vst v0;
	v0 =	vmul.f32 v3, v1  }
0xd2: {  	v1 =	vld [tilespmem:s11+$0x12150]  }
0xd3: {  	v3 =	vld [tilespmem:s11+$0x6160];
	v5 =	vmul.f32 v6, v5;
	[tilespmem:s10+$0x61A0] =	vst v0;
	s10 =	smov.u32 s11  }
0xd4: {  	v0 =	vld [tilespmem:s10+$0x12160]  }
0xd5: {  	v2 =	vmul.f32 v2, v7;
	v6 =	vld [tilespmem:s10+$0x6170];
	[tilespmem:s10+$0x61B0] =	vst v5  }
0xd6: {  	v5 =	vld [tilespmem:s10+$0x12170]  }
0xd7: {  	[tilespmem:s10+$0x6140] =	vst v2;
	v1 =	vmul.f32 v1, v4;
	v4 =	vld [tilespmem:s10+$0x6180]  }
0xd8: {  	v7 =	vld [tilespmem:s10+$0x12180]  }
.Ltmp2:
0xd9: {  	[tilespmem:s10+$0x6150] =	vst v1;
	v1 =	vmul.f32 v0, v3;
	v0 =	vld [tilespmem:s10+$0x6190];
	(pc) =	sbr.rel @p1 .LBB2_6-.Ltmp2, $4  }
0xda: {  	v2 =	vld [tilespmem:s10+$0x12190]  }
0xdb: {  	[tilespmem:s10+$0x6160] =	vst v1;
	v6 =	vmul.f32 v5, v6;
	v1 =	vld [tilespmem:s10+$0x61A0]  }
0xdc: {  	s11 =	sshra.s32 s12, $0x2;
	v3 =	vld [tilespmem:s10+$0x121A0]  }
0xdd: {  	s12 =	sadd.s32 $0x200, s12;
	v5 =	vld [tilespmem:s11+$0x61B0];
	[tilespmem:s10+$0x6170] =	vst v6;
	v4 =	vmul.f32 v7, v4  }
0xde: {  	v6 =	vld [tilespmem:s11+$0x121B0]  }
0xdf: {  	v7 =	vld [tilespmem:s11+$0x6140]  }
0xe0: {  	v8 =	vld [tilespmem:s11+$0x12140]  }
0xe1: {  	v9 =	vld [tilespmem:s11+$0x6150]  }
0xe2: {  	v10 =	vld [tilespmem:s11+$0x12150]  }
0xe3: {  	v11 =	vld [tilespmem:s11+$0x6160]  }
0xe4: {  	v12 =	vld [tilespmem:s11+$0x6170]  }
0xe5: {  	v5 =	vmul.f32 v6, v5;
	v6 =	vld [tilespmem:s11+$0x12160]  }
0xe6: {  	v60 =	vld [tilespmem:s11+$0x6180]  }
0xe7: {  	v61 =	vld [tilespmem:s11+$0x12180];
	v7 =	vmul.f32 v8, v7  }
0xe8: {  	v62 =	vld [tilespmem:s11+$0x12190];
	[tilespmem:s11+$0x61B0] =	vst v5  }
0xe9: {  	v5 =	vld [tilespmem:s11+$0x12170];
	[tilespmem:s11+$0x6140] =	vst v7;
	v7 =	vmul.f32 v10, v9  }
0xea: {  	v0 =	vmul.f32 v2, v0;
	v2 =	vld [tilespmem:s11+$0x121A0];
	v6 =	vmul.f32 v6, v11  }
0xeb: {  	[tilespmem:s11+$0x6150] =	vst v7;
	v7 =	vld [tilespmem:s11+$0x6190]  }
0xec: {  	[tilespmem:s11+$0x6160] =	vst v6;
	v6 =	vld [tilespmem:s11+$0x61A0]  }
0xed: {  	[tilespmem:s10+$0x6180] =	vst v4;
	v1 =	vmul.f32 v3, v1  }
0xee: {  	[tilespmem:s10+$0x6190] =	vst v0;
	v0 =	vmul.f32 v5, v12  }
0xef: {  	[tilespmem:s10+$0x61A0] =	vst v1;
	v1 =	vmul.f32 v61, v60  }
0xf0: {  	[tilespmem:s11+$0x6170] =	vst v0;
	v0 =	vmul.f32 v62, v7  }
0xf1: {  	[tilespmem:s11+$0x6180] =	vst v1;
	v1 =	vmul.f32 v2, v6  }
0xf2: {  	[tilespmem:s11+$0x6190] =	vst v0  }
0xf3: {  	s12 =	simm.s32 $0x0;
	s10 =	simm.s32 $0x0;
	[tilespmem:s11+$0x61A0] =	vst v1  }
0xf4: {  	[hbm4b:s13+s12] =	stream.linear.scatter [tilespmem:s30], [sflag:$0x8], $0x2000, $0x38;
	[tilespmem:$0x1A140] =	vst v63  }
0xf5: {  	v0 =	vld [tilespmem:s10+$0x81B0]  }
0xf6: {  	v1 =	vld [tilespmem:s10+$0x141B0]  }
0xf7: {  	v2 =	vld [tilespmem:s10+$0x8140]  }
0xf8: {  	v3 =	vld [tilespmem:s10+$0x14140]  }
0xf9: {  	v4 =	vld [tilespmem:s10+$0x8150]  }
0xfa: {  	v5 =	vld [tilespmem:s10+$0x14150]  }
0xfb: {  	v6 =	vld [tilespmem:s10+$0x8160]  }
0xfc: {  	v7 =	vld [tilespmem:s10+$0x8170]  }
0xfd: {  	v0 =	vmul.f32 v1, v0;
	v1 =	vld [tilespmem:s10+$0x14160]  }
0xfe: {  	v2 =	vmul.f32 v3, v2;
	v3 =	vld [tilespmem:s10+$0x14170]  }
0xff: {  	v63 =	vld [tilespmem:s10+$0x14180]  }
0x100: {  	[tilespmem:s10+$0x81B0] =	vst v0;
	v0 =	vmul.f32 v5, v4;
	v4 =	vld [tilespmem:s10+$0x8180]  }
0x101: {  	[tilespmem:s10+$0x8140] =	vst v2;
	v2 =	vld [tilespmem:s10+$0x14190]  }
0x102: {  	[tilespmem:s10+$0x8150] =	vst v0;
	v0 =	vld [tilespmem:s10+$0x8190];
	v1 =	vmul.f32 v1, v6  }
0x103: {  	v6 =	vmul.f32 v3, v7;
	v3 =	vld [tilespmem:s10+$0x141A0]  }
0x104: {  	s11 =	simm.s32 $0x80;
	[tilespmem:s10+$0x8160] =	vst v1;
	v1 =	vld [tilespmem:s10+$0x81A0]  }
0x105: {  	s12 =	simm.s32 $0x400;
	v5 =	vld [tilespmem:s11+$0x81B0];
	[tilespmem:s10+$0x8170] =	vst v6;
	v4 =	vmul.f32 v63, v4  }
.LBB2_8:
0x106: {  	p1 =	sne.s32 s12, $0x7E00;
	v6 =	vld [tilespmem:s11+$0x141B0]  }
0x107: {  	v7 =	vld [tilespmem:s11+$0x8140];
	[tilespmem:s10+$0x8180] =	vst v4;
	v0 =	vmul.f32 v2, v0  }
0x108: {  	v2 =	vld [tilespmem:s11+$0x14140]  }
0x109: {  	v4 =	vld [tilespmem:s11+$0x8150];
	[tilespmem:s10+$0x8190] =	vst v0;
	v0 =	vmul.f32 v3, v1  }
0x10a: {  	v1 =	vld [tilespmem:s11+$0x14150]  }
0x10b: {  	v3 =	vld [tilespmem:s11+$0x8160];
	v5 =	vmul.f32 v6, v5;
	[tilespmem:s10+$0x81A0] =	vst v0;
	s10 =	smov.u32 s11  }
0x10c: {  	v0 =	vld [tilespmem:s10+$0x14160]  }
0x10d: {  	v2 =	vmul.f32 v2, v7;
	v6 =	vld [tilespmem:s10+$0x8170];
	[tilespmem:s10+$0x81B0] =	vst v5  }
0x10e: {  	v5 =	vld [tilespmem:s10+$0x14170]  }
0x10f: {  	[tilespmem:s10+$0x8140] =	vst v2;
	v1 =	vmul.f32 v1, v4;
	v4 =	vld [tilespmem:s10+$0x8180]  }
0x110: {  	v7 =	vld [tilespmem:s10+$0x14180]  }
.Ltmp3:
0x111: {  	[tilespmem:s10+$0x8150] =	vst v1;
	v1 =	vmul.f32 v0, v3;
	v0 =	vld [tilespmem:s10+$0x8190];
	(pc) =	sbr.rel @p1 .LBB2_8-.Ltmp3, $4  }
0x112: {  	v2 =	vld [tilespmem:s10+$0x14190]  }
0x113: {  	[tilespmem:s10+$0x8160] =	vst v1;
	v6 =	vmul.f32 v5, v6;
	v1 =	vld [tilespmem:s10+$0x81A0]  }
0x114: {  	s11 =	sshra.s32 s12, $0x2;
	v3 =	vld [tilespmem:s10+$0x141A0]  }
0x115: {  	s12 =	sadd.s32 $0x200, s12;
	v5 =	vld [tilespmem:s11+$0x81B0];
	[tilespmem:s10+$0x8170] =	vst v6;
	v4 =	vmul.f32 v7, v4  }
0x116: {  	v6 =	vld [tilespmem:s11+$0x141B0]  }
0x117: {  	v7 =	vld [tilespmem:s11+$0x8140]  }
0x118: {  	v8 =	vld [tilespmem:s11+$0x14140]  }
0x119: {  	v9 =	vld [tilespmem:s11+$0x8150]  }
0x11a: {  	v10 =	vld [tilespmem:s11+$0x14150]  }
0x11b: {  	v11 =	vld [tilespmem:s11+$0x8160]  }
0x11c: {  	v12 =	vld [tilespmem:s11+$0x8170]  }
0x11d: {  	v5 =	vmul.f32 v6, v5;
	v6 =	vld [tilespmem:s11+$0x14160]  }
0x11e: {  	v60 =	vld [tilespmem:s11+$0x8180]  }
0x11f: {  	v61 =	vld [tilespmem:s11+$0x14180];
	v7 =	vmul.f32 v8, v7  }
0x120: {  	v62 =	vld [tilespmem:s11+$0x14190];
	[tilespmem:s11+$0x81B0] =	vst v5  }
0x121: {  	v5 =	vld [tilespmem:s11+$0x14170];
	[tilespmem:s11+$0x8140] =	vst v7;
	v7 =	vmul.f32 v10, v9  }
0x122: {  	v0 =	vmul.f32 v2, v0;
	v2 =	vld [tilespmem:s11+$0x141A0];
	v6 =	vmul.f32 v6, v11  }
0x123: {  	[tilespmem:s11+$0x8150] =	vst v7;
	v7 =	vld [tilespmem:s11+$0x8190]  }
0x124: {  	[tilespmem:s11+$0x8160] =	vst v6;
	v6 =	vld [tilespmem:s11+$0x81A0]  }
0x125: {  	[tilespmem:s10+$0x8180] =	vst v4;
	v1 =	vmul.f32 v3, v1  }
0x126: {  	[tilespmem:s10+$0x8190] =	vst v0;
	v0 =	vmul.f32 v5, v12  }
0x127: {  	[tilespmem:s10+$0x81A0] =	vst v1;
	v1 =	vmul.f32 v61, v60  }
0x128: {  	[tilespmem:s11+$0x8170] =	vst v0;
	v0 =	vmul.f32 v62, v7  }
0x129: {  	[tilespmem:s11+$0x8180] =	vst v1;
	v1 =	vmul.f32 v2, v6  }
0x12a: {  	[tilespmem:s11+$0x8190] =	vst v0  }
0x12b: {  	s12 =	simm.s32 $0x8140;
	[tilespmem:s11+$0x81A0] =	vst v1;
	s11 =	simm.s32 $0x0  }
0x12c: {  	[hbm4b:s14+s11] =	stream.linear.scatter [tilespmem:s12], [sflag:$0x8], $0x2000, $0x38;
	[tilespmem:$0x1A140] =	vst v63  }
0x12d: {  	_ =	swait.ge [sflag:s6], $0x4000  }
0x12e: {  	[sflag:s6] =	ssyncset.done $0x0  }
0x12f: {  	[sflag:s6] =	ssyncadd.s32 $0xFFFFC000  }
0x130: {  	_ =	swait.ge [sflag:s20], $0x4000  }
0x131: {  	[sflag:s20] =	ssyncset.done $0x0  }
0x132: {  	s10 =	simm.s32 $0x0;
	[sflag:s20] =	ssyncadd.s32 $0xFFFFC000  }
0x133: {  	v0 =	vld [tilespmem:s10+$0xA1B0]  }
0x134: {  	v1 =	vld [tilespmem:s10+$0x161B0]  }
0x135: {  	v2 =	vld [tilespmem:s10+$0xA140]  }
0x136: {  	v3 =	vld [tilespmem:s10+$0x16140]  }
0x137: {  	v4 =	vld [tilespmem:s10+$0xA150]  }
0x138: {  	v5 =	vld [tilespmem:s10+$0x16150]  }
0x139: {  	v6 =	vld [tilespmem:s10+$0xA160]  }
0x13a: {  	v7 =	vld [tilespmem:s10+$0xA170]  }
0x13b: {  	v0 =	vmul.f32 v1, v0;
	v1 =	vld [tilespmem:s10+$0x16160]  }
0x13c: {  	v2 =	vmul.f32 v3, v2;
	v3 =	vld [tilespmem:s10+$0x16170]  }
0x13d: {  	v63 =	vld [tilespmem:s10+$0x16180]  }
0x13e: {  	[tilespmem:s10+$0xA1B0] =	vst v0;
	v0 =	vmul.f32 v5, v4;
	v4 =	vld [tilespmem:s10+$0xA180]  }
0x13f: {  	[tilespmem:s10+$0xA140] =	vst v2;
	v2 =	vld [tilespmem:s10+$0x16190]  }
0x140: {  	[tilespmem:s10+$0xA150] =	vst v0;
	v0 =	vld [tilespmem:s10+$0xA190];
	v1 =	vmul.f32 v1, v6  }
0x141: {  	v6 =	vmul.f32 v3, v7;
	v3 =	vld [tilespmem:s10+$0x161A0]  }
0x142: {  	s11 =	simm.s32 $0x80;
	[tilespmem:s10+$0xA160] =	vst v1;
	v1 =	vld [tilespmem:s10+$0xA1A0]  }
0x143: {  	s12 =	simm.s32 $0x400;
	v5 =	vld [tilespmem:s11+$0xA1B0];
	[tilespmem:s10+$0xA170] =	vst v6;
	v4 =	vmul.f32 v63, v4  }
.LBB2_10:
0x144: {  	p1 =	sne.s32 s12, $0x7E00;
	v6 =	vld [tilespmem:s11+$0x161B0]  }
0x145: {  	v7 =	vld [tilespmem:s11+$0xA140];
	[tilespmem:s10+$0xA180] =	vst v4;
	v0 =	vmul.f32 v2, v0  }
0x146: {  	v2 =	vld [tilespmem:s11+$0x16140]  }
0x147: {  	v4 =	vld [tilespmem:s11+$0xA150];
	[tilespmem:s10+$0xA190] =	vst v0;
	v0 =	vmul.f32 v3, v1  }
0x148: {  	v1 =	vld [tilespmem:s11+$0x16150]  }
0x149: {  	v3 =	vld [tilespmem:s11+$0xA160];
	v5 =	vmul.f32 v6, v5;
	[tilespmem:s10+$0xA1A0] =	vst v0;
	s10 =	smov.u32 s11  }
0x14a: {  	v0 =	vld [tilespmem:s10+$0x16160]  }
0x14b: {  	v2 =	vmul.f32 v2, v7;
	v6 =	vld [tilespmem:s10+$0xA170];
	[tilespmem:s10+$0xA1B0] =	vst v5  }
0x14c: {  	v5 =	vld [tilespmem:s10+$0x16170]  }
0x14d: {  	[tilespmem:s10+$0xA140] =	vst v2;
	v1 =	vmul.f32 v1, v4;
	v4 =	vld [tilespmem:s10+$0xA180]  }
0x14e: {  	v7 =	vld [tilespmem:s10+$0x16180]  }
.Ltmp4:
0x14f: {  	[tilespmem:s10+$0xA150] =	vst v1;
	v1 =	vmul.f32 v0, v3;
	v0 =	vld [tilespmem:s10+$0xA190];
	(pc) =	sbr.rel @p1 .LBB2_10-.Ltmp4, $4  }
0x150: {  	v2 =	vld [tilespmem:s10+$0x16190]  }
0x151: {  	[tilespmem:s10+$0xA160] =	vst v1;
	v6 =	vmul.f32 v5, v6;
	v1 =	vld [tilespmem:s10+$0xA1A0]  }
0x152: {  	s11 =	sshra.s32 s12, $0x2;
	v3 =	vld [tilespmem:s10+$0x161A0]  }
0x153: {  	s12 =	sadd.s32 $0x200, s12;
	v5 =	vld [tilespmem:s11+$0xA1B0];
	[tilespmem:s10+$0xA170] =	vst v6;
	v4 =	vmul.f32 v7, v4  }
0x154: {  	v6 =	vld [tilespmem:s11+$0x161B0]  }
0x155: {  	v7 =	vld [tilespmem:s11+$0xA140]  }
0x156: {  	v8 =	vld [tilespmem:s11+$0x16140]  }
0x157: {  	v9 =	vld [tilespmem:s11+$0xA150]  }
0x158: {  	v10 =	vld [tilespmem:s11+$0x16150]  }
0x159: {  	v11 =	vld [tilespmem:s11+$0xA160]  }
0x15a: {  	v12 =	vld [tilespmem:s11+$0xA170]  }
0x15b: {  	v5 =	vmul.f32 v6, v5;
	v6 =	vld [tilespmem:s11+$0x16160]  }
0x15c: {  	v60 =	vld [tilespmem:s11+$0xA180]  }
0x15d: {  	v61 =	vld [tilespmem:s11+$0x16180];
	v7 =	vmul.f32 v8, v7  }
0x15e: {  	v62 =	vld [tilespmem:s11+$0x16190];
	[tilespmem:s11+$0xA1B0] =	vst v5  }
0x15f: {  	v5 =	vld [tilespmem:s11+$0x16170];
	[tilespmem:s11+$0xA140] =	vst v7;
	v7 =	vmul.f32 v10, v9  }
0x160: {  	v0 =	vmul.f32 v2, v0;
	v2 =	vld [tilespmem:s11+$0x161A0];
	v6 =	vmul.f32 v6, v11  }
0x161: {  	[tilespmem:s11+$0xA150] =	vst v7;
	v7 =	vld [tilespmem:s11+$0xA190]  }
0x162: {  	[tilespmem:s11+$0xA160] =	vst v6;
	v6 =	vld [tilespmem:s11+$0xA1A0]  }
0x163: {  	[tilespmem:s10+$0xA180] =	vst v4;
	v1 =	vmul.f32 v3, v1  }
0x164: {  	[tilespmem:s10+$0xA190] =	vst v0;
	v0 =	vmul.f32 v5, v12  }
0x165: {  	[tilespmem:s10+$0xA1A0] =	vst v1;
	v1 =	vmul.f32 v61, v60  }
0x166: {  	[tilespmem:s11+$0xA170] =	vst v0;
	v0 =	vmul.f32 v62, v7  }
0x167: {  	[tilespmem:s11+$0xA180] =	vst v1;
	v1 =	vmul.f32 v2, v6  }
0x168: {  	[tilespmem:s11+$0xA190] =	vst v0  }
0x169: {  	s12 =	simm.s32 $0x0;
	s10 =	simm.s32 $0x0;
	[tilespmem:s11+$0xA1A0] =	vst v1  }
0x16a: {  	[hbm4b:s15+s12] =	stream.linear.scatter [tilespmem:s29], [sflag:$0x9], $0x2000, $0x38;
	[tilespmem:$0x1A140] =	vst v63  }
0x16b: {  	v0 =	vld [tilespmem:s10+$0xC1B0]  }
0x16c: {  	v1 =	vld [tilespmem:s10+$0x181B0]  }
0x16d: {  	v2 =	vld [tilespmem:s10+$0xC140]  }
0x16e: {  	v3 =	vld [tilespmem:s10+$0x18140]  }
0x16f: {  	v4 =	vld [tilespmem:s10+$0xC150]  }
0x170: {  	v5 =	vld [tilespmem:s10+$0x18150]  }
0x171: {  	v6 =	vld [tilespmem:s10+$0xC160]  }
0x172: {  	v7 =	vld [tilespmem:s10+$0xC170]  }
0x173: {  	v0 =	vmul.f32 v1, v0;
	v1 =	vld [tilespmem:s10+$0x18160]  }
0x174: {  	v2 =	vmul.f32 v3, v2;
	v3 =	vld [tilespmem:s10+$0x18170]  }
0x175: {  	v63 =	vld [tilespmem:s10+$0x18180]  }
0x176: {  	[tilespmem:s10+$0xC1B0] =	vst v0;
	v0 =	vmul.f32 v5, v4;
	v4 =	vld [tilespmem:s10+$0xC180]  }
0x177: {  	[tilespmem:s10+$0xC140] =	vst v2;
	v2 =	vld [tilespmem:s10+$0x18190]  }
0x178: {  	[tilespmem:s10+$0xC150] =	vst v0;
	v0 =	vld [tilespmem:s10+$0xC190];
	v1 =	vmul.f32 v1, v6  }
0x179: {  	v6 =	vmul.f32 v3, v7;
	v3 =	vld [tilespmem:s10+$0x181A0]  }
0x17a: {  	s11 =	simm.s32 $0x80;
	[tilespmem:s10+$0xC160] =	vst v1;
	v1 =	vld [tilespmem:s10+$0xC1A0]  }
0x17b: {  	s12 =	simm.s32 $0x400;
	v5 =	vld [tilespmem:s11+$0xC1B0];
	[tilespmem:s10+$0xC170] =	vst v6;
	v4 =	vmul.f32 v63, v4  }
.LBB2_12:
0x17c: {  	p1 =	sne.s32 s12, $0x7E00;
	v6 =	vld [tilespmem:s11+$0x181B0]  }
0x17d: {  	v7 =	vld [tilespmem:s11+$0xC140];
	[tilespmem:s10+$0xC180] =	vst v4;
	v0 =	vmul.f32 v2, v0  }
0x17e: {  	v2 =	vld [tilespmem:s11+$0x18140]  }
0x17f: {  	v4 =	vld [tilespmem:s11+$0xC150];
	[tilespmem:s10+$0xC190] =	vst v0;
	v0 =	vmul.f32 v3, v1  }
0x180: {  	v1 =	vld [tilespmem:s11+$0x18150]  }
0x181: {  	v3 =	vld [tilespmem:s11+$0xC160];
	v5 =	vmul.f32 v6, v5;
	[tilespmem:s10+$0xC1A0] =	vst v0;
	s10 =	smov.u32 s11  }
0x182: {  	v0 =	vld [tilespmem:s10+$0x18160]  }
0x183: {  	v2 =	vmul.f32 v2, v7;
	v6 =	vld [tilespmem:s10+$0xC170];
	[tilespmem:s10+$0xC1B0] =	vst v5  }
0x184: {  	v5 =	vld [tilespmem:s10+$0x18170]  }
0x185: {  	[tilespmem:s10+$0xC140] =	vst v2;
	v1 =	vmul.f32 v1, v4;
	v4 =	vld [tilespmem:s10+$0xC180]  }
0x186: {  	v7 =	vld [tilespmem:s10+$0x18180]  }
.Ltmp5:
0x187: {  	[tilespmem:s10+$0xC150] =	vst v1;
	v1 =	vmul.f32 v0, v3;
	v0 =	vld [tilespmem:s10+$0xC190];
	(pc) =	sbr.rel @p1 .LBB2_12-.Ltmp5, $4  }
0x188: {  	v2 =	vld [tilespmem:s10+$0x18190]  }
0x189: {  	[tilespmem:s10+$0xC160] =	vst v1;
	v6 =	vmul.f32 v5, v6;
	v1 =	vld [tilespmem:s10+$0xC1A0]  }
0x18a: {  	s11 =	sshra.s32 s12, $0x2;
	v3 =	vld [tilespmem:s10+$0x181A0]  }
0x18b: {  	s12 =	sadd.s32 $0x200, s12;
	v5 =	vld [tilespmem:s11+$0xC1B0];
	[tilespmem:s10+$0xC170] =	vst v6;
	v4 =	vmul.f32 v7, v4  }
0x18c: {  	v6 =	vld [tilespmem:s11+$0x181B0]  }
0x18d: {  	v7 =	vld [tilespmem:s11+$0xC140]  }
0x18e: {  	v8 =	vld [tilespmem:s11+$0x18140]  }
0x18f: {  	v9 =	vld [tilespmem:s11+$0xC150]  }
0x190: {  	v10 =	vld [tilespmem:s11+$0x18150]  }
0x191: {  	v11 =	vld [tilespmem:s11+$0xC160]  }
0x192: {  	v12 =	vld [tilespmem:s11+$0xC170]  }
0x193: {  	v5 =	vmul.f32 v6, v5;
	v6 =	vld [tilespmem:s11+$0x18160]  }
0x194: {  	v60 =	vld [tilespmem:s11+$0xC180]  }
0x195: {  	v61 =	vld [tilespmem:s11+$0x18180];
	v7 =	vmul.f32 v8, v7  }
0x196: {  	v62 =	vld [tilespmem:s11+$0x18190];
	[tilespmem:s11+$0xC1B0] =	vst v5  }
0x197: {  	v5 =	vld [tilespmem:s11+$0x18170];
	[tilespmem:s11+$0xC140] =	vst v7;
	v7 =	vmul.f32 v10, v9  }
0x198: {  	v0 =	vmul.f32 v2, v0;
	v2 =	vld [tilespmem:s11+$0x181A0];
	v6 =	vmul.f32 v6, v11  }
0x199: {  	[tilespmem:s11+$0xC150] =	vst v7;
	v7 =	vld [tilespmem:s11+$0xC190]  }
0x19a: {  	[tilespmem:s11+$0xC160] =	vst v6;
	v6 =	vld [tilespmem:s11+$0xC1A0]  }
0x19b: {  	[tilespmem:s10+$0xC180] =	vst v4;
	v1 =	vmul.f32 v3, v1  }
0x19c: {  	[tilespmem:s10+$0xC190] =	vst v0;
	v0 =	vmul.f32 v5, v12  }
0x19d: {  	[tilespmem:s10+$0xC1A0] =	vst v1;
	v1 =	vmul.f32 v61, v60  }
0x19e: {  	[tilespmem:s11+$0xC170] =	vst v0;
	v0 =	vmul.f32 v62, v7  }
0x19f: {  	[tilespmem:s11+$0xC180] =	vst v1;
	v1 =	vmul.f32 v2, v6  }
0x1a0: {  	[tilespmem:s11+$0xC190] =	vst v0  }
0x1a1: {  	s12 =	simm.s32 $0xC140;
	[tilespmem:s11+$0xC1A0] =	vst v1;
	s11 =	simm.s32 $0x0  }
0x1a2: {  	[hbm4b:s16+s11] =	stream.linear.scatter [tilespmem:s12], [sflag:$0x9], $0x2000, $0x38;
	[tilespmem:$0x1A140] =	vst v63  }
0x1a3: {  	_ =	swait.ge [sflag:s31], $0x4000  }
0x1a4: {  	[sflag:s31] =	ssyncset.done $0x0  }
0x1a5: {  	[sflag:s31] =	ssyncadd.s32 $0xFFFFC000  }
0x1a6: {  	_ =	swait.ge [sflag:s0], $0x4000  }
0x1a7: {  	[sflag:s0] =	ssyncset.done $0x0  }
0x1a8: {  	s10 =	simm.s32 $0x0;
	[sflag:s0] =	ssyncadd.s32 $0xFFFFC000  }
0x1a9: {  	v0 =	vld [tilespmem:s10+$0x21B0]  }
0x1aa: {  	v1 =	vld [tilespmem:s10+$0xE1B0]  }
0x1ab: {  	v2 =	vld [tilespmem:s10+$0x2140]  }
0x1ac: {  	v3 =	vld [tilespmem:s10+$0xE140]  }
0x1ad: {  	v4 =	vld [tilespmem:s10+$0x2150]  }
0x1ae: {  	v5 =	vld [tilespmem:s10+$0xE150]  }
0x1af: {  	v6 =	vld [tilespmem:s10+$0x2160]  }
0x1b0: {  	v7 =	vld [tilespmem:s10+$0x2170]  }
0x1b1: {  	v0 =	vmul.f32 v1, v0;
	v1 =	vld [tilespmem:s10+$0xE160]  }
0x1b2: {  	v2 =	vmul.f32 v3, v2;
	v3 =	vld [tilespmem:s10+$0xE170]  }
0x1b3: {  	v63 =	vld [tilespmem:s10+$0xE180]  }
0x1b4: {  	[tilespmem:s10+$0x21B0] =	vst v0;
	v0 =	vmul.f32 v5, v4;
	v4 =	vld [tilespmem:s10+$0x2180]  }
0x1b5: {  	[tilespmem:s10+$0x2140] =	vst v2;
	v2 =	vld [tilespmem:s10+$0xE190]  }
0x1b6: {  	[tilespmem:s10+$0x2150] =	vst v0;
	v0 =	vld [tilespmem:s10+$0x2190];
	v1 =	vmul.f32 v1, v6  }
0x1b7: {  	v6 =	vmul.f32 v3, v7;
	v3 =	vld [tilespmem:s10+$0xE1A0]  }
0x1b8: {  	s11 =	simm.s32 $0x80;
	[tilespmem:s10+$0x2160] =	vst v1;
	v1 =	vld [tilespmem:s10+$0x21A0]  }
0x1b9: {  	s12 =	simm.s32 $0x400;
	v5 =	vld [tilespmem:s11+$0x21B0];
	[tilespmem:s10+$0x2170] =	vst v6;
	v4 =	vmul.f32 v63, v4  }
.LBB2_14:
0x1ba: {  	p1 =	sne.s32 s12, $0x7E00;
	v6 =	vld [tilespmem:s11+$0xE1B0]  }
0x1bb: {  	v7 =	vld [tilespmem:s11+$0x2140];
	[tilespmem:s10+$0x2180] =	vst v4;
	v0 =	vmul.f32 v2, v0  }
0x1bc: {  	v2 =	vld [tilespmem:s11+$0xE140]  }
0x1bd: {  	v4 =	vld [tilespmem:s11+$0x2150];
	[tilespmem:s10+$0x2190] =	vst v0;
	v0 =	vmul.f32 v3, v1  }
0x1be: {  	v1 =	vld [tilespmem:s11+$0xE150]  }
0x1bf: {  	v3 =	vld [tilespmem:s11+$0x2160];
	v5 =	vmul.f32 v6, v5;
	[tilespmem:s10+$0x21A0] =	vst v0;
	s10 =	smov.u32 s11  }
0x1c0: {  	v0 =	vld [tilespmem:s10+$0xE160]  }
0x1c1: {  	v2 =	vmul.f32 v2, v7;
	v6 =	vld [tilespmem:s10+$0x2170];
	[tilespmem:s10+$0x21B0] =	vst v5  }
0x1c2: {  	v5 =	vld [tilespmem:s10+$0xE170]  }
0x1c3: {  	[tilespmem:s10+$0x2140] =	vst v2;
	v1 =	vmul.f32 v1, v4;
	v4 =	vld [tilespmem:s10+$0x2180]  }
0x1c4: {  	v7 =	vld [tilespmem:s10+$0xE180]  }
.Ltmp6:
0x1c5: {  	[tilespmem:s10+$0x2150] =	vst v1;
	v1 =	vmul.f32 v0, v3;
	v0 =	vld [tilespmem:s10+$0x2190];
	(pc) =	sbr.rel @p1 .LBB2_14-.Ltmp6, $4  }
0x1c6: {  	v2 =	vld [tilespmem:s10+$0xE190]  }
0x1c7: {  	[tilespmem:s10+$0x2160] =	vst v1;
	v6 =	vmul.f32 v5, v6;
	v1 =	vld [tilespmem:s10+$0x21A0]  }
0x1c8: {  	s11 =	sshra.s32 s12, $0x2;
	v3 =	vld [tilespmem:s10+$0xE1A0]  }
0x1c9: {  	s12 =	sadd.s32 $0x200, s12;
	v5 =	vld [tilespmem:s11+$0x21B0];
	[tilespmem:s10+$0x2170] =	vst v6;
	v4 =	vmul.f32 v7, v4  }
0x1ca: {  	v6 =	vld [tilespmem:s11+$0xE1B0]  }
0x1cb: {  	v7 =	vld [tilespmem:s11+$0x2140]  }
0x1cc: {  	v8 =	vld [tilespmem:s11+$0xE140]  }
0x1cd: {  	v9 =	vld [tilespmem:s11+$0x2150]  }
0x1ce: {  	v10 =	vld [tilespmem:s11+$0xE150]  }
0x1cf: {  	v11 =	vld [tilespmem:s11+$0x2160]  }
0x1d0: {  	v12 =	vld [tilespmem:s11+$0x2170]  }
0x1d1: {  	v5 =	vmul.f32 v6, v5;
	v6 =	vld [tilespmem:s11+$0xE160]  }
0x1d2: {  	v60 =	vld [tilespmem:s11+$0x2180]  }
0x1d3: {  	v61 =	vld [tilespmem:s11+$0xE180];
	v7 =	vmul.f32 v8, v7  }
0x1d4: {  	v62 =	vld [tilespmem:s11+$0xE190];
	[tilespmem:s11+$0x21B0] =	vst v5  }
0x1d5: {  	v5 =	vld [tilespmem:s11+$0xE170];
	[tilespmem:s11+$0x2140] =	vst v7;
	v7 =	vmul.f32 v10, v9  }
0x1d6: {  	v0 =	vmul.f32 v2, v0;
	v2 =	vld [tilespmem:s11+$0xE1A0];
	v6 =	vmul.f32 v6, v11  }
0x1d7: {  	[tilespmem:s11+$0x2150] =	vst v7;
	v7 =	vld [tilespmem:s11+$0x2190]  }
0x1d8: {  	[tilespmem:s11+$0x2160] =	vst v6;
	v6 =	vld [tilespmem:s11+$0x21A0]  }
0x1d9: {  	[tilespmem:s10+$0x2180] =	vst v4;
	v1 =	vmul.f32 v3, v1  }
0x1da: {  	[tilespmem:s10+$0x2190] =	vst v0;
	v0 =	vmul.f32 v5, v12  }
0x1db: {  	[tilespmem:s10+$0x21A0] =	vst v1;
	v1 =	vmul.f32 v61, v60  }
0x1dc: {  	[tilespmem:s11+$0x2170] =	vst v0;
	v0 =	vmul.f32 v62, v7  }
0x1dd: {  	[tilespmem:s11+$0x2180] =	vst v1;
	v1 =	vmul.f32 v2, v6  }
0x1de: {  	[tilespmem:s11+$0x2190] =	vst v0  }
0x1df: {  	s12 =	simm.s32 $0x0;
	s10 =	simm.s32 $0x0;
	[tilespmem:s11+$0x21A0] =	vst v1  }
0x1e0: {  	[hbm4b:s17+s12] =	stream.linear.scatter [tilespmem:s28], [sflag:$0x7], $0x2000, $0x38;
	[tilespmem:$0x1A140] =	vst v63  }
0x1e1: {  	v0 =	vld [tilespmem:s10+$0x41B0]  }
0x1e2: {  	v1 =	vld [tilespmem:s10+$0x101B0]  }
0x1e3: {  	v2 =	vld [tilespmem:s10+$0x4140]  }
0x1e4: {  	v3 =	vld [tilespmem:s10+$0x10140]  }
0x1e5: {  	v4 =	vld [tilespmem:s10+$0x4150]  }
0x1e6: {  	v5 =	vld [tilespmem:s10+$0x10150]  }
0x1e7: {  	v6 =	vld [tilespmem:s10+$0x4160]  }
0x1e8: {  	v7 =	vld [tilespmem:s10+$0x4170]  }
0x1e9: {  	v0 =	vmul.f32 v1, v0;
	v1 =	vld [tilespmem:s10+$0x10160]  }
0x1ea: {  	v2 =	vmul.f32 v3, v2;
	v3 =	vld [tilespmem:s10+$0x10170]  }
0x1eb: {  	v63 =	vld [tilespmem:s10+$0x10180]  }
0x1ec: {  	[tilespmem:s10+$0x41B0] =	vst v0;
	v0 =	vmul.f32 v5, v4;
	v4 =	vld [tilespmem:s10+$0x4180]  }
0x1ed: {  	[tilespmem:s10+$0x4140] =	vst v2;
	v2 =	vld [tilespmem:s10+$0x10190]  }
0x1ee: {  	[tilespmem:s10+$0x4150] =	vst v0;
	v0 =	vld [tilespmem:s10+$0x4190];
	v1 =	vmul.f32 v1, v6  }
0x1ef: {  	v6 =	vmul.f32 v3, v7;
	v3 =	vld [tilespmem:s10+$0x101A0]  }
0x1f0: {  	s11 =	simm.s32 $0x80;
	[tilespmem:s10+$0x4160] =	vst v1;
	v1 =	vld [tilespmem:s10+$0x41A0]  }
0x1f1: {  	s12 =	simm.s32 $0x400;
	v5 =	vld [tilespmem:s11+$0x41B0];
	[tilespmem:s10+$0x4170] =	vst v6;
	v4 =	vmul.f32 v63, v4  }
.LBB2_16:
0x1f2: {  	p1 =	sne.s32 s12, $0x7E00;
	v6 =	vld [tilespmem:s11+$0x101B0]  }
0x1f3: {  	v7 =	vld [tilespmem:s11+$0x4140];
	[tilespmem:s10+$0x4180] =	vst v4;
	v0 =	vmul.f32 v2, v0  }
0x1f4: {  	v2 =	vld [tilespmem:s11+$0x10140]  }
0x1f5: {  	v4 =	vld [tilespmem:s11+$0x4150];
	[tilespmem:s10+$0x4190] =	vst v0;
	v0 =	vmul.f32 v3, v1  }
0x1f6: {  	v1 =	vld [tilespmem:s11+$0x10150]  }
0x1f7: {  	v3 =	vld [tilespmem:s11+$0x4160];
	v5 =	vmul.f32 v6, v5;
	[tilespmem:s10+$0x41A0] =	vst v0;
	s10 =	smov.u32 s11  }
0x1f8: {  	v0 =	vld [tilespmem:s10+$0x10160]  }
0x1f9: {  	v2 =	vmul.f32 v2, v7;
	v6 =	vld [tilespmem:s10+$0x4170];
	[tilespmem:s10+$0x41B0] =	vst v5  }
0x1fa: {  	v5 =	vld [tilespmem:s10+$0x10170]  }
0x1fb: {  	[tilespmem:s10+$0x4140] =	vst v2;
	v1 =	vmul.f32 v1, v4;
	v4 =	vld [tilespmem:s10+$0x4180]  }
0x1fc: {  	v7 =	vld [tilespmem:s10+$0x10180]  }
.Ltmp7:
0x1fd: {  	[tilespmem:s10+$0x4150] =	vst v1;
	v1 =	vmul.f32 v0, v3;
	v0 =	vld [tilespmem:s10+$0x4190];
	(pc) =	sbr.rel @p1 .LBB2_16-.Ltmp7, $4  }
0x1fe: {  	v2 =	vld [tilespmem:s10+$0x10190]  }
0x1ff: {  	[tilespmem:s10+$0x4160] =	vst v1;
	v6 =	vmul.f32 v5, v6;
	v1 =	vld [tilespmem:s10+$0x41A0]  }
0x200: {  	s11 =	sshra.s32 s12, $0x2;
	v3 =	vld [tilespmem:s10+$0x101A0]  }
0x201: {  	s12 =	sadd.s32 $0x200, s12;
	v5 =	vld [tilespmem:s11+$0x41B0];
	[tilespmem:s10+$0x4170] =	vst v6;
	v4 =	vmul.f32 v7, v4  }
0x202: {  	v6 =	vld [tilespmem:s11+$0x101B0]  }
0x203: {  	v7 =	vld [tilespmem:s11+$0x4140]  }
0x204: {  	v8 =	vld [tilespmem:s11+$0x10140]  }
0x205: {  	v9 =	vld [tilespmem:s11+$0x4150]  }
0x206: {  	v10 =	vld [tilespmem:s11+$0x10150]  }
0x207: {  	v11 =	vld [tilespmem:s11+$0x4160]  }
0x208: {  	v51 =	vld [tilespmem:s11+$0x10160]  }
0x209: {  	v12 =	vld [tilespmem:s11+$0x4170]  }
0x20a: {  	v52 =	vld [tilespmem:s11+$0x10170]  }
0x20b: {  	v54 =	vld [tilespmem:s11+$0x4180]  }
0x20c: {  	v55 =	vld [tilespmem:s11+$0x10180];
	v0 =	vmul.f32 v2, v0  }
0x20d: {  	v56 =	vld [tilespmem:s11+$0x4190];
	[tilespmem:s10+$0x4180] =	vst v4;
	v1 =	vmul.f32 v3, v1  }
0x20e: {  	v57 =	vld [tilespmem:s11+$0x10190];
	[tilespmem:s10+$0x4190] =	vst v0;
	v5 =	vmul.f32 v6, v5  }
0x20f: {  	v58 =	vld [tilespmem:s11+$0x41A0];
	v7 =	vmul.f32 v8, v7;
	[tilespmem:s10+$0x41A0] =	vst v1  }
0x210: {  	v59 =	vld [tilespmem:s11+$0x101A0];
	v53 =	vmul.f32 v10, v9;
	[tilespmem:s11+$0x41B0] =	vst v5  }
0x211: {  	v6 =	vmul.f32 v51, v11;
	[tilespmem:s11+$0x4140] =	vst v7  }
0x212: {  	v60 =	vmul.f32 v52, v12;
	[tilespmem:s11+$0x4150] =	vst v53  }
0x213: {  	v61 =	vmul.f32 v55, v54;
	[tilespmem:s11+$0x4160] =	vst v6  }
0x214: {  	v62 =	vmul.f32 v57, v56;
	[tilespmem:s11+$0x4170] =	vst v60  }
0x215: {  	v63 =	vmul.f32 v59, v58;
	[tilespmem:s11+$0x4180] =	vst v61  }
0x216: {  	[tilespmem:s11+$0x4190] =	vst v62  }
0x217: {  	[tilespmem:s11+$0x41A0] =	vst v63  }
0x218: {  	[hbm4b:s18+s3] =	stream.linear.scatter [tilespmem:s22], [sflag:$0x7], $0x2000, $0x38;
	[tilespmem:$0x1A140] =	vst v63  }
0x219: {  	_ =	swait.ge [sflag:s5], $0x2000  }
0x21a: {  	[sflag:s5] =	ssyncset.done $0x0  }
0x21b: {  	[sflag:s5] =	ssyncadd.s32 $0xFFFFE000  }
0x21c: {  	_ =	swait.ge [sflag:s5], $0x2000  }
0x21d: {  	[sflag:s5] =	ssyncset.done $0x0  }
0x21e: {  	[sflag:s5] =	ssyncadd.s32 $0xFFFFE000  }
0x21f: {  	_ =	swait.ge [sflag:s7], $0x2000  }
0x220: {  	[sflag:s7] =	ssyncset.done $0x0  }
0x221: {  	[sflag:s7] =	ssyncadd.s32 $0xFFFFE000  }
0x222: {  	_ =	swait.ge [sflag:s7], $0x2000  }
0x223: {  	[sflag:s7] =	ssyncset.done $0x0  }
0x224: {  	s8 =	sadd.s32 $0x1, s8;
	[sflag:s7] =	ssyncadd.s32 $0xFFFFE000  }
0x225: {  	p1 =	sne.s32 s8, s19;
	_ =	swait.ge [sflag:s21], $0x2000  }
.Ltmp8:
0x226: {  	[sflag:s21] =	ssyncset.done $0x0;
	(pc) =	sbr.rel @p1 .LBB2_1-.Ltmp8, $4  }
0x227: {  	[sflag:s21] =	ssyncadd.s32 $0xFFFFE000  }
0x228: {  	_ =	swait.ge [sflag:s21], $0x2000  }
0x229: {  	[sflag:s21] =	ssyncset.done $0x0  }
0x22a: {  	[sflag:s21] =	ssyncadd.s32 $0xFFFFE000  }
0x22b: {  	_ =	sfence.sel $0x180000  }
0x22c: {  	[bflag:$0x0] =	sbarrier.arrive $0xFFFF  }
0x22d: {  	_ =	strace $0x90000047  }
0x22e: {  	s0 =	stileid.u32;
	[bflag:$0x2] =	sbarrier.arrive $0xFFFF  }
0x22f: {  	p0 =	sne.s32 s0, $0x0;
	s0 =	rddreg [dreg:$0x5]  }
0x230: {  	s0 =	sadd.s32 @!p0 $0x100000, s0  }
0x231: {  	[sflag:s0] =	ssyncadd.tile.s32 @!p0 $0x1;
	_ =	shalt  }
.Lfunc_end2:
_tile_overlayer_lowered:
.L_overlay_start_2:
0x232: {  	(tag) =	ssettag $0x2  }
0x233: {  	s0 =	rddreg [dreg:$0x0];
	s2 =	stileid.u32  }
0x234: {  	s1 =	rddreg [dreg:$0x1];
	p0 =	sne.s32 s2, $0x0  }
0x235: {  	s3 =	rddreg [dreg:$0x2];
	[bflag:$0x3] =	sbarrier.arrive $0xFFFF;
	s2 =	simm.s32 @!p0 $0x1C0C  }
0x236: {  	[timem:s3], [sflag:s2] =	dma.local @!p0 [hbm:s0], s1  }
0x237: {  	s0 =	simm.s32 @!p0 $0xC  }
0x238: {  	_ =	swait.ge @!p0 [sflag:s0], s1  }
0x239: {  	s1 =	ssub.s32 @!p0 $0x0, s1;
	[sflag:s0] =	ssyncset.done @!p0 $0x0  }
0x23a: {  	[sflag:s0] =	ssyncadd.s32 @!p0 s1  }
0x23b: {  	[bflag:$0x3] =	sbarrier.arrive $0xFFFF  }
0x23c: {  	_ =	shalt  }

</sc_bundles>
